<compile_context>
chip_gen: v7x
topology: tpu7x:2x2x1
jax: 0.10.2.dev20260603
libtpu: 0.0.44.dev20260713+nightly
codegen_flags: <defaults>
</compile_context>

<pallas_src>
import functools

import jax
import jax.numpy as jnp
from jax import lax
from jax.experimental import pallas as pl
from jax.experimental.pallas import tpu as pltpu
from jax.experimental.pallas import tpu_sc as plsc

NUM_CORES = 2
NUM_SUBCORES = 16
NUM_WORKERS = NUM_CORES * NUM_SUBCORES
LANES = 16
FACTORS = 64
WORDS = FACTORS // 2
PANEL = 8192
LOG2P = PANEL.bit_length() - 1
PASS_ROWS = 128


def _build_merge(n_rows):
    grid = -(-n_rows // (4 * PANEL))
    max_blk = -(-n_rows // PANEL) - 1

    def pack_panel(ref):
        b = jax.lax.bitcast_convert_type(
            ref[...].astype(jnp.bfloat16), jnp.uint16)
        lo = b[:WORDS, :].astype(jnp.uint32)
        hi = b[WORDS:, :].astype(jnp.uint32)
        return (hi << 16) | lo

    def body(p0_ref, p1_ref, p2_ref, p3_ref, o_ref):
        t = jnp.concatenate(
            [pack_panel(p0_ref), pack_panel(p1_ref),
             pack_panel(p2_ref), pack_panel(p3_ref)],
            axis=0)
        o_ref[...] = jax.lax.bitcast_convert_type(t, jnp.int32).T

    specs = [
        pl.BlockSpec((FACTORS, PANEL),
                     (lambda k: (lambda i: (0, jnp.minimum(4 * i + k,
                                                           max_blk))))(k))
        for k in range(4)
    ]
    return pl.pallas_call(
        body,
        grid=(grid,),
        in_specs=specs,
        out_specs=pl.BlockSpec((PANEL, 2 * FACTORS), lambda i: (i, 0)),
        out_shape=jax.ShapeDtypeStruct((grid * PANEL, 2 * FACTORS),
                                       jnp.int32),
    )


def _build_sc(batch):
    chunk = batch // NUM_WORKERS
    npass = chunk // PASS_ROWS
    mesh = plsc.VectorSubcoreMesh(core_axis_name="c", subcore_axis_name="s")
    cp = pltpu.CompilerParams(
        needs_layout_passes=False, use_tc_tiling_on_sc=False)

    @functools.partial(
        pl.kernel,
        out_type=jax.ShapeDtypeStruct((batch,), jnp.float32),
        mesh=mesh,
        compiler_params=cp,
        scratch_types=[
            pltpu.VMEM((chunk,), jnp.int32),
            pltpu.VMEM((chunk,), jnp.int32),
            pltpu.VMEM((chunk,), jnp.int32),
            pltpu.VMEM((chunk,), jnp.int32),
            pltpu.VMEM((chunk,), jnp.int32),
            pltpu.VMEM((chunk,), jnp.int32),
            pltpu.VMEM((PASS_ROWS, 2 * FACTORS), jnp.int32),
            pltpu.VMEM((PASS_ROWS, 2 * FACTORS), jnp.int32),
            pltpu.VMEM((PASS_ROWS, 2 * FACTORS), jnp.int32),
            pltpu.VMEM((PASS_ROWS, 2 * FACTORS), jnp.int32),
            pltpu.VMEM((chunk,), jnp.float32),
            pltpu.VMEM((chunk,), jnp.float32),
            pltpu.VMEM((LANES,), jnp.float32),
            pltpu.VMEM((chunk,), jnp.float32),
            pltpu.SemaphoreType.DMA,
            pltpu.SemaphoreType.DMA,
            pltpu.SemaphoreType.DMA,
            pltpu.SemaphoreType.DMA,
            pltpu.SemaphoreType.DMA,
            pltpu.SemaphoreType.DMA,
        ],
    )
    def svd_kernel(uidx_hbm, midx_hbm, utab_hbm, mtab_hbm, ub_hbm, mb_hbm,
                   gb_hbm, out_hbm, uidx_v, midx_v, urow_v, mrow_v,
                   ucol_v, mcol_v, urows_v0, urows_v1, mrows_v0, mrows_v1,
                   ub_v, mb_v, gb_v, out_v,
                   semu0, semu1, semm0, semm1, sem2, sem3):
        wid = lax.axis_index("s") * NUM_CORES + lax.axis_index("c")
        base = wid * chunk

        pltpu.sync_copy(uidx_hbm.at[pl.ds(base, chunk)], uidx_v)
        pltpu.sync_copy(midx_hbm.at[pl.ds(base, chunk)], midx_v)
        pltpu.sync_copy(gb_hbm, gb_v)

        cp2 = pltpu.async_copy(ub_hbm.at[uidx_v], ub_v, sem2)
        cp3 = pltpu.async_copy(mb_hbm.at[midx_v], mb_v, sem3)

        @pl.loop(0, chunk, step=LANES)
        def _(g):
            u = uidx_v[pl.ds(g, LANES)]
            m = midx_v[pl.ds(g, LANES)]
            urow_v[pl.ds(g, LANES)] = (
                ((u >> (LOG2P + 2)) << LOG2P) + (u & (PANEL - 1)))
            mrow_v[pl.ds(g, LANES)] = (
                ((m >> (LOG2P + 2)) << LOG2P) + (m & (PANEL - 1)))
            ucol_v[pl.ds(g, LANES)] = ((u >> LOG2P) & 3) << 5
            mcol_v[pl.ds(g, LANES)] = ((m >> LOG2P) & 3) << 5

        cp2.wait()
        cp3.wait()
        gb = gb_v[...]
        iota = lax.broadcasted_iota(jnp.int32, (LANES,), 0)

        def start(p, ubuf, mbuf, usem, msem):
            pbase = p * PASS_ROWS
            cu = pltpu.async_copy(
                utab_hbm.at[urow_v.at[pl.ds(pbase, PASS_ROWS)]], ubuf, usem)
            cm = pltpu.async_copy(
                mtab_hbm.at[mrow_v.at[pl.ds(pbase, PASS_ROWS)]], mbuf, msem)
            return cu, cm

        def compute(p, ubuf, mbuf):
            pbase = p * PASS_ROWS

            @pl.loop(0, PASS_ROWS, step=LANES)
            def _(g):
                rows = g + iota
                ucols = ucol_v[pl.ds(pbase + g, LANES)]
                mcols = mcol_v[pl.ds(pbase + g, LANES)]
                acc = (ub_v[pl.ds(pbase + g, LANES)]
                       + mb_v[pl.ds(pbase + g, LANES)] + gb)
                for w in range(WORDS):
                    uw = plsc.load_gather(ubuf, [rows, ucols + w])
                    mw = plsc.load_gather(mbuf, [rows, mcols + w])
                    ue, uo = plsc.unpack(
                        plsc.bitcast(uw, jnp.bfloat16),
                        format=plsc.PackFormat.INTERLEAVED)
                    me, mo = plsc.unpack(
                        plsc.bitcast(mw, jnp.bfloat16),
                        format=plsc.PackFormat.INTERLEAVED)
                    acc = acc + ue * me + uo * mo
                out_v[pl.ds(pbase + g, LANES)] = acc

        start(0, urows_v0, mrows_v0, semu0, semm0)

        @pl.loop(0, npass, step=2)
        def _(p):
            cu1, cm1 = start(p + 1, urows_v1, mrows_v1, semu1, semm1)
            pltpu.make_async_copy(
                utab_hbm.at[urow_v.at[pl.ds(p * PASS_ROWS, PASS_ROWS)]],
                urows_v0, semu0).wait()
            pltpu.make_async_copy(
                mtab_hbm.at[mrow_v.at[pl.ds(p * PASS_ROWS, PASS_ROWS)]],
                mrows_v0, semm0).wait()
            compute(p, urows_v0, mrows_v0)

            @pl.when(p + 2 < npass)
            def _():
                start(p + 2, urows_v0, mrows_v0, semu0, semm0)

            cu1.wait()
            cm1.wait()
            compute(p + 1, urows_v1, mrows_v1)

        pltpu.sync_copy(out_v, out_hbm.at[pl.ds(base, chunk)])

    return svd_kernel


def kernel(user_indices, movie_indices, user_embedding, movie_embedding,
           user_bias, movie_bias, global_bias):
    batch = user_indices.shape[0]
    up = _build_merge(user_embedding.shape[0])(
        *([user_embedding.T] * 4))
    mp = _build_merge(movie_embedding.shape[0])(
        *([movie_embedding.T] * 4))
    k = _build_sc(batch)
    return k(
        user_indices.astype(jnp.int32),
        movie_indices.astype(jnp.int32),
        up,
        mp,
        jnp.reshape(user_bias, (-1,)),
        jnp.reshape(movie_bias, (-1,)),
        jnp.broadcast_to(global_bias, (LANES,)).astype(jnp.float32),
    )

# --- scband reference (transcript-rebuilt; emitter-appended) ---
"""Pipeline reference for scband-svd-py-torch-84722524880943 (READ-ONLY COPY).

The authoritative reference and input builder live on the scoring server;
editing this copy changes nothing except your own understanding.
"""

import jax, jax.numpy as jnp
import numpy as np

NUM_USERS = 1000000
NUM_MOVIES = 100000
N_FACTORS = 64
BATCH = 16384


def setup_inputs(seed: int = 0) -> dict:
    key = jax.random.key(seed)
    k1, k2, k3, k4, k5, k6, k7 = jax.random.split(key, 7)
    user_indices = jax.random.randint(k1, (BATCH,), 0, NUM_USERS, dtype=jnp.int64 if jax.config.jax_enable_x64 else jnp.int32)
    movie_indices = jax.random.randint(k2, (BATCH,), 0, NUM_MOVIES, dtype=jnp.int64 if jax.config.jax_enable_x64 else jnp.int32)
    user_embedding = jax.random.normal(k3, (NUM_USERS, N_FACTORS), dtype=jnp.float32)
    movie_embedding = jax.random.normal(k4, (NUM_MOVIES, N_FACTORS), dtype=jnp.float32)
    user_bias = jax.random.normal(k5, (NUM_USERS, 1), dtype=jnp.float32)
    movie_bias = jax.random.normal(k6, (NUM_MOVIES, 1), dtype=jnp.float32)
    global_bias = jax.random.normal(k7, (1,), dtype=jnp.float32)
    return {
        "user_indices": user_indices,
        "movie_indices": movie_indices,
        "user_embedding": user_embedding,
        "movie_embedding": movie_embedding,
        "user_bias": user_bias,
        "movie_bias": movie_bias,
        "global_bias": global_bias,
    }


def reference(user_indices, movie_indices, user_embedding, movie_embedding, user_bias, movie_bias, global_bias):
    user_embed = jnp.take(user_embedding, user_indices, axis=0)        # [B, F]
    movie_embed = jnp.take(movie_embedding, movie_indices, axis=0)     # [B, F]
    user_b = jnp.take(user_bias, user_indices, axis=0).squeeze()       # [B]
    movie_b = jnp.take(movie_bias, movie_indices, axis=0).squeeze()    # [B]
    dot_product = (user_embed * movie_embed).sum(axis=1)               # [B]
    prediction = dot_product + user_b + movie_b + global_bias
    return prediction

if __name__ == "__main__":
    import jax
    _d = setup_inputs()
    print(jax.jit(kernel)(*tuple(_d.values())))

</pallas_src>

<mosaic_0001>
#map = affine_map<(d0, d1) -> (0)>
#map1 = affine_map<(d0, d1) -> (0, 0)>
module attributes {stable_mosaic.version = 14 : i64} {
  func.func @svd_kernel(%arg0: i32, %arg1: i32, %arg2: memref<16384xi32, #tpu.memory_space<hbm>>, %arg3: memref<16384xi32, #tpu.memory_space<hbm>>, %arg4: memref<253952x128xi32, #tpu.memory_space<hbm>>, %arg5: memref<32768x128xi32, #tpu.memory_space<hbm>>, %arg6: memref<1000000xf32, #tpu.memory_space<hbm>>, %arg7: memref<100000xf32, #tpu.memory_space<hbm>>, %arg8: memref<16xf32, #tpu.memory_space<hbm>>, %arg9: memref<16384xf32, #tpu.memory_space<hbm>>, %arg10: memref<512xi32, #tpu.memory_space<vmem>>, %arg11: memref<512xi32, #tpu.memory_space<vmem>>, %arg12: memref<512xi32, #tpu.memory_space<vmem>>, %arg13: memref<512xi32, #tpu.memory_space<vmem>>, %arg14: memref<512xi32, #tpu.memory_space<vmem>>, %arg15: memref<512xi32, #tpu.memory_space<vmem>>, %arg16: memref<128x128xi32, #tpu.memory_space<vmem>>, %arg17: memref<128x128xi32, #tpu.memory_space<vmem>>, %arg18: memref<128x128xi32, #tpu.memory_space<vmem>>, %arg19: memref<128x128xi32, #tpu.memory_space<vmem>>, %arg20: memref<512xf32, #tpu.memory_space<vmem>>, %arg21: memref<512xf32, #tpu.memory_space<vmem>>, %arg22: memref<16xf32, #tpu.memory_space<vmem>>, %arg23: memref<512xf32, #tpu.memory_space<vmem>>, %arg24: memref<!tpu.dma_semaphore, #tpu.memory_space<semaphore_mem>>, %arg25: memref<!tpu.dma_semaphore, #tpu.memory_space<semaphore_mem>>, %arg26: memref<!tpu.dma_semaphore, #tpu.memory_space<semaphore_mem>>, %arg27: memref<!tpu.dma_semaphore, #tpu.memory_space<semaphore_mem>>, %arg28: memref<!tpu.dma_semaphore, #tpu.memory_space<semaphore_mem>>, %arg29: memref<!tpu.dma_semaphore, #tpu.memory_space<semaphore_mem>>) attributes {dimension_semantics = [#tpu.dimension_semantics<core_parallel>, #tpu.dimension_semantics<subcore_parallel>], iteration_bounds = array<i64: 2, 16>, scalar_prefetch = 0 : i64, scratch_operands = 20 : i64, tpu.core_type = #tpu.core_type<sc_vector_subcore>, window_params = [{transform_indices = #map}, {transform_indices = #map}, {transform_indices = #map1}, {transform_indices = #map1}, {transform_indices = #map}, {transform_indices = #map}, {transform_indices = #map}, {transform_indices = #map}]} {
    %mul3A = arith.constant 2 : i32
    %mul3A_0 = arith.muli %arg1, %mul3A : i32
    %add3A = arith.addi %mul3A_0, %arg0 : i32
    %mul3A_1 = arith.constant 512 : i32
    %mul3A_2 = arith.muli %add3A, %mul3A_1 : i32
    "tpu.region"() ({
      %run_scoped3A = tpu.sem_alloc : memref<!tpu.dma_semaphore, #tpu.memory_space<semaphore_mem>>
      %dma_start3A_29 = tpu.memref_slice %arg2[%mul3A_2] : memref<16384xi32, #tpu.memory_space<hbm>> -> memref<512xi32, #tpu.memory_space<hbm>>
      %dma_start3A_30 = tpu.memref_slice %arg2[%mul3A_2] : memref<16384xi32, #tpu.memory_space<hbm>> -> memref<512xi32, #tpu.memory_space<hbm>>
      tpu.enqueue_dma source(%dma_start3A_30 : memref<512xi32, #tpu.memory_space<hbm>>) target(%arg10 : memref<512xi32, #tpu.memory_space<vmem>>) target_semaphore(%run_scoped3A : memref<!tpu.dma_semaphore, #tpu.memory_space<semaphore_mem>>)
      %dma_wait3A_31 = tpu.memref_slice %arg2[%mul3A_2] : memref<16384xi32, #tpu.memory_space<hbm>> -> memref<512xi32, #tpu.memory_space<hbm>>
      %dma_wait3A_32 = tpu.memref_slice %arg2[%mul3A_2] : memref<16384xi32, #tpu.memory_space<hbm>> -> memref<512xi32, #tpu.memory_space<hbm>>
      tpu.wait_dma2 semaphore(%run_scoped3A : memref<!tpu.dma_semaphore, #tpu.memory_space<semaphore_mem>>) src(%dma_wait3A_32 : memref<512xi32, #tpu.memory_space<hbm>>) dst(%arg10 : memref<512xi32, #tpu.memory_space<vmem>>)
      tpu.yield
    }) : () -> ()
    "tpu.region"() ({
      %run_scoped3A = tpu.sem_alloc : memref<!tpu.dma_semaphore, #tpu.memory_space<semaphore_mem>>
      %dma_start3A_29 = tpu.memref_slice %arg3[%mul3A_2] : memref<16384xi32, #tpu.memory_space<hbm>> -> memref<512xi32, #tpu.memory_space<hbm>>
      %dma_start3A_30 = tpu.memref_slice %arg3[%mul3A_2] : memref<16384xi32, #tpu.memory_space<hbm>> -> memref<512xi32, #tpu.memory_space<hbm>>
      tpu.enqueue_dma source(%dma_start3A_30 : memref<512xi32, #tpu.memory_space<hbm>>) target(%arg11 : memref<512xi32, #tpu.memory_space<vmem>>) target_semaphore(%run_scoped3A : memref<!tpu.dma_semaphore, #tpu.memory_space<semaphore_mem>>)
      %dma_wait3A_31 = tpu.memref_slice %arg3[%mul3A_2] : memref<16384xi32, #tpu.memory_space<hbm>> -> memref<512xi32, #tpu.memory_space<hbm>>
      %dma_wait3A_32 = tpu.memref_slice %arg3[%mul3A_2] : memref<16384xi32, #tpu.memory_space<hbm>> -> memref<512xi32, #tpu.memory_space<hbm>>
      tpu.wait_dma2 semaphore(%run_scoped3A : memref<!tpu.dma_semaphore, #tpu.memory_space<semaphore_mem>>) src(%dma_wait3A_32 : memref<512xi32, #tpu.memory_space<hbm>>) dst(%arg11 : memref<512xi32, #tpu.memory_space<vmem>>)
      tpu.yield
    }) : () -> ()
    "tpu.region"() ({
      %run_scoped3A = tpu.sem_alloc : memref<!tpu.dma_semaphore, #tpu.memory_space<semaphore_mem>>
      tpu.enqueue_dma source(%arg8 : memref<16xf32, #tpu.memory_space<hbm>>) target(%arg22 : memref<16xf32, #tpu.memory_space<vmem>>) target_semaphore(%run_scoped3A : memref<!tpu.dma_semaphore, #tpu.memory_space<semaphore_mem>>)
      tpu.wait_dma2 semaphore(%run_scoped3A : memref<!tpu.dma_semaphore, #tpu.memory_space<semaphore_mem>>) src(%arg8 : memref<16xf32, #tpu.memory_space<hbm>>) dst(%arg22 : memref<16xf32, #tpu.memory_space<vmem>>)
      tpu.yield
    }) : () -> ()
    %dma_start3A = arith.constant 0 : i32
    %dma_start3A_3 = tpu.memref_slice %arg6[%dma_start3A] : memref<1000000xf32, #tpu.memory_space<hbm>> -> memref<1000000xf32, #tpu.memory_space<hbm>>
    tpu.enqueue_indirect_dma source(%dma_start3A_3 : memref<1000000xf32, #tpu.memory_space<hbm>>) target(%arg20 : memref<512xf32, #tpu.memory_space<vmem>>) offsets(%arg10 : memref<512xi32, #tpu.memory_space<vmem>>) semaphore(%arg28 : memref<!tpu.dma_semaphore, #tpu.memory_space<semaphore_mem>>)
    %dma_start3A_4 = arith.constant 0 : i32
    %dma_start3A_5 = tpu.memref_slice %arg7[%dma_start3A_4] : memref<100000xf32, #tpu.memory_space<hbm>> -> memref<100000xf32, #tpu.memory_space<hbm>>
    tpu.enqueue_indirect_dma source(%dma_start3A_5 : memref<100000xf32, #tpu.memory_space<hbm>>) target(%arg21 : memref<512xf32, #tpu.memory_space<vmem>>) offsets(%arg11 : memref<512xi32, #tpu.memory_space<vmem>>) semaphore(%arg29 : memref<!tpu.dma_semaphore, #tpu.memory_space<semaphore_mem>>)
    %scan3A = arith.constant 0 : i32
    %scan3A_6 = arith.constant 32 : i32
    %scan3A_7 = arith.addi %scan3A, %scan3A_6 : i32
    %scan3A_8 = arith.constant 1 : i32
    scf.for %scan3A_29 = %scan3A to %scan3A_7 step %scan3A_8  : i32 {
      %mul3A_30 = arith.constant 16 : i32
      %mul3A_31 = arith.muli %scan3A_29, %mul3A_30 : i32
      %add3A_32 = arith.constant 0 : i32
      %add3A_33 = arith.addi %add3A_32, %mul3A_31 : i32
      %get3A_34 = arith.index_cast %add3A_33 : i32 to index
      %get3A_35 = tpu.vector_load %arg10[%get3A_34] {strides = array<i32>} : memref<512xi32, #tpu.memory_space<vmem>>, vector<16xi32>,
      %get3A_36 = arith.index_cast %add3A_33 : i32 to index
      %get3A_37 = tpu.vector_load %arg11[%get3A_36] {strides = array<i32>} : memref<512xi32, #tpu.memory_space<vmem>>, vector<16xi32>,
      %shift_right_arithmetic3A = arith.constant 15 : i32
      %shift_right_arithmetic3A_38 = vector.broadcast %shift_right_arithmetic3A : i32 to vector<16xi32>
      %shift_right_arithmetic3A_39 = arith.shrsi %get3A_35, %shift_right_arithmetic3A_38 : vector<16xi32>
      %shift_left3A = arith.constant 13 : i32
      %shift_left3A_40 = vector.broadcast %shift_left3A : i32 to vector<16xi32>
      %shift_left3A_41 = arith.shli %shift_right_arithmetic3A_39, %shift_left3A_40 : vector<16xi32>
      %and3A = arith.constant 8191 : i32
      %and3A_42 = vector.broadcast %and3A : i32 to vector<16xi32>
      %and3A_43 = arith.andi %get3A_35, %and3A_42 : vector<16xi32>
      %add3A_44 = arith.addi %shift_left3A_41, %and3A_43 : vector<16xi32>
      %swap3A = arith.index_cast %add3A_33 : i32 to index
      %swap3A_45 = tpu.vector_load %arg12[%swap3A] {strides = array<i32>} : memref<512xi32, #tpu.memory_space<vmem>>, vector<16xi32>,
      tpu.vector_store %arg12[%swap3A], %add3A_44 {strides = array<i32>} : memref<512xi32, #tpu.memory_space<vmem>>, vector<16xi32>,
      %shift_right_arithmetic3A_46 = arith.constant 15 : i32
      %shift_right_arithmetic3A_47 = vector.broadcast %shift_right_arithmetic3A_46 : i32 to vector<16xi32>
      %shift_right_arithmetic3A_48 = arith.shrsi %get3A_37, %shift_right_arithmetic3A_47 : vector<16xi32>
      %shift_left3A_49 = arith.constant 13 : i32
      %shift_left3A_50 = vector.broadcast %shift_left3A_49 : i32 to vector<16xi32>
      %shift_left3A_51 = arith.shli %shift_right_arithmetic3A_48, %shift_left3A_50 : vector<16xi32>
      %and3A_52 = arith.constant 8191 : i32
      %and3A_53 = vector.broadcast %and3A_52 : i32 to vector<16xi32>
      %and3A_54 = arith.andi %get3A_37, %and3A_53 : vector<16xi32>
      %add3A_55 = arith.addi %shift_left3A_51, %and3A_54 : vector<16xi32>
      %swap3A_56 = arith.index_cast %add3A_33 : i32 to index
      %swap3A_57 = tpu.vector_load %arg13[%swap3A_56] {strides = array<i32>} : memref<512xi32, #tpu.memory_space<vmem>>, vector<16xi32>,
      tpu.vector_store %arg13[%swap3A_56], %add3A_55 {strides = array<i32>} : memref<512xi32, #tpu.memory_space<vmem>>, vector<16xi32>,
      %shift_right_arithmetic3A_58 = arith.constant 13 : i32
      %shift_right_arithmetic3A_59 = vector.broadcast %shift_right_arithmetic3A_58 : i32 to vector<16xi32>
      %shift_right_arithmetic3A_60 = arith.shrsi %get3A_35, %shift_right_arithmetic3A_59 : vector<16xi32>
      %and3A_61 = arith.constant 3 : i32
      %and3A_62 = vector.broadcast %and3A_61 : i32 to vector<16xi32>
      %and3A_63 = arith.andi %shift_right_arithmetic3A_60, %and3A_62 : vector<16xi32>
      %shift_left3A_64 = arith.constant 5 : i32
      %shift_left3A_65 = vector.broadcast %shift_left3A_64 : i32 to vector<16xi32>
      %shift_left3A_66 = arith.shli %and3A_63, %shift_left3A_65 : vector<16xi32>
      %swap3A_67 = arith.index_cast %add3A_33 : i32 to index
      %swap3A_68 = tpu.vector_load %arg14[%swap3A_67] {strides = array<i32>} : memref<512xi32, #tpu.memory_space<vmem>>, vector<16xi32>,
      tpu.vector_store %arg14[%swap3A_67], %shift_left3A_66 {strides = array<i32>} : memref<512xi32, #tpu.memory_space<vmem>>, vector<16xi32>,
      %shift_right_arithmetic3A_69 = arith.constant 13 : i32
      %shift_right_arithmetic3A_70 = vector.broadcast %shift_right_arithmetic3A_69 : i32 to vector<16xi32>
      %shift_right_arithmetic3A_71 = arith.shrsi %get3A_37, %shift_right_arithmetic3A_70 : vector<16xi32>
      %and3A_72 = arith.constant 3 : i32
      %and3A_73 = vector.broadcast %and3A_72 : i32 to vector<16xi32>
      %and3A_74 = arith.andi %shift_right_arithmetic3A_71, %and3A_73 : vector<16xi32>
      %shift_left3A_75 = arith.constant 5 : i32
      %shift_left3A_76 = vector.broadcast %shift_left3A_75 : i32 to vector<16xi32>
      %shift_left3A_77 = arith.shli %and3A_74, %shift_left3A_76 : vector<16xi32>
      %swap3A_78 = arith.index_cast %add3A_33 : i32 to index
      %swap3A_79 = tpu.vector_load %arg15[%swap3A_78] {strides = array<i32>} : memref<512xi32, #tpu.memory_space<vmem>>, vector<16xi32>,
      tpu.vector_store %arg15[%swap3A_78], %shift_left3A_77 {strides = array<i32>} : memref<512xi32, #tpu.memory_space<vmem>>, vector<16xi32>,
    }
    %scan3A_9 = arith.constant 32 : i32
    %dma_wait3A = arith.constant 0 : i32
    %dma_wait3A_10 = tpu.memref_slice %arg6[%dma_wait3A] : memref<1000000xf32, #tpu.memory_space<hbm>> -> memref<1000000xf32, #tpu.memory_space<hbm>>
    tpu.wait_indirect_dma semaphore(%arg28 : memref<!tpu.dma_semaphore, #tpu.memory_space<semaphore_mem>>) src(%dma_wait3A_10 : memref<1000000xf32, #tpu.memory_space<hbm>>) dst(%arg20 : memref<512xf32, #tpu.memory_space<vmem>>)
    %dma_wait3A_11 = arith.constant 0 : i32
    %dma_wait3A_12 = tpu.memref_slice %arg7[%dma_wait3A_11] : memref<100000xf32, #tpu.memory_space<hbm>> -> memref<100000xf32, #tpu.memory_space<hbm>>
    tpu.wait_indirect_dma semaphore(%arg29 : memref<!tpu.dma_semaphore, #tpu.memory_space<semaphore_mem>>) src(%dma_wait3A_12 : memref<100000xf32, #tpu.memory_space<hbm>>) dst(%arg21 : memref<512xf32, #tpu.memory_space<vmem>>)
    %get3A = arith.constant 0 : index
    %get3A_13 = tpu.vector_load %arg22[%get3A] {strides = array<i32>} : memref<16xf32, #tpu.memory_space<vmem>>, vector<16xf32>,
    %iota3A = tpu.iota {dimensions = array<i32: 0>} : vector<16xi32>
    %dma_start3A_14 = arith.constant 0 : i32
    %dma_start3A_15 = tpu.memref_slice %arg12[%dma_start3A_14] : memref<512xi32, #tpu.memory_space<vmem>> -> memref<128xi32, #tpu.memory_space<vmem>>
    %dma_start3A_16 = arith.constant 0 : i32
    %dma_start3A_17 = arith.constant 0 : i32
    %dma_start3A_18 = tpu.memref_slice %arg4[%dma_start3A_16, %dma_start3A_17] : memref<253952x128xi32, #tpu.memory_space<hbm>> -> memref<253952x128xi32, #tpu.memory_space<hbm>>
    tpu.enqueue_indirect_dma source(%dma_start3A_18 : memref<253952x128xi32, #tpu.memory_space<hbm>>) target(%arg16 : memref<128x128xi32, #tpu.memory_space<vmem>>) offsets(%dma_start3A_15 : memref<128xi32, #tpu.memory_space<vmem>>) semaphore(%arg24 : memref<!tpu.dma_semaphore, #tpu.memory_space<semaphore_mem>>)
    %dma_start3A_19 = arith.constant 0 : i32
    %dma_start3A_20 = tpu.memref_slice %arg13[%dma_start3A_19] : memref<512xi32, #tpu.memory_space<vmem>> -> memref<128xi32, #tpu.memory_space<vmem>>
    %dma_start3A_21 = arith.constant 0 : i32
    %dma_start3A_22 = arith.constant 0 : i32
    %dma_start3A_23 = tpu.memref_slice %arg5[%dma_start3A_21, %dma_start3A_22] : memref<32768x128xi32, #tpu.memory_space<hbm>> -> memref<32768x128xi32, #tpu.memory_space<hbm>>
    tpu.enqueue_indirect_dma source(%dma_start3A_23 : memref<32768x128xi32, #tpu.memory_space<hbm>>) target(%arg18 : memref<128x128xi32, #tpu.memory_space<vmem>>) offsets(%dma_start3A_20 : memref<128xi32, #tpu.memory_space<vmem>>) semaphore(%arg26 : memref<!tpu.dma_semaphore, #tpu.memory_space<semaphore_mem>>)
    %scan3A_24 = arith.constant 0 : i32
    %scan3A_25 = arith.constant 2 : i32
    %scan3A_26 = arith.addi %scan3A_24, %scan3A_25 : i32
    %scan3A_27 = arith.constant 1 : i32
    scf.for %scan3A_29 = %scan3A_24 to %scan3A_26 step %scan3A_27  : i32 {
      %mul3A_30 = arith.constant 2 : i32
      %mul3A_31 = arith.muli %scan3A_29, %mul3A_30 : i32
      %add3A_32 = arith.constant 0 : i32
      %add3A_33 = arith.addi %add3A_32, %mul3A_31 : i32
      %add3A_34 = arith.constant 1 : i32
      %add3A_35 = arith.addi %add3A_33, %add3A_34 : i32
      %mul3A_36 = arith.constant 128 : i32
      %mul3A_37 = arith.muli %add3A_35, %mul3A_36 : i32
      %dma_start3A_38 = tpu.memref_slice %arg12[%mul3A_37] : memref<512xi32, #tpu.memory_space<vmem>> -> memref<128xi32, #tpu.memory_space<vmem>>
      %dma_start3A_39 = arith.constant 0 : i32
      %dma_start3A_40 = arith.constant 0 : i32
      %dma_start3A_41 = tpu.memref_slice %arg4[%dma_start3A_39, %dma_start3A_40] : memref<253952x128xi32, #tpu.memory_space<hbm>> -> memref<253952x128xi32, #tpu.memory_space<hbm>>
      tpu.enqueue_indirect_dma source(%dma_start3A_41 : memref<253952x128xi32, #tpu.memory_space<hbm>>) target(%arg17 : memref<128x128xi32, #tpu.memory_space<vmem>>) offsets(%dma_start3A_38 : memref<128xi32, #tpu.memory_space<vmem>>) semaphore(%arg25 : memref<!tpu.dma_semaphore, #tpu.memory_space<semaphore_mem>>)
      %dma_start3A_42 = tpu.memref_slice %arg13[%mul3A_37] : memref<512xi32, #tpu.memory_space<vmem>> -> memref<128xi32, #tpu.memory_space<vmem>>
      %dma_start3A_43 = arith.constant 0 : i32
      %dma_start3A_44 = arith.constant 0 : i32
      %dma_start3A_45 = tpu.memref_slice %arg5[%dma_start3A_43, %dma_start3A_44] : memref<32768x128xi32, #tpu.memory_space<hbm>> -> memref<32768x128xi32, #tpu.memory_space<hbm>>
      tpu.enqueue_indirect_dma source(%dma_start3A_45 : memref<32768x128xi32, #tpu.memory_space<hbm>>) target(%arg19 : memref<128x128xi32, #tpu.memory_space<vmem>>) offsets(%dma_start3A_42 : memref<128xi32, #tpu.memory_space<vmem>>) semaphore(%arg27 : memref<!tpu.dma_semaphore, #tpu.memory_space<semaphore_mem>>)
      %mul3A_46 = arith.constant 128 : i32
      %mul3A_47 = arith.muli %add3A_33, %mul3A_46 : i32
      %dma_wait3A_48 = tpu.memref_slice %arg12[%mul3A_47] : memref<512xi32, #tpu.memory_space<vmem>> -> memref<128xi32, #tpu.memory_space<vmem>>
      %dma_wait3A_49 = arith.constant 0 : i32
      %dma_wait3A_50 = arith.constant 0 : i32
      %dma_wait3A_51 = tpu.memref_slice %arg4[%dma_wait3A_49, %dma_wait3A_50] : memref<253952x128xi32, #tpu.memory_space<hbm>> -> memref<253952x128xi32, #tpu.memory_space<hbm>>
      tpu.wait_indirect_dma semaphore(%arg24 : memref<!tpu.dma_semaphore, #tpu.memory_space<semaphore_mem>>) src(%dma_wait3A_51 : memref<253952x128xi32, #tpu.memory_space<hbm>>) dst(%arg16 : memref<128x128xi32, #tpu.memory_space<vmem>>)
      %mul3A_52 = arith.constant 128 : i32
      %mul3A_53 = arith.muli %add3A_33, %mul3A_52 : i32
      %dma_wait3A_54 = tpu.memref_slice %arg13[%mul3A_53] : memref<512xi32, #tpu.memory_space<vmem>> -> memref<128xi32, #tpu.memory_space<vmem>>
      %dma_wait3A_55 = arith.constant 0 : i32
      %dma_wait3A_56 = arith.constant 0 : i32
      %dma_wait3A_57 = tpu.memref_slice %arg5[%dma_wait3A_55, %dma_wait3A_56] : memref<32768x128xi32, #tpu.memory_space<hbm>> -> memref<32768x128xi32, #tpu.memory_space<hbm>>
      tpu.wait_indirect_dma semaphore(%arg26 : memref<!tpu.dma_semaphore, #tpu.memory_space<semaphore_mem>>) src(%dma_wait3A_57 : memref<32768x128xi32, #tpu.memory_space<hbm>>) dst(%arg18 : memref<128x128xi32, #tpu.memory_space<vmem>>)
      %mul3A_58 = arith.constant 128 : i32
      %mul3A_59 = arith.muli %add3A_33, %mul3A_58 : i32
      %scan3A_60 = arith.constant 0 : i32
      %scan3A_61 = arith.constant 8 : i32
      %scan3A_62 = arith.addi %scan3A_60, %scan3A_61 : i32
      %scan3A_63 = arith.constant 1 : i32
      scf.for %scan3A_86 = %scan3A_60 to %scan3A_62 step %scan3A_63  : i32 {
        %mul3A_87 = arith.constant 16 : i32
        %mul3A_88 = arith.muli %scan3A_86, %mul3A_87 : i32
        %add3A_89 = arith.constant 0 : i32
        %add3A_90 = arith.addi %add3A_89, %mul3A_88 : i32
        %add3A_91 = vector.broadcast %add3A_90 : i32 to vector<16xi32>
        %add3A_92 = arith.addi %add3A_91, %iota3A : vector<16xi32>
        %add3A_93 = arith.addi %mul3A_59, %add3A_90 : i32
        %get3A_94 = arith.index_cast %add3A_93 : i32 to index
        %get3A_95 = tpu.vector_load %arg14[%get3A_94] {strides = array<i32>} : memref<512xi32, #tpu.memory_space<vmem>>, vector<16xi32>,
        %add3A_96 = arith.addi %mul3A_59, %add3A_90 : i32
        %get3A_97 = arith.index_cast %add3A_96 : i32 to index
        %get3A_98 = tpu.vector_load %arg15[%get3A_97] {strides = array<i32>} : memref<512xi32, #tpu.memory_space<vmem>>, vector<16xi32>,
        %add3A_99 = arith.addi %mul3A_59, %add3A_90 : i32
        %get3A_100 = arith.index_cast %add3A_99 : i32 to index
        %get3A_101 = tpu.vector_load %arg20[%get3A_100] {strides = array<i32>} : memref<512xf32, #tpu.memory_space<vmem>>, vector<16xf32>,
        %add3A_102 = arith.addi %mul3A_59, %add3A_90 : i32
        %get3A_103 = arith.index_cast %add3A_102 : i32 to index
        %get3A_104 = tpu.vector_load %arg21[%get3A_103] {strides = array<i32>} : memref<512xf32, #tpu.memory_space<vmem>>, vector<16xf32>,
        %add3A_105 = arith.addf %get3A_101, %get3A_104 : vector<16xf32>
        %add3A_106 = arith.addf %add3A_105, %get3A_13 : vector<16xf32>
        %add3A_107 = arith.constant 0 : i32
        %add3A_108 = vector.broadcast %add3A_107 : i32 to vector<16xi32>
        %add3A_109 = arith.addi %get3A_95, %add3A_108 : vector<16xi32>
        %gather3A = tpu.vector_load_idx %arg16[%add3A_92, %add3A_109] : memref<128x128xi32, #tpu.memory_space<vmem>>[vector<16xi32>, vector<16xi32>], vector<16xi32>,
        %add3A_110 = arith.constant 0 : i32
        %add3A_111 = vector.broadcast %add3A_110 : i32 to vector<16xi32>
        %add3A_112 = arith.addi %get3A_98, %add3A_111 : vector<16xi32>
        %gather3A_113 = tpu.vector_load_idx %arg18[%add3A_92, %add3A_112] : memref<128x128xi32, #tpu.memory_space<vmem>>[vector<16xi32>, vector<16xi32>], vector<16xi32>,
        %bitcast3A = vector.bitcast %gather3A : vector<16xi32> to vector<32xbf16>
        %unpack3A = tpu.unpack_subelements %bitcast3A, 0 {pack_format = #tpu.pack_format<interleaved>} : vector<32xbf16> -> vector<16xf32>
        %unpack3A_114 = tpu.unpack_subelements %bitcast3A, 1 {pack_format = #tpu.pack_format<interleaved>} : vector<32xbf16> -> vector<16xf32>
        %bitcast3A_115 = vector.bitcast %gather3A_113 : vector<16xi32> to vector<32xbf16>
        %unpack3A_116 = tpu.unpack_subelements %bitcast3A_115, 0 {pack_format = #tpu.pack_format<interleaved>} : vector<32xbf16> -> vector<16xf32>
        %unpack3A_117 = tpu.unpack_subelements %bitcast3A_115, 1 {pack_format = #tpu.pack_format<interleaved>} : vector<32xbf16> -> vector<16xf32>
        %mul3A_118 = arith.mulf %unpack3A, %unpack3A_116 : vector<16xf32>
        %add3A_119 = arith.addf %add3A_106, %mul3A_118 : vector<16xf32>
        %mul3A_120 = arith.mulf %unpack3A_114, %unpack3A_117 : vector<16xf32>
        %add3A_121 = arith.addf %add3A_119, %mul3A_120 : vector<16xf32>
        %add3A_122 = arith.constant 1 : i32
        %add3A_123 = vector.broadcast %add3A_122 : i32 to vector<16xi32>
        %add3A_124 = arith.addi %get3A_95, %add3A_123 : vector<16xi32>
        %gather3A_125 = tpu.vector_load_idx %arg16[%add3A_92, %add3A_124] : memref<128x128xi32, #tpu.memory_space<vmem>>[vector<16xi32>, vector<16xi32>], vector<16xi32>,
        %add3A_126 = arith.constant 1 : i32
        %add3A_127 = vector.broadcast %add3A_126 : i32 to vector<16xi32>
        %add3A_128 = arith.addi %get3A_98, %add3A_127 : vector<16xi32>
        %gather3A_129 = tpu.vector_load_idx %arg18[%add3A_92, %add3A_128] : memref<128x128xi32, #tpu.memory_space<vmem>>[vector<16xi32>, vector<16xi32>], vector<16xi32>,
        %bitcast3A_130 = vector.bitcast %gather3A_125 : vector<16xi32> to vector<32xbf16>
        %unpack3A_131 = tpu.unpack_subelements %bitcast3A_130, 0 {pack_format = #tpu.pack_format<interleaved>} : vector<32xbf16> -> vector<16xf32>
        %unpack3A_132 = tpu.unpack_subelements %bitcast3A_130, 1 {pack_format = #tpu.pack_format<interleaved>} : vector<32xbf16> -> vector<16xf32>
        %bitcast3A_133 = vector.bitcast %gather3A_129 : vector<16xi32> to vector<32xbf16>
        %unpack3A_134 = tpu.unpack_subelements %bitcast3A_133, 0 {pack_format = #tpu.pack_format<interleaved>} : vector<32xbf16> -> vector<16xf32>
        %unpack3A_135 = tpu.unpack_subelements %bitcast3A_133, 1 {pack_format = #tpu.pack_format<interleaved>} : vector<32xbf16> -> vector<16xf32>
        %mul3A_136 = arith.mulf %unpack3A_131, %unpack3A_134 : vector<16xf32>
        %add3A_137 = arith.addf %add3A_121, %mul3A_136 : vector<16xf32>
        %mul3A_138 = arith.mulf %unpack3A_132, %unpack3A_135 : vector<16xf32>
        %add3A_139 = arith.addf %add3A_137, %mul3A_138 : vector<16xf32>
        %add3A_140 = arith.constant 2 : i32
        %add3A_141 = vector.broadcast %add3A_140 : i32 to vector<16xi32>
        %add3A_142 = arith.addi %get3A_95, %add3A_141 : vector<16xi32>
        %gather3A_143 = tpu.vector_load_idx %arg16[%add3A_92, %add3A_142] : memref<128x128xi32, #tpu.memory_space<vmem>>[vector<16xi32>, vector<16xi32>], vector<16xi32>,
        %add3A_144 = arith.constant 2 : i32
        %add3A_145 = vector.broadcast %add3A_144 : i32 to vector<16xi32>
        %add3A_146 = arith.addi %get3A_98, %add3A_145 : vector<16xi32>
        %gather3A_147 = tpu.vector_load_idx %arg18[%add3A_92, %add3A_146] : memref<128x128xi32, #tpu.memory_space<vmem>>[vector<16xi32>, vector<16xi32>], vector<16xi32>,
        %bitcast3A_148 = vector.bitcast %gather3A_143 : vector<16xi32> to vector<32xbf16>
        %unpack3A_149 = tpu.unpack_subelements %bitcast3A_148, 0 {pack_format = #tpu.pack_format<interleaved>} : vector<32xbf16> -> vector<16xf32>
        %unpack3A_150 = tpu.unpack_subelements %bitcast3A_148, 1 {pack_format = #tpu.pack_format<interleaved>} : vector<32xbf16> -> vector<16xf32>
        %bitcast3A_151 = vector.bitcast %gather3A_147 : vector<16xi32> to vector<32xbf16>
        %unpack3A_152 = tpu.unpack_subelements %bitcast3A_151, 0 {pack_format = #tpu.pack_format<interleaved>} : vector<32xbf16> -> vector<16xf32>
        %unpack3A_153 = tpu.unpack_subelements %bitcast3A_151, 1 {pack_format = #tpu.pack_format<interleaved>} : vector<32xbf16> -> vector<16xf32>
        %mul3A_154 = arith.mulf %unpack3A_149, %unpack3A_152 : vector<16xf32>
        %add3A_155 = arith.addf %add3A_139, %mul3A_154 : vector<16xf32>
        %mul3A_156 = arith.mulf %unpack3A_150, %unpack3A_153 : vector<16xf32>
        %add3A_157 = arith.addf %add3A_155, %mul3A_156 : vector<16xf32>
        %add3A_158 = arith.constant 3 : i32
        %add3A_159 = vector.broadcast %add3A_158 : i32 to vector<16xi32>
        %add3A_160 = arith.addi %get3A_95, %add3A_159 : vector<16xi32>
        %gather3A_161 = tpu.vector_load_idx %arg16[%add3A_92, %add3A_160] : memref<128x128xi32, #tpu.memory_space<vmem>>[vector<16xi32>, vector<16xi32>], vector<16xi32>,
        %add3A_162 = arith.constant 3 : i32
        %add3A_163 = vector.broadcast %add3A_162 : i32 to vector<16xi32>
        %add3A_164 = arith.addi %get3A_98, %add3A_163 : vector<16xi32>
        %gather3A_165 = tpu.vector_load_idx %arg18[%add3A_92, %add3A_164] : memref<128x128xi32, #tpu.memory_space<vmem>>[vector<16xi32>, vector<16xi32>], vector<16xi32>,
        %bitcast3A_166 = vector.bitcast %gather3A_161 : vector<16xi32> to vector<32xbf16>
        %unpack3A_167 = tpu.unpack_subelements %bitcast3A_166, 0 {pack_format = #tpu.pack_format<interleaved>} : vector<32xbf16> -> vector<16xf32>
        %unpack3A_168 = tpu.unpack_subelements %bitcast3A_166, 1 {pack_format = #tpu.pack_format<interleaved>} : vector<32xbf16> -> vector<16xf32>
        %bitcast3A_169 = vector.bitcast %gather3A_165 : vector<16xi32> to vector<32xbf16>
        %unpack3A_170 = tpu.unpack_subelements %bitcast3A_169, 0 {pack_format = #tpu.pack_format<interleaved>} : vector<32xbf16> -> vector<16xf32>
        %unpack3A_171 = tpu.unpack_subelements %bitcast3A_169, 1 {pack_format = #tpu.pack_format<interleaved>} : vector<32xbf16> -> vector<16xf32>
        %mul3A_172 = arith.mulf %unpack3A_167, %unpack3A_170 : vector<16xf32>
        %add3A_173 = arith.addf %add3A_157, %mul3A_172 : vector<16xf32>
        %mul3A_174 = arith.mulf %unpack3A_168, %unpack3A_171 : vector<16xf32>
        %add3A_175 = arith.addf %add3A_173, %mul3A_174 : vector<16xf32>
        %add3A_176 = arith.constant 4 : i32
        %add3A_177 = vector.broadcast %add3A_176 : i32 to vector<16xi32>
        %add3A_178 = arith.addi %get3A_95, %add3A_177 : vector<16xi32>
        %gather3A_179 = tpu.vector_load_idx %arg16[%add3A_92, %add3A_178] : memref<128x128xi32, #tpu.memory_space<vmem>>[vector<16xi32>, vector<16xi32>], vector<16xi32>,
        %add3A_180 = arith.constant 4 : i32
        %add3A_181 = vector.broadcast %add3A_180 : i32 to vector<16xi32>
        %add3A_182 = arith.addi %get3A_98, %add3A_181 : vector<16xi32>
        %gather3A_183 = tpu.vector_load_idx %arg18[%add3A_92, %add3A_182] : memref<128x128xi32, #tpu.memory_space<vmem>>[vector<16xi32>, vector<16xi32>], vector<16xi32>,
        %bitcast3A_184 = vector.bitcast %gather3A_179 : vector<16xi32> to vector<32xbf16>
        %unpack3A_185 = tpu.unpack_subelements %bitcast3A_184, 0 {pack_format = #tpu.pack_format<interleaved>} : vector<32xbf16> -> vector<16xf32>
        %unpack3A_186 = tpu.unpack_subelements %bitcast3A_184, 1 {pack_format = #tpu.pack_format<interleaved>} : vector<32xbf16> -> vector<16xf32>
        %bitcast3A_187 = vector.bitcast %gather3A_183 : vector<16xi32> to vector<32xbf16>
        %unpack3A_188 = tpu.unpack_subelements %bitcast3A_187, 0 {pack_format = #tpu.pack_format<interleaved>} : vector<32xbf16> -> vector<16xf32>
        %unpack3A_189 = tpu.unpack_subelements %bitcast3A_187, 1 {pack_format = #tpu.pack_format<interleaved>} : vector<32xbf16> -> vector<16xf32>
        %mul3A_190 = arith.mulf %unpack3A_185, %unpack3A_188 : vector<16xf32>
        %add3A_191 = arith.addf %add3A_175, %mul3A_190 : vector<16xf32>
        %mul3A_192 = arith.mulf %unpack3A_186, %unpack3A_189 : vector<16xf32>
        %add3A_193 = arith.addf %add3A_191, %mul3A_192 : vector<16xf32>
        %add3A_194 = arith.constant 5 : i32
        %add3A_195 = vector.broadcast %add3A_194 : i32 to vector<16xi32>
        %add3A_196 = arith.addi %get3A_95, %add3A_195 : vector<16xi32>
        %gather3A_197 = tpu.vector_load_idx %arg16[%add3A_92, %add3A_196] : memref<128x128xi32, #tpu.memory_space<vmem>>[vector<16xi32>, vector<16xi32>], vector<16xi32>,
        %add3A_198 = arith.constant 5 : i32
        %add3A_199 = vector.broadcast %add3A_198 : i32 to vector<16xi32>
        %add3A_200 = arith.addi %get3A_98, %add3A_199 : vector<16xi32>
        %gather3A_201 = tpu.vector_load_idx %arg18[%add3A_92, %add3A_200] : memref<128x128xi32, #tpu.memory_space<vmem>>[vector<16xi32>, vector<16xi32>], vector<16xi32>,
        %bitcast3A_202 = vector.bitcast %gather3A_197 : vector<16xi32> to vector<32xbf16>
        %unpack3A_203 = tpu.unpack_subelements %bitcast3A_202, 0 {pack_format = #tpu.pack_format<interleaved>} : vector<32xbf16> -> vector<16xf32>
        %unpack3A_204 = tpu.unpack_subelements %bitcast3A_202, 1 {pack_format = #tpu.pack_format<interleaved>} : vector<32xbf16> -> vector<16xf32>
        %bitcast3A_205 = vector.bitcast %gather3A_201 : vector<16xi32> to vector<32xbf16>
        %unpack3A_206 = tpu.unpack_subelements %bitcast3A_205, 0 {pack_format = #tpu.pack_format<interleaved>} : vector<32xbf16> -> vector<16xf32>
        %unpack3A_207 = tpu.unpack_subelements %bitcast3A_205, 1 {pack_format = #tpu.pack_format<interleaved>} : vector<32xbf16> -> vector<16xf32>
        %mul3A_208 = arith.mulf %unpack3A_203, %unpack3A_206 : vector<16xf32>
        %add3A_209 = arith.addf %add3A_193, %mul3A_208 : vector<16xf32>
        %mul3A_210 = arith.mulf %unpack3A_204, %unpack3A_207 : vector<16xf32>
        %add3A_211 = arith.addf %add3A_209, %mul3A_210 : vector<16xf32>
        %add3A_212 = arith.constant 6 : i32
        %add3A_213 = vector.broadcast %add3A_212 : i32 to vector<16xi32>
        %add3A_214 = arith.addi %get3A_95, %add3A_213 : vector<16xi32>
        %gather3A_215 = tpu.vector_load_idx %arg16[%add3A_92, %add3A_214] : memref<128x128xi32, #tpu.memory_space<vmem>>[vector<16xi32>, vector<16xi32>], vector<16xi32>,
        %add3A_216 = arith.constant 6 : i32
        %add3A_217 = vector.broadcast %add3A_216 : i32 to vector<16xi32>
        %add3A_218 = arith.addi %get3A_98, %add3A_217 : vector<16xi32>
        %gather3A_219 = tpu.vector_load_idx %arg18[%add3A_92, %add3A_218] : memref<128x128xi32, #tpu.memory_space<vmem>>[vector<16xi32>, vector<16xi32>], vector<16xi32>,
        %bitcast3A_220 = vector.bitcast %gather3A_215 : vector<16xi32> to vector<32xbf16>
        %unpack3A_221 = tpu.unpack_subelements %bitcast3A_220, 0 {pack_format = #tpu.pack_format<interleaved>} : vector<32xbf16> -> vector<16xf32>
        %unpack3A_222 = tpu.unpack_subelements %bitcast3A_220, 1 {pack_format = #tpu.pack_format<interleaved>} : vector<32xbf16> -> vector<16xf32>
        %bitcast3A_223 = vector.bitcast %gather3A_219 : vector<16xi32> to vector<32xbf16>
        %unpack3A_224 = tpu.unpack_subelements %bitcast3A_223, 0 {pack_format = #tpu.pack_format<interleaved>} : vector<32xbf16> -> vector<16xf32>
        %unpack3A_225 = tpu.unpack_subelements %bitcast3A_223, 1 {pack_format = #tpu.pack_format<interleaved>} : vector<32xbf16> -> vector<16xf32>
        %mul3A_226 = arith.mulf %unpack3A_221, %unpack3A_224 : vector<16xf32>
        %add3A_227 = arith.addf %add3A_211, %mul3A_226 : vector<16xf32>
        %mul3A_228 = arith.mulf %unpack3A_222, %unpack3A_225 : vector<16xf32>
        %add3A_229 = arith.addf %add3A_227, %mul3A_228 : vector<16xf32>
        %add3A_230 = arith.constant 7 : i32
        %add3A_231 = vector.broadcast %add3A_230 : i32 to vector<16xi32>
        %add3A_232 = arith.addi %get3A_95, %add3A_231 : vector<16xi32>
        %gather3A_233 = tpu.vector_load_idx %arg16[%add3A_92, %add3A_232] : memref<128x128xi32, #tpu.memory_space<vmem>>[vector<16xi32>, vector<16xi32>], vector<16xi32>,
        %add3A_234 = arith.constant 7 : i32
        %add3A_235 = vector.broadcast %add3A_234 : i32 to vector<16xi32>
        %add3A_236 = arith.addi %get3A_98, %add3A_235 : vector<16xi32>
        %gather3A_237 = tpu.vector_load_idx %arg18[%add3A_92, %add3A_236] : memref<128x128xi32, #tpu.memory_space<vmem>>[vector<16xi32>, vector<16xi32>], vector<16xi32>,
        %bitcast3A_238 = vector.bitcast %gather3A_233 : vector<16xi32> to vector<32xbf16>
        %unpack3A_239 = tpu.unpack_subelements %bitcast3A_238, 0 {pack_format = #tpu.pack_format<interleaved>} : vector<32xbf16> -> vector<16xf32>
        %unpack3A_240 = tpu.unpack_subelements %bitcast3A_238, 1 {pack_format = #tpu.pack_format<interleaved>} : vector<32xbf16> -> vector<16xf32>
        %bitcast3A_241 = vector.bitcast %gather3A_237 : vector<16xi32> to vector<32xbf16>
        %unpack3A_242 = tpu.unpack_subelements %bitcast3A_241, 0 {pack_format = #tpu.pack_format<interleaved>} : vector<32xbf16> -> vector<16xf32>
        %unpack3A_243 = tpu.unpack_subelements %bitcast3A_241, 1 {pack_format = #tpu.pack_format<interleaved>} : vector<32xbf16> -> vector<16xf32>
        %mul3A_244 = arith.mulf %unpack3A_239, %unpack3A_242 : vector<16xf32>
        %add3A_245 = arith.addf %add3A_229, %mul3A_244 : vector<16xf32>
        %mul3A_246 = arith.mulf %unpack3A_240, %unpack3A_243 : vector<16xf32>
        %add3A_247 = arith.addf %add3A_245, %mul3A_246 : vector<16xf32>
        %add3A_248 = arith.constant 8 : i32
        %add3A_249 = vector.broadcast %add3A_248 : i32 to vector<16xi32>
        %add3A_250 = arith.addi %get3A_95, %add3A_249 : vector<16xi32>
        %gather3A_251 = tpu.vector_load_idx %arg16[%add3A_92, %add3A_250] : memref<128x128xi32, #tpu.memory_space<vmem>>[vector<16xi32>, vector<16xi32>], vector<16xi32>,
        %add3A_252 = arith.constant 8 : i32
        %add3A_253 = vector.broadcast %add3A_252 : i32 to vector<16xi32>
        %add3A_254 = arith.addi %get3A_98, %add3A_253 : vector<16xi32>
        %gather3A_255 = tpu.vector_load_idx %arg18[%add3A_92, %add3A_254] : memref<128x128xi32, #tpu.memory_space<vmem>>[vector<16xi32>, vector<16xi32>], vector<16xi32>,
        %bitcast3A_256 = vector.bitcast %gather3A_251 : vector<16xi32> to vector<32xbf16>
        %unpack3A_257 = tpu.unpack_subelements %bitcast3A_256, 0 {pack_format = #tpu.pack_format<interleaved>} : vector<32xbf16> -> vector<16xf32>
        %unpack3A_258 = tpu.unpack_subelements %bitcast3A_256, 1 {pack_format = #tpu.pack_format<interleaved>} : vector<32xbf16> -> vector<16xf32>
        %bitcast3A_259 = vector.bitcast %gather3A_255 : vector<16xi32> to vector<32xbf16>
        %unpack3A_260 = tpu.unpack_subelements %bitcast3A_259, 0 {pack_format = #tpu.pack_format<interleaved>} : vector<32xbf16> -> vector<16xf32>
        %unpack3A_261 = tpu.unpack_subelements %bitcast3A_259, 1 {pack_format = #tpu.pack_format<interleaved>} : vector<32xbf16> -> vector<16xf32>
        %mul3A_262 = arith.mulf %unpack3A_257, %unpack3A_260 : vector<16xf32>
        %add3A_263 = arith.addf %add3A_247, %mul3A_262 : vector<16xf32>
        %mul3A_264 = arith.mulf %unpack3A_258, %unpack3A_261 : vector<16xf32>
        %add3A_265 = arith.addf %add3A_263, %mul3A_264 : vector<16xf32>
        %add3A_266 = arith.constant 9 : i32
        %add3A_267 = vector.broadcast %add3A_266 : i32 to vector<16xi32>
        %add3A_268 = arith.addi %get3A_95, %add3A_267 : vector<16xi32>
        %gather3A_269 = tpu.vector_load_idx %arg16[%add3A_92, %add3A_268] : memref<128x128xi32, #tpu.memory_space<vmem>>[vector<16xi32>, vector<16xi32>], vector<16xi32>,
        %add3A_270 = arith.constant 9 : i32
        %add3A_271 = vector.broadcast %add3A_270 : i32 to vector<16xi32>
        %add3A_272 = arith.addi %get3A_98, %add3A_271 : vector<16xi32>
        %gather3A_273 = tpu.vector_load_idx %arg18[%add3A_92, %add3A_272] : memref<128x128xi32, #tpu.memory_space<vmem>>[vector<16xi32>, vector<16xi32>], vector<16xi32>,
        %bitcast3A_274 = vector.bitcast %gather3A_269 : vector<16xi32> to vector<32xbf16>
        %unpack3A_275 = tpu.unpack_subelements %bitcast3A_274, 0 {pack_format = #tpu.pack_format<interleaved>} : vector<32xbf16> -> vector<16xf32>
        %unpack3A_276 = tpu.unpack_subelements %bitcast3A_274, 1 {pack_format = #tpu.pack_format<interleaved>} : vector<32xbf16> -> vector<16xf32>
        %bitcast3A_277 = vector.bitcast %gather3A_273 : vector<16xi32> to vector<32xbf16>
        %unpack3A_278 = tpu.unpack_subelements %bitcast3A_277, 0 {pack_format = #tpu.pack_format<interleaved>} : vector<32xbf16> -> vector<16xf32>
        %unpack3A_279 = tpu.unpack_subelements %bitcast3A_277, 1 {pack_format = #tpu.pack_format<interleaved>} : vector<32xbf16> -> vector<16xf32>
        %mul3A_280 = arith.mulf %unpack3A_275, %unpack3A_278 : vector<16xf32>
        %add3A_281 = arith.addf %add3A_265, %mul3A_280 : vector<16xf32>
        %mul3A_282 = arith.mulf %unpack3A_276, %unpack3A_279 : vector<16xf32>
        %add3A_283 = arith.addf %add3A_281, %mul3A_282 : vector<16xf32>
        %add3A_284 = arith.constant 10 : i32
        %add3A_285 = vector.broadcast %add3A_284 : i32 to vector<16xi32>
        %add3A_286 = arith.addi %get3A_95, %add3A_285 : vector<16xi32>
        %gather3A_287 = tpu.vector_load_idx %arg16[%add3A_92, %add3A_286] : memref<128x128xi32, #tpu.memory_space<vmem>>[vector<16xi32>, vector<16xi32>], vector<16xi32>,
        %add3A_288 = arith.constant 10 : i32
        %add3A_289 = vector.broadcast %add3A_288 : i32 to vector<16xi32>
        %add3A_290 = arith.addi %get3A_98, %add3A_289 : vector<16xi32>
        %gather3A_291 = tpu.vector_load_idx %arg18[%add3A_92, %add3A_290] : memref<128x128xi32, #tpu.memory_space<vmem>>[vector<16xi32>, vector<16xi32>], vector<16xi32>,
        %bitcast3A_292 = vector.bitcast %gather3A_287 : vector<16xi32> to vector<32xbf16>
        %unpack3A_293 = tpu.unpack_subelements %bitcast3A_292, 0 {pack_format = #tpu.pack_format<interleaved>} : vector<32xbf16> -> vector<16xf32>
        %unpack3A_294 = tpu.unpack_subelements %bitcast3A_292, 1 {pack_format = #tpu.pack_format<interleaved>} : vector<32xbf16> -> vector<16xf32>
        %bitcast3A_295 = vector.bitcast %gather3A_291 : vector<16xi32> to vector<32xbf16>
        %unpack3A_296 = tpu.unpack_subelements %bitcast3A_295, 0 {pack_format = #tpu.pack_format<interleaved>} : vector<32xbf16> -> vector<16xf32>
        %unpack3A_297 = tpu.unpack_subelements %bitcast3A_295, 1 {pack_format = #tpu.pack_format<interleaved>} : vector<32xbf16> -> vector<16xf32>
        %mul3A_298 = arith.mulf %unpack3A_293, %unpack3A_296 : vector<16xf32>
        %add3A_299 = arith.addf %add3A_283, %mul3A_298 : vector<16xf32>
        %mul3A_300 = arith.mulf %unpack3A_294, %unpack3A_297 : vector<16xf32>
        %add3A_301 = arith.addf %add3A_299, %mul3A_300 : vector<16xf32>
        %add3A_302 = arith.constant 11 : i32
        %add3A_303 = vector.broadcast %add3A_302 : i32 to vector<16xi32>
        %add3A_304 = arith.addi %get3A_95, %add3A_303 : vector<16xi32>
        %gather3A_305 = tpu.vector_load_idx %arg16[%add3A_92, %add3A_304] : memref<128x128xi32, #tpu.memory_space<vmem>>[vector<16xi32>, vector<16xi32>], vector<16xi32>,
        %add3A_306 = arith.constant 11 : i32
        %add3A_307 = vector.broadcast %add3A_306 : i32 to vector<16xi32>
        %add3A_308 = arith.addi %get3A_98, %add3A_307 : vector<16xi32>
        %gather3A_309 = tpu.vector_load_idx %arg18[%add3A_92, %add3A_308] : memref<128x128xi32, #tpu.memory_space<vmem>>[vector<16xi32>, vector<16xi32>], vector<16xi32>,
        %bitcast3A_310 = vector.bitcast %gather3A_305 : vector<16xi32> to vector<32xbf16>
        %unpack3A_311 = tpu.unpack_subelements %bitcast3A_310, 0 {pack_format = #tpu.pack_format<interleaved>} : vector<32xbf16> -> vector<16xf32>
        %unpack3A_312 = tpu.unpack_subelements %bitcast3A_310, 1 {pack_format = #tpu.pack_format<interleaved>} : vector<32xbf16> -> vector<16xf32>
        %bitcast3A_313 = vector.bitcast %gather3A_309 : vector<16xi32> to vector<32xbf16>
        %unpack3A_314 = tpu.unpack_subelements %bitcast3A_313, 0 {pack_format = #tpu.pack_format<interleaved>} : vector<32xbf16> -> vector<16xf32>
        %unpack3A_315 = tpu.unpack_subelements %bitcast3A_313, 1 {pack_format = #tpu.pack_format<interleaved>} : vector<32xbf16> -> vector<16xf32>
        %mul3A_316 = arith.mulf %unpack3A_311, %unpack3A_314 : vector<16xf32>
        %add3A_317 = arith.addf %add3A_301, %mul3A_316 : vector<16xf32>
        %mul3A_318 = arith.mulf %unpack3A_312, %unpack3A_315 : vector<16xf32>
        %add3A_319 = arith.addf %add3A_317, %mul3A_318 : vector<16xf32>
        %add3A_320 = arith.constant 12 : i32
        %add3A_321 = vector.broadcast %add3A_320 : i32 to vector<16xi32>
        %add3A_322 = arith.addi %get3A_95, %add3A_321 : vector<16xi32>
        %gather3A_323 = tpu.vector_load_idx %arg16[%add3A_92, %add3A_322] : memref<128x128xi32, #tpu.memory_space<vmem>>[vector<16xi32>, vector<16xi32>], vector<16xi32>,
        %add3A_324 = arith.constant 12 : i32
        %add3A_325 = vector.broadcast %add3A_324 : i32 to vector<16xi32>
        %add3A_326 = arith.addi %get3A_98, %add3A_325 : vector<16xi32>
        %gather3A_327 = tpu.vector_load_idx %arg18[%add3A_92, %add3A_326] : memref<128x128xi32, #tpu.memory_space<vmem>>[vector<16xi32>, vector<16xi32>], vector<16xi32>,
        %bitcast3A_328 = vector.bitcast %gather3A_323 : vector<16xi32> to vector<32xbf16>
        %unpack3A_329 = tpu.unpack_subelements %bitcast3A_328, 0 {pack_format = #tpu.pack_format<interleaved>} : vector<32xbf16> -> vector<16xf32>
        %unpack3A_330 = tpu.unpack_subelements %bitcast3A_328, 1 {pack_format = #tpu.pack_format<interleaved>} : vector<32xbf16> -> vector<16xf32>
        %bitcast3A_331 = vector.bitcast %gather3A_327 : vector<16xi32> to vector<32xbf16>
        %unpack3A_332 = tpu.unpack_subelements %bitcast3A_331, 0 {pack_format = #tpu.pack_format<interleaved>} : vector<32xbf16> -> vector<16xf32>
        %unpack3A_333 = tpu.unpack_subelements %bitcast3A_331, 1 {pack_format = #tpu.pack_format<interleaved>} : vector<32xbf16> -> vector<16xf32>
        %mul3A_334 = arith.mulf %unpack3A_329, %unpack3A_332 : vector<16xf32>
        %add3A_335 = arith.addf %add3A_319, %mul3A_334 : vector<16xf32>
        %mul3A_336 = arith.mulf %unpack3A_330, %unpack3A_333 : vector<16xf32>
        %add3A_337 = arith.addf %add3A_335, %mul3A_336 : vector<16xf32>
        %add3A_338 = arith.constant 13 : i32
        %add3A_339 = vector.broadcast %add3A_338 : i32 to vector<16xi32>
        %add3A_340 = arith.addi %get3A_95, %add3A_339 : vector<16xi32>
        %gather3A_341 = tpu.vector_load_idx %arg16[%add3A_92, %add3A_340] : memref<128x128xi32, #tpu.memory_space<vmem>>[vector<16xi32>, vector<16xi32>], vector<16xi32>,
        %add3A_342 = arith.constant 13 : i32
        %add3A_343 = vector.broadcast %add3A_342 : i32 to vector<16xi32>
        %add3A_344 = arith.addi %get3A_98, %add3A_343 : vector<16xi32>
        %gather3A_345 = tpu.vector_load_idx %arg18[%add3A_92, %add3A_344] : memref<128x128xi32, #tpu.memory_space<vmem>>[vector<16xi32>, vector<16xi32>], vector<16xi32>,
        %bitcast3A_346 = vector.bitcast %gather3A_341 : vector<16xi32> to vector<32xbf16>
        %unpack3A_347 = tpu.unpack_subelements %bitcast3A_346, 0 {pack_format = #tpu.pack_format<interleaved>} : vector<32xbf16> -> vector<16xf32>
        %unpack3A_348 = tpu.unpack_subelements %bitcast3A_346, 1 {pack_format = #tpu.pack_format<interleaved>} : vector<32xbf16> -> vector<16xf32>
        %bitcast3A_349 = vector.bitcast %gather3A_345 : vector<16xi32> to vector<32xbf16>
        %unpack3A_350 = tpu.unpack_subelements %bitcast3A_349, 0 {pack_format = #tpu.pack_format<interleaved>} : vector<32xbf16> -> vector<16xf32>
        %unpack3A_351 = tpu.unpack_subelements %bitcast3A_349, 1 {pack_format = #tpu.pack_format<interleaved>} : vector<32xbf16> -> vector<16xf32>
        %mul3A_352 = arith.mulf %unpack3A_347, %unpack3A_350 : vector<16xf32>
        %add3A_353 = arith.addf %add3A_337, %mul3A_352 : vector<16xf32>
        %mul3A_354 = arith.mulf %unpack3A_348, %unpack3A_351 : vector<16xf32>
        %add3A_355 = arith.addf %add3A_353, %mul3A_354 : vector<16xf32>
        %add3A_356 = arith.constant 14 : i32
        %add3A_357 = vector.broadcast %add3A_356 : i32 to vector<16xi32>
        %add3A_358 = arith.addi %get3A_95, %add3A_357 : vector<16xi32>
        %gather3A_359 = tpu.vector_load_idx %arg16[%add3A_92, %add3A_358] : memref<128x128xi32, #tpu.memory_space<vmem>>[vector<16xi32>, vector<16xi32>], vector<16xi32>,
        %add3A_360 = arith.constant 14 : i32
        %add3A_361 = vector.broadcast %add3A_360 : i32 to vector<16xi32>
        %add3A_362 = arith.addi %get3A_98, %add3A_361 : vector<16xi32>
        %gather3A_363 = tpu.vector_load_idx %arg18[%add3A_92, %add3A_362] : memref<128x128xi32, #tpu.memory_space<vmem>>[vector<16xi32>, vector<16xi32>], vector<16xi32>,
        %bitcast3A_364 = vector.bitcast %gather3A_359 : vector<16xi32> to vector<32xbf16>
        %unpack3A_365 = tpu.unpack_subelements %bitcast3A_364, 0 {pack_format = #tpu.pack_format<interleaved>} : vector<32xbf16> -> vector<16xf32>
        %unpack3A_366 = tpu.unpack_subelements %bitcast3A_364, 1 {pack_format = #tpu.pack_format<interleaved>} : vector<32xbf16> -> vector<16xf32>
        %bitcast3A_367 = vector.bitcast %gather3A_363 : vector<16xi32> to vector<32xbf16>
        %unpack3A_368 = tpu.unpack_subelements %bitcast3A_367, 0 {pack_format = #tpu.pack_format<interleaved>} : vector<32xbf16> -> vector<16xf32>
        %unpack3A_369 = tpu.unpack_subelements %bitcast3A_367, 1 {pack_format = #tpu.pack_format<interleaved>} : vector<32xbf16> -> vector<16xf32>
        %mul3A_370 = arith.mulf %unpack3A_365, %unpack3A_368 : vector<16xf32>
        %add3A_371 = arith.addf %add3A_355, %mul3A_370 : vector<16xf32>
        %mul3A_372 = arith.mulf %unpack3A_366, %unpack3A_369 : vector<16xf32>
        %add3A_373 = arith.addf %add3A_371, %mul3A_372 : vector<16xf32>
        %add3A_374 = arith.constant 15 : i32
        %add3A_375 = vector.broadcast %add3A_374 : i32 to vector<16xi32>
        %add3A_376 = arith.addi %get3A_95, %add3A_375 : vector<16xi32>
        %gather3A_377 = tpu.vector_load_idx %arg16[%add3A_92, %add3A_376] : memref<128x128xi32, #tpu.memory_space<vmem>>[vector<16xi32>, vector<16xi32>], vector<16xi32>,
        %add3A_378 = arith.constant 15 : i32
        %add3A_379 = vector.broadcast %add3A_378 : i32 to vector<16xi32>
        %add3A_380 = arith.addi %get3A_98, %add3A_379 : vector<16xi32>
        %gather3A_381 = tpu.vector_load_idx %arg18[%add3A_92, %add3A_380] : memref<128x128xi32, #tpu.memory_space<vmem>>[vector<16xi32>, vector<16xi32>], vector<16xi32>,
        %bitcast3A_382 = vector.bitcast %gather3A_377 : vector<16xi32> to vector<32xbf16>
        %unpack3A_383 = tpu.unpack_subelements %bitcast3A_382, 0 {pack_format = #tpu.pack_format<interleaved>} : vector<32xbf16> -> vector<16xf32>
        %unpack3A_384 = tpu.unpack_subelements %bitcast3A_382, 1 {pack_format = #tpu.pack_format<interleaved>} : vector<32xbf16> -> vector<16xf32>
        %bitcast3A_385 = vector.bitcast %gather3A_381 : vector<16xi32> to vector<32xbf16>
        %unpack3A_386 = tpu.unpack_subelements %bitcast3A_385, 0 {pack_format = #tpu.pack_format<interleaved>} : vector<32xbf16> -> vector<16xf32>
        %unpack3A_387 = tpu.unpack_subelements %bitcast3A_385, 1 {pack_format = #tpu.pack_format<interleaved>} : vector<32xbf16> -> vector<16xf32>
        %mul3A_388 = arith.mulf %unpack3A_383, %unpack3A_386 : vector<16xf32>
        %add3A_389 = arith.addf %add3A_373, %mul3A_388 : vector<16xf32>
        %mul3A_390 = arith.mulf %unpack3A_384, %unpack3A_387 : vector<16xf32>
        %add3A_391 = arith.addf %add3A_389, %mul3A_390 : vector<16xf32>
        %add3A_392 = arith.constant 16 : i32
        %add3A_393 = vector.broadcast %add3A_392 : i32 to vector<16xi32>
        %add3A_394 = arith.addi %get3A_95, %add3A_393 : vector<16xi32>
        %gather3A_395 = tpu.vector_load_idx %arg16[%add3A_92, %add3A_394] : memref<128x128xi32, #tpu.memory_space<vmem>>[vector<16xi32>, vector<16xi32>], vector<16xi32>,
        %add3A_396 = arith.constant 16 : i32
        %add3A_397 = vector.broadcast %add3A_396 : i32 to vector<16xi32>
        %add3A_398 = arith.addi %get3A_98, %add3A_397 : vector<16xi32>
        %gather3A_399 = tpu.vector_load_idx %arg18[%add3A_92, %add3A_398] : memref<128x128xi32, #tpu.memory_space<vmem>>[vector<16xi32>, vector<16xi32>], vector<16xi32>,
        %bitcast3A_400 = vector.bitcast %gather3A_395 : vector<16xi32> to vector<32xbf16>
        %unpack3A_401 = tpu.unpack_subelements %bitcast3A_400, 0 {pack_format = #tpu.pack_format<interleaved>} : vector<32xbf16> -> vector<16xf32>
        %unpack3A_402 = tpu.unpack_subelements %bitcast3A_400, 1 {pack_format = #tpu.pack_format<interleaved>} : vector<32xbf16> -> vector<16xf32>
        %bitcast3A_403 = vector.bitcast %gather3A_399 : vector<16xi32> to vector<32xbf16>
        %unpack3A_404 = tpu.unpack_subelements %bitcast3A_403, 0 {pack_format = #tpu.pack_format<interleaved>} : vector<32xbf16> -> vector<16xf32>
        %unpack3A_405 = tpu.unpack_subelements %bitcast3A_403, 1 {pack_format = #tpu.pack_format<interleaved>} : vector<32xbf16> -> vector<16xf32>
        %mul3A_406 = arith.mulf %unpack3A_401, %unpack3A_404 : vector<16xf32>
        %add3A_407 = arith.addf %add3A_391, %mul3A_406 : vector<16xf32>
        %mul3A_408 = arith.mulf %unpack3A_402, %unpack3A_405 : vector<16xf32>
        %add3A_409 = arith.addf %add3A_407, %mul3A_408 : vector<16xf32>
        %add3A_410 = arith.constant 17 : i32
        %add3A_411 = vector.broadcast %add3A_410 : i32 to vector<16xi32>
        %add3A_412 = arith.addi %get3A_95, %add3A_411 : vector<16xi32>
        %gather3A_413 = tpu.vector_load_idx %arg16[%add3A_92, %add3A_412] : memref<128x128xi32, #tpu.memory_space<vmem>>[vector<16xi32>, vector<16xi32>], vector<16xi32>,
        %add3A_414 = arith.constant 17 : i32
        %add3A_415 = vector.broadcast %add3A_414 : i32 to vector<16xi32>
        %add3A_416 = arith.addi %get3A_98, %add3A_415 : vector<16xi32>
        %gather3A_417 = tpu.vector_load_idx %arg18[%add3A_92, %add3A_416] : memref<128x128xi32, #tpu.memory_space<vmem>>[vector<16xi32>, vector<16xi32>], vector<16xi32>,
        %bitcast3A_418 = vector.bitcast %gather3A_413 : vector<16xi32> to vector<32xbf16>
        %unpack3A_419 = tpu.unpack_subelements %bitcast3A_418, 0 {pack_format = #tpu.pack_format<interleaved>} : vector<32xbf16> -> vector<16xf32>
        %unpack3A_420 = tpu.unpack_subelements %bitcast3A_418, 1 {pack_format = #tpu.pack_format<interleaved>} : vector<32xbf16> -> vector<16xf32>
        %bitcast3A_421 = vector.bitcast %gather3A_417 : vector<16xi32> to vector<32xbf16>
        %unpack3A_422 = tpu.unpack_subelements %bitcast3A_421, 0 {pack_format = #tpu.pack_format<interleaved>} : vector<32xbf16> -> vector<16xf32>
        %unpack3A_423 = tpu.unpack_subelements %bitcast3A_421, 1 {pack_format = #tpu.pack_format<interleaved>} : vector<32xbf16> -> vector<16xf32>
        %mul3A_424 = arith.mulf %unpack3A_419, %unpack3A_422 : vector<16xf32>
        %add3A_425 = arith.addf %add3A_409, %mul3A_424 : vector<16xf32>
        %mul3A_426 = arith.mulf %unpack3A_420, %unpack3A_423 : vector<16xf32>
        %add3A_427 = arith.addf %add3A_425, %mul3A_426 : vector<16xf32>
        %add3A_428 = arith.constant 18 : i32
        %add3A_429 = vector.broadcast %add3A_428 : i32 to vector<16xi32>
        %add3A_430 = arith.addi %get3A_95, %add3A_429 : vector<16xi32>
        %gather3A_431 = tpu.vector_load_idx %arg16[%add3A_92, %add3A_430] : memref<128x128xi32, #tpu.memory_space<vmem>>[vector<16xi32>, vector<16xi32>], vector<16xi32>,
        %add3A_432 = arith.constant 18 : i32
        %add3A_433 = vector.broadcast %add3A_432 : i32 to vector<16xi32>
        %add3A_434 = arith.addi %get3A_98, %add3A_433 : vector<16xi32>
        %gather3A_435 = tpu.vector_load_idx %arg18[%add3A_92, %add3A_434] : memref<128x128xi32, #tpu.memory_space<vmem>>[vector<16xi32>, vector<16xi32>], vector<16xi32>,
        %bitcast3A_436 = vector.bitcast %gather3A_431 : vector<16xi32> to vector<32xbf16>
        %unpack3A_437 = tpu.unpack_subelements %bitcast3A_436, 0 {pack_format = #tpu.pack_format<interleaved>} : vector<32xbf16> -> vector<16xf32>
        %unpack3A_438 = tpu.unpack_subelements %bitcast3A_436, 1 {pack_format = #tpu.pack_format<interleaved>} : vector<32xbf16> -> vector<16xf32>
        %bitcast3A_439 = vector.bitcast %gather3A_435 : vector<16xi32> to vector<32xbf16>
        %unpack3A_440 = tpu.unpack_subelements %bitcast3A_439, 0 {pack_format = #tpu.pack_format<interleaved>} : vector<32xbf16> -> vector<16xf32>
        %unpack3A_441 = tpu.unpack_subelements %bitcast3A_439, 1 {pack_format = #tpu.pack_format<interleaved>} : vector<32xbf16> -> vector<16xf32>
        %mul3A_442 = arith.mulf %unpack3A_437, %unpack3A_440 : vector<16xf32>
        %add3A_443 = arith.addf %add3A_427, %mul3A_442 : vector<16xf32>
        %mul3A_444 = arith.mulf %unpack3A_438, %unpack3A_441 : vector<16xf32>
        %add3A_445 = arith.addf %add3A_443, %mul3A_444 : vector<16xf32>
        %add3A_446 = arith.constant 19 : i32
        %add3A_447 = vector.broadcast %add3A_446 : i32 to vector<16xi32>
        %add3A_448 = arith.addi %get3A_95, %add3A_447 : vector<16xi32>
        %gather3A_449 = tpu.vector_load_idx %arg16[%add3A_92, %add3A_448] : memref<128x128xi32, #tpu.memory_space<vmem>>[vector<16xi32>, vector<16xi32>], vector<16xi32>,
        %add3A_450 = arith.constant 19 : i32
        %add3A_451 = vector.broadcast %add3A_450 : i32 to vector<16xi32>
        %add3A_452 = arith.addi %get3A_98, %add3A_451 : vector<16xi32>
        %gather3A_453 = tpu.vector_load_idx %arg18[%add3A_92, %add3A_452] : memref<128x128xi32, #tpu.memory_space<vmem>>[vector<16xi32>, vector<16xi32>], vector<16xi32>,
        %bitcast3A_454 = vector.bitcast %gather3A_449 : vector<16xi32> to vector<32xbf16>
        %unpack3A_455 = tpu.unpack_subelements %bitcast3A_454, 0 {pack_format = #tpu.pack_format<interleaved>} : vector<32xbf16> -> vector<16xf32>
        %unpack3A_456 = tpu.unpack_subelements %bitcast3A_454, 1 {pack_format = #tpu.pack_format<interleaved>} : vector<32xbf16> -> vector<16xf32>
        %bitcast3A_457 = vector.bitcast %gather3A_453 : vector<16xi32> to vector<32xbf16>
        %unpack3A_458 = tpu.unpack_subelements %bitcast3A_457, 0 {pack_format = #tpu.pack_format<interleaved>} : vector<32xbf16> -> vector<16xf32>
        %unpack3A_459 = tpu.unpack_subelements %bitcast3A_457, 1 {pack_format = #tpu.pack_format<interleaved>} : vector<32xbf16> -> vector<16xf32>
        %mul3A_460 = arith.mulf %unpack3A_455, %unpack3A_458 : vector<16xf32>
        %add3A_461 = arith.addf %add3A_445, %mul3A_460 : vector<16xf32>
        %mul3A_462 = arith.mulf %unpack3A_456, %unpack3A_459 : vector<16xf32>
        %add3A_463 = arith.addf %add3A_461, %mul3A_462 : vector<16xf32>
        %add3A_464 = arith.constant 20 : i32
        %add3A_465 = vector.broadcast %add3A_464 : i32 to vector<16xi32>
        %add3A_466 = arith.addi %get3A_95, %add3A_465 : vector<16xi32>
        %gather3A_467 = tpu.vector_load_idx %arg16[%add3A_92, %add3A_466] : memref<128x128xi32, #tpu.memory_space<vmem>>[vector<16xi32>, vector<16xi32>], vector<16xi32>,
        %add3A_468 = arith.constant 20 : i32
        %add3A_469 = vector.broadcast %add3A_468 : i32 to vector<16xi32>
        %add3A_470 = arith.addi %get3A_98, %add3A_469 : vector<16xi32>
        %gather3A_471 = tpu.vector_load_idx %arg18[%add3A_92, %add3A_470] : memref<128x128xi32, #tpu.memory_space<vmem>>[vector<16xi32>, vector<16xi32>], vector<16xi32>,
        %bitcast3A_472 = vector.bitcast %gather3A_467 : vector<16xi32> to vector<32xbf16>
        %unpack3A_473 = tpu.unpack_subelements %bitcast3A_472, 0 {pack_format = #tpu.pack_format<interleaved>} : vector<32xbf16> -> vector<16xf32>
        %unpack3A_474 = tpu.unpack_subelements %bitcast3A_472, 1 {pack_format = #tpu.pack_format<interleaved>} : vector<32xbf16> -> vector<16xf32>
        %bitcast3A_475 = vector.bitcast %gather3A_471 : vector<16xi32> to vector<32xbf16>
        %unpack3A_476 = tpu.unpack_subelements %bitcast3A_475, 0 {pack_format = #tpu.pack_format<interleaved>} : vector<32xbf16> -> vector<16xf32>
        %unpack3A_477 = tpu.unpack_subelements %bitcast3A_475, 1 {pack_format = #tpu.pack_format<interleaved>} : vector<32xbf16> -> vector<16xf32>
        %mul3A_478 = arith.mulf %unpack3A_473, %unpack3A_476 : vector<16xf32>
        %add3A_479 = arith.addf %add3A_463, %mul3A_478 : vector<16xf32>
        %mul3A_480 = arith.mulf %unpack3A_474, %unpack3A_477 : vector<16xf32>
        %add3A_481 = arith.addf %add3A_479, %mul3A_480 : vector<16xf32>
        %add3A_482 = arith.constant 21 : i32
        %add3A_483 = vector.broadcast %add3A_482 : i32 to vector<16xi32>
        %add3A_484 = arith.addi %get3A_95, %add3A_483 : vector<16xi32>
        %gather3A_485 = tpu.vector_load_idx %arg16[%add3A_92, %add3A_484] : memref<128x128xi32, #tpu.memory_space<vmem>>[vector<16xi32>, vector<16xi32>], vector<16xi32>,
        %add3A_486 = arith.constant 21 : i32
        %add3A_487 = vector.broadcast %add3A_486 : i32 to vector<16xi32>
        %add3A_488 = arith.addi %get3A_98, %add3A_487 : vector<16xi32>
        %gather3A_489 = tpu.vector_load_idx %arg18[%add3A_92, %add3A_488] : memref<128x128xi32, #tpu.memory_space<vmem>>[vector<16xi32>, vector<16xi32>], vector<16xi32>,
        %bitcast3A_490 = vector.bitcast %gather3A_485 : vector<16xi32> to vector<32xbf16>
        %unpack3A_491 = tpu.unpack_subelements %bitcast3A_490, 0 {pack_format = #tpu.pack_format<interleaved>} : vector<32xbf16> -> vector<16xf32>
        %unpack3A_492 = tpu.unpack_subelements %bitcast3A_490, 1 {pack_format = #tpu.pack_format<interleaved>} : vector<32xbf16> -> vector<16xf32>
        %bitcast3A_493 = vector.bitcast %gather3A_489 : vector<16xi32> to vector<32xbf16>
        %unpack3A_494 = tpu.unpack_subelements %bitcast3A_493, 0 {pack_format = #tpu.pack_format<interleaved>} : vector<32xbf16> -> vector<16xf32>
        %unpack3A_495 = tpu.unpack_subelements %bitcast3A_493, 1 {pack_format = #tpu.pack_format<interleaved>} : vector<32xbf16> -> vector<16xf32>
        %mul3A_496 = arith.mulf %unpack3A_491, %unpack3A_494 : vector<16xf32>
        %add3A_497 = arith.addf %add3A_481, %mul3A_496 : vector<16xf32>
        %mul3A_498 = arith.mulf %unpack3A_492, %unpack3A_495 : vector<16xf32>
        %add3A_499 = arith.addf %add3A_497, %mul3A_498 : vector<16xf32>
        %add3A_500 = arith.constant 22 : i32
        %add3A_501 = vector.broadcast %add3A_500 : i32 to vector<16xi32>
        %add3A_502 = arith.addi %get3A_95, %add3A_501 : vector<16xi32>
        %gather3A_503 = tpu.vector_load_idx %arg16[%add3A_92, %add3A_502] : memref<128x128xi32, #tpu.memory_space<vmem>>[vector<16xi32>, vector<16xi32>], vector<16xi32>,
        %add3A_504 = arith.constant 22 : i32
        %add3A_505 = vector.broadcast %add3A_504 : i32 to vector<16xi32>
        %add3A_506 = arith.addi %get3A_98, %add3A_505 : vector<16xi32>
        %gather3A_507 = tpu.vector_load_idx %arg18[%add3A_92, %add3A_506] : memref<128x128xi32, #tpu.memory_space<vmem>>[vector<16xi32>, vector<16xi32>], vector<16xi32>,
        %bitcast3A_508 = vector.bitcast %gather3A_503 : vector<16xi32> to vector<32xbf16>
        %unpack3A_509 = tpu.unpack_subelements %bitcast3A_508, 0 {pack_format = #tpu.pack_format<interleaved>} : vector<32xbf16> -> vector<16xf32>
        %unpack3A_510 = tpu.unpack_subelements %bitcast3A_508, 1 {pack_format = #tpu.pack_format<interleaved>} : vector<32xbf16> -> vector<16xf32>
        %bitcast3A_511 = vector.bitcast %gather3A_507 : vector<16xi32> to vector<32xbf16>
        %unpack3A_512 = tpu.unpack_subelements %bitcast3A_511, 0 {pack_format = #tpu.pack_format<interleaved>} : vector<32xbf16> -> vector<16xf32>
        %unpack3A_513 = tpu.unpack_subelements %bitcast3A_511, 1 {pack_format = #tpu.pack_format<interleaved>} : vector<32xbf16> -> vector<16xf32>
        %mul3A_514 = arith.mulf %unpack3A_509, %unpack3A_512 : vector<16xf32>
        %add3A_515 = arith.addf %add3A_499, %mul3A_514 : vector<16xf32>
        %mul3A_516 = arith.mulf %unpack3A_510, %unpack3A_513 : vector<16xf32>
        %add3A_517 = arith.addf %add3A_515, %mul3A_516 : vector<16xf32>
        %add3A_518 = arith.constant 23 : i32
        %add3A_519 = vector.broadcast %add3A_518 : i32 to vector<16xi32>
        %add3A_520 = arith.addi %get3A_95, %add3A_519 : vector<16xi32>
        %gather3A_521 = tpu.vector_load_idx %arg16[%add3A_92, %add3A_520] : memref<128x128xi32, #tpu.memory_space<vmem>>[vector<16xi32>, vector<16xi32>], vector<16xi32>,
        %add3A_522 = arith.constant 23 : i32
        %add3A_523 = vector.broadcast %add3A_522 : i32 to vector<16xi32>
        %add3A_524 = arith.addi %get3A_98, %add3A_523 : vector<16xi32>
        %gather3A_525 = tpu.vector_load_idx %arg18[%add3A_92, %add3A_524] : memref<128x128xi32, #tpu.memory_space<vmem>>[vector<16xi32>, vector<16xi32>], vector<16xi32>,
        %bitcast3A_526 = vector.bitcast %gather3A_521 : vector<16xi32> to vector<32xbf16>
        %unpack3A_527 = tpu.unpack_subelements %bitcast3A_526, 0 {pack_format = #tpu.pack_format<interleaved>} : vector<32xbf16> -> vector<16xf32>
        %unpack3A_528 = tpu.unpack_subelements %bitcast3A_526, 1 {pack_format = #tpu.pack_format<interleaved>} : vector<32xbf16> -> vector<16xf32>
        %bitcast3A_529 = vector.bitcast %gather3A_525 : vector<16xi32> to vector<32xbf16>
        %unpack3A_530 = tpu.unpack_subelements %bitcast3A_529, 0 {pack_format = #tpu.pack_format<interleaved>} : vector<32xbf16> -> vector<16xf32>
        %unpack3A_531 = tpu.unpack_subelements %bitcast3A_529, 1 {pack_format = #tpu.pack_format<interleaved>} : vector<32xbf16> -> vector<16xf32>
        %mul3A_532 = arith.mulf %unpack3A_527, %unpack3A_530 : vector<16xf32>
        %add3A_533 = arith.addf %add3A_517, %mul3A_532 : vector<16xf32>
        %mul3A_534 = arith.mulf %unpack3A_528, %unpack3A_531 : vector<16xf32>
        %add3A_535 = arith.addf %add3A_533, %mul3A_534 : vector<16xf32>
        %add3A_536 = arith.constant 24 : i32
        %add3A_537 = vector.broadcast %add3A_536 : i32 to vector<16xi32>
        %add3A_538 = arith.addi %get3A_95, %add3A_537 : vector<16xi32>
        %gather3A_539 = tpu.vector_load_idx %arg16[%add3A_92, %add3A_538] : memref<128x128xi32, #tpu.memory_space<vmem>>[vector<16xi32>, vector<16xi32>], vector<16xi32>,
        %add3A_540 = arith.constant 24 : i32
        %add3A_541 = vector.broadcast %add3A_540 : i32 to vector<16xi32>
        %add3A_542 = arith.addi %get3A_98, %add3A_541 : vector<16xi32>
        %gather3A_543 = tpu.vector_load_idx %arg18[%add3A_92, %add3A_542] : memref<128x128xi32, #tpu.memory_space<vmem>>[vector<16xi32>, vector<16xi32>], vector<16xi32>,
        %bitcast3A_544 = vector.bitcast %gather3A_539 : vector<16xi32> to vector<32xbf16>
        %unpack3A_545 = tpu.unpack_subelements %bitcast3A_544, 0 {pack_format = #tpu.pack_format<interleaved>} : vector<32xbf16> -> vector<16xf32>
        %unpack3A_546 = tpu.unpack_subelements %bitcast3A_544, 1 {pack_format = #tpu.pack_format<interleaved>} : vector<32xbf16> -> vector<16xf32>
        %bitcast3A_547 = vector.bitcast %gather3A_543 : vector<16xi32> to vector<32xbf16>
        %unpack3A_548 = tpu.unpack_subelements %bitcast3A_547, 0 {pack_format = #tpu.pack_format<interleaved>} : vector<32xbf16> -> vector<16xf32>
        %unpack3A_549 = tpu.unpack_subelements %bitcast3A_547, 1 {pack_format = #tpu.pack_format<interleaved>} : vector<32xbf16> -> vector<16xf32>
        %mul3A_550 = arith.mulf %unpack3A_545, %unpack3A_548 : vector<16xf32>
        %add3A_551 = arith.addf %add3A_535, %mul3A_550 : vector<16xf32>
        %mul3A_552 = arith.mulf %unpack3A_546, %unpack3A_549 : vector<16xf32>
        %add3A_553 = arith.addf %add3A_551, %mul3A_552 : vector<16xf32>
        %add3A_554 = arith.constant 25 : i32
        %add3A_555 = vector.broadcast %add3A_554 : i32 to vector<16xi32>
        %add3A_556 = arith.addi %get3A_95, %add3A_555 : vector<16xi32>
        %gather3A_557 = tpu.vector_load_idx %arg16[%add3A_92, %add3A_556] : memref<128x128xi32, #tpu.memory_space<vmem>>[vector<16xi32>, vector<16xi32>], vector<16xi32>,
        %add3A_558 = arith.constant 25 : i32
        %add3A_559 = vector.broadcast %add3A_558 : i32 to vector<16xi32>
        %add3A_560 = arith.addi %get3A_98, %add3A_559 : vector<16xi32>
        %gather3A_561 = tpu.vector_load_idx %arg18[%add3A_92, %add3A_560] : memref<128x128xi32, #tpu.memory_space<vmem>>[vector<16xi32>, vector<16xi32>], vector<16xi32>,
        %bitcast3A_562 = vector.bitcast %gather3A_557 : vector<16xi32> to vector<32xbf16>
        %unpack3A_563 = tpu.unpack_subelements %bitcast3A_562, 0 {pack_format = #tpu.pack_format<interleaved>} : vector<32xbf16> -> vector<16xf32>
        %unpack3A_564 = tpu.unpack_subelements %bitcast3A_562, 1 {pack_format = #tpu.pack_format<interleaved>} : vector<32xbf16> -> vector<16xf32>
        %bitcast3A_565 = vector.bitcast %gather3A_561 : vector<16xi32> to vector<32xbf16>
        %unpack3A_566 = tpu.unpack_subelements %bitcast3A_565, 0 {pack_format = #tpu.pack_format<interleaved>} : vector<32xbf16> -> vector<16xf32>
        %unpack3A_567 = tpu.unpack_subelements %bitcast3A_565, 1 {pack_format = #tpu.pack_format<interleaved>} : vector<32xbf16> -> vector<16xf32>
        %mul3A_568 = arith.mulf %unpack3A_563, %unpack3A_566 : vector<16xf32>
        %add3A_569 = arith.addf %add3A_553, %mul3A_568 : vector<16xf32>
        %mul3A_570 = arith.mulf %unpack3A_564, %unpack3A_567 : vector<16xf32>
        %add3A_571 = arith.addf %add3A_569, %mul3A_570 : vector<16xf32>
        %add3A_572 = arith.constant 26 : i32
        %add3A_573 = vector.broadcast %add3A_572 : i32 to vector<16xi32>
        %add3A_574 = arith.addi %get3A_95, %add3A_573 : vector<16xi32>
        %gather3A_575 = tpu.vector_load_idx %arg16[%add3A_92, %add3A_574] : memref<128x128xi32, #tpu.memory_space<vmem>>[vector<16xi32>, vector<16xi32>], vector<16xi32>,
        %add3A_576 = arith.constant 26 : i32
        %add3A_577 = vector.broadcast %add3A_576 : i32 to vector<16xi32>
        %add3A_578 = arith.addi %get3A_98, %add3A_577 : vector<16xi32>
        %gather3A_579 = tpu.vector_load_idx %arg18[%add3A_92, %add3A_578] : memref<128x128xi32, #tpu.memory_space<vmem>>[vector<16xi32>, vector<16xi32>], vector<16xi32>,
        %bitcast3A_580 = vector.bitcast %gather3A_575 : vector<16xi32> to vector<32xbf16>
        %unpack3A_581 = tpu.unpack_subelements %bitcast3A_580, 0 {pack_format = #tpu.pack_format<interleaved>} : vector<32xbf16> -> vector<16xf32>
        %unpack3A_582 = tpu.unpack_subelements %bitcast3A_580, 1 {pack_format = #tpu.pack_format<interleaved>} : vector<32xbf16> -> vector<16xf32>
        %bitcast3A_583 = vector.bitcast %gather3A_579 : vector<16xi32> to vector<32xbf16>
        %unpack3A_584 = tpu.unpack_subelements %bitcast3A_583, 0 {pack_format = #tpu.pack_format<interleaved>} : vector<32xbf16> -> vector<16xf32>
        %unpack3A_585 = tpu.unpack_subelements %bitcast3A_583, 1 {pack_format = #tpu.pack_format<interleaved>} : vector<32xbf16> -> vector<16xf32>
        %mul3A_586 = arith.mulf %unpack3A_581, %unpack3A_584 : vector<16xf32>
        %add3A_587 = arith.addf %add3A_571, %mul3A_586 : vector<16xf32>
        %mul3A_588 = arith.mulf %unpack3A_582, %unpack3A_585 : vector<16xf32>
        %add3A_589 = arith.addf %add3A_587, %mul3A_588 : vector<16xf32>
        %add3A_590 = arith.constant 27 : i32
        %add3A_591 = vector.broadcast %add3A_590 : i32 to vector<16xi32>
        %add3A_592 = arith.addi %get3A_95, %add3A_591 : vector<16xi32>
        %gather3A_593 = tpu.vector_load_idx %arg16[%add3A_92, %add3A_592] : memref<128x128xi32, #tpu.memory_space<vmem>>[vector<16xi32>, vector<16xi32>], vector<16xi32>,
        %add3A_594 = arith.constant 27 : i32
        %add3A_595 = vector.broadcast %add3A_594 : i32 to vector<16xi32>
        %add3A_596 = arith.addi %get3A_98, %add3A_595 : vector<16xi32>
        %gather3A_597 = tpu.vector_load_idx %arg18[%add3A_92, %add3A_596] : memref<128x128xi32, #tpu.memory_space<vmem>>[vector<16xi32>, vector<16xi32>], vector<16xi32>,
        %bitcast3A_598 = vector.bitcast %gather3A_593 : vector<16xi32> to vector<32xbf16>
        %unpack3A_599 = tpu.unpack_subelements %bitcast3A_598, 0 {pack_format = #tpu.pack_format<interleaved>} : vector<32xbf16> -> vector<16xf32>
        %unpack3A_600 = tpu.unpack_subelements %bitcast3A_598, 1 {pack_format = #tpu.pack_format<interleaved>} : vector<32xbf16> -> vector<16xf32>
        %bitcast3A_601 = vector.bitcast %gather3A_597 : vector<16xi32> to vector<32xbf16>
        %unpack3A_602 = tpu.unpack_subelements %bitcast3A_601, 0 {pack_format = #tpu.pack_format<interleaved>} : vector<32xbf16> -> vector<16xf32>
        %unpack3A_603 = tpu.unpack_subelements %bitcast3A_601, 1 {pack_format = #tpu.pack_format<interleaved>} : vector<32xbf16> -> vector<16xf32>
        %mul3A_604 = arith.mulf %unpack3A_599, %unpack3A_602 : vector<16xf32>
        %add3A_605 = arith.addf %add3A_589, %mul3A_604 : vector<16xf32>
        %mul3A_606 = arith.mulf %unpack3A_600, %unpack3A_603 : vector<16xf32>
        %add3A_607 = arith.addf %add3A_605, %mul3A_606 : vector<16xf32>
        %add3A_608 = arith.constant 28 : i32
        %add3A_609 = vector.broadcast %add3A_608 : i32 to vector<16xi32>
        %add3A_610 = arith.addi %get3A_95, %add3A_609 : vector<16xi32>
        %gather3A_611 = tpu.vector_load_idx %arg16[%add3A_92, %add3A_610] : memref<128x128xi32, #tpu.memory_space<vmem>>[vector<16xi32>, vector<16xi32>], vector<16xi32>,
        %add3A_612 = arith.constant 28 : i32
        %add3A_613 = vector.broadcast %add3A_612 : i32 to vector<16xi32>
        %add3A_614 = arith.addi %get3A_98, %add3A_613 : vector<16xi32>
        %gather3A_615 = tpu.vector_load_idx %arg18[%add3A_92, %add3A_614] : memref<128x128xi32, #tpu.memory_space<vmem>>[vector<16xi32>, vector<16xi32>], vector<16xi32>,
        %bitcast3A_616 = vector.bitcast %gather3A_611 : vector<16xi32> to vector<32xbf16>
        %unpack3A_617 = tpu.unpack_subelements %bitcast3A_616, 0 {pack_format = #tpu.pack_format<interleaved>} : vector<32xbf16> -> vector<16xf32>
        %unpack3A_618 = tpu.unpack_subelements %bitcast3A_616, 1 {pack_format = #tpu.pack_format<interleaved>} : vector<32xbf16> -> vector<16xf32>
        %bitcast3A_619 = vector.bitcast %gather3A_615 : vector<16xi32> to vector<32xbf16>
        %unpack3A_620 = tpu.unpack_subelements %bitcast3A_619, 0 {pack_format = #tpu.pack_format<interleaved>} : vector<32xbf16> -> vector<16xf32>
        %unpack3A_621 = tpu.unpack_subelements %bitcast3A_619, 1 {pack_format = #tpu.pack_format<interleaved>} : vector<32xbf16> -> vector<16xf32>
        %mul3A_622 = arith.mulf %unpack3A_617, %unpack3A_620 : vector<16xf32>
        %add3A_623 = arith.addf %add3A_607, %mul3A_622 : vector<16xf32>
        %mul3A_624 = arith.mulf %unpack3A_618, %unpack3A_621 : vector<16xf32>
        %add3A_625 = arith.addf %add3A_623, %mul3A_624 : vector<16xf32>
        %add3A_626 = arith.constant 29 : i32
        %add3A_627 = vector.broadcast %add3A_626 : i32 to vector<16xi32>
        %add3A_628 = arith.addi %get3A_95, %add3A_627 : vector<16xi32>
        %gather3A_629 = tpu.vector_load_idx %arg16[%add3A_92, %add3A_628] : memref<128x128xi32, #tpu.memory_space<vmem>>[vector<16xi32>, vector<16xi32>], vector<16xi32>,
        %add3A_630 = arith.constant 29 : i32
        %add3A_631 = vector.broadcast %add3A_630 : i32 to vector<16xi32>
        %add3A_632 = arith.addi %get3A_98, %add3A_631 : vector<16xi32>
        %gather3A_633 = tpu.vector_load_idx %arg18[%add3A_92, %add3A_632] : memref<128x128xi32, #tpu.memory_space<vmem>>[vector<16xi32>, vector<16xi32>], vector<16xi32>,
        %bitcast3A_634 = vector.bitcast %gather3A_629 : vector<16xi32> to vector<32xbf16>
        %unpack3A_635 = tpu.unpack_subelements %bitcast3A_634, 0 {pack_format = #tpu.pack_format<interleaved>} : vector<32xbf16> -> vector<16xf32>
        %unpack3A_636 = tpu.unpack_subelements %bitcast3A_634, 1 {pack_format = #tpu.pack_format<interleaved>} : vector<32xbf16> -> vector<16xf32>
        %bitcast3A_637 = vector.bitcast %gather3A_633 : vector<16xi32> to vector<32xbf16>
        %unpack3A_638 = tpu.unpack_subelements %bitcast3A_637, 0 {pack_format = #tpu.pack_format<interleaved>} : vector<32xbf16> -> vector<16xf32>
        %unpack3A_639 = tpu.unpack_subelements %bitcast3A_637, 1 {pack_format = #tpu.pack_format<interleaved>} : vector<32xbf16> -> vector<16xf32>
        %mul3A_640 = arith.mulf %unpack3A_635, %unpack3A_638 : vector<16xf32>
        %add3A_641 = arith.addf %add3A_625, %mul3A_640 : vector<16xf32>
        %mul3A_642 = arith.mulf %unpack3A_636, %unpack3A_639 : vector<16xf32>
        %add3A_643 = arith.addf %add3A_641, %mul3A_642 : vector<16xf32>
        %add3A_644 = arith.constant 30 : i32
        %add3A_645 = vector.broadcast %add3A_644 : i32 to vector<16xi32>
        %add3A_646 = arith.addi %get3A_95, %add3A_645 : vector<16xi32>
        %gather3A_647 = tpu.vector_load_idx %arg16[%add3A_92, %add3A_646] : memref<128x128xi32, #tpu.memory_space<vmem>>[vector<16xi32>, vector<16xi32>], vector<16xi32>,
        %add3A_648 = arith.constant 30 : i32
        %add3A_649 = vector.broadcast %add3A_648 : i32 to vector<16xi32>
        %add3A_650 = arith.addi %get3A_98, %add3A_649 : vector<16xi32>
        %gather3A_651 = tpu.vector_load_idx %arg18[%add3A_92, %add3A_650] : memref<128x128xi32, #tpu.memory_space<vmem>>[vector<16xi32>, vector<16xi32>], vector<16xi32>,
        %bitcast3A_652 = vector.bitcast %gather3A_647 : vector<16xi32> to vector<32xbf16>
        %unpack3A_653 = tpu.unpack_subelements %bitcast3A_652, 0 {pack_format = #tpu.pack_format<interleaved>} : vector<32xbf16> -> vector<16xf32>
        %unpack3A_654 = tpu.unpack_subelements %bitcast3A_652, 1 {pack_format = #tpu.pack_format<interleaved>} : vector<32xbf16> -> vector<16xf32>
        %bitcast3A_655 = vector.bitcast %gather3A_651 : vector<16xi32> to vector<32xbf16>
        %unpack3A_656 = tpu.unpack_subelements %bitcast3A_655, 0 {pack_format = #tpu.pack_format<interleaved>} : vector<32xbf16> -> vector<16xf32>
        %unpack3A_657 = tpu.unpack_subelements %bitcast3A_655, 1 {pack_format = #tpu.pack_format<interleaved>} : vector<32xbf16> -> vector<16xf32>
        %mul3A_658 = arith.mulf %unpack3A_653, %unpack3A_656 : vector<16xf32>
        %add3A_659 = arith.addf %add3A_643, %mul3A_658 : vector<16xf32>
        %mul3A_660 = arith.mulf %unpack3A_654, %unpack3A_657 : vector<16xf32>
        %add3A_661 = arith.addf %add3A_659, %mul3A_660 : vector<16xf32>
        %add3A_662 = arith.constant 31 : i32
        %add3A_663 = vector.broadcast %add3A_662 : i32 to vector<16xi32>
        %add3A_664 = arith.addi %get3A_95, %add3A_663 : vector<16xi32>
        %gather3A_665 = tpu.vector_load_idx %arg16[%add3A_92, %add3A_664] : memref<128x128xi32, #tpu.memory_space<vmem>>[vector<16xi32>, vector<16xi32>], vector<16xi32>,
        %add3A_666 = arith.constant 31 : i32
        %add3A_667 = vector.broadcast %add3A_666 : i32 to vector<16xi32>
        %add3A_668 = arith.addi %get3A_98, %add3A_667 : vector<16xi32>
        %gather3A_669 = tpu.vector_load_idx %arg18[%add3A_92, %add3A_668] : memref<128x128xi32, #tpu.memory_space<vmem>>[vector<16xi32>, vector<16xi32>], vector<16xi32>,
        %bitcast3A_670 = vector.bitcast %gather3A_665 : vector<16xi32> to vector<32xbf16>
        %unpack3A_671 = tpu.unpack_subelements %bitcast3A_670, 0 {pack_format = #tpu.pack_format<interleaved>} : vector<32xbf16> -> vector<16xf32>
        %unpack3A_672 = tpu.unpack_subelements %bitcast3A_670, 1 {pack_format = #tpu.pack_format<interleaved>} : vector<32xbf16> -> vector<16xf32>
        %bitcast3A_673 = vector.bitcast %gather3A_669 : vector<16xi32> to vector<32xbf16>
        %unpack3A_674 = tpu.unpack_subelements %bitcast3A_673, 0 {pack_format = #tpu.pack_format<interleaved>} : vector<32xbf16> -> vector<16xf32>
        %unpack3A_675 = tpu.unpack_subelements %bitcast3A_673, 1 {pack_format = #tpu.pack_format<interleaved>} : vector<32xbf16> -> vector<16xf32>
        %mul3A_676 = arith.mulf %unpack3A_671, %unpack3A_674 : vector<16xf32>
        %add3A_677 = arith.addf %add3A_661, %mul3A_676 : vector<16xf32>
        %mul3A_678 = arith.mulf %unpack3A_672, %unpack3A_675 : vector<16xf32>
        %add3A_679 = arith.addf %add3A_677, %mul3A_678 : vector<16xf32>
        %add3A_680 = arith.addi %mul3A_59, %add3A_90 : i32
        %swap3A = arith.index_cast %add3A_680 : i32 to index
        %swap3A_681 = tpu.vector_load %arg23[%swap3A] {strides = array<i32>} : memref<512xf32, #tpu.memory_space<vmem>>, vector<16xf32>,
        tpu.vector_store %arg23[%swap3A], %add3A_679 {strides = array<i32>} : memref<512xf32, #tpu.memory_space<vmem>>, vector<16xf32>,
      }
      %scan3A_64 = arith.constant 8 : i32
      %add3A_65 = arith.constant 2 : i32
      %add3A_66 = arith.addi %add3A_33, %add3A_65 : i32
      %lt3A = arith.constant 4 : i32
      %lt3A_67 = arith.cmpi slt, %add3A_66, %lt3A : i32
      %convert_element_type3A = arith.extui %lt3A_67 : i1 to i32
      %cond3A = arith.constant 0 : i32
      %cond3A_68 = arith.cmpi ne, %convert_element_type3A, %cond3A : i32
      scf.if %cond3A_68 {
        %add3A_86 = arith.constant 2 : i32
        %add3A_87 = arith.addi %add3A_33, %add3A_86 : i32
        %mul3A_88 = arith.constant 128 : i32
        %mul3A_89 = arith.muli %add3A_87, %mul3A_88 : i32
        %dma_start3A_90 = tpu.memref_slice %arg12[%mul3A_89] : memref<512xi32, #tpu.memory_space<vmem>> -> memref<128xi32, #tpu.memory_space<vmem>>
        %dma_start3A_91 = arith.constant 0 : i32
        %dma_start3A_92 = arith.constant 0 : i32
        %dma_start3A_93 = tpu.memref_slice %arg4[%dma_start3A_91, %dma_start3A_92] : memref<253952x128xi32, #tpu.memory_space<hbm>> -> memref<253952x128xi32, #tpu.memory_space<hbm>>
        tpu.enqueue_indirect_dma source(%dma_start3A_93 : memref<253952x128xi32, #tpu.memory_space<hbm>>) target(%arg16 : memref<128x128xi32, #tpu.memory_space<vmem>>) offsets(%dma_start3A_90 : memref<128xi32, #tpu.memory_space<vmem>>) semaphore(%arg24 : memref<!tpu.dma_semaphore, #tpu.memory_space<semaphore_mem>>)
        %dma_start3A_94 = tpu.memref_slice %arg13[%mul3A_89] : memref<512xi32, #tpu.memory_space<vmem>> -> memref<128xi32, #tpu.memory_space<vmem>>
        %dma_start3A_95 = arith.constant 0 : i32
        %dma_start3A_96 = arith.constant 0 : i32
        %dma_start3A_97 = tpu.memref_slice %arg5[%dma_start3A_95, %dma_start3A_96] : memref<32768x128xi32, #tpu.memory_space<hbm>> -> memref<32768x128xi32, #tpu.memory_space<hbm>>
        tpu.enqueue_indirect_dma source(%dma_start3A_97 : memref<32768x128xi32, #tpu.memory_space<hbm>>) target(%arg18 : memref<128x128xi32, #tpu.memory_space<vmem>>) offsets(%dma_start3A_94 : memref<128xi32, #tpu.memory_space<vmem>>) semaphore(%arg26 : memref<!tpu.dma_semaphore, #tpu.memory_space<semaphore_mem>>)
      } else {
      }
      %dma_wait3A_69 = tpu.memref_slice %arg12[%mul3A_37] : memref<512xi32, #tpu.memory_space<vmem>> -> memref<128xi32, #tpu.memory_space<vmem>>
      %dma_wait3A_70 = arith.constant 0 : i32
      %dma_wait3A_71 = arith.constant 0 : i32
      %dma_wait3A_72 = tpu.memref_slice %arg4[%dma_wait3A_70, %dma_wait3A_71] : memref<253952x128xi32, #tpu.memory_space<hbm>> -> memref<253952x128xi32, #tpu.memory_space<hbm>>
      tpu.wait_indirect_dma semaphore(%arg25 : memref<!tpu.dma_semaphore, #tpu.memory_space<semaphore_mem>>) src(%dma_wait3A_72 : memref<253952x128xi32, #tpu.memory_space<hbm>>) dst(%arg17 : memref<128x128xi32, #tpu.memory_space<vmem>>)
      %dma_wait3A_73 = tpu.memref_slice %arg13[%mul3A_37] : memref<512xi32, #tpu.memory_space<vmem>> -> memref<128xi32, #tpu.memory_space<vmem>>
      %dma_wait3A_74 = arith.constant 0 : i32
      %dma_wait3A_75 = arith.constant 0 : i32
      %dma_wait3A_76 = tpu.memref_slice %arg5[%dma_wait3A_74, %dma_wait3A_75] : memref<32768x128xi32, #tpu.memory_space<hbm>> -> memref<32768x128xi32, #tpu.memory_space<hbm>>
      tpu.wait_indirect_dma semaphore(%arg27 : memref<!tpu.dma_semaphore, #tpu.memory_space<semaphore_mem>>) src(%dma_wait3A_76 : memref<32768x128xi32, #tpu.memory_space<hbm>>) dst(%arg19 : memref<128x128xi32, #tpu.memory_space<vmem>>)
      %add3A_77 = arith.constant 1 : i32
      %add3A_78 = arith.addi %add3A_33, %add3A_77 : i32
      %mul3A_79 = arith.constant 128 : i32
      %mul3A_80 = arith.muli %add3A_78, %mul3A_79 : i32
      %scan3A_81 = arith.constant 0 : i32
      %scan3A_82 = arith.constant 8 : i32
      %scan3A_83 = arith.addi %scan3A_81, %scan3A_82 : i32
      %scan3A_84 = arith.constant 1 : i32
      scf.for %scan3A_86 = %scan3A_81 to %scan3A_83 step %scan3A_84  : i32 {
        %mul3A_87 = arith.constant 16 : i32
        %mul3A_88 = arith.muli %scan3A_86, %mul3A_87 : i32
        %add3A_89 = arith.constant 0 : i32
        %add3A_90 = arith.addi %add3A_89, %mul3A_88 : i32
        %add3A_91 = vector.broadcast %add3A_90 : i32 to vector<16xi32>
        %add3A_92 = arith.addi %add3A_91, %iota3A : vector<16xi32>
        %add3A_93 = arith.addi %mul3A_80, %add3A_90 : i32
        %get3A_94 = arith.index_cast %add3A_93 : i32 to index
        %get3A_95 = tpu.vector_load %arg14[%get3A_94] {strides = array<i32>} : memref<512xi32, #tpu.memory_space<vmem>>, vector<16xi32>,
        %add3A_96 = arith.addi %mul3A_80, %add3A_90 : i32
        %get3A_97 = arith.index_cast %add3A_96 : i32 to index
        %get3A_98 = tpu.vector_load %arg15[%get3A_97] {strides = array<i32>} : memref<512xi32, #tpu.memory_space<vmem>>, vector<16xi32>,
        %add3A_99 = arith.addi %mul3A_80, %add3A_90 : i32
        %get3A_100 = arith.index_cast %add3A_99 : i32 to index
        %get3A_101 = tpu.vector_load %arg20[%get3A_100] {strides = array<i32>} : memref<512xf32, #tpu.memory_space<vmem>>, vector<16xf32>,
        %add3A_102 = arith.addi %mul3A_80, %add3A_90 : i32
        %get3A_103 = arith.index_cast %add3A_102 : i32 to index
        %get3A_104 = tpu.vector_load %arg21[%get3A_103] {strides = array<i32>} : memref<512xf32, #tpu.memory_space<vmem>>, vector<16xf32>,
        %add3A_105 = arith.addf %get3A_101, %get3A_104 : vector<16xf32>
        %add3A_106 = arith.addf %add3A_105, %get3A_13 : vector<16xf32>
        %add3A_107 = arith.constant 0 : i32
        %add3A_108 = vector.broadcast %add3A_107 : i32 to vector<16xi32>
        %add3A_109 = arith.addi %get3A_95, %add3A_108 : vector<16xi32>
        %gather3A = tpu.vector_load_idx %arg17[%add3A_92, %add3A_109] : memref<128x128xi32, #tpu.memory_space<vmem>>[vector<16xi32>, vector<16xi32>], vector<16xi32>,
        %add3A_110 = arith.constant 0 : i32
        %add3A_111 = vector.broadcast %add3A_110 : i32 to vector<16xi32>
        %add3A_112 = arith.addi %get3A_98, %add3A_111 : vector<16xi32>
        %gather3A_113 = tpu.vector_load_idx %arg19[%add3A_92, %add3A_112] : memref<128x128xi32, #tpu.memory_space<vmem>>[vector<16xi32>, vector<16xi32>], vector<16xi32>,
        %bitcast3A = vector.bitcast %gather3A : vector<16xi32> to vector<32xbf16>
        %unpack3A = tpu.unpack_subelements %bitcast3A, 0 {pack_format = #tpu.pack_format<interleaved>} : vector<32xbf16> -> vector<16xf32>
        %unpack3A_114 = tpu.unpack_subelements %bitcast3A, 1 {pack_format = #tpu.pack_format<interleaved>} : vector<32xbf16> -> vector<16xf32>
        %bitcast3A_115 = vector.bitcast %gather3A_113 : vector<16xi32> to vector<32xbf16>
        %unpack3A_116 = tpu.unpack_subelements %bitcast3A_115, 0 {pack_format = #tpu.pack_format<interleaved>} : vector<32xbf16> -> vector<16xf32>
        %unpack3A_117 = tpu.unpack_subelements %bitcast3A_115, 1 {pack_format = #tpu.pack_format<interleaved>} : vector<32xbf16> -> vector<16xf32>
        %mul3A_118 = arith.mulf %unpack3A, %unpack3A_116 : vector<16xf32>
        %add3A_119 = arith.addf %add3A_106, %mul3A_118 : vector<16xf32>
        %mul3A_120 = arith.mulf %unpack3A_114, %unpack3A_117 : vector<16xf32>
        %add3A_121 = arith.addf %add3A_119, %mul3A_120 : vector<16xf32>
        %add3A_122 = arith.constant 1 : i32
        %add3A_123 = vector.broadcast %add3A_122 : i32 to vector<16xi32>
        %add3A_124 = arith.addi %get3A_95, %add3A_123 : vector<16xi32>
        %gather3A_125 = tpu.vector_load_idx %arg17[%add3A_92, %add3A_124] : memref<128x128xi32, #tpu.memory_space<vmem>>[vector<16xi32>, vector<16xi32>], vector<16xi32>,
        %add3A_126 = arith.constant 1 : i32
        %add3A_127 = vector.broadcast %add3A_126 : i32 to vector<16xi32>
        %add3A_128 = arith.addi %get3A_98, %add3A_127 : vector<16xi32>
        %gather3A_129 = tpu.vector_load_idx %arg19[%add3A_92, %add3A_128] : memref<128x128xi32, #tpu.memory_space<vmem>>[vector<16xi32>, vector<16xi32>], vector<16xi32>,
        %bitcast3A_130 = vector.bitcast %gather3A_125 : vector<16xi32> to vector<32xbf16>
        %unpack3A_131 = tpu.unpack_subelements %bitcast3A_130, 0 {pack_format = #tpu.pack_format<interleaved>} : vector<32xbf16> -> vector<16xf32>
        %unpack3A_132 = tpu.unpack_subelements %bitcast3A_130, 1 {pack_format = #tpu.pack_format<interleaved>} : vector<32xbf16> -> vector<16xf32>
        %bitcast3A_133 = vector.bitcast %gather3A_129 : vector<16xi32> to vector<32xbf16>
        %unpack3A_134 = tpu.unpack_subelements %bitcast3A_133, 0 {pack_format = #tpu.pack_format<interleaved>} : vector<32xbf16> -> vector<16xf32>
        %unpack3A_135 = tpu.unpack_subelements %bitcast3A_133, 1 {pack_format = #tpu.pack_format<interleaved>} : vector<32xbf16> -> vector<16xf32>
        %mul3A_136 = arith.mulf %unpack3A_131, %unpack3A_134 : vector<16xf32>
        %add3A_137 = arith.addf %add3A_121, %mul3A_136 : vector<16xf32>
        %mul3A_138 = arith.mulf %unpack3A_132, %unpack3A_135 : vector<16xf32>
        %add3A_139 = arith.addf %add3A_137, %mul3A_138 : vector<16xf32>
        %add3A_140 = arith.constant 2 : i32
        %add3A_141 = vector.broadcast %add3A_140 : i32 to vector<16xi32>
        %add3A_142 = arith.addi %get3A_95, %add3A_141 : vector<16xi32>
        %gather3A_143 = tpu.vector_load_idx %arg17[%add3A_92, %add3A_142] : memref<128x128xi32, #tpu.memory_space<vmem>>[vector<16xi32>, vector<16xi32>], vector<16xi32>,
        %add3A_144 = arith.constant 2 : i32
        %add3A_145 = vector.broadcast %add3A_144 : i32 to vector<16xi32>
        %add3A_146 = arith.addi %get3A_98, %add3A_145 : vector<16xi32>
        %gather3A_147 = tpu.vector_load_idx %arg19[%add3A_92, %add3A_146] : memref<128x128xi32, #tpu.memory_space<vmem>>[vector<16xi32>, vector<16xi32>], vector<16xi32>,
        %bitcast3A_148 = vector.bitcast %gather3A_143 : vector<16xi32> to vector<32xbf16>
        %unpack3A_149 = tpu.unpack_subelements %bitcast3A_148, 0 {pack_format = #tpu.pack_format<interleaved>} : vector<32xbf16> -> vector<16xf32>
        %unpack3A_150 = tpu.unpack_subelements %bitcast3A_148, 1 {pack_format = #tpu.pack_format<interleaved>} : vector<32xbf16> -> vector<16xf32>
        %bitcast3A_151 = vector.bitcast %gather3A_147 : vector<16xi32> to vector<32xbf16>
        %unpack3A_152 = tpu.unpack_subelements %bitcast3A_151, 0 {pack_format = #tpu.pack_format<interleaved>} : vector<32xbf16> -> vector<16xf32>
        %unpack3A_153 = tpu.unpack_subelements %bitcast3A_151, 1 {pack_format = #tpu.pack_format<interleaved>} : vector<32xbf16> -> vector<16xf32>
        %mul3A_154 = arith.mulf %unpack3A_149, %unpack3A_152 : vector<16xf32>
        %add3A_155 = arith.addf %add3A_139, %mul3A_154 : vector<16xf32>
        %mul3A_156 = arith.mulf %unpack3A_150, %unpack3A_153 : vector<16xf32>
        %add3A_157 = arith.addf %add3A_155, %mul3A_156 : vector<16xf32>
        %add3A_158 = arith.constant 3 : i32
        %add3A_159 = vector.broadcast %add3A_158 : i32 to vector<16xi32>
        %add3A_160 = arith.addi %get3A_95, %add3A_159 : vector<16xi32>
        %gather3A_161 = tpu.vector_load_idx %arg17[%add3A_92, %add3A_160] : memref<128x128xi32, #tpu.memory_space<vmem>>[vector<16xi32>, vector<16xi32>], vector<16xi32>,
        %add3A_162 = arith.constant 3 : i32
        %add3A_163 = vector.broadcast %add3A_162 : i32 to vector<16xi32>
        %add3A_164 = arith.addi %get3A_98, %add3A_163 : vector<16xi32>
        %gather3A_165 = tpu.vector_load_idx %arg19[%add3A_92, %add3A_164] : memref<128x128xi32, #tpu.memory_space<vmem>>[vector<16xi32>, vector<16xi32>], vector<16xi32>,
        %bitcast3A_166 = vector.bitcast %gather3A_161 : vector<16xi32> to vector<32xbf16>
        %unpack3A_167 = tpu.unpack_subelements %bitcast3A_166, 0 {pack_format = #tpu.pack_format<interleaved>} : vector<32xbf16> -> vector<16xf32>
        %unpack3A_168 = tpu.unpack_subelements %bitcast3A_166, 1 {pack_format = #tpu.pack_format<interleaved>} : vector<32xbf16> -> vector<16xf32>
        %bitcast3A_169 = vector.bitcast %gather3A_165 : vector<16xi32> to vector<32xbf16>
        %unpack3A_170 = tpu.unpack_subelements %bitcast3A_169, 0 {pack_format = #tpu.pack_format<interleaved>} : vector<32xbf16> -> vector<16xf32>
        %unpack3A_171 = tpu.unpack_subelements %bitcast3A_169, 1 {pack_format = #tpu.pack_format<interleaved>} : vector<32xbf16> -> vector<16xf32>
        %mul3A_172 = arith.mulf %unpack3A_167, %unpack3A_170 : vector<16xf32>
        %add3A_173 = arith.addf %add3A_157, %mul3A_172 : vector<16xf32>
        %mul3A_174 = arith.mulf %unpack3A_168, %unpack3A_171 : vector<16xf32>
        %add3A_175 = arith.addf %add3A_173, %mul3A_174 : vector<16xf32>
        %add3A_176 = arith.constant 4 : i32
        %add3A_177 = vector.broadcast %add3A_176 : i32 to vector<16xi32>
        %add3A_178 = arith.addi %get3A_95, %add3A_177 : vector<16xi32>
        %gather3A_179 = tpu.vector_load_idx %arg17[%add3A_92, %add3A_178] : memref<128x128xi32, #tpu.memory_space<vmem>>[vector<16xi32>, vector<16xi32>], vector<16xi32>,
        %add3A_180 = arith.constant 4 : i32
        %add3A_181 = vector.broadcast %add3A_180 : i32 to vector<16xi32>
        %add3A_182 = arith.addi %get3A_98, %add3A_181 : vector<16xi32>
        %gather3A_183 = tpu.vector_load_idx %arg19[%add3A_92, %add3A_182] : memref<128x128xi32, #tpu.memory_space<vmem>>[vector<16xi32>, vector<16xi32>], vector<16xi32>,
        %bitcast3A_184 = vector.bitcast %gather3A_179 : vector<16xi32> to vector<32xbf16>
        %unpack3A_185 = tpu.unpack_subelements %bitcast3A_184, 0 {pack_format = #tpu.pack_format<interleaved>} : vector<32xbf16> -> vector<16xf32>
        %unpack3A_186 = tpu.unpack_subelements %bitcast3A_184, 1 {pack_format = #tpu.pack_format<interleaved>} : vector<32xbf16> -> vector<16xf32>
        %bitcast3A_187 = vector.bitcast %gather3A_183 : vector<16xi32> to vector<32xbf16>
        %unpack3A_188 = tpu.unpack_subelements %bitcast3A_187, 0 {pack_format = #tpu.pack_format<interleaved>} : vector<32xbf16> -> vector<16xf32>
        %unpack3A_189 = tpu.unpack_subelements %bitcast3A_187, 1 {pack_format = #tpu.pack_format<interleaved>} : vector<32xbf16> -> vector<16xf32>
        %mul3A_190 = arith.mulf %unpack3A_185, %unpack3A_188 : vector<16xf32>
        %add3A_191 = arith.addf %add3A_175, %mul3A_190 : vector<16xf32>
        %mul3A_192 = arith.mulf %unpack3A_186, %unpack3A_189 : vector<16xf32>
        %add3A_193 = arith.addf %add3A_191, %mul3A_192 : vector<16xf32>
        %add3A_194 = arith.constant 5 : i32
        %add3A_195 = vector.broadcast %add3A_194 : i32 to vector<16xi32>
        %add3A_196 = arith.addi %get3A_95, %add3A_195 : vector<16xi32>
        %gather3A_197 = tpu.vector_load_idx %arg17[%add3A_92, %add3A_196] : memref<128x128xi32, #tpu.memory_space<vmem>>[vector<16xi32>, vector<16xi32>], vector<16xi32>,
        %add3A_198 = arith.constant 5 : i32
        %add3A_199 = vector.broadcast %add3A_198 : i32 to vector<16xi32>
        %add3A_200 = arith.addi %get3A_98, %add3A_199 : vector<16xi32>
        %gather3A_201 = tpu.vector_load_idx %arg19[%add3A_92, %add3A_200] : memref<128x128xi32, #tpu.memory_space<vmem>>[vector<16xi32>, vector<16xi32>], vector<16xi32>,
        %bitcast3A_202 = vector.bitcast %gather3A_197 : vector<16xi32> to vector<32xbf16>
        %unpack3A_203 = tpu.unpack_subelements %bitcast3A_202, 0 {pack_format = #tpu.pack_format<interleaved>} : vector<32xbf16> -> vector<16xf32>
        %unpack3A_204 = tpu.unpack_subelements %bitcast3A_202, 1 {pack_format = #tpu.pack_format<interleaved>} : vector<32xbf16> -> vector<16xf32>
        %bitcast3A_205 = vector.bitcast %gather3A_201 : vector<16xi32> to vector<32xbf16>
        %unpack3A_206 = tpu.unpack_subelements %bitcast3A_205, 0 {pack_format = #tpu.pack_format<interleaved>} : vector<32xbf16> -> vector<16xf32>
        %unpack3A_207 = tpu.unpack_subelements %bitcast3A_205, 1 {pack_format = #tpu.pack_format<interleaved>} : vector<32xbf16> -> vector<16xf32>
        %mul3A_208 = arith.mulf %unpack3A_203, %unpack3A_206 : vector<16xf32>
        %add3A_209 = arith.addf %add3A_193, %mul3A_208 : vector<16xf32>
        %mul3A_210 = arith.mulf %unpack3A_204, %unpack3A_207 : vector<16xf32>
        %add3A_211 = arith.addf %add3A_209, %mul3A_210 : vector<16xf32>
        %add3A_212 = arith.constant 6 : i32
        %add3A_213 = vector.broadcast %add3A_212 : i32 to vector<16xi32>
        %add3A_214 = arith.addi %get3A_95, %add3A_213 : vector<16xi32>
        %gather3A_215 = tpu.vector_load_idx %arg17[%add3A_92, %add3A_214] : memref<128x128xi32, #tpu.memory_space<vmem>>[vector<16xi32>, vector<16xi32>], vector<16xi32>,
        %add3A_216 = arith.constant 6 : i32
        %add3A_217 = vector.broadcast %add3A_216 : i32 to vector<16xi32>
        %add3A_218 = arith.addi %get3A_98, %add3A_217 : vector<16xi32>
        %gather3A_219 = tpu.vector_load_idx %arg19[%add3A_92, %add3A_218] : memref<128x128xi32, #tpu.memory_space<vmem>>[vector<16xi32>, vector<16xi32>], vector<16xi32>,
        %bitcast3A_220 = vector.bitcast %gather3A_215 : vector<16xi32> to vector<32xbf16>
        %unpack3A_221 = tpu.unpack_subelements %bitcast3A_220, 0 {pack_format = #tpu.pack_format<interleaved>} : vector<32xbf16> -> vector<16xf32>
        %unpack3A_222 = tpu.unpack_subelements %bitcast3A_220, 1 {pack_format = #tpu.pack_format<interleaved>} : vector<32xbf16> -> vector<16xf32>
        %bitcast3A_223 = vector.bitcast %gather3A_219 : vector<16xi32> to vector<32xbf16>
        %unpack3A_224 = tpu.unpack_subelements %bitcast3A_223, 0 {pack_format = #tpu.pack_format<interleaved>} : vector<32xbf16> -> vector<16xf32>
        %unpack3A_225 = tpu.unpack_subelements %bitcast3A_223, 1 {pack_format = #tpu.pack_format<interleaved>} : vector<32xbf16> -> vector<16xf32>
        %mul3A_226 = arith.mulf %unpack3A_221, %unpack3A_224 : vector<16xf32>
        %add3A_227 = arith.addf %add3A_211, %mul3A_226 : vector<16xf32>
        %mul3A_228 = arith.mulf %unpack3A_222, %unpack3A_225 : vector<16xf32>
        %add3A_229 = arith.addf %add3A_227, %mul3A_228 : vector<16xf32>
        %add3A_230 = arith.constant 7 : i32
        %add3A_231 = vector.broadcast %add3A_230 : i32 to vector<16xi32>
        %add3A_232 = arith.addi %get3A_95, %add3A_231 : vector<16xi32>
        %gather3A_233 = tpu.vector_load_idx %arg17[%add3A_92, %add3A_232] : memref<128x128xi32, #tpu.memory_space<vmem>>[vector<16xi32>, vector<16xi32>], vector<16xi32>,
        %add3A_234 = arith.constant 7 : i32
        %add3A_235 = vector.broadcast %add3A_234 : i32 to vector<16xi32>
        %add3A_236 = arith.addi %get3A_98, %add3A_235 : vector<16xi32>
        %gather3A_237 = tpu.vector_load_idx %arg19[%add3A_92, %add3A_236] : memref<128x128xi32, #tpu.memory_space<vmem>>[vector<16xi32>, vector<16xi32>], vector<16xi32>,
        %bitcast3A_238 = vector.bitcast %gather3A_233 : vector<16xi32> to vector<32xbf16>
        %unpack3A_239 = tpu.unpack_subelements %bitcast3A_238, 0 {pack_format = #tpu.pack_format<interleaved>} : vector<32xbf16> -> vector<16xf32>
        %unpack3A_240 = tpu.unpack_subelements %bitcast3A_238, 1 {pack_format = #tpu.pack_format<interleaved>} : vector<32xbf16> -> vector<16xf32>
        %bitcast3A_241 = vector.bitcast %gather3A_237 : vector<16xi32> to vector<32xbf16>
        %unpack3A_242 = tpu.unpack_subelements %bitcast3A_241, 0 {pack_format = #tpu.pack_format<interleaved>} : vector<32xbf16> -> vector<16xf32>
        %unpack3A_243 = tpu.unpack_subelements %bitcast3A_241, 1 {pack_format = #tpu.pack_format<interleaved>} : vector<32xbf16> -> vector<16xf32>
        %mul3A_244 = arith.mulf %unpack3A_239, %unpack3A_242 : vector<16xf32>
        %add3A_245 = arith.addf %add3A_229, %mul3A_244 : vector<16xf32>
        %mul3A_246 = arith.mulf %unpack3A_240, %unpack3A_243 : vector<16xf32>
        %add3A_247 = arith.addf %add3A_245, %mul3A_246 : vector<16xf32>
        %add3A_248 = arith.constant 8 : i32
        %add3A_249 = vector.broadcast %add3A_248 : i32 to vector<16xi32>
        %add3A_250 = arith.addi %get3A_95, %add3A_249 : vector<16xi32>
        %gather3A_251 = tpu.vector_load_idx %arg17[%add3A_92, %add3A_250] : memref<128x128xi32, #tpu.memory_space<vmem>>[vector<16xi32>, vector<16xi32>], vector<16xi32>,
        %add3A_252 = arith.constant 8 : i32
        %add3A_253 = vector.broadcast %add3A_252 : i32 to vector<16xi32>
        %add3A_254 = arith.addi %get3A_98, %add3A_253 : vector<16xi32>
        %gather3A_255 = tpu.vector_load_idx %arg19[%add3A_92, %add3A_254] : memref<128x128xi32, #tpu.memory_space<vmem>>[vector<16xi32>, vector<16xi32>], vector<16xi32>,
        %bitcast3A_256 = vector.bitcast %gather3A_251 : vector<16xi32> to vector<32xbf16>
        %unpack3A_257 = tpu.unpack_subelements %bitcast3A_256, 0 {pack_format = #tpu.pack_format<interleaved>} : vector<32xbf16> -> vector<16xf32>
        %unpack3A_258 = tpu.unpack_subelements %bitcast3A_256, 1 {pack_format = #tpu.pack_format<interleaved>} : vector<32xbf16> -> vector<16xf32>
        %bitcast3A_259 = vector.bitcast %gather3A_255 : vector<16xi32> to vector<32xbf16>
        %unpack3A_260 = tpu.unpack_subelements %bitcast3A_259, 0 {pack_format = #tpu.pack_format<interleaved>} : vector<32xbf16> -> vector<16xf32>
        %unpack3A_261 = tpu.unpack_subelements %bitcast3A_259, 1 {pack_format = #tpu.pack_format<interleaved>} : vector<32xbf16> -> vector<16xf32>
        %mul3A_262 = arith.mulf %unpack3A_257, %unpack3A_260 : vector<16xf32>
        %add3A_263 = arith.addf %add3A_247, %mul3A_262 : vector<16xf32>
        %mul3A_264 = arith.mulf %unpack3A_258, %unpack3A_261 : vector<16xf32>
        %add3A_265 = arith.addf %add3A_263, %mul3A_264 : vector<16xf32>
        %add3A_266 = arith.constant 9 : i32
        %add3A_267 = vector.broadcast %add3A_266 : i32 to vector<16xi32>
        %add3A_268 = arith.addi %get3A_95, %add3A_267 : vector<16xi32>
        %gather3A_269 = tpu.vector_load_idx %arg17[%add3A_92, %add3A_268] : memref<128x128xi32, #tpu.memory_space<vmem>>[vector<16xi32>, vector<16xi32>], vector<16xi32>,
        %add3A_270 = arith.constant 9 : i32
        %add3A_271 = vector.broadcast %add3A_270 : i32 to vector<16xi32>
        %add3A_272 = arith.addi %get3A_98, %add3A_271 : vector<16xi32>
        %gather3A_273 = tpu.vector_load_idx %arg19[%add3A_92, %add3A_272] : memref<128x128xi32, #tpu.memory_space<vmem>>[vector<16xi32>, vector<16xi32>], vector<16xi32>,
        %bitcast3A_274 = vector.bitcast %gather3A_269 : vector<16xi32> to vector<32xbf16>
        %unpack3A_275 = tpu.unpack_subelements %bitcast3A_274, 0 {pack_format = #tpu.pack_format<interleaved>} : vector<32xbf16> -> vector<16xf32>
        %unpack3A_276 = tpu.unpack_subelements %bitcast3A_274, 1 {pack_format = #tpu.pack_format<interleaved>} : vector<32xbf16> -> vector<16xf32>
        %bitcast3A_277 = vector.bitcast %gather3A_273 : vector<16xi32> to vector<32xbf16>
        %unpack3A_278 = tpu.unpack_subelements %bitcast3A_277, 0 {pack_format = #tpu.pack_format<interleaved>} : vector<32xbf16> -> vector<16xf32>
        %unpack3A_279 = tpu.unpack_subelements %bitcast3A_277, 1 {pack_format = #tpu.pack_format<interleaved>} : vector<32xbf16> -> vector<16xf32>
        %mul3A_280 = arith.mulf %unpack3A_275, %unpack3A_278 : vector<16xf32>
        %add3A_281 = arith.addf %add3A_265, %mul3A_280 : vector<16xf32>
        %mul3A_282 = arith.mulf %unpack3A_276, %unpack3A_279 : vector<16xf32>
        %add3A_283 = arith.addf %add3A_281, %mul3A_282 : vector<16xf32>
        %add3A_284 = arith.constant 10 : i32
        %add3A_285 = vector.broadcast %add3A_284 : i32 to vector<16xi32>
        %add3A_286 = arith.addi %get3A_95, %add3A_285 : vector<16xi32>
        %gather3A_287 = tpu.vector_load_idx %arg17[%add3A_92, %add3A_286] : memref<128x128xi32, #tpu.memory_space<vmem>>[vector<16xi32>, vector<16xi32>], vector<16xi32>,
        %add3A_288 = arith.constant 10 : i32
        %add3A_289 = vector.broadcast %add3A_288 : i32 to vector<16xi32>
        %add3A_290 = arith.addi %get3A_98, %add3A_289 : vector<16xi32>
        %gather3A_291 = tpu.vector_load_idx %arg19[%add3A_92, %add3A_290] : memref<128x128xi32, #tpu.memory_space<vmem>>[vector<16xi32>, vector<16xi32>], vector<16xi32>,
        %bitcast3A_292 = vector.bitcast %gather3A_287 : vector<16xi32> to vector<32xbf16>
        %unpack3A_293 = tpu.unpack_subelements %bitcast3A_292, 0 {pack_format = #tpu.pack_format<interleaved>} : vector<32xbf16> -> vector<16xf32>
        %unpack3A_294 = tpu.unpack_subelements %bitcast3A_292, 1 {pack_format = #tpu.pack_format<interleaved>} : vector<32xbf16> -> vector<16xf32>
        %bitcast3A_295 = vector.bitcast %gather3A_291 : vector<16xi32> to vector<32xbf16>
        %unpack3A_296 = tpu.unpack_subelements %bitcast3A_295, 0 {pack_format = #tpu.pack_format<interleaved>} : vector<32xbf16> -> vector<16xf32>
        %unpack3A_297 = tpu.unpack_subelements %bitcast3A_295, 1 {pack_format = #tpu.pack_format<interleaved>} : vector<32xbf16> -> vector<16xf32>
        %mul3A_298 = arith.mulf %unpack3A_293, %unpack3A_296 : vector<16xf32>
        %add3A_299 = arith.addf %add3A_283, %mul3A_298 : vector<16xf32>
        %mul3A_300 = arith.mulf %unpack3A_294, %unpack3A_297 : vector<16xf32>
        %add3A_301 = arith.addf %add3A_299, %mul3A_300 : vector<16xf32>
        %add3A_302 = arith.constant 11 : i32
        %add3A_303 = vector.broadcast %add3A_302 : i32 to vector<16xi32>
        %add3A_304 = arith.addi %get3A_95, %add3A_303 : vector<16xi32>
        %gather3A_305 = tpu.vector_load_idx %arg17[%add3A_92, %add3A_304] : memref<128x128xi32, #tpu.memory_space<vmem>>[vector<16xi32>, vector<16xi32>], vector<16xi32>,
        %add3A_306 = arith.constant 11 : i32
        %add3A_307 = vector.broadcast %add3A_306 : i32 to vector<16xi32>
        %add3A_308 = arith.addi %get3A_98, %add3A_307 : vector<16xi32>
        %gather3A_309 = tpu.vector_load_idx %arg19[%add3A_92, %add3A_308] : memref<128x128xi32, #tpu.memory_space<vmem>>[vector<16xi32>, vector<16xi32>], vector<16xi32>,
        %bitcast3A_310 = vector.bitcast %gather3A_305 : vector<16xi32> to vector<32xbf16>
        %unpack3A_311 = tpu.unpack_subelements %bitcast3A_310, 0 {pack_format = #tpu.pack_format<interleaved>} : vector<32xbf16> -> vector<16xf32>
        %unpack3A_312 = tpu.unpack_subelements %bitcast3A_310, 1 {pack_format = #tpu.pack_format<interleaved>} : vector<32xbf16> -> vector<16xf32>
        %bitcast3A_313 = vector.bitcast %gather3A_309 : vector<16xi32> to vector<32xbf16>
        %unpack3A_314 = tpu.unpack_subelements %bitcast3A_313, 0 {pack_format = #tpu.pack_format<interleaved>} : vector<32xbf16> -> vector<16xf32>
        %unpack3A_315 = tpu.unpack_subelements %bitcast3A_313, 1 {pack_format = #tpu.pack_format<interleaved>} : vector<32xbf16> -> vector<16xf32>
        %mul3A_316 = arith.mulf %unpack3A_311, %unpack3A_314 : vector<16xf32>
        %add3A_317 = arith.addf %add3A_301, %mul3A_316 : vector<16xf32>
        %mul3A_318 = arith.mulf %unpack3A_312, %unpack3A_315 : vector<16xf32>
        %add3A_319 = arith.addf %add3A_317, %mul3A_318 : vector<16xf32>
        %add3A_320 = arith.constant 12 : i32
        %add3A_321 = vector.broadcast %add3A_320 : i32 to vector<16xi32>
        %add3A_322 = arith.addi %get3A_95, %add3A_321 : vector<16xi32>
        %gather3A_323 = tpu.vector_load_idx %arg17[%add3A_92, %add3A_322] : memref<128x128xi32, #tpu.memory_space<vmem>>[vector<16xi32>, vector<16xi32>], vector<16xi32>,
        %add3A_324 = arith.constant 12 : i32
        %add3A_325 = vector.broadcast %add3A_324 : i32 to vector<16xi32>
        %add3A_326 = arith.addi %get3A_98, %add3A_325 : vector<16xi32>
        %gather3A_327 = tpu.vector_load_idx %arg19[%add3A_92, %add3A_326] : memref<128x128xi32, #tpu.memory_space<vmem>>[vector<16xi32>, vector<16xi32>], vector<16xi32>,
        %bitcast3A_328 = vector.bitcast %gather3A_323 : vector<16xi32> to vector<32xbf16>
        %unpack3A_329 = tpu.unpack_subelements %bitcast3A_328, 0 {pack_format = #tpu.pack_format<interleaved>} : vector<32xbf16> -> vector<16xf32>
        %unpack3A_330 = tpu.unpack_subelements %bitcast3A_328, 1 {pack_format = #tpu.pack_format<interleaved>} : vector<32xbf16> -> vector<16xf32>
        %bitcast3A_331 = vector.bitcast %gather3A_327 : vector<16xi32> to vector<32xbf16>
        %unpack3A_332 = tpu.unpack_subelements %bitcast3A_331, 0 {pack_format = #tpu.pack_format<interleaved>} : vector<32xbf16> -> vector<16xf32>
        %unpack3A_333 = tpu.unpack_subelements %bitcast3A_331, 1 {pack_format = #tpu.pack_format<interleaved>} : vector<32xbf16> -> vector<16xf32>
        %mul3A_334 = arith.mulf %unpack3A_329, %unpack3A_332 : vector<16xf32>
        %add3A_335 = arith.addf %add3A_319, %mul3A_334 : vector<16xf32>
        %mul3A_336 = arith.mulf %unpack3A_330, %unpack3A_333 : vector<16xf32>
        %add3A_337 = arith.addf %add3A_335, %mul3A_336 : vector<16xf32>
        %add3A_338 = arith.constant 13 : i32
        %add3A_339 = vector.broadcast %add3A_338 : i32 to vector<16xi32>
        %add3A_340 = arith.addi %get3A_95, %add3A_339 : vector<16xi32>
        %gather3A_341 = tpu.vector_load_idx %arg17[%add3A_92, %add3A_340] : memref<128x128xi32, #tpu.memory_space<vmem>>[vector<16xi32>, vector<16xi32>], vector<16xi32>,
        %add3A_342 = arith.constant 13 : i32
        %add3A_343 = vector.broadcast %add3A_342 : i32 to vector<16xi32>
        %add3A_344 = arith.addi %get3A_98, %add3A_343 : vector<16xi32>
        %gather3A_345 = tpu.vector_load_idx %arg19[%add3A_92, %add3A_344] : memref<128x128xi32, #tpu.memory_space<vmem>>[vector<16xi32>, vector<16xi32>], vector<16xi32>,
        %bitcast3A_346 = vector.bitcast %gather3A_341 : vector<16xi32> to vector<32xbf16>
        %unpack3A_347 = tpu.unpack_subelements %bitcast3A_346, 0 {pack_format = #tpu.pack_format<interleaved>} : vector<32xbf16> -> vector<16xf32>
        %unpack3A_348 = tpu.unpack_subelements %bitcast3A_346, 1 {pack_format = #tpu.pack_format<interleaved>} : vector<32xbf16> -> vector<16xf32>
        %bitcast3A_349 = vector.bitcast %gather3A_345 : vector<16xi32> to vector<32xbf16>
        %unpack3A_350 = tpu.unpack_subelements %bitcast3A_349, 0 {pack_format = #tpu.pack_format<interleaved>} : vector<32xbf16> -> vector<16xf32>
        %unpack3A_351 = tpu.unpack_subelements %bitcast3A_349, 1 {pack_format = #tpu.pack_format<interleaved>} : vector<32xbf16> -> vector<16xf32>
        %mul3A_352 = arith.mulf %unpack3A_347, %unpack3A_350 : vector<16xf32>
        %add3A_353 = arith.addf %add3A_337, %mul3A_352 : vector<16xf32>
        %mul3A_354 = arith.mulf %unpack3A_348, %unpack3A_351 : vector<16xf32>
        %add3A_355 = arith.addf %add3A_353, %mul3A_354 : vector<16xf32>
        %add3A_356 = arith.constant 14 : i32
        %add3A_357 = vector.broadcast %add3A_356 : i32 to vector<16xi32>
        %add3A_358 = arith.addi %get3A_95, %add3A_357 : vector<16xi32>
        %gather3A_359 = tpu.vector_load_idx %arg17[%add3A_92, %add3A_358] : memref<128x128xi32, #tpu.memory_space<vmem>>[vector<16xi32>, vector<16xi32>], vector<16xi32>,
        %add3A_360 = arith.constant 14 : i32
        %add3A_361 = vector.broadcast %add3A_360 : i32 to vector<16xi32>
        %add3A_362 = arith.addi %get3A_98, %add3A_361 : vector<16xi32>
        %gather3A_363 = tpu.vector_load_idx %arg19[%add3A_92, %add3A_362] : memref<128x128xi32, #tpu.memory_space<vmem>>[vector<16xi32>, vector<16xi32>], vector<16xi32>,
        %bitcast3A_364 = vector.bitcast %gather3A_359 : vector<16xi32> to vector<32xbf16>
        %unpack3A_365 = tpu.unpack_subelements %bitcast3A_364, 0 {pack_format = #tpu.pack_format<interleaved>} : vector<32xbf16> -> vector<16xf32>
        %unpack3A_366 = tpu.unpack_subelements %bitcast3A_364, 1 {pack_format = #tpu.pack_format<interleaved>} : vector<32xbf16> -> vector<16xf32>
        %bitcast3A_367 = vector.bitcast %gather3A_363 : vector<16xi32> to vector<32xbf16>
        %unpack3A_368 = tpu.unpack_subelements %bitcast3A_367, 0 {pack_format = #tpu.pack_format<interleaved>} : vector<32xbf16> -> vector<16xf32>
        %unpack3A_369 = tpu.unpack_subelements %bitcast3A_367, 1 {pack_format = #tpu.pack_format<interleaved>} : vector<32xbf16> -> vector<16xf32>
        %mul3A_370 = arith.mulf %unpack3A_365, %unpack3A_368 : vector<16xf32>
        %add3A_371 = arith.addf %add3A_355, %mul3A_370 : vector<16xf32>
        %mul3A_372 = arith.mulf %unpack3A_366, %unpack3A_369 : vector<16xf32>
        %add3A_373 = arith.addf %add3A_371, %mul3A_372 : vector<16xf32>
        %add3A_374 = arith.constant 15 : i32
        %add3A_375 = vector.broadcast %add3A_374 : i32 to vector<16xi32>
        %add3A_376 = arith.addi %get3A_95, %add3A_375 : vector<16xi32>
        %gather3A_377 = tpu.vector_load_idx %arg17[%add3A_92, %add3A_376] : memref<128x128xi32, #tpu.memory_space<vmem>>[vector<16xi32>, vector<16xi32>], vector<16xi32>,
        %add3A_378 = arith.constant 15 : i32
        %add3A_379 = vector.broadcast %add3A_378 : i32 to vector<16xi32>
        %add3A_380 = arith.addi %get3A_98, %add3A_379 : vector<16xi32>
        %gather3A_381 = tpu.vector_load_idx %arg19[%add3A_92, %add3A_380] : memref<128x128xi32, #tpu.memory_space<vmem>>[vector<16xi32>, vector<16xi32>], vector<16xi32>,
        %bitcast3A_382 = vector.bitcast %gather3A_377 : vector<16xi32> to vector<32xbf16>
        %unpack3A_383 = tpu.unpack_subelements %bitcast3A_382, 0 {pack_format = #tpu.pack_format<interleaved>} : vector<32xbf16> -> vector<16xf32>
        %unpack3A_384 = tpu.unpack_subelements %bitcast3A_382, 1 {pack_format = #tpu.pack_format<interleaved>} : vector<32xbf16> -> vector<16xf32>
        %bitcast3A_385 = vector.bitcast %gather3A_381 : vector<16xi32> to vector<32xbf16>
        %unpack3A_386 = tpu.unpack_subelements %bitcast3A_385, 0 {pack_format = #tpu.pack_format<interleaved>} : vector<32xbf16> -> vector<16xf32>
        %unpack3A_387 = tpu.unpack_subelements %bitcast3A_385, 1 {pack_format = #tpu.pack_format<interleaved>} : vector<32xbf16> -> vector<16xf32>
        %mul3A_388 = arith.mulf %unpack3A_383, %unpack3A_386 : vector<16xf32>
        %add3A_389 = arith.addf %add3A_373, %mul3A_388 : vector<16xf32>
        %mul3A_390 = arith.mulf %unpack3A_384, %unpack3A_387 : vector<16xf32>
        %add3A_391 = arith.addf %add3A_389, %mul3A_390 : vector<16xf32>
        %add3A_392 = arith.constant 16 : i32
        %add3A_393 = vector.broadcast %add3A_392 : i32 to vector<16xi32>
        %add3A_394 = arith.addi %get3A_95, %add3A_393 : vector<16xi32>
        %gather3A_395 = tpu.vector_load_idx %arg17[%add3A_92, %add3A_394] : memref<128x128xi32, #tpu.memory_space<vmem>>[vector<16xi32>, vector<16xi32>], vector<16xi32>,
        %add3A_396 = arith.constant 16 : i32
        %add3A_397 = vector.broadcast %add3A_396 : i32 to vector<16xi32>
        %add3A_398 = arith.addi %get3A_98, %add3A_397 : vector<16xi32>
        %gather3A_399 = tpu.vector_load_idx %arg19[%add3A_92, %add3A_398] : memref<128x128xi32, #tpu.memory_space<vmem>>[vector<16xi32>, vector<16xi32>], vector<16xi32>,
        %bitcast3A_400 = vector.bitcast %gather3A_395 : vector<16xi32> to vector<32xbf16>
        %unpack3A_401 = tpu.unpack_subelements %bitcast3A_400, 0 {pack_format = #tpu.pack_format<interleaved>} : vector<32xbf16> -> vector<16xf32>
        %unpack3A_402 = tpu.unpack_subelements %bitcast3A_400, 1 {pack_format = #tpu.pack_format<interleaved>} : vector<32xbf16> -> vector<16xf32>
        %bitcast3A_403 = vector.bitcast %gather3A_399 : vector<16xi32> to vector<32xbf16>
        %unpack3A_404 = tpu.unpack_subelements %bitcast3A_403, 0 {pack_format = #tpu.pack_format<interleaved>} : vector<32xbf16> -> vector<16xf32>
        %unpack3A_405 = tpu.unpack_subelements %bitcast3A_403, 1 {pack_format = #tpu.pack_format<interleaved>} : vector<32xbf16> -> vector<16xf32>
        %mul3A_406 = arith.mulf %unpack3A_401, %unpack3A_404 : vector<16xf32>
        %add3A_407 = arith.addf %add3A_391, %mul3A_406 : vector<16xf32>
        %mul3A_408 = arith.mulf %unpack3A_402, %unpack3A_405 : vector<16xf32>
        %add3A_409 = arith.addf %add3A_407, %mul3A_408 : vector<16xf32>
        %add3A_410 = arith.constant 17 : i32
        %add3A_411 = vector.broadcast %add3A_410 : i32 to vector<16xi32>
        %add3A_412 = arith.addi %get3A_95, %add3A_411 : vector<16xi32>
        %gather3A_413 = tpu.vector_load_idx %arg17[%add3A_92, %add3A_412] : memref<128x128xi32, #tpu.memory_space<vmem>>[vector<16xi32>, vector<16xi32>], vector<16xi32>,
        %add3A_414 = arith.constant 17 : i32
        %add3A_415 = vector.broadcast %add3A_414 : i32 to vector<16xi32>
        %add3A_416 = arith.addi %get3A_98, %add3A_415 : vector<16xi32>
        %gather3A_417 = tpu.vector_load_idx %arg19[%add3A_92, %add3A_416] : memref<128x128xi32, #tpu.memory_space<vmem>>[vector<16xi32>, vector<16xi32>], vector<16xi32>,
        %bitcast3A_418 = vector.bitcast %gather3A_413 : vector<16xi32> to vector<32xbf16>
        %unpack3A_419 = tpu.unpack_subelements %bitcast3A_418, 0 {pack_format = #tpu.pack_format<interleaved>} : vector<32xbf16> -> vector<16xf32>
        %unpack3A_420 = tpu.unpack_subelements %bitcast3A_418, 1 {pack_format = #tpu.pack_format<interleaved>} : vector<32xbf16> -> vector<16xf32>
        %bitcast3A_421 = vector.bitcast %gather3A_417 : vector<16xi32> to vector<32xbf16>
        %unpack3A_422 = tpu.unpack_subelements %bitcast3A_421, 0 {pack_format = #tpu.pack_format<interleaved>} : vector<32xbf16> -> vector<16xf32>
        %unpack3A_423 = tpu.unpack_subelements %bitcast3A_421, 1 {pack_format = #tpu.pack_format<interleaved>} : vector<32xbf16> -> vector<16xf32>
        %mul3A_424 = arith.mulf %unpack3A_419, %unpack3A_422 : vector<16xf32>
        %add3A_425 = arith.addf %add3A_409, %mul3A_424 : vector<16xf32>
        %mul3A_426 = arith.mulf %unpack3A_420, %unpack3A_423 : vector<16xf32>
        %add3A_427 = arith.addf %add3A_425, %mul3A_426 : vector<16xf32>
        %add3A_428 = arith.constant 18 : i32
        %add3A_429 = vector.broadcast %add3A_428 : i32 to vector<16xi32>
        %add3A_430 = arith.addi %get3A_95, %add3A_429 : vector<16xi32>
        %gather3A_431 = tpu.vector_load_idx %arg17[%add3A_92, %add3A_430] : memref<128x128xi32, #tpu.memory_space<vmem>>[vector<16xi32>, vector<16xi32>], vector<16xi32>,
        %add3A_432 = arith.constant 18 : i32
        %add3A_433 = vector.broadcast %add3A_432 : i32 to vector<16xi32>
        %add3A_434 = arith.addi %get3A_98, %add3A_433 : vector<16xi32>
        %gather3A_435 = tpu.vector_load_idx %arg19[%add3A_92, %add3A_434] : memref<128x128xi32, #tpu.memory_space<vmem>>[vector<16xi32>, vector<16xi32>], vector<16xi32>,
        %bitcast3A_436 = vector.bitcast %gather3A_431 : vector<16xi32> to vector<32xbf16>
        %unpack3A_437 = tpu.unpack_subelements %bitcast3A_436, 0 {pack_format = #tpu.pack_format<interleaved>} : vector<32xbf16> -> vector<16xf32>
        %unpack3A_438 = tpu.unpack_subelements %bitcast3A_436, 1 {pack_format = #tpu.pack_format<interleaved>} : vector<32xbf16> -> vector<16xf32>
        %bitcast3A_439 = vector.bitcast %gather3A_435 : vector<16xi32> to vector<32xbf16>
        %unpack3A_440 = tpu.unpack_subelements %bitcast3A_439, 0 {pack_format = #tpu.pack_format<interleaved>} : vector<32xbf16> -> vector<16xf32>
        %unpack3A_441 = tpu.unpack_subelements %bitcast3A_439, 1 {pack_format = #tpu.pack_format<interleaved>} : vector<32xbf16> -> vector<16xf32>
        %mul3A_442 = arith.mulf %unpack3A_437, %unpack3A_440 : vector<16xf32>
        %add3A_443 = arith.addf %add3A_427, %mul3A_442 : vector<16xf32>
        %mul3A_444 = arith.mulf %unpack3A_438, %unpack3A_441 : vector<16xf32>
        %add3A_445 = arith.addf %add3A_443, %mul3A_444 : vector<16xf32>
        %add3A_446 = arith.constant 19 : i32
        %add3A_447 = vector.broadcast %add3A_446 : i32 to vector<16xi32>
        %add3A_448 = arith.addi %get3A_95, %add3A_447 : vector<16xi32>
        %gather3A_449 = tpu.vector_load_idx %arg17[%add3A_92, %add3A_448] : memref<128x128xi32, #tpu.memory_space<vmem>>[vector<16xi32>, vector<16xi32>], vector<16xi32>,
        %add3A_450 = arith.constant 19 : i32
        %add3A_451 = vector.broadcast %add3A_450 : i32 to vector<16xi32>
        %add3A_452 = arith.addi %get3A_98, %add3A_451 : vector<16xi32>
        %gather3A_453 = tpu.vector_load_idx %arg19[%add3A_92, %add3A_452] : memref<128x128xi32, #tpu.memory_space<vmem>>[vector<16xi32>, vector<16xi32>], vector<16xi32>,
        %bitcast3A_454 = vector.bitcast %gather3A_449 : vector<16xi32> to vector<32xbf16>
        %unpack3A_455 = tpu.unpack_subelements %bitcast3A_454, 0 {pack_format = #tpu.pack_format<interleaved>} : vector<32xbf16> -> vector<16xf32>
        %unpack3A_456 = tpu.unpack_subelements %bitcast3A_454, 1 {pack_format = #tpu.pack_format<interleaved>} : vector<32xbf16> -> vector<16xf32>
        %bitcast3A_457 = vector.bitcast %gather3A_453 : vector<16xi32> to vector<32xbf16>
        %unpack3A_458 = tpu.unpack_subelements %bitcast3A_457, 0 {pack_format = #tpu.pack_format<interleaved>} : vector<32xbf16> -> vector<16xf32>
        %unpack3A_459 = tpu.unpack_subelements %bitcast3A_457, 1 {pack_format = #tpu.pack_format<interleaved>} : vector<32xbf16> -> vector<16xf32>
        %mul3A_460 = arith.mulf %unpack3A_455, %unpack3A_458 : vector<16xf32>
        %add3A_461 = arith.addf %add3A_445, %mul3A_460 : vector<16xf32>
        %mul3A_462 = arith.mulf %unpack3A_456, %unpack3A_459 : vector<16xf32>
        %add3A_463 = arith.addf %add3A_461, %mul3A_462 : vector<16xf32>
        %add3A_464 = arith.constant 20 : i32
        %add3A_465 = vector.broadcast %add3A_464 : i32 to vector<16xi32>
        %add3A_466 = arith.addi %get3A_95, %add3A_465 : vector<16xi32>
        %gather3A_467 = tpu.vector_load_idx %arg17[%add3A_92, %add3A_466] : memref<128x128xi32, #tpu.memory_space<vmem>>[vector<16xi32>, vector<16xi32>], vector<16xi32>,
        %add3A_468 = arith.constant 20 : i32
        %add3A_469 = vector.broadcast %add3A_468 : i32 to vector<16xi32>
        %add3A_470 = arith.addi %get3A_98, %add3A_469 : vector<16xi32>
        %gather3A_471 = tpu.vector_load_idx %arg19[%add3A_92, %add3A_470] : memref<128x128xi32, #tpu.memory_space<vmem>>[vector<16xi32>, vector<16xi32>], vector<16xi32>,
        %bitcast3A_472 = vector.bitcast %gather3A_467 : vector<16xi32> to vector<32xbf16>
        %unpack3A_473 = tpu.unpack_subelements %bitcast3A_472, 0 {pack_format = #tpu.pack_format<interleaved>} : vector<32xbf16> -> vector<16xf32>
        %unpack3A_474 = tpu.unpack_subelements %bitcast3A_472, 1 {pack_format = #tpu.pack_format<interleaved>} : vector<32xbf16> -> vector<16xf32>
        %bitcast3A_475 = vector.bitcast %gather3A_471 : vector<16xi32> to vector<32xbf16>
        %unpack3A_476 = tpu.unpack_subelements %bitcast3A_475, 0 {pack_format = #tpu.pack_format<interleaved>} : vector<32xbf16> -> vector<16xf32>
        %unpack3A_477 = tpu.unpack_subelements %bitcast3A_475, 1 {pack_format = #tpu.pack_format<interleaved>} : vector<32xbf16> -> vector<16xf32>
        %mul3A_478 = arith.mulf %unpack3A_473, %unpack3A_476 : vector<16xf32>
        %add3A_479 = arith.addf %add3A_463, %mul3A_478 : vector<16xf32>
        %mul3A_480 = arith.mulf %unpack3A_474, %unpack3A_477 : vector<16xf32>
        %add3A_481 = arith.addf %add3A_479, %mul3A_480 : vector<16xf32>
        %add3A_482 = arith.constant 21 : i32
        %add3A_483 = vector.broadcast %add3A_482 : i32 to vector<16xi32>
        %add3A_484 = arith.addi %get3A_95, %add3A_483 : vector<16xi32>
        %gather3A_485 = tpu.vector_load_idx %arg17[%add3A_92, %add3A_484] : memref<128x128xi32, #tpu.memory_space<vmem>>[vector<16xi32>, vector<16xi32>], vector<16xi32>,
        %add3A_486 = arith.constant 21 : i32
        %add3A_487 = vector.broadcast %add3A_486 : i32 to vector<16xi32>
        %add3A_488 = arith.addi %get3A_98, %add3A_487 : vector<16xi32>
        %gather3A_489 = tpu.vector_load_idx %arg19[%add3A_92, %add3A_488] : memref<128x128xi32, #tpu.memory_space<vmem>>[vector<16xi32>, vector<16xi32>], vector<16xi32>,
        %bitcast3A_490 = vector.bitcast %gather3A_485 : vector<16xi32> to vector<32xbf16>
        %unpack3A_491 = tpu.unpack_subelements %bitcast3A_490, 0 {pack_format = #tpu.pack_format<interleaved>} : vector<32xbf16> -> vector<16xf32>
        %unpack3A_492 = tpu.unpack_subelements %bitcast3A_490, 1 {pack_format = #tpu.pack_format<interleaved>} : vector<32xbf16> -> vector<16xf32>
        %bitcast3A_493 = vector.bitcast %gather3A_489 : vector<16xi32> to vector<32xbf16>
        %unpack3A_494 = tpu.unpack_subelements %bitcast3A_493, 0 {pack_format = #tpu.pack_format<interleaved>} : vector<32xbf16> -> vector<16xf32>
        %unpack3A_495 = tpu.unpack_subelements %bitcast3A_493, 1 {pack_format = #tpu.pack_format<interleaved>} : vector<32xbf16> -> vector<16xf32>
        %mul3A_496 = arith.mulf %unpack3A_491, %unpack3A_494 : vector<16xf32>
        %add3A_497 = arith.addf %add3A_481, %mul3A_496 : vector<16xf32>
        %mul3A_498 = arith.mulf %unpack3A_492, %unpack3A_495 : vector<16xf32>
        %add3A_499 = arith.addf %add3A_497, %mul3A_498 : vector<16xf32>
        %add3A_500 = arith.constant 22 : i32
        %add3A_501 = vector.broadcast %add3A_500 : i32 to vector<16xi32>
        %add3A_502 = arith.addi %get3A_95, %add3A_501 : vector<16xi32>
        %gather3A_503 = tpu.vector_load_idx %arg17[%add3A_92, %add3A_502] : memref<128x128xi32, #tpu.memory_space<vmem>>[vector<16xi32>, vector<16xi32>], vector<16xi32>,
        %add3A_504 = arith.constant 22 : i32
        %add3A_505 = vector.broadcast %add3A_504 : i32 to vector<16xi32>
        %add3A_506 = arith.addi %get3A_98, %add3A_505 : vector<16xi32>
        %gather3A_507 = tpu.vector_load_idx %arg19[%add3A_92, %add3A_506] : memref<128x128xi32, #tpu.memory_space<vmem>>[vector<16xi32>, vector<16xi32>], vector<16xi32>,
        %bitcast3A_508 = vector.bitcast %gather3A_503 : vector<16xi32> to vector<32xbf16>
        %unpack3A_509 = tpu.unpack_subelements %bitcast3A_508, 0 {pack_format = #tpu.pack_format<interleaved>} : vector<32xbf16> -> vector<16xf32>
        %unpack3A_510 = tpu.unpack_subelements %bitcast3A_508, 1 {pack_format = #tpu.pack_format<interleaved>} : vector<32xbf16> -> vector<16xf32>
        %bitcast3A_511 = vector.bitcast %gather3A_507 : vector<16xi32> to vector<32xbf16>
        %unpack3A_512 = tpu.unpack_subelements %bitcast3A_511, 0 {pack_format = #tpu.pack_format<interleaved>} : vector<32xbf16> -> vector<16xf32>
        %unpack3A_513 = tpu.unpack_subelements %bitcast3A_511, 1 {pack_format = #tpu.pack_format<interleaved>} : vector<32xbf16> -> vector<16xf32>
        %mul3A_514 = arith.mulf %unpack3A_509, %unpack3A_512 : vector<16xf32>
        %add3A_515 = arith.addf %add3A_499, %mul3A_514 : vector<16xf32>
        %mul3A_516 = arith.mulf %unpack3A_510, %unpack3A_513 : vector<16xf32>
        %add3A_517 = arith.addf %add3A_515, %mul3A_516 : vector<16xf32>
        %add3A_518 = arith.constant 23 : i32
        %add3A_519 = vector.broadcast %add3A_518 : i32 to vector<16xi32>
        %add3A_520 = arith.addi %get3A_95, %add3A_519 : vector<16xi32>
        %gather3A_521 = tpu.vector_load_idx %arg17[%add3A_92, %add3A_520] : memref<128x128xi32, #tpu.memory_space<vmem>>[vector<16xi32>, vector<16xi32>], vector<16xi32>,
        %add3A_522 = arith.constant 23 : i32
        %add3A_523 = vector.broadcast %add3A_522 : i32 to vector<16xi32>
        %add3A_524 = arith.addi %get3A_98, %add3A_523 : vector<16xi32>
        %gather3A_525 = tpu.vector_load_idx %arg19[%add3A_92, %add3A_524] : memref<128x128xi32, #tpu.memory_space<vmem>>[vector<16xi32>, vector<16xi32>], vector<16xi32>,
        %bitcast3A_526 = vector.bitcast %gather3A_521 : vector<16xi32> to vector<32xbf16>
        %unpack3A_527 = tpu.unpack_subelements %bitcast3A_526, 0 {pack_format = #tpu.pack_format<interleaved>} : vector<32xbf16> -> vector<16xf32>
        %unpack3A_528 = tpu.unpack_subelements %bitcast3A_526, 1 {pack_format = #tpu.pack_format<interleaved>} : vector<32xbf16> -> vector<16xf32>
        %bitcast3A_529 = vector.bitcast %gather3A_525 : vector<16xi32> to vector<32xbf16>
        %unpack3A_530 = tpu.unpack_subelements %bitcast3A_529, 0 {pack_format = #tpu.pack_format<interleaved>} : vector<32xbf16> -> vector<16xf32>
        %unpack3A_531 = tpu.unpack_subelements %bitcast3A_529, 1 {pack_format = #tpu.pack_format<interleaved>} : vector<32xbf16> -> vector<16xf32>
        %mul3A_532 = arith.mulf %unpack3A_527, %unpack3A_530 : vector<16xf32>
        %add3A_533 = arith.addf %add3A_517, %mul3A_532 : vector<16xf32>
        %mul3A_534 = arith.mulf %unpack3A_528, %unpack3A_531 : vector<16xf32>
        %add3A_535 = arith.addf %add3A_533, %mul3A_534 : vector<16xf32>
        %add3A_536 = arith.constant 24 : i32
        %add3A_537 = vector.broadcast %add3A_536 : i32 to vector<16xi32>
        %add3A_538 = arith.addi %get3A_95, %add3A_537 : vector<16xi32>
        %gather3A_539 = tpu.vector_load_idx %arg17[%add3A_92, %add3A_538] : memref<128x128xi32, #tpu.memory_space<vmem>>[vector<16xi32>, vector<16xi32>], vector<16xi32>,
        %add3A_540 = arith.constant 24 : i32
        %add3A_541 = vector.broadcast %add3A_540 : i32 to vector<16xi32>
        %add3A_542 = arith.addi %get3A_98, %add3A_541 : vector<16xi32>
        %gather3A_543 = tpu.vector_load_idx %arg19[%add3A_92, %add3A_542] : memref<128x128xi32, #tpu.memory_space<vmem>>[vector<16xi32>, vector<16xi32>], vector<16xi32>,
        %bitcast3A_544 = vector.bitcast %gather3A_539 : vector<16xi32> to vector<32xbf16>
        %unpack3A_545 = tpu.unpack_subelements %bitcast3A_544, 0 {pack_format = #tpu.pack_format<interleaved>} : vector<32xbf16> -> vector<16xf32>
        %unpack3A_546 = tpu.unpack_subelements %bitcast3A_544, 1 {pack_format = #tpu.pack_format<interleaved>} : vector<32xbf16> -> vector<16xf32>
        %bitcast3A_547 = vector.bitcast %gather3A_543 : vector<16xi32> to vector<32xbf16>
        %unpack3A_548 = tpu.unpack_subelements %bitcast3A_547, 0 {pack_format = #tpu.pack_format<interleaved>} : vector<32xbf16> -> vector<16xf32>
        %unpack3A_549 = tpu.unpack_subelements %bitcast3A_547, 1 {pack_format = #tpu.pack_format<interleaved>} : vector<32xbf16> -> vector<16xf32>
        %mul3A_550 = arith.mulf %unpack3A_545, %unpack3A_548 : vector<16xf32>
        %add3A_551 = arith.addf %add3A_535, %mul3A_550 : vector<16xf32>
        %mul3A_552 = arith.mulf %unpack3A_546, %unpack3A_549 : vector<16xf32>
        %add3A_553 = arith.addf %add3A_551, %mul3A_552 : vector<16xf32>
        %add3A_554 = arith.constant 25 : i32
        %add3A_555 = vector.broadcast %add3A_554 : i32 to vector<16xi32>
        %add3A_556 = arith.addi %get3A_95, %add3A_555 : vector<16xi32>
        %gather3A_557 = tpu.vector_load_idx %arg17[%add3A_92, %add3A_556] : memref<128x128xi32, #tpu.memory_space<vmem>>[vector<16xi32>, vector<16xi32>], vector<16xi32>,
        %add3A_558 = arith.constant 25 : i32
        %add3A_559 = vector.broadcast %add3A_558 : i32 to vector<16xi32>
        %add3A_560 = arith.addi %get3A_98, %add3A_559 : vector<16xi32>
        %gather3A_561 = tpu.vector_load_idx %arg19[%add3A_92, %add3A_560] : memref<128x128xi32, #tpu.memory_space<vmem>>[vector<16xi32>, vector<16xi32>], vector<16xi32>,
        %bitcast3A_562 = vector.bitcast %gather3A_557 : vector<16xi32> to vector<32xbf16>
        %unpack3A_563 = tpu.unpack_subelements %bitcast3A_562, 0 {pack_format = #tpu.pack_format<interleaved>} : vector<32xbf16> -> vector<16xf32>
        %unpack3A_564 = tpu.unpack_subelements %bitcast3A_562, 1 {pack_format = #tpu.pack_format<interleaved>} : vector<32xbf16> -> vector<16xf32>
        %bitcast3A_565 = vector.bitcast %gather3A_561 : vector<16xi32> to vector<32xbf16>
        %unpack3A_566 = tpu.unpack_subelements %bitcast3A_565, 0 {pack_format = #tpu.pack_format<interleaved>} : vector<32xbf16> -> vector<16xf32>
        %unpack3A_567 = tpu.unpack_subelements %bitcast3A_565, 1 {pack_format = #tpu.pack_format<interleaved>} : vector<32xbf16> -> vector<16xf32>
        %mul3A_568 = arith.mulf %unpack3A_563, %unpack3A_566 : vector<16xf32>
        %add3A_569 = arith.addf %add3A_553, %mul3A_568 : vector<16xf32>
        %mul3A_570 = arith.mulf %unpack3A_564, %unpack3A_567 : vector<16xf32>
        %add3A_571 = arith.addf %add3A_569, %mul3A_570 : vector<16xf32>
        %add3A_572 = arith.constant 26 : i32
        %add3A_573 = vector.broadcast %add3A_572 : i32 to vector<16xi32>
        %add3A_574 = arith.addi %get3A_95, %add3A_573 : vector<16xi32>
        %gather3A_575 = tpu.vector_load_idx %arg17[%add3A_92, %add3A_574] : memref<128x128xi32, #tpu.memory_space<vmem>>[vector<16xi32>, vector<16xi32>], vector<16xi32>,
        %add3A_576 = arith.constant 26 : i32
        %add3A_577 = vector.broadcast %add3A_576 : i32 to vector<16xi32>
        %add3A_578 = arith.addi %get3A_98, %add3A_577 : vector<16xi32>
        %gather3A_579 = tpu.vector_load_idx %arg19[%add3A_92, %add3A_578] : memref<128x128xi32, #tpu.memory_space<vmem>>[vector<16xi32>, vector<16xi32>], vector<16xi32>,
        %bitcast3A_580 = vector.bitcast %gather3A_575 : vector<16xi32> to vector<32xbf16>
        %unpack3A_581 = tpu.unpack_subelements %bitcast3A_580, 0 {pack_format = #tpu.pack_format<interleaved>} : vector<32xbf16> -> vector<16xf32>
        %unpack3A_582 = tpu.unpack_subelements %bitcast3A_580, 1 {pack_format = #tpu.pack_format<interleaved>} : vector<32xbf16> -> vector<16xf32>
        %bitcast3A_583 = vector.bitcast %gather3A_579 : vector<16xi32> to vector<32xbf16>
        %unpack3A_584 = tpu.unpack_subelements %bitcast3A_583, 0 {pack_format = #tpu.pack_format<interleaved>} : vector<32xbf16> -> vector<16xf32>
        %unpack3A_585 = tpu.unpack_subelements %bitcast3A_583, 1 {pack_format = #tpu.pack_format<interleaved>} : vector<32xbf16> -> vector<16xf32>
        %mul3A_586 = arith.mulf %unpack3A_581, %unpack3A_584 : vector<16xf32>
        %add3A_587 = arith.addf %add3A_571, %mul3A_586 : vector<16xf32>
        %mul3A_588 = arith.mulf %unpack3A_582, %unpack3A_585 : vector<16xf32>
        %add3A_589 = arith.addf %add3A_587, %mul3A_588 : vector<16xf32>
        %add3A_590 = arith.constant 27 : i32
        %add3A_591 = vector.broadcast %add3A_590 : i32 to vector<16xi32>
        %add3A_592 = arith.addi %get3A_95, %add3A_591 : vector<16xi32>
        %gather3A_593 = tpu.vector_load_idx %arg17[%add3A_92, %add3A_592] : memref<128x128xi32, #tpu.memory_space<vmem>>[vector<16xi32>, vector<16xi32>], vector<16xi32>,
        %add3A_594 = arith.constant 27 : i32
        %add3A_595 = vector.broadcast %add3A_594 : i32 to vector<16xi32>
        %add3A_596 = arith.addi %get3A_98, %add3A_595 : vector<16xi32>
        %gather3A_597 = tpu.vector_load_idx %arg19[%add3A_92, %add3A_596] : memref<128x128xi32, #tpu.memory_space<vmem>>[vector<16xi32>, vector<16xi32>], vector<16xi32>,
        %bitcast3A_598 = vector.bitcast %gather3A_593 : vector<16xi32> to vector<32xbf16>
        %unpack3A_599 = tpu.unpack_subelements %bitcast3A_598, 0 {pack_format = #tpu.pack_format<interleaved>} : vector<32xbf16> -> vector<16xf32>
        %unpack3A_600 = tpu.unpack_subelements %bitcast3A_598, 1 {pack_format = #tpu.pack_format<interleaved>} : vector<32xbf16> -> vector<16xf32>
        %bitcast3A_601 = vector.bitcast %gather3A_597 : vector<16xi32> to vector<32xbf16>
        %unpack3A_602 = tpu.unpack_subelements %bitcast3A_601, 0 {pack_format = #tpu.pack_format<interleaved>} : vector<32xbf16> -> vector<16xf32>
        %unpack3A_603 = tpu.unpack_subelements %bitcast3A_601, 1 {pack_format = #tpu.pack_format<interleaved>} : vector<32xbf16> -> vector<16xf32>
        %mul3A_604 = arith.mulf %unpack3A_599, %unpack3A_602 : vector<16xf32>
        %add3A_605 = arith.addf %add3A_589, %mul3A_604 : vector<16xf32>
        %mul3A_606 = arith.mulf %unpack3A_600, %unpack3A_603 : vector<16xf32>
        %add3A_607 = arith.addf %add3A_605, %mul3A_606 : vector<16xf32>
        %add3A_608 = arith.constant 28 : i32
        %add3A_609 = vector.broadcast %add3A_608 : i32 to vector<16xi32>
        %add3A_610 = arith.addi %get3A_95, %add3A_609 : vector<16xi32>
        %gather3A_611 = tpu.vector_load_idx %arg17[%add3A_92, %add3A_610] : memref<128x128xi32, #tpu.memory_space<vmem>>[vector<16xi32>, vector<16xi32>], vector<16xi32>,
        %add3A_612 = arith.constant 28 : i32
        %add3A_613 = vector.broadcast %add3A_612 : i32 to vector<16xi32>
        %add3A_614 = arith.addi %get3A_98, %add3A_613 : vector<16xi32>
        %gather3A_615 = tpu.vector_load_idx %arg19[%add3A_92, %add3A_614] : memref<128x128xi32, #tpu.memory_space<vmem>>[vector<16xi32>, vector<16xi32>], vector<16xi32>,
        %bitcast3A_616 = vector.bitcast %gather3A_611 : vector<16xi32> to vector<32xbf16>
        %unpack3A_617 = tpu.unpack_subelements %bitcast3A_616, 0 {pack_format = #tpu.pack_format<interleaved>} : vector<32xbf16> -> vector<16xf32>
        %unpack3A_618 = tpu.unpack_subelements %bitcast3A_616, 1 {pack_format = #tpu.pack_format<interleaved>} : vector<32xbf16> -> vector<16xf32>
        %bitcast3A_619 = vector.bitcast %gather3A_615 : vector<16xi32> to vector<32xbf16>
        %unpack3A_620 = tpu.unpack_subelements %bitcast3A_619, 0 {pack_format = #tpu.pack_format<interleaved>} : vector<32xbf16> -> vector<16xf32>
        %unpack3A_621 = tpu.unpack_subelements %bitcast3A_619, 1 {pack_format = #tpu.pack_format<interleaved>} : vector<32xbf16> -> vector<16xf32>
        %mul3A_622 = arith.mulf %unpack3A_617, %unpack3A_620 : vector<16xf32>
        %add3A_623 = arith.addf %add3A_607, %mul3A_622 : vector<16xf32>
        %mul3A_624 = arith.mulf %unpack3A_618, %unpack3A_621 : vector<16xf32>
        %add3A_625 = arith.addf %add3A_623, %mul3A_624 : vector<16xf32>
        %add3A_626 = arith.constant 29 : i32
        %add3A_627 = vector.broadcast %add3A_626 : i32 to vector<16xi32>
        %add3A_628 = arith.addi %get3A_95, %add3A_627 : vector<16xi32>
        %gather3A_629 = tpu.vector_load_idx %arg17[%add3A_92, %add3A_628] : memref<128x128xi32, #tpu.memory_space<vmem>>[vector<16xi32>, vector<16xi32>], vector<16xi32>,
        %add3A_630 = arith.constant 29 : i32
        %add3A_631 = vector.broadcast %add3A_630 : i32 to vector<16xi32>
        %add3A_632 = arith.addi %get3A_98, %add3A_631 : vector<16xi32>
        %gather3A_633 = tpu.vector_load_idx %arg19[%add3A_92, %add3A_632] : memref<128x128xi32, #tpu.memory_space<vmem>>[vector<16xi32>, vector<16xi32>], vector<16xi32>,
        %bitcast3A_634 = vector.bitcast %gather3A_629 : vector<16xi32> to vector<32xbf16>
        %unpack3A_635 = tpu.unpack_subelements %bitcast3A_634, 0 {pack_format = #tpu.pack_format<interleaved>} : vector<32xbf16> -> vector<16xf32>
        %unpack3A_636 = tpu.unpack_subelements %bitcast3A_634, 1 {pack_format = #tpu.pack_format<interleaved>} : vector<32xbf16> -> vector<16xf32>
        %bitcast3A_637 = vector.bitcast %gather3A_633 : vector<16xi32> to vector<32xbf16>
        %unpack3A_638 = tpu.unpack_subelements %bitcast3A_637, 0 {pack_format = #tpu.pack_format<interleaved>} : vector<32xbf16> -> vector<16xf32>
        %unpack3A_639 = tpu.unpack_subelements %bitcast3A_637, 1 {pack_format = #tpu.pack_format<interleaved>} : vector<32xbf16> -> vector<16xf32>
        %mul3A_640 = arith.mulf %unpack3A_635, %unpack3A_638 : vector<16xf32>
        %add3A_641 = arith.addf %add3A_625, %mul3A_640 : vector<16xf32>
        %mul3A_642 = arith.mulf %unpack3A_636, %unpack3A_639 : vector<16xf32>
        %add3A_643 = arith.addf %add3A_641, %mul3A_642 : vector<16xf32>
        %add3A_644 = arith.constant 30 : i32
        %add3A_645 = vector.broadcast %add3A_644 : i32 to vector<16xi32>
        %add3A_646 = arith.addi %get3A_95, %add3A_645 : vector<16xi32>
        %gather3A_647 = tpu.vector_load_idx %arg17[%add3A_92, %add3A_646] : memref<128x128xi32, #tpu.memory_space<vmem>>[vector<16xi32>, vector<16xi32>], vector<16xi32>,
        %add3A_648 = arith.constant 30 : i32
        %add3A_649 = vector.broadcast %add3A_648 : i32 to vector<16xi32>
        %add3A_650 = arith.addi %get3A_98, %add3A_649 : vector<16xi32>
        %gather3A_651 = tpu.vector_load_idx %arg19[%add3A_92, %add3A_650] : memref<128x128xi32, #tpu.memory_space<vmem>>[vector<16xi32>, vector<16xi32>], vector<16xi32>,
        %bitcast3A_652 = vector.bitcast %gather3A_647 : vector<16xi32> to vector<32xbf16>
        %unpack3A_653 = tpu.unpack_subelements %bitcast3A_652, 0 {pack_format = #tpu.pack_format<interleaved>} : vector<32xbf16> -> vector<16xf32>
        %unpack3A_654 = tpu.unpack_subelements %bitcast3A_652, 1 {pack_format = #tpu.pack_format<interleaved>} : vector<32xbf16> -> vector<16xf32>
        %bitcast3A_655 = vector.bitcast %gather3A_651 : vector<16xi32> to vector<32xbf16>
        %unpack3A_656 = tpu.unpack_subelements %bitcast3A_655, 0 {pack_format = #tpu.pack_format<interleaved>} : vector<32xbf16> -> vector<16xf32>
        %unpack3A_657 = tpu.unpack_subelements %bitcast3A_655, 1 {pack_format = #tpu.pack_format<interleaved>} : vector<32xbf16> -> vector<16xf32>
        %mul3A_658 = arith.mulf %unpack3A_653, %unpack3A_656 : vector<16xf32>
        %add3A_659 = arith.addf %add3A_643, %mul3A_658 : vector<16xf32>
        %mul3A_660 = arith.mulf %unpack3A_654, %unpack3A_657 : vector<16xf32>
        %add3A_661 = arith.addf %add3A_659, %mul3A_660 : vector<16xf32>
        %add3A_662 = arith.constant 31 : i32
        %add3A_663 = vector.broadcast %add3A_662 : i32 to vector<16xi32>
        %add3A_664 = arith.addi %get3A_95, %add3A_663 : vector<16xi32>
        %gather3A_665 = tpu.vector_load_idx %arg17[%add3A_92, %add3A_664] : memref<128x128xi32, #tpu.memory_space<vmem>>[vector<16xi32>, vector<16xi32>], vector<16xi32>,
        %add3A_666 = arith.constant 31 : i32
        %add3A_667 = vector.broadcast %add3A_666 : i32 to vector<16xi32>
        %add3A_668 = arith.addi %get3A_98, %add3A_667 : vector<16xi32>
        %gather3A_669 = tpu.vector_load_idx %arg19[%add3A_92, %add3A_668] : memref<128x128xi32, #tpu.memory_space<vmem>>[vector<16xi32>, vector<16xi32>], vector<16xi32>,
        %bitcast3A_670 = vector.bitcast %gather3A_665 : vector<16xi32> to vector<32xbf16>
        %unpack3A_671 = tpu.unpack_subelements %bitcast3A_670, 0 {pack_format = #tpu.pack_format<interleaved>} : vector<32xbf16> -> vector<16xf32>
        %unpack3A_672 = tpu.unpack_subelements %bitcast3A_670, 1 {pack_format = #tpu.pack_format<interleaved>} : vector<32xbf16> -> vector<16xf32>
        %bitcast3A_673 = vector.bitcast %gather3A_669 : vector<16xi32> to vector<32xbf16>
        %unpack3A_674 = tpu.unpack_subelements %bitcast3A_673, 0 {pack_format = #tpu.pack_format<interleaved>} : vector<32xbf16> -> vector<16xf32>
        %unpack3A_675 = tpu.unpack_subelements %bitcast3A_673, 1 {pack_format = #tpu.pack_format<interleaved>} : vector<32xbf16> -> vector<16xf32>
        %mul3A_676 = arith.mulf %unpack3A_671, %unpack3A_674 : vector<16xf32>
        %add3A_677 = arith.addf %add3A_661, %mul3A_676 : vector<16xf32>
        %mul3A_678 = arith.mulf %unpack3A_672, %unpack3A_675 : vector<16xf32>
        %add3A_679 = arith.addf %add3A_677, %mul3A_678 : vector<16xf32>
        %add3A_680 = arith.addi %mul3A_80, %add3A_90 : i32
        %swap3A = arith.index_cast %add3A_680 : i32 to index
        %swap3A_681 = tpu.vector_load %arg23[%swap3A] {strides = array<i32>} : memref<512xf32, #tpu.memory_space<vmem>>, vector<16xf32>,
        tpu.vector_store %arg23[%swap3A], %add3A_679 {strides = array<i32>} : memref<512xf32, #tpu.memory_space<vmem>>, vector<16xf32>,
      }
      %scan3A_85 = arith.constant 8 : i32
    }
    %scan3A_28 = arith.constant 2 : i32
    "tpu.region"() ({
      %run_scoped3A = tpu.sem_alloc : memref<!tpu.dma_semaphore, #tpu.memory_space<semaphore_mem>>
      %dma_start3A_29 = tpu.memref_slice %arg9[%mul3A_2] : memref<16384xf32, #tpu.memory_space<hbm>> -> memref<512xf32, #tpu.memory_space<hbm>>
      %dma_start3A_30 = tpu.memref_slice %arg9[%mul3A_2] : memref<16384xf32, #tpu.memory_space<hbm>> -> memref<512xf32, #tpu.memory_space<hbm>>
      tpu.enqueue_dma source(%arg23 : memref<512xf32, #tpu.memory_space<vmem>>) target(%dma_start3A_30 : memref<512xf32, #tpu.memory_space<hbm>>) target_semaphore(%run_scoped3A : memref<!tpu.dma_semaphore, #tpu.memory_space<semaphore_mem>>)
      %dma_wait3A_31 = tpu.memref_slice %arg9[%mul3A_2] : memref<16384xf32, #tpu.memory_space<hbm>> -> memref<512xf32, #tpu.memory_space<hbm>>
      %dma_wait3A_32 = tpu.memref_slice %arg9[%mul3A_2] : memref<16384xf32, #tpu.memory_space<hbm>> -> memref<512xf32, #tpu.memory_space<hbm>>
      tpu.wait_dma2 semaphore(%run_scoped3A : memref<!tpu.dma_semaphore, #tpu.memory_space<semaphore_mem>>) src(%arg23 : memref<512xf32, #tpu.memory_space<vmem>>) dst(%dma_wait3A_32 : memref<512xf32, #tpu.memory_space<hbm>>)
      tpu.yield
    }) : () -> ()
    return
  }
}

module attributes {stable_mosaic.version = 14 : i64} {
  func.func @body(%arg0: i32, %arg1: memref<64x8192xf32, #tpu.memory_space<vmem>>, %arg2: memref<64x8192xf32, #tpu.memory_space<vmem>>, %arg3: memref<64x8192xf32, #tpu.memory_space<vmem>>, %arg4: memref<64x8192xf32, #tpu.memory_space<vmem>>, %arg5: memref<8192x128xi32, #tpu.memory_space<vmem>>) attributes {dimension_semantics = [#tpu.dimension_semantics<arbitrary>], iteration_bounds = array<i64: 31>, scalar_prefetch = 0 : i64, scratch_operands = 0 : i64, tpu.core_type = #tpu.core_type<tc>, window_params = [{transform_indices = @transform_0, window_bounds = array<i64: 64, 8192>}, {transform_indices = @transform_1, window_bounds = array<i64: 64, 8192>}, {transform_indices = @transform_2, window_bounds = array<i64: 64, 8192>}, {transform_indices = @transform_3, window_bounds = array<i64: 64, 8192>}, {transform_indices = @transform_4, window_bounds = array<i64: 8192, 128>}]} {
    %get3A = arith.constant 0 : index
    %get3A_0 = arith.constant 0 : index
    %get3A_1 = vector.load %arg1[%get3A, %get3A_0] : memref<64x8192xf32, #tpu.memory_space<vmem>>, vector<64x8192xf32>
    %convert_element_type3A = arith.truncf %get3A_1 : vector<64x8192xf32> to vector<64x8192xbf16>
    %bitcast_convert_type3A = tpu.bitcast %convert_element_type3A : vector<64x8192xbf16> -> vector<64x8192xi16>
    %slice3A = vector.extract_strided_slice %bitcast_convert_type3A {offsets = [0, 0], sizes = [32, 8192], strides = [1, 1]} : vector<64x8192xi16> to vector<32x8192xi16>
    %convert_element_type3A_2 = arith.extui %slice3A : vector<32x8192xi16> to vector<32x8192xi32>
    %slice3A_3 = vector.extract_strided_slice %bitcast_convert_type3A {offsets = [32, 0], sizes = [32, 8192], strides = [1, 1]} : vector<64x8192xi16> to vector<32x8192xi16>
    %convert_element_type3A_4 = arith.extui %slice3A_3 : vector<32x8192xi16> to vector<32x8192xi32>
    %shift_left3A = arith.constant 16 : i32
    %shift_left3A_5 = vector.broadcast %shift_left3A : i32 to vector<32x8192xi32>
    %shift_left3A_6 = arith.shli %convert_element_type3A_4, %shift_left3A_5 : vector<32x8192xi32>
    %or3A = arith.ori %shift_left3A_6, %convert_element_type3A_2 : vector<32x8192xi32>
    %get3A_7 = arith.constant 0 : index
    %get3A_8 = arith.constant 0 : index
    %get3A_9 = vector.load %arg2[%get3A_7, %get3A_8] : memref<64x8192xf32, #tpu.memory_space<vmem>>, vector<64x8192xf32>
    %convert_element_type3A_10 = arith.truncf %get3A_9 : vector<64x8192xf32> to vector<64x8192xbf16>
    %bitcast_convert_type3A_11 = tpu.bitcast %convert_element_type3A_10 : vector<64x8192xbf16> -> vector<64x8192xi16>
    %slice3A_12 = vector.extract_strided_slice %bitcast_convert_type3A_11 {offsets = [0, 0], sizes = [32, 8192], strides = [1, 1]} : vector<64x8192xi16> to vector<32x8192xi16>
    %convert_element_type3A_13 = arith.extui %slice3A_12 : vector<32x8192xi16> to vector<32x8192xi32>
    %slice3A_14 = vector.extract_strided_slice %bitcast_convert_type3A_11 {offsets = [32, 0], sizes = [32, 8192], strides = [1, 1]} : vector<64x8192xi16> to vector<32x8192xi16>
    %convert_element_type3A_15 = arith.extui %slice3A_14 : vector<32x8192xi16> to vector<32x8192xi32>
    %shift_left3A_16 = arith.constant 16 : i32
    %shift_left3A_17 = vector.broadcast %shift_left3A_16 : i32 to vector<32x8192xi32>
    %shift_left3A_18 = arith.shli %convert_element_type3A_15, %shift_left3A_17 : vector<32x8192xi32>
    %or3A_19 = arith.ori %shift_left3A_18, %convert_element_type3A_13 : vector<32x8192xi32>
    %get3A_20 = arith.constant 0 : index
    %get3A_21 = arith.constant 0 : index
    %get3A_22 = vector.load %arg3[%get3A_20, %get3A_21] : memref<64x8192xf32, #tpu.memory_space<vmem>>, vector<64x8192xf32>
    %convert_element_type3A_23 = arith.truncf %get3A_22 : vector<64x8192xf32> to vector<64x8192xbf16>
    %bitcast_convert_type3A_24 = tpu.bitcast %convert_element_type3A_23 : vector<64x8192xbf16> -> vector<64x8192xi16>
    %slice3A_25 = vector.extract_strided_slice %bitcast_convert_type3A_24 {offsets = [0, 0], sizes = [32, 8192], strides = [1, 1]} : vector<64x8192xi16> to vector<32x8192xi16>
    %convert_element_type3A_26 = arith.extui %slice3A_25 : vector<32x8192xi16> to vector<32x8192xi32>
    %slice3A_27 = vector.extract_strided_slice %bitcast_convert_type3A_24 {offsets = [32, 0], sizes = [32, 8192], strides = [1, 1]} : vector<64x8192xi16> to vector<32x8192xi16>
    %convert_element_type3A_28 = arith.extui %slice3A_27 : vector<32x8192xi16> to vector<32x8192xi32>
    %shift_left3A_29 = arith.constant 16 : i32
    %shift_left3A_30 = vector.broadcast %shift_left3A_29 : i32 to vector<32x8192xi32>
    %shift_left3A_31 = arith.shli %convert_element_type3A_28, %shift_left3A_30 : vector<32x8192xi32>
    %or3A_32 = arith.ori %shift_left3A_31, %convert_element_type3A_26 : vector<32x8192xi32>
    %get3A_33 = arith.constant 0 : index
    %get3A_34 = arith.constant 0 : index
    %get3A_35 = vector.load %arg4[%get3A_33, %get3A_34] : memref<64x8192xf32, #tpu.memory_space<vmem>>, vector<64x8192xf32>
    %convert_element_type3A_36 = arith.truncf %get3A_35 : vector<64x8192xf32> to vector<64x8192xbf16>
    %bitcast_convert_type3A_37 = tpu.bitcast %convert_element_type3A_36 : vector<64x8192xbf16> -> vector<64x8192xi16>
    %slice3A_38 = vector.extract_strided_slice %bitcast_convert_type3A_37 {offsets = [0, 0], sizes = [32, 8192], strides = [1, 1]} : vector<64x8192xi16> to vector<32x8192xi16>
    %convert_element_type3A_39 = arith.extui %slice3A_38 : vector<32x8192xi16> to vector<32x8192xi32>
    %slice3A_40 = vector.extract_strided_slice %bitcast_convert_type3A_37 {offsets = [32, 0], sizes = [32, 8192], strides = [1, 1]} : vector<64x8192xi16> to vector<32x8192xi16>
    %convert_element_type3A_41 = arith.extui %slice3A_40 : vector<32x8192xi16> to vector<32x8192xi32>
    %shift_left3A_42 = arith.constant 16 : i32
    %shift_left3A_43 = vector.broadcast %shift_left3A_42 : i32 to vector<32x8192xi32>
    %shift_left3A_44 = arith.shli %convert_element_type3A_41, %shift_left3A_43 : vector<32x8192xi32>
    %or3A_45 = arith.ori %shift_left3A_44, %convert_element_type3A_39 : vector<32x8192xi32>
    %concatenate3A = tpu.concatenate %or3A, %or3A_19, %or3A_32, %or3A_45 in 0 : vector<32x8192xi32>, vector<32x8192xi32>, vector<32x8192xi32>, vector<32x8192xi32> -> vector<128x8192xi32>
    %bitcast_convert_type3A_46 = tpu.bitcast %concatenate3A : vector<128x8192xi32> -> vector<128x8192xi32>
    %transpose3A = tpu.transpose %bitcast_convert_type3A_46, [1, 0] : vector<128x8192xi32> -> vector<8192x128xi32>
    %swap3A = arith.constant 0 : index
    %swap3A_47 = arith.constant 0 : index
    %swap3A_48 = vector.load %arg5[%swap3A, %swap3A_47] : memref<8192x128xi32, #tpu.memory_space<vmem>>, vector<8192x128xi32>
    tpu.vector_store %arg5[%swap3A, %swap3A_47], %transpose3A {strides = array<i32>} : memref<8192x128xi32, #tpu.memory_space<vmem>>, vector<8192x128xi32>,
    return
  }
  func.func @transform_0(%arg0: i32) -> (i32, i32) {
    %mul3A = arith.constant 4 : i32
    %mul3A_0 = arith.muli %mul3A, %arg0 : i32
    %add3A = arith.constant 0 : i32
    %add3A_1 = arith.addi %mul3A_0, %add3A : i32
    %min3A = arith.constant 122 : i32
    %min3A_2 = arith.minsi %add3A_1, %min3A : i32
    %c0_i32 = arith.constant 0 : i32
    %c0_i32_3 = arith.constant 0 : i32
    return %c0_i32, %min3A_2 : i32, i32
  }
  func.func @transform_1(%arg0: i32) -> (i32, i32) {
    %mul3A = arith.constant 4 : i32
    %mul3A_0 = arith.muli %mul3A, %arg0 : i32
    %add3A = arith.constant 1 : i32
    %add3A_1 = arith.addi %mul3A_0, %add3A : i32
    %min3A = arith.constant 122 : i32
    %min3A_2 = arith.minsi %add3A_1, %min3A : i32
    %c0_i32 = arith.constant 0 : i32
    %c0_i32_3 = arith.constant 0 : i32
    return %c0_i32, %min3A_2 : i32, i32
  }
  func.func @transform_2(%arg0: i32) -> (i32, i32) {
    %mul3A = arith.constant 4 : i32
    %mul3A_0 = arith.muli %mul3A, %arg0 : i32
    %add3A = arith.constant 2 : i32
    %add3A_1 = arith.addi %mul3A_0, %add3A : i32
    %min3A = arith.constant 122 : i32
    %min3A_2 = arith.minsi %add3A_1, %min3A : i32
    %c0_i32 = arith.constant 0 : i32
    %c0_i32_3 = arith.constant 0 : i32
    return %c0_i32, %min3A_2 : i32, i32
  }
  func.func @transform_3(%arg0: i32) -> (i32, i32) {
    %mul3A = arith.constant 4 : i32
    %mul3A_0 = arith.muli %mul3A, %arg0 : i32
    %add3A = arith.constant 3 : i32
    %add3A_1 = arith.addi %mul3A_0, %add3A : i32
    %min3A = arith.constant 122 : i32
    %min3A_2 = arith.minsi %add3A_1, %min3A : i32
    %c0_i32 = arith.constant 0 : i32
    %c0_i32_3 = arith.constant 0 : i32
    return %c0_i32, %min3A_2 : i32, i32
  }
  func.func @transform_4(%arg0: i32) -> (i32, i32) {
    %c0_i32 = arith.constant 0 : i32
    %c0_i32_0 = arith.constant 0 : i32
    return %arg0, %c0_i32 : i32, i32
  }
}

module attributes {stable_mosaic.version = 14 : i64} {
  func.func @body(%arg0: i32, %arg1: memref<64x8192xf32, #tpu.memory_space<vmem>>, %arg2: memref<64x8192xf32, #tpu.memory_space<vmem>>, %arg3: memref<64x8192xf32, #tpu.memory_space<vmem>>, %arg4: memref<64x8192xf32, #tpu.memory_space<vmem>>, %arg5: memref<8192x128xi32, #tpu.memory_space<vmem>>) attributes {dimension_semantics = [#tpu.dimension_semantics<arbitrary>], iteration_bounds = array<i64: 4>, scalar_prefetch = 0 : i64, scratch_operands = 0 : i64, tpu.core_type = #tpu.core_type<tc>, window_params = [{transform_indices = @transform_0, window_bounds = array<i64: 64, 8192>}, {transform_indices = @transform_1, window_bounds = array<i64: 64, 8192>}, {transform_indices = @transform_2, window_bounds = array<i64: 64, 8192>}, {transform_indices = @transform_3, window_bounds = array<i64: 64, 8192>}, {transform_indices = @transform_4, window_bounds = array<i64: 8192, 128>}]} {
    %get3A = arith.constant 0 : index
    %get3A_0 = arith.constant 0 : index
    %get3A_1 = vector.load %arg1[%get3A, %get3A_0] : memref<64x8192xf32, #tpu.memory_space<vmem>>, vector<64x8192xf32>
    %convert_element_type3A = arith.truncf %get3A_1 : vector<64x8192xf32> to vector<64x8192xbf16>
    %bitcast_convert_type3A = tpu.bitcast %convert_element_type3A : vector<64x8192xbf16> -> vector<64x8192xi16>
    %slice3A = vector.extract_strided_slice %bitcast_convert_type3A {offsets = [0, 0], sizes = [32, 8192], strides = [1, 1]} : vector<64x8192xi16> to vector<32x8192xi16>
    %convert_element_type3A_2 = arith.extui %slice3A : vector<32x8192xi16> to vector<32x8192xi32>
    %slice3A_3 = vector.extract_strided_slice %bitcast_convert_type3A {offsets = [32, 0], sizes = [32, 8192], strides = [1, 1]} : vector<64x8192xi16> to vector<32x8192xi16>
    %convert_element_type3A_4 = arith.extui %slice3A_3 : vector<32x8192xi16> to vector<32x8192xi32>
    %shift_left3A = arith.constant 16 : i32
    %shift_left3A_5 = vector.broadcast %shift_left3A : i32 to vector<32x8192xi32>
    %shift_left3A_6 = arith.shli %convert_element_type3A_4, %shift_left3A_5 : vector<32x8192xi32>
    %or3A = arith.ori %shift_left3A_6, %convert_element_type3A_2 : vector<32x8192xi32>
    %get3A_7 = arith.constant 0 : index
    %get3A_8 = arith.constant 0 : index
    %get3A_9 = vector.load %arg2[%get3A_7, %get3A_8] : memref<64x8192xf32, #tpu.memory_space<vmem>>, vector<64x8192xf32>
    %convert_element_type3A_10 = arith.truncf %get3A_9 : vector<64x8192xf32> to vector<64x8192xbf16>
    %bitcast_convert_type3A_11 = tpu.bitcast %convert_element_type3A_10 : vector<64x8192xbf16> -> vector<64x8192xi16>
    %slice3A_12 = vector.extract_strided_slice %bitcast_convert_type3A_11 {offsets = [0, 0], sizes = [32, 8192], strides = [1, 1]} : vector<64x8192xi16> to vector<32x8192xi16>
    %convert_element_type3A_13 = arith.extui %slice3A_12 : vector<32x8192xi16> to vector<32x8192xi32>
    %slice3A_14 = vector.extract_strided_slice %bitcast_convert_type3A_11 {offsets = [32, 0], sizes = [32, 8192], strides = [1, 1]} : vector<64x8192xi16> to vector<32x8192xi16>
    %convert_element_type3A_15 = arith.extui %slice3A_14 : vector<32x8192xi16> to vector<32x8192xi32>
    %shift_left3A_16 = arith.constant 16 : i32
    %shift_left3A_17 = vector.broadcast %shift_left3A_16 : i32 to vector<32x8192xi32>
    %shift_left3A_18 = arith.shli %convert_element_type3A_15, %shift_left3A_17 : vector<32x8192xi32>
    %or3A_19 = arith.ori %shift_left3A_18, %convert_element_type3A_13 : vector<32x8192xi32>
    %get3A_20 = arith.constant 0 : index
    %get3A_21 = arith.constant 0 : index
    %get3A_22 = vector.load %arg3[%get3A_20, %get3A_21] : memref<64x8192xf32, #tpu.memory_space<vmem>>, vector<64x8192xf32>
    %convert_element_type3A_23 = arith.truncf %get3A_22 : vector<64x8192xf32> to vector<64x8192xbf16>
    %bitcast_convert_type3A_24 = tpu.bitcast %convert_element_type3A_23 : vector<64x8192xbf16> -> vector<64x8192xi16>
    %slice3A_25 = vector.extract_strided_slice %bitcast_convert_type3A_24 {offsets = [0, 0], sizes = [32, 8192], strides = [1, 1]} : vector<64x8192xi16> to vector<32x8192xi16>
    %convert_element_type3A_26 = arith.extui %slice3A_25 : vector<32x8192xi16> to vector<32x8192xi32>
    %slice3A_27 = vector.extract_strided_slice %bitcast_convert_type3A_24 {offsets = [32, 0], sizes = [32, 8192], strides = [1, 1]} : vector<64x8192xi16> to vector<32x8192xi16>
    %convert_element_type3A_28 = arith.extui %slice3A_27 : vector<32x8192xi16> to vector<32x8192xi32>
    %shift_left3A_29 = arith.constant 16 : i32
    %shift_left3A_30 = vector.broadcast %shift_left3A_29 : i32 to vector<32x8192xi32>
    %shift_left3A_31 = arith.shli %convert_element_type3A_28, %shift_left3A_30 : vector<32x8192xi32>
    %or3A_32 = arith.ori %shift_left3A_31, %convert_element_type3A_26 : vector<32x8192xi32>
    %get3A_33 = arith.constant 0 : index
    %get3A_34 = arith.constant 0 : index
    %get3A_35 = vector.load %arg4[%get3A_33, %get3A_34] : memref<64x8192xf32, #tpu.memory_space<vmem>>, vector<64x8192xf32>
    %convert_element_type3A_36 = arith.truncf %get3A_35 : vector<64x8192xf32> to vector<64x8192xbf16>
    %bitcast_convert_type3A_37 = tpu.bitcast %convert_element_type3A_36 : vector<64x8192xbf16> -> vector<64x8192xi16>
    %slice3A_38 = vector.extract_strided_slice %bitcast_convert_type3A_37 {offsets = [0, 0], sizes = [32, 8192], strides = [1, 1]} : vector<64x8192xi16> to vector<32x8192xi16>
    %convert_element_type3A_39 = arith.extui %slice3A_38 : vector<32x8192xi16> to vector<32x8192xi32>
    %slice3A_40 = vector.extract_strided_slice %bitcast_convert_type3A_37 {offsets = [32, 0], sizes = [32, 8192], strides = [1, 1]} : vector<64x8192xi16> to vector<32x8192xi16>
    %convert_element_type3A_41 = arith.extui %slice3A_40 : vector<32x8192xi16> to vector<32x8192xi32>
    %shift_left3A_42 = arith.constant 16 : i32
    %shift_left3A_43 = vector.broadcast %shift_left3A_42 : i32 to vector<32x8192xi32>
    %shift_left3A_44 = arith.shli %convert_element_type3A_41, %shift_left3A_43 : vector<32x8192xi32>
    %or3A_45 = arith.ori %shift_left3A_44, %convert_element_type3A_39 : vector<32x8192xi32>
    %concatenate3A = tpu.concatenate %or3A, %or3A_19, %or3A_32, %or3A_45 in 0 : vector<32x8192xi32>, vector<32x8192xi32>, vector<32x8192xi32>, vector<32x8192xi32> -> vector<128x8192xi32>
    %bitcast_convert_type3A_46 = tpu.bitcast %concatenate3A : vector<128x8192xi32> -> vector<128x8192xi32>
    %transpose3A = tpu.transpose %bitcast_convert_type3A_46, [1, 0] : vector<128x8192xi32> -> vector<8192x128xi32>
    %swap3A = arith.constant 0 : index
    %swap3A_47 = arith.constant 0 : index
    %swap3A_48 = vector.load %arg5[%swap3A, %swap3A_47] : memref<8192x128xi32, #tpu.memory_space<vmem>>, vector<8192x128xi32>
    tpu.vector_store %arg5[%swap3A, %swap3A_47], %transpose3A {strides = array<i32>} : memref<8192x128xi32, #tpu.memory_space<vmem>>, vector<8192x128xi32>,
    return
  }
  func.func @transform_0(%arg0: i32) -> (i32, i32) {
    %mul3A = arith.constant 4 : i32
    %mul3A_0 = arith.muli %mul3A, %arg0 : i32
    %add3A = arith.constant 0 : i32
    %add3A_1 = arith.addi %mul3A_0, %add3A : i32
    %min3A = arith.constant 12 : i32
    %min3A_2 = arith.minsi %add3A_1, %min3A : i32
    %c0_i32 = arith.constant 0 : i32
    %c0_i32_3 = arith.constant 0 : i32
    return %c0_i32, %min3A_2 : i32, i32
  }
  func.func @transform_1(%arg0: i32) -> (i32, i32) {
    %mul3A = arith.constant 4 : i32
    %mul3A_0 = arith.muli %mul3A, %arg0 : i32
    %add3A = arith.constant 1 : i32
    %add3A_1 = arith.addi %mul3A_0, %add3A : i32
    %min3A = arith.constant 12 : i32
    %min3A_2 = arith.minsi %add3A_1, %min3A : i32
    %c0_i32 = arith.constant 0 : i32
    %c0_i32_3 = arith.constant 0 : i32
    return %c0_i32, %min3A_2 : i32, i32
  }
  func.func @transform_2(%arg0: i32) -> (i32, i32) {
    %mul3A = arith.constant 4 : i32
    %mul3A_0 = arith.muli %mul3A, %arg0 : i32
    %add3A = arith.constant 2 : i32
    %add3A_1 = arith.addi %mul3A_0, %add3A : i32
    %min3A = arith.constant 12 : i32
    %min3A_2 = arith.minsi %add3A_1, %min3A : i32
    %c0_i32 = arith.constant 0 : i32
    %c0_i32_3 = arith.constant 0 : i32
    return %c0_i32, %min3A_2 : i32, i32
  }
  func.func @transform_3(%arg0: i32) -> (i32, i32) {
    %mul3A = arith.constant 4 : i32
    %mul3A_0 = arith.muli %mul3A, %arg0 : i32
    %add3A = arith.constant 3 : i32
    %add3A_1 = arith.addi %mul3A_0, %add3A : i32
    %min3A = arith.constant 12 : i32
    %min3A_2 = arith.minsi %add3A_1, %min3A : i32
    %c0_i32 = arith.constant 0 : i32
    %c0_i32_3 = arith.constant 0 : i32
    return %c0_i32, %min3A_2 : i32, i32
  }
  func.func @transform_4(%arg0: i32) -> (i32, i32) {
    %c0_i32 = arith.constant 0 : i32
    %c0_i32_0 = arith.constant 0 : i32
    return %arg0, %c0_i32 : i32, i32
  }
}

</mosaic_0001>

<sc_bundles>
// kernel: kernel.5.cloned.1.call-start
scs
__scs_entry_jumppad:
0x0: {  	(pc) =	sbr.rel $0x88, $3  }
0x1: {  	(tag) =	ssettag $0x0;
	lr =	simm.s32 $0x1  }
0x2: {  	[smem:$0x3F9A] =	sst lr;
	_ =	strace $0xD0000000  }
0x3: {  	_ = 	snop  }
0x4: {  	_ = 	snop  }
0x5: {  	_ = 	snop  }
0x6: {  	_ = 	snop  }
0x7: {  	_ = 	snop  }
__scs_overlays_trampoline_lowered:
0x8: {  	[smem:$0x3FA9] =	sst s0  }
0x9: {  	[smem:$0x3FAA] =	sst s1  }
0xa: {  	[smem:$0x3FAB] =	sst s2  }
0xb: {  	[smem:$0x3FAC] =	sst s3  }
0xc: {  	[smem:$0x3FAD] =	sst s4  }
0xd: {  	[smem:$0x3FAE] =	sst s5  }
0xe: {  	[smem:$0x3FAF] =	sst s6  }
0xf: {  	[smem:$0x3FB0] =	sst s7  }
0x10: {  	[smem:$0x3FB1] =	sst s8  }
0x11: {  	[smem:$0x3FB2] =	sst s9;
	s0 =	simm.s32 @!p0 $0x0  }
0x12: {  	s1 =	sld [smem:$0x3F98];
	s0 =	simm.s32 @p0 $0x1  }
0x13: {  	[smem:$0x3FB3] =	sst s0;
	s0 =	simm.s32 @!p1 $0x0  }
0x14: {  	s2 =	sld [smem:$0x3F97];
	s0 =	simm.s32 @p1 $0x1  }
0x15: {  	[smem:$0x3FB4] =	sst s0;
	s0 =	simm.s32 @!p2 $0x0  }
0x16: {  	s3 =	sld [smem:$0x3FDB];
	s0 =	simm.s32 @p2 $0x1  }
0x17: {  	s4 =	simm.s32 $0x1BF5;
	[smem:$0x3FB6] =	sst s0  }
0x18: {  	s0 =	sld [smem:$0x3F99];
	_ =	swait.ge [sflag:s4], $0x0  }
0x19: {  	s7 =	sld [smem:$0x3F9A]  }
0x1a: {  	s8 =	sadd.s32 $0xFFFFE003, lr  }
0x1b: {  	s9 =	sadd.s32 $0xFFFFFEF7, lr;
	s5 =	simm.s32 $0xFFFFFFFF;
	p2 =	slt.u32 s8, $0xFFFFF086  }
0x1c: {  	p1 =	slt.u32 s9, $0xF7A;
	s5 =	simm.s32 @!p2 $0x0  }
0x1d: {  	s5 =	simm.s32 @p1 $0x1;
	p0 =	seq.s32 s7, s2  }
0x1e: {  	s7 =	smul.u32 @!p0 $0xF7A, s2;
	p2 =	seq.s32 @!p0 s5, $0x0  }
0x1f: {  	s9 =	smul.u32 $0xF7A, s1;
	s8 =	simm.s32 @!p0 $0x1BF5;
	p2 =	por !p2, p0  }
0x20: {  	[sflag:s8] =	ssyncset.s32 @!p0 $0xFFFFF086;
	s6 =	sadd.s32 @!p0 s3, s7;
	s7 =	simm.s32 @!p0 $0x108  }
0x21: {  	s3 =	sadd.s32 s3, s9;
	s6 =	sadd.s32 @!p0 $0x88, s6;
	s7 =	simm.s32 @p2 $0x1082  }
0x22: {  	[simem:s7], [sflag:s8] =	dma.local @!p0 [hbm:s6], $0xF7A  }
0x23: {  	s9 =	sor.u32 $0xD0000000, s2;
	s6 =	simm.s32 $0x108;
	_ =	swait.ge @!p0 [sflag:s8], $0x0  }
0x24: {  	s3 =	sadd.s32 $0x88, s3;
	s6 =	simm.s32 @!p1 $0x1082;
	[sflag:s4] =	ssyncset.s32 $0xFFFFF086  }
0x25: {  	[simem:s6], [sflag:s4] =	dma.local [hbm:s3], $0xF7A  }
0x26: {  	[smem:$0x3F9A] =	sst s1;
	(tag) =	ssettag s2;
	_ =	strace s9  }
0x27: {  	s1 =	sld [smem:$0x3FAA]  }
0x28: {  	s2 =	sld [smem:$0x3FAB]  }
0x29: {  	s4 =	sld [smem:$0x3FAD]  }
0x2a: {  	p0 =	seq.s32 s5, $0x0;
	s5 =	sld [smem:$0x3FAE]  }
0x2b: {  	s6 =	sld [smem:$0x3FAF]  }
0x2c: {  	s7 =	sld [smem:$0x3FB0]  }
0x2d: {  	s3 =	simm.s32 $0x108;
	s8 =	sld [smem:$0x3FB1]  }
0x2e: {  	s3 =	simm.s32 @!p0 $0x1082;
	s9 =	sld [smem:$0x3FB2]  }
0x2f: {  	lr =	sadd.s32 s0, s3;
	s0 =	sld [smem:$0x3FA9]  }
0x30: {  	s3 =	sld [smem:$0x3FAC]  }
0x31: {  	[smem:$0x3FB5] =	sst s10  }
0x32: {  	s10 =	sld [smem:$0x3FB3];
	_ =	sdelay $0x3  }
0x33: {  	p0 =	seq.s32 s10, $0x1;
	s10 =	sld [smem:$0x3FB5];
	_ =	sdelay $0x3  }
0x34: {  	[smem:$0x3FB5] =	sst s10  }
0x35: {  	s10 =	sld [smem:$0x3FB4];
	_ =	sdelay $0x3  }
0x36: {  	p1 =	seq.s32 s10, $0x1;
	s10 =	sld [smem:$0x3FB5];
	_ =	sdelay $0x3  }
0x37: {  	[smem:$0x3FB5] =	sst s10  }
0x38: {  	s10 =	sld [smem:$0x3FB6]  }
0x39: {  	_ = 	snop;
	(pc) =	sbr.ind lr, $3  }
0x3a: {  	_ = 	snop  }
0x3b: {  	_ = 	snop  }
0x3c: {  	p2 =	seq.s32 s10, $0x1;
	s10 =	sld [smem:$0x3FB5]  }
0x3d: {  	_ =	shalt  }
0x3e: {  	_ =	shalt  }
0x3f: {  	_ =	shalt  }
0x40: {  	_ =	shalt  }
0x41: {  	_ =	shalt  }
0x42: {  	_ =	shalt  }
0x43: {  	_ =	shalt  }
0x44: {  	_ =	shalt  }
0x45: {  	_ =	shalt  }
0x46: {  	_ =	shalt  }
0x47: {  	_ =	shalt  }
0x48: {  	_ =	shalt  }
0x49: {  	_ =	shalt  }
0x4a: {  	_ =	shalt  }
0x4b: {  	_ =	shalt  }
0x4c: {  	_ =	shalt  }
0x4d: {  	_ =	shalt  }
0x4e: {  	_ =	shalt  }
0x4f: {  	_ =	shalt  }
0x50: {  	_ =	shalt  }
0x51: {  	_ =	shalt  }
0x52: {  	_ =	shalt  }
0x53: {  	_ =	shalt  }
0x54: {  	_ =	shalt  }
0x55: {  	_ =	shalt  }
0x56: {  	_ =	shalt  }
0x57: {  	_ =	shalt  }
0x58: {  	_ =	shalt  }
0x59: {  	_ =	shalt  }
0x5a: {  	_ =	shalt  }
0x5b: {  	_ =	shalt  }
0x5c: {  	_ =	shalt  }
0x5d: {  	_ =	shalt  }
0x5e: {  	_ =	shalt  }
0x5f: {  	_ =	shalt  }
0x60: {  	_ =	shalt  }
0x61: {  	_ =	shalt  }
0x62: {  	_ =	shalt  }
0x63: {  	_ =	shalt  }
0x64: {  	_ =	shalt  }
0x65: {  	_ =	shalt  }
0x66: {  	_ =	shalt  }
0x67: {  	_ =	shalt  }
0x68: {  	_ =	shalt  }
0x69: {  	_ =	shalt  }
0x6a: {  	_ =	shalt  }
0x6b: {  	_ =	shalt  }
0x6c: {  	_ =	shalt  }
0x6d: {  	_ =	shalt  }
0x6e: {  	_ =	shalt  }
0x6f: {  	_ =	shalt  }
0x70: {  	_ =	shalt  }
0x71: {  	_ =	shalt  }
0x72: {  	_ =	shalt  }
0x73: {  	_ =	shalt  }
0x74: {  	_ =	shalt  }
0x75: {  	_ =	shalt  }
0x76: {  	_ =	shalt  }
0x77: {  	_ =	shalt  }
0x78: {  	_ =	shalt  }
0x79: {  	_ =	shalt  }
0x7a: {  	_ =	shalt  }
0x7b: {  	_ =	shalt  }
0x7c: {  	_ =	shalt  }
0x7d: {  	_ =	shalt  }
0x7e: {  	_ =	shalt  }
0x7f: {  	_ =	shalt  }
0x80: {  	_ =	shalt  }
0x81: {  	_ =	shalt  }
0x82: {  	_ =	shalt  }
0x83: {  	_ =	shalt  }
0x84: {  	_ =	shalt  }
0x85: {  	_ =	shalt  }
0x86: {  	_ =	shalt  }
0x87: {  	_ =	shalt  }
.Lfunc_end0:
.L_simem_size_0:
called_computation_lowered:
.L_overlay_start_0:
0x88: {  	s2 =	sld [smem:$0x3FD9]  }
0x89: {  	s3 =	sld [smem:$0x3FFE];
	_ =	sdelay $0x1  }
0x8a: {  	s1 =	srdreg.scid  }
0x8b: {  	s0 =	sand.u32 $0x1, s1  }
0x8c: {  	s17 =	sshll.u32 s0, $0xA;
	s2 =	sadd.s32 s3, s2  }
0x8d: {  	s2 =	sadd.s32 s2, s17  }
0x8e: {  	[smem:$0x3FC1] =	sst s2  }
0x8f: {  	_ = 	snop  }
0x90: {  	s2 =	sld [smem:$0x3FC9]  }
0x91: {  	s18 =	sld [smem:$0x3FC8]  }
0x92: {  	s4 =	sld [smem:$0x3FD0];
	(tm) =	ssettm $0x1  }
0x93: {  	s5 =	sld [smem:$0x3FFB];
	_ =	sdelay $0x3  }
0x94: {  	_ =	strace s5  }
0x95: {  	s5 =	sld [smem:$0x3FFC];
	_ =	sdelay $0x3  }
0x96: {  	_ =	strace s5  }
0x97: {  	s5 =	sld [smem:$0x3FFD];
	_ =	sdelay $0x3  }
0x98: {  	_ =	strace s5  }
0x99: {  	_ =	strace $0x8FFFFFFF  }
0x9a: {  	s19 =	sld [smem:$0x3FDB];
	_ =	sdelay $0x1  }
0x9b: {  	s6 =	simm.s32 $_scs_section_size  }
0x9c: {  	s7 =	simm.s32 $_size__tile_overlayer_lowered;
	s8 =	simm.s32 $_tile_overlayer_lowered  }
0x9d: {  	s22 =	simm.s32 $0x1BFF;
	s21 =	sshll.u32 s8, $0x1;
	s5 =	sadd.s32 s6, s19  }
0x9e: {  	s9 =	simm.s32 $0x0;
	s20 =	sshll.u32 s7, $0x1;
	s7 =	sadd.s32 s21, s5  }
0x9f: {  	[timem:s9], [sflag:s22] =	dma.local [hbm:s7], s20  }
0xa0: {  	_ =	swait.ge [sflag:s22], s20  }
0xa1: {  	s6 =	ssub.s32 $0x0, s20;
	[sflag:s22] =	ssyncset.done $0x0  }
0xa2: {  	[sflag:s22] =	ssyncadd.s32 s6;
	_ =	sdelay $0x1  }
0xa3: {  	s23 =	simm.s32 $0x1B8B  }
0xa4: {  	_ =	swait.ge [sflag:s23], $0x1  }
0xa5: {  	[sflag:s23] =	ssyncset.done $0x0  }
0xa6: {  	s25 =	simm.s32 $0x1B8E;
	s24 =	sld [smem:$0x3FFE];
	[sflag:s23] =	ssyncadd.s32 $0xFFFFFFFF  }
0xa7: {  	s26 =	simm.s32 $execute0_lowered;
	[smem:$0x3FD2] =	sst s25  }
0xa8: {  	s7 =	sshll.u32 s26, $0x1;
	_ =	strace $0x80000046;
	[dreg:$0x1] =	wrdreg $0xFFFFFFFF  }
0xa9: {  	s28 =	simm.s32 $_size_execute0_lowered;
	s5 =	sadd.s32 s5, s7;
	[dreg:$0x0] =	wrdreg $0x0  }
0xaa: {  	s7 =	sshll.u32 s28, $0x1;
	[dreg:$0x2] =	wrdreg s5  }
0xab: {  	[dreg:$0x3] =	wrdreg s7  }
0xac: {  	[dreg:$0x4] =	wrdreg $0xC0  }
0xad: {  	_ =	task [dreg:s9], $0x5FFFF  }
0xae: {  	[dreg:$0x1] =	wrdreg $0xFFFFFFFF  }
0xaf: {  	[dreg:$0x0] =	wrdreg $0x60  }
0xb0: {  	[dreg:$0x2] =	wrdreg s2  }
0xb1: {  	[dreg:$0x3] =	wrdreg s18  }
0xb2: {  	[dreg:$0x4] =	wrdreg s24  }
0xb3: {  	[dreg:$0x5] =	wrdreg s4  }
0xb4: {  	[dreg:$0x6] =	wrdreg $0x9  }
0xb5: {  	_ =	task.clear_ibuf [dreg:s9], $0x7FFFF;
	_ =	strace $0x90000046  }
0xb6: {  	s29 =	simm.s32 $0x9;
	_ =	strace $0x80000048  }
0xb7: {  	_ =	swait.ge [sflag:s29], $0x1  }
0xb8: {  	[sflag:s29] =	ssyncadd.s32 $0xFFFFFFFF  }
0xb9: {  	_ =	strace $0x90000048  }
0xba: {  	_ =	sfence  }
0xbb: {  	s30 =	sld [smem:$0x0];
	_ =	sdelay $0x2  }
0xbc: {  	s31 =	sshll.u32 s1, $0xD;
	s1 =	sshrl.u32 s1, $0x2  }
0xbd: {  	s3 =	sand.u32 $0x4000, s31;
	s1 =	sadd.s32 s1, s30  }
0xbe: {  	s0 =	sor.u32 s3, s0;
	s1 =	sshll.u32 s1, $0x11  }
0xbf: {  	s0 =	sor.u32 s1, s0  }
0xc0: {  	s0 =	sadd.s32 $0x8F2B, s0  }
0xc1: {  	[sflag:s0] =	ssyncadd.remote.s32 $0x1  }
0xc2: {  	_ =	sfence.sel $0xFFFF  }
0xc3: {  	[dreg:$0x0] =	wrdreg $0xFFFFFFFF;
	(pc) =	sbr.abs _section_cstart, $3  }
0xc4: {  	[dreg:$0x1] =	wrdreg $0xFFFFFFFF  }
0xc5: {  	_ =	task.clear_ibuf [dreg:s9], $0x2FFFF;
	_ =	strace $0x9FFFFFFF  }
0xc6: {  	(tm) =	ssettm $0x7FFFFFFF  }
0xc7: {  	_ =	shalt  }
tec
execute0_lowered:
.L_overlay_start_1:
0x0: {  	(tag) =	ssettag $0x1  }
0x1: {  	s0 =	rddreg [dreg:$0x0]  }
0x2: {  	s1 =	rddreg [dreg:$0x1]  }
0x3: {  	s12 =	rddreg [dreg:$0x2]  }
0x4: {  	s3 =	rddreg [dreg:$0x3];
	s2 =	simm.s32 $0x0  }
0x5: {  	s6 =	srdreg.scid;
	s10 =	stileid.u32;
	s13 =	simm.s32 $0x200  }
0x6: {  	s17 =	simm.s32 $0x5;
	s18 =	simm.s32 $0x6;
	s19 =	simm.s32 $0x80  }
0x7: {  	s21 =	simm.s32 $0xC00;
	s23 =	simm.s32 $0x8C00;
	s24 =	simm.s32 $0x4C00  }
0x8: {  	s25 =	simm.s32 $0xCC00;
	s26 =	simm.s32 $0x1;
	s28 =	simm.s32 $0x3  }
0x9: {  	s29 =	simm.s32 $0x2;
	s30 =	simm.s32 $0x4;
	[smem:$0x7FF] =	sst s2  }
0xa: {  	s4 =	sadd.s32 $0xA1C00, s12;
	s5 =	sadd.s32 $0x21C00, s12;
	s7 =	sand.u32 $0x1, s6  }
0xb: {  	s6 =	sadd.s32 $0x3200, s12;
	s10 =	sshll.u32 s10, $0x7;
	_ =	strace $0x80000047  }
0xc: {  	v0 =	vlaneseq.u32;
	s8 =	ssub.s32 $0x2, s7;
	s11 =	sshll.u32 s7, $0x6;
	s7 =	sadd.s32 $0x481C00, s12  }
0xd: {  	v0 =	vmul.u32 $0x80, v0;
	s12 =	simm.s32 $0x7;
	s9 =	sshrl.u32 s8, $0x1;
	s10 =	sor.u32 s11, s10  }
0xe: {  	s31 =	ssub.s32 s8, s9;
	s8 =	sadd.s32 s0, s10;
	s9 =	sadd.s32 s1, s10  }
0xf: {  	[tilespmem:$0x1FFF0] =	vst v0;
	s10 =	sadd.s32 s3, s10;
	s0 =	simm.s32 $0x0;
	s11 =	smax.u32 s31, $0x1  }
.LBB2_1:
0x10: {  	[tilespmem:s2], [sflag:$0x7] =	stream.linear.gather [hbm4b:s8+s2], $0x200, $0x38;
	[tilespmem:$0x11210] =	vst v63  }
0x11: {  	_ =	swait.ge [sflag:s12], $0x200  }
0x12: {  	[sflag:s12] =	ssyncset.done $0x0  }
0x13: {  	[sflag:s12] =	ssyncadd.s32 $0xFFFFFE00  }
0x14: {  	[tilespmem:s13], [sflag:$0x7] =	stream.linear.gather [hbm4b:s9+s2], $0x200, $0x38;
	[tilespmem:$0x11210] =	vst v63  }
0x15: {  	_ =	swait.ge [sflag:s12], $0x200  }
0x16: {  	[sflag:s12] =	ssyncset.done $0x0  }
0x17: {  	s1 =	simm.s32 $0x11000;
	[sflag:s12] =	ssyncadd.s32 $0xFFFFFE00  }
0x18: {  	[tilespmem:s1], [sflag:$0x7] =	stream.linear.gather [hbm4b:s7+s2], $0x10, $0x38;
	[tilespmem:$0x11210] =	vst v63  }
0x19: {  	_ =	swait.ge [sflag:s12], $0x10  }
0x1a: {  	[sflag:s12] =	ssyncset.done $0x0  }
0x1b: {  	s22 =	simm.s32 $0x10C00;
	[sflag:s12] =	ssyncadd.s32 $0xFFFFFFF0  }
0x1c: {  	[tilespmem:s22], [sflag:$0x5] =	stream.indirect.gather [hbm4b:s6+s13], $0x1, s2, s13, $0xb8;
	[tilespmem:$0x11210] =	vst v63  }
0x1d: {  	s3 =	simm.s32 $0x10E00;
	s31 =	rddreg [dreg:$0x2]  }
0x1e: {  	[tilespmem:s3], [sflag:$0x6] =	stream.indirect.gather [hbm4b:s31+s13], $0x1, s13, s13, $0xb8;
	[tilespmem:$0x11210] =	vst v63  }
0x1f: {  	s3 =	simm.s32 $0x0  }
0x20: {  	v3 =	vld [tilespmem:s3+$0x200]  }
0x21: {  	v4 =	vld [tilespmem:s3+$0x0];
	_ =	sdelay $0x3  }
0x22: {  	s1 =	simm.s32 $0x10;
	v2 =	vshra.s32 v3, $0x2  }
0x23: {  	v1 =	vld [tilespmem:s1+$0x200];
	v5 =	vshra.s32 v4, $0x2;
	v8 =	vand.u32 $0x1FFF, v4;
	v4 =	vshrl.u32 v4, $0x8  }
0x24: {  	v7 =	vand.u32 $0x1FFF, v3;
	v6 =	vand.u32 $0xFFFFE000, v2;
	v2 =	vld [tilespmem:s1+$0x0];
	v4 =	vand.u32 $0x60, v4  }
0x25: {  	v5 =	vand.u32 $0xFFFFE000, v5;
	v6 =	vor.u32 v7, v6;
	[tilespmem:s3+$0x800] =	vst v4  }
0x26: {  	v3 =	vshrl.u32 v3, $0x8;
	v5 =	vor.u32 v8, v5;
	[tilespmem:s3+$0x600] =	vst v6  }
0x27: {  	s14 =	simm.s32 $0x80;
	v3 =	vand.u32 $0x60, v3;
	[tilespmem:s3+$0x400] =	vst v5  }
.LBB2_2:
0x28: {  	s15 =	sshra.s32 s14, $0x2;
	p0 =	sne.s32 s14, $0x7C0;
	s14 =	sadd.s32 $0x40, s14;
	v4 =	vshra.s32 v1, $0x2;
	v5 =	vshrl.u32 v1, $0x8;
	[tilespmem:s3+$0xA00] =	vst v3  }
.Ltmp0:
0x29: {  	v6 =	vand.u32 $0x1FFF, v1;
	s3 =	smov.u32 s1;
	v3 =	vshra.s32 v2, $0x2;
	v4 =	vand.u32 $0xFFFFE000, v4;
	v1 =	vld [tilespmem:s15+$0x200];
	v7 =	vmovc v2;
	s1 =	smov.u32 s15;
	(pc) =	sbr.rel @p0 .LBB2_2-.Ltmp0, $4  }
0x2a: {  	v2 =	vld [tilespmem:s1+$0x0];
	v3 =	vand.u32 $0xFFFFE000, v3;
	v8 =	vand.u32 $0x1FFF, v7;
	v4 =	vor.u32 v6, v4  }
0x2b: {  	v6 =	vor.u32 v8, v3;
	[tilespmem:s3+$0x600] =	vst v4;
	v4 =	vshrl.u32 v7, $0x8;
	v3 =	vand.u32 $0x60, v5  }
0x2c: {  	[tilespmem:s3+$0x400] =	vst v6;
	v4 =	vand.u32 $0x60, v4  }
0x2d: {  	[tilespmem:s3+$0x800] =	vst v4  }
0x2e: {  	v4 =	vshra.s32 v1, $0x2;
	v6 =	vand.u32 $0x1FFF, v1;
	v1 =	vshrl.u32 v1, $0x8  }
0x2f: {  	[tilespmem:s3+$0xA00] =	vst v3;
	v5 =	vshra.s32 v2, $0x2;
	v4 =	vand.u32 $0xFFFFE000, v4;
	v1 =	vand.u32 $0x60, v1  }
0x30: {  	v63 =	vand.u32 $0x1FFF, v2;
	v2 =	vshrl.u32 v2, $0x8;
	v4 =	vor.u32 v6, v4;
	[tilespmem:s1+$0xA00] =	vst v1  }
0x31: {  	v3 =	vand.u32 $0xFFFFE000, v5;
	v2 =	vand.u32 $0x60, v2;
	[tilespmem:s1+$0x600] =	vst v4  }
0x32: {  	v3 =	vor.u32 v63, v3;
	[tilespmem:s1+$0x800] =	vst v2  }
0x33: {  	[tilespmem:s1+$0x400] =	vst v3  }
0x34: {  	_ =	swait.ge [sflag:s17], $0x200  }
0x35: {  	[sflag:s17] =	ssyncset.done $0x0  }
0x36: {  	[sflag:s17] =	ssyncadd.s32 $0xFFFFFE00  }
0x37: {  	_ =	swait.ge [sflag:s18], $0x200  }
0x38: {  	[sflag:s18] =	ssyncset.done $0x0  }
0x39: {  	[sflag:s18] =	ssyncadd.s32 $0xFFFFFE00  }
0x3a: {  	v1 =	vld [tilespmem:$0x11000]  }
0x3b: {  	s22 =	simm.s32 $0x400  }
0x3c: {  	[tilespmem:s21], [sflag:$0x1] =	stream.indirect.gather [hbm4b:s4+s19], $0x80, s22, s19, $0xb8;
	[tilespmem:$0x11210] =	vst v63  }
0x3d: {  	s31 =	simm.s32 $0x600  }
0x3e: {  	[tilespmem:s23], [sflag:$0x3] =	stream.indirect.gather [hbm4b:s5+s19], $0x80, s31, s19, $0xb8;
	[tilespmem:$0x11210] =	vst v63  }
0x3f: {  	s3 =	simm.s32 $0x0;
	p1 =	por $0x1, $0x1;
	s1 =	simm.s32 $0x0;
	[tilespmem:$0x1FFE0] =	vst v1  }
.LBB2_4:
0x40: {  	s14 =	sadd.s32 $0x480, s1  }
0x41: {  	[tilespmem:s24], [sflag:$0x2] =	stream.indirect.gather [hbm4b:s4+s19], $0x80, s14, s19, $0xb8;
	[tilespmem:$0x11210] =	vst v63  }
0x42: {  	s20 =	sadd.s32 $0x680, s1  }
0x43: {  	[tilespmem:s25], [sflag:$0x4] =	stream.indirect.gather [hbm4b:s5+s19], $0x80, s20, s19, $0xb8;
	[tilespmem:$0x11210] =	vst v63  }
0x44: {  	_ =	swait.ge [sflag:s26], $0x4000  }
0x45: {  	[sflag:s26] =	ssyncset.done $0x0  }
0x46: {  	[sflag:s26] =	ssyncadd.s32 $0xFFFFC000  }
0x47: {  	s22 =	sshll.u32 s1, $0x2;
	_ =	swait.ge [sflag:s28], $0x4000  }
0x48: {  	s14 =	sshra.s32 s22, $0x2;
	[sflag:s28] =	ssyncset.done $0x0  }
0x49: {  	s16 =	sadd.s32 $0x10C00, s14;
	[sflag:s28] =	ssyncadd.s32 $0xFFFFC000  }
0x4a: {  	s20 =	sadd.s32 $0x10E00, s14;
	v2 =	vld [tilespmem:s16+$0x0]  }
0x4b: {  	s22 =	sadd.s32 $0x800, s14;
	v3 =	vld [tilespmem:s20+$0x0]  }
0x4c: {  	v4 =	vld [tilespmem:s22+$0x0];
	_ =	sdelay $0x2  }
0x4d: {  	v5 =	vmov s3  }
0x4e: {  	v3 =	vadd.f32 v3, v2;
	v2 =	vshll.u32 v5, $0x7  }
0x4f: {  	v5 =	vadd.s32 $0x1F, v4;
	v6 =	vadd.s32 $0x1B, v4;
	v7 =	vadd.s32 $0x1C, v4  }
0x50: {  	v8 =	vadd.s32 $0x1D, v4;
	v9 =	vadd.s32 $0x17, v4;
	v10 =	vadd.s32 $0x19, v4  }
0x51: {  	v11 =	vadd.s32 $0x1A, v4;
	v12 =	vadd.s32 $0x14, v4;
	v13 =	vadd.s32 $0x15, v4  }
0x52: {  	v14 =	vadd.s32 $0x16, v4;
	v15 =	vadd.s32 $0x11, v4;
	v16 =	vadd.s32 $0x12, v4  }
0x53: {  	v17 =	vadd.s32 $0x13, v4;
	v18 =	vadd.s32 $0xD, v4;
	v19 =	vadd.s32 $0xE, v4  }
0x54: {  	v20 =	vadd.s32 $0xF, v4;
	v21 =	vadd.s32 $0xA, v4;
	v22 =	vadd.s32 $0xB, v4  }
0x55: {  	v23 =	vadd.s32 $0xC, v4;
	v24 =	vadd.s32 $0x6, v4;
	v25 =	vadd.s32 $0x7, v4  }
0x56: {  	v26 =	vadd.s32 $0x9, v4;
	v27 =	vadd.s32 $0x3, v4;
	v28 =	vadd.s32 $0x4, v4  }
0x57: {  	v29 =	vadd.s32 $0x5, v4;
	v31 =	vand.u32 $0x7, v4;
	v32 =	vadd.s32 $0x1, v4  }
0x58: {  	v33 =	vadd.s32 $0x2, v4;
	v2 =	vor.u32 v0, v2;
	v34 =	vand.u32 $0xFFFFFFF8, v5  }
0x59: {  	v35 =	vand.u32 $0x7, v5;
	v36 =	vand.u32 $0x7, v8;
	v37 =	vand.u32 $0xFFFFFFF8, v7  }
0x5a: {  	v7 =	vand.u32 $0x7, v7;
	v8 =	vand.u32 $0xFFFFFFF8, v8;
	v38 =	vand.u32 $0x7, v11  }
0x5b: {  	v39 =	vand.u32 $0xFFFFFFF8, v6;
	v6 =	vand.u32 $0x7, v6;
	v40 =	vand.u32 $0xFFFFFFF8, v10  }
0x5c: {  	v10 =	vand.u32 $0x7, v10;
	v11 =	vand.u32 $0xFFFFFFF8, v11;
	v41 =	vand.u32 $0x7, v14  }
0x5d: {  	v42 =	vand.u32 $0xFFFFFFF8, v9;
	v43 =	vand.u32 $0x7, v9;
	v9 =	vand.u32 $0xFFFFFFF8, v13  }
0x5e: {  	v13 =	vand.u32 $0x7, v13;
	v14 =	vand.u32 $0xFFFFFFF8, v14;
	v44 =	vand.u32 $0x7, v17  }
0x5f: {  	v45 =	vand.u32 $0xFFFFFFF8, v12;
	v12 =	vand.u32 $0x7, v12;
	v46 =	vand.u32 $0xFFFFFFF8, v16  }
0x60: {  	v16 =	vand.u32 $0x7, v16;
	v17 =	vand.u32 $0xFFFFFFF8, v17;
	v47 =	vand.u32 $0x7, v20  }
0x61: {  	v48 =	vand.u32 $0xFFFFFFF8, v15;
	v15 =	vand.u32 $0x7, v15;
	v49 =	vand.u32 $0xFFFFFFF8, v19  }
0x62: {  	v50 =	vand.u32 $0x7, v19;
	v19 =	vand.u32 $0xFFFFFFF8, v20;
	v20 =	vand.u32 $0x7, v23  }
0x63: {  	v51 =	vand.u32 $0xFFFFFFF8, v18;
	v52 =	vand.u32 $0x7, v18;
	v18 =	vand.u32 $0xFFFFFFF8, v22  }
0x64: {  	v22 =	vand.u32 $0x7, v22;
	v23 =	vand.u32 $0xFFFFFFF8, v23;
	v53 =	vand.u32 $0x7, v26  }
0x65: {  	v54 =	vand.u32 $0xFFFFFFF8, v21;
	v21 =	vand.u32 $0x7, v21;
	v55 =	vand.u32 $0xFFFFFFF8, v25  }
0x66: {  	v25 =	vand.u32 $0x7, v25;
	v26 =	vand.u32 $0xFFFFFFF8, v26;
	v56 =	vand.u32 $0x7, v29  }
0x67: {  	v57 =	vand.u32 $0xFFFFFFF8, v24;
	v58 =	vand.u32 $0x7, v24;
	v24 =	vand.u32 $0xFFFFFFF8, v28  }
0x68: {  	v59 =	vand.u32 $0x7, v28;
	v28 =	vand.u32 $0xFFFFFFF8, v29;
	v60 =	vand.u32 $0x7, v33  }
0x69: {  	v29 =	vand.u32 $0xFFFFFFF8, v27;
	v27 =	vand.u32 $0x7, v27;
	v61 =	vand.u32 $0xFFFFFFF8, v32  }
0x6a: {  	v62 =	vand.u32 $0x7, v32;
	v32 =	vand.u32 $0xFFFFFFF8, v33;
	v30 =	vadd.f32 v3, v1  }
0x6b: {  	v3 =	vadd.s32 $0x1E, v4;
	v4 =	vand.u32 $0xFFFFFFF8, v4;
	v33 =	vadd.s32 v2, v34  }
0x6c: {  	v34 =	vadd.s32 v2, v39;
	v37 =	vadd.s32 v2, v37;
	v8 =	vadd.s32 v2, v8  }
0x6d: {  	v39 =	vadd.s32 v2, v42;
	v40 =	vadd.s32 v2, v40;
	v11 =	vadd.s32 v2, v11  }
0x6e: {  	v42 =	vadd.s32 v2, v45;
	v45 =	vadd.s32 v2, v9;
	v14 =	vadd.s32 v2, v14  }
0x6f: {  	v9 =	vadd.s32 v2, v46;
	v17 =	vadd.s32 v2, v17;
	v46 =	vadd.s32 v2, v19  }
0x70: {  	v19 =	vadd.s32 v2, v48;
	v48 =	vadd.s32 v2, v49;
	v23 =	vadd.s32 v2, v23  }
0x71: {  	v26 =	vadd.s32 v2, v26;
	v49 =	vadd.s32 v2, v28;
	v29 =	vadd.s32 v2, v29  }
0x72: {  	v24 =	vadd.s32 v2, v24;
	v5 =	vand.u32 $0xFFFFFFF8, v3;
	v3 =	vand.u32 $0x7, v3  }
0x73: {  	v4 =	vadd.s32 v2, v4;
	v6 =	vor.u32 v6, v34;
	v11 =	vor.u32 v38, v11  }
0x74: {  	v34 =	vadd.s32 v2, v55;
	v38 =	vadd.s32 v2, v54;
	v10 =	vor.u32 v10, v40  }
0x75: {  	v12 =	vor.u32 v12, v42;
	v40 =	vadd.s32 v2, v61;
	v61 =	vadd.s32 v2, v32  }
0x76: {  	s1 =	sadd.s32 $0xA00, s14;
	v17 =	vor.u32 v44, v17;
	v55 =	vor.u32 v16, v9;
	v8 =	vor.u32 v36, v8  }
0x77: {  	v23 =	vor.u32 v20, v23;
	v63 =	vor.u32 v31, v4;
	v4 =	vor.u32 v7, v37;
	v7 =	vld [tilespmem:s1+$0x0]  }
0x78: {  	v16 =	vor.u32 v41, v14;
	v20 =	vor.u32 v13, v45;
	v28 =	vor.u32 v50, v48;
	v9 =	vld.idx.msk [tilespmem:v11+s21+$0x0], $0xffff  }
0x79: {  	v32 =	vor.u32 v47, v46;
	v13 =	vor.u32 v53, v26;
	v26 =	vor.u32 v59, v24;
	v11 =	vld.idx.msk [tilespmem:v10+s21+$0x0], $0xffff  }
0x7a: {  	v37 =	vadd.s32 v2, v51;
	v51 =	vadd.s32 v2, v57;
	v57 =	vor.u32 v15, v19;
	v15 =	vld.idx.msk [tilespmem:v12+s21+$0x0], $0xffff  }
0x7b: {  	v44 =	vor.u32 v56, v49;
	v31 =	vadd.s32 v2, v18;
	v12 =	vor.u32 v21, v38;
	v21 =	vld.idx.msk [tilespmem:v17+s21+$0x0], $0xffff  }
0x7c: {  	v5 =	vadd.s32 v2, v5;
	v60 =	vor.u32 v60, v61;
	v10 =	vor.u32 v22, v31;
	v22 =	vld.idx.msk [tilespmem:v55+s21+$0x0], $0xffff  }
0x7d: {  	v19 =	vor.u32 v43, v39;
	v43 =	vor.u32 v25, v34;
	v25 =	vor.u32 v27, v29;
	v29 =	vld.idx.msk [tilespmem:v23+s21+$0x0], $0xffff  }
0x7e: {  	v27 =	vor.u32 v62, v40;
	v5 =	vor.u32 v3, v5;
	v3 =	vor.u32 v35, v33;
	v38 =	vld.idx.msk [tilespmem:v13+s21+$0x0], $0xffff  }
0x7f: {  	v18 =	vadd.s32 $0x18, v63;
	v41 =	vadd.s32 $0x8, v63;
	v47 =	vld.idx.msk [tilespmem:v26+s21+$0x0], $0xffff;
	v14 =	vand.u32 $0xFFFFFFF8, v7  }
0x80: {  	v33 =	vor.u32 v52, v37;
	v24 =	vld.idx.msk [tilespmem:v57+s21+$0x0], $0xffff;
	v17 =	vand.u32 $0x7, v7;
	v14 =	vadd.s32 v2, v14  }
0x81: {  	v45 =	vor.u32 v58, v51;
	v31 =	vadd.s32 $0x10, v63;
	v50 =	vld.idx.msk [tilespmem:v60+s21+$0x0], $0xffff;
	v17 =	vor.u32 v17, v14  }
0x82: {  	v62 =	vadd.s32 $0x2, v7;
	v60 =	vadd.s32 $0x3, v7;
	v34 =	vld.idx.msk [tilespmem:v10+s21+$0x0], $0xffff;
	v10 =	vadd.s32 $0x1, v7  }
0x83: {  	v57 =	vand.u32 $0xFFFFFFF8, v62;
	v58 =	vand.u32 $0x7, v62;
	v36 =	vld.idx.msk [tilespmem:v12+s21+$0x0], $0xffff;
	v12 =	vand.u32 $0xFFFFFFF8, v10  }
0x84: {  	v54 =	vld.idx.msk [tilespmem:v63+s21+$0x0], $0xffff;
	v59 =	vadd.s32 v2, v57;
	v13 =	vand.u32 $0x7, v10;
	v12 =	vadd.s32 v2, v12  }
0x85: {  	v48 =	vld.idx.msk [tilespmem:v25+s21+$0x0], $0xffff;
	v53 =	vand.u32 $0x7, v60;
	v52 =	vor.u32 v58, v59;
	v61 =	vor.u32 v13, v12  }
0x86: {  	v23 =	vunpack.i.l.bf16.f32 v15;
	v14 =	vunpack.i.l.bf16.f32 v11;
	v26 =	vunpack.i.l.bf16.f32 v22;
	v63 =	vld.idx.msk [tilespmem:v17+s23+$0x0], $0xffff  }
0x87: {  	v25 =	vunpack.i.l.bf16.f32 v21;
	v35 =	vunpack.i.l.bf16.f32 v29;
	v40 =	vunpack.i.l.bf16.f32 v38  }
0x88: {  	v51 =	vld.idx.msk [tilespmem:v27+s21+$0x0], $0xffff;
	v57 =	vunpack.i.l.bf16.f32 v47;
	v47 =	vunpack.i.u.bf16.f32 v47;
	v38 =	vunpack.i.u.bf16.f32 v38  }
0x89: {  	v29 =	vunpack.i.u.bf16.f32 v29;
	v22 =	vunpack.i.u.bf16.f32 v22;
	v21 =	vunpack.i.u.bf16.f32 v21  }
0x8a: {  	v15 =	vunpack.i.u.bf16.f32 v15;
	v42 =	vunpack.i.u.bf16.f32 v54;
	v46 =	vunpack.i.l.bf16.f32 v54;
	v54 =	vld.idx.msk [tilespmem:v61+s23+$0x0], $0xffff  }
0x8b: {  	v56 =	vunpack.i.l.bf16.f32 v48;
	v61 =	vand.u32 $0xFFFFFFF8, v60;
	v62 =	vunpack.i.l.bf16.f32 v63  }
0x8c: {  	v58 =	vunpack.i.l.bf16.f32 v50;
	v55 =	vadd.s32 v2, v61;
	v46 =	vmul.f32 v62, v46  }
0x8d: {  	v49 =	vunpack.i.u.bf16.f32 v63;
	v63 =	vunpack.i.l.bf16.f32 v51;
	v53 =	vor.u32 v53, v55  }
0x8e: {  	v52 =	vld.idx.msk [tilespmem:v52+s23+$0x0], $0xffff;
	v60 =	vadd.s32 $0x4, v7;
	v42 =	vmul.f32 v49, v42;
	v30 =	vadd.f32 v46, v30  }
0x8f: {  	v61 =	vand.u32 $0xFFFFFFF8, v60;
	v59 =	vand.u32 $0x7, v60;
	v62 =	vunpack.i.l.bf16.f32 v54  }
0x90: {  	v46 =	vadd.s32 v2, v61;
	v30 =	vadd.f32 v30, v42;
	v63 =	vmul.f32 v62, v63  }
0x91: {  	v60 =	vunpack.i.u.bf16.f32 v51;
	v46 =	vor.u32 v59, v46;
	v61 =	vunpack.i.u.bf16.f32 v54  }
0x92: {  	v62 =	vadd.s32 $0x5, v7;
	v53 =	vld.idx.msk [tilespmem:v53+s23+$0x0], $0xffff;
	v30 =	vadd.f32 v63, v30;
	v63 =	vmul.f32 v61, v60  }
0x93: {  	v59 =	vand.u32 $0xFFFFFFF8, v62;
	v54 =	vand.u32 $0x7, v62;
	v60 =	vunpack.i.l.bf16.f32 v52  }
0x94: {  	v49 =	vadd.s32 v2, v59;
	v61 =	vmul.f32 v60, v58;
	v30 =	vadd.f32 v30, v63  }
0x95: {  	v50 =	vunpack.i.u.bf16.f32 v50;
	v62 =	vunpack.i.u.bf16.f32 v52;
	v49 =	vor.u32 v54, v49  }
0x96: {  	v46 =	vld.idx.msk [tilespmem:v46+s23+$0x0], $0xffff;
	v58 =	vmul.f32 v62, v50;
	v63 =	vadd.s32 $0x6, v7;
	v30 =	vadd.f32 v61, v30  }
0x97: {  	v59 =	vand.u32 $0xFFFFFFF8, v63;
	v52 =	vand.u32 $0x7, v63;
	v60 =	vunpack.i.l.bf16.f32 v53  }
0x98: {  	v44 =	vld.idx.msk [tilespmem:v44+s21+$0x0], $0xffff;
	v50 =	vadd.s32 v2, v59;
	v61 =	vmul.f32 v60, v56;
	v30 =	vadd.f32 v30, v58  }
0x99: {  	v41 =	vld.idx.msk [tilespmem:v41+s21+$0x0], $0xffff;
	v48 =	vunpack.i.u.bf16.f32 v48;
	v62 =	vunpack.i.u.bf16.f32 v53;
	v50 =	vor.u32 v52, v50  }
0x9a: {  	v63 =	vadd.s32 $0x7, v7;
	v56 =	vmul.f32 v62, v48;
	v49 =	vld.idx.msk [tilespmem:v49+s23+$0x0], $0xffff;
	v30 =	vadd.f32 v61, v30  }
0x9b: {  	v52 =	vand.u32 $0x7, v63;
	v58 =	vand.u32 $0xFFFFFFF8, v63;
	v59 =	vunpack.i.l.bf16.f32 v46  }
0x9c: {  	v48 =	vadd.s32 v2, v58;
	v60 =	vmul.f32 v59, v57;
	v30 =	vadd.f32 v30, v56  }
0x9d: {  	v45 =	vld.idx.msk [tilespmem:v45+s21+$0x0], $0xffff;
	v37 =	vunpack.i.l.bf16.f32 v34;
	v46 =	vunpack.i.u.bf16.f32 v46;
	v48 =	vor.u32 v52, v48  }
0x9e: {  	v51 =	vunpack.i.l.bf16.f32 v41;
	v61 =	vmul.f32 v46, v47;
	v50 =	vld.idx.msk [tilespmem:v50+s23+$0x0], $0xffff;
	v30 =	vadd.f32 v60, v30  }
0x9f: {  	v53 =	vadd.s32 $0xA, v7;
	v62 =	vunpack.i.l.bf16.f32 v44;
	v63 =	vunpack.i.l.bf16.f32 v49  }
0xa0: {  	v44 =	vunpack.i.u.bf16.f32 v44;
	v57 =	vmul.f32 v63, v62;
	v30 =	vadd.f32 v30, v61  }
0xa1: {  	v43 =	vld.idx.msk [tilespmem:v43+s21+$0x0], $0xffff;
	v58 =	vadd.s32 $0x8, v17;
	v59 =	vadd.s32 $0x9, v7;
	v49 =	vunpack.i.u.bf16.f32 v49  }
0xa2: {  	v52 =	vand.u32 $0x7, v59;
	v60 =	vmul.f32 v49, v44;
	v48 =	vld.idx.msk [tilespmem:v48+s23+$0x0], $0xffff;
	v30 =	vadd.f32 v57, v30  }
0xa3: {  	v56 =	vunpack.i.l.bf16.f32 v45;
	v61 =	vand.u32 $0xFFFFFFF8, v59;
	v62 =	vunpack.i.l.bf16.f32 v50  }
0xa4: {  	v44 =	vadd.s32 v2, v61;
	v63 =	vmul.f32 v62, v56;
	v30 =	vadd.f32 v30, v60  }
0xa5: {  	v45 =	vunpack.i.u.bf16.f32 v45;
	v44 =	vor.u32 v52, v44;
	v52 =	vunpack.i.u.bf16.f32 v50  }
0xa6: {  	v55 =	vand.u32 $0xFFFFFFF8, v53;
	v47 =	vld.idx.msk [tilespmem:v58+s23+$0x0], $0xffff;
	v54 =	vmul.f32 v52, v45;
	v30 =	vadd.f32 v63, v30  }
0xa7: {  	v46 =	vunpack.i.l.bf16.f32 v43;
	v50 =	vand.u32 $0x7, v53;
	v56 =	vunpack.i.l.bf16.f32 v48  }
0xa8: {  	v45 =	vadd.s32 v2, v55;
	v57 =	vmul.f32 v56, v46;
	v30 =	vadd.f32 v30, v54  }
0xa9: {  	v43 =	vunpack.i.u.bf16.f32 v43;
	v45 =	vor.u32 v50, v45;
	v58 =	vunpack.i.u.bf16.f32 v48  }
0xaa: {  	v59 =	vadd.s32 $0xB, v7;
	v60 =	vmul.f32 v58, v43;
	v44 =	vld.idx.msk [tilespmem:v44+s23+$0x0], $0xffff;
	v30 =	vadd.f32 v57, v30  }
0xab: {  	v61 =	vand.u32 $0xFFFFFFF8, v59;
	v62 =	vunpack.i.l.bf16.f32 v47;
	v48 =	vand.u32 $0x7, v59  }
0xac: {  	v43 =	vadd.s32 v2, v61;
	v63 =	vmul.f32 v62, v51;
	v30 =	vadd.f32 v30, v60  }
0xad: {  	v41 =	vunpack.i.u.bf16.f32 v41;
	v49 =	vunpack.i.u.bf16.f32 v47;
	v43 =	vor.u32 v48, v43  }
0xae: {  	v50 =	vadd.s32 $0xC, v7;
	v41 =	vmul.f32 v49, v41;
	v45 =	vld.idx.msk [tilespmem:v45+s23+$0x0], $0xffff;
	v30 =	vadd.f32 v63, v30  }
0xaf: {  	v47 =	vand.u32 $0x7, v50;
	v51 =	vand.u32 $0xFFFFFFF8, v50;
	v52 =	vunpack.i.l.bf16.f32 v44  }
0xb0: {  	v42 =	vadd.s32 v2, v51;
	v40 =	vmul.f32 v52, v40;
	v30 =	vadd.f32 v30, v41  }
0xb1: {  	v39 =	vunpack.i.l.bf16.f32 v36;
	v53 =	vor.u32 v47, v42;
	v54 =	vunpack.i.u.bf16.f32 v44  }
0xb2: {  	v55 =	vadd.s32 $0xD, v7;
	v43 =	vld.idx.msk [tilespmem:v43+s23+$0x0], $0xffff;
	v38 =	vmul.f32 v54, v38;
	v30 =	vadd.f32 v40, v30  }
0xb3: {  	v56 =	vand.u32 $0xFFFFFFF8, v55;
	v44 =	vand.u32 $0x7, v55;
	v57 =	vunpack.i.l.bf16.f32 v45  }
0xb4: {  	v58 =	vmul.f32 v57, v39;
	v40 =	vadd.s32 v2, v56;
	v30 =	vadd.f32 v30, v38  }
0xb5: {  	v36 =	vunpack.i.u.bf16.f32 v36;
	v60 =	vunpack.i.u.bf16.f32 v45;
	v59 =	vor.u32 v44, v40  }
0xb6: {  	v61 =	vadd.s32 $0xE, v7;
	v36 =	vmul.f32 v60, v36;
	v41 =	vld.idx.msk [tilespmem:v53+s23+$0x0], $0xffff;
	v30 =	vadd.f32 v58, v30  }
0xb7: {  	v62 =	vand.u32 $0xFFFFFFF8, v61;
	v42 =	vand.u32 $0x7, v61;
	v63 =	vunpack.i.l.bf16.f32 v43  }
0xb8: {  	v32 =	vld.idx.msk [tilespmem:v32+s21+$0x0], $0xffff;
	v45 =	vmul.f32 v63, v37;
	v38 =	vadd.s32 v2, v62;
	v30 =	vadd.f32 v30, v36  }
0xb9: {  	v33 =	vld.idx.msk [tilespmem:v33+s21+$0x0], $0xffff;
	v34 =	vunpack.i.u.bf16.f32 v34;
	v47 =	vunpack.i.u.bf16.f32 v43;
	v46 =	vor.u32 v42, v38  }
0xba: {  	v48 =	vadd.s32 $0xF, v7;
	v34 =	vmul.f32 v47, v34;
	v39 =	vld.idx.msk [tilespmem:v59+s23+$0x0], $0xffff;
	v30 =	vadd.f32 v45, v30  }
0xbb: {  	v49 =	vand.u32 $0xFFFFFFF8, v48;
	v40 =	vand.u32 $0x7, v48;
	v50 =	vunpack.i.l.bf16.f32 v41  }
0xbc: {  	v51 =	vmul.f32 v50, v35;
	v36 =	vadd.s32 v2, v49;
	v30 =	vadd.f32 v30, v34  }
0xbd: {  	v28 =	vld.idx.msk [tilespmem:v28+s21+$0x0], $0xffff;
	v27 =	vunpack.i.l.bf16.f32 v24;
	v53 =	vunpack.i.u.bf16.f32 v41;
	v52 =	vor.u32 v40, v36  }
0xbe: {  	v55 =	vunpack.i.l.bf16.f32 v32;
	v29 =	vmul.f32 v53, v29;
	v37 =	vld.idx.msk [tilespmem:v46+s23+$0x0], $0xffff;
	v30 =	vadd.f32 v51, v30  }
0xbf: {  	v32 =	vunpack.i.u.bf16.f32 v32;
	v56 =	vunpack.i.l.bf16.f32 v33;
	v57 =	vunpack.i.l.bf16.f32 v39  }
0xc0: {  	v60 =	vadd.s32 $0x11, v7;
	v29 =	vadd.f32 v30, v29;
	v30 =	vmul.f32 v57, v56  }
0xc1: {  	v33 =	vunpack.i.u.bf16.f32 v33;
	v59 =	vadd.s32 $0x10, v17;
	v39 =	vunpack.i.u.bf16.f32 v39  }
0xc2: {  	v61 =	vand.u32 $0xFFFFFFF8, v60;
	v35 =	vld.idx.msk [tilespmem:v52+s23+$0x0], $0xffff;
	v29 =	vadd.f32 v30, v29;
	v30 =	vmul.f32 v39, v33  }
0xc3: {  	v58 =	vunpack.i.l.bf16.f32 v28;
	v40 =	vand.u32 $0x7, v60;
	v62 =	vunpack.i.l.bf16.f32 v37  }
0xc4: {  	v31 =	vld.idx.msk [tilespmem:v31+s21+$0x0], $0xffff;
	v33 =	vadd.s32 v2, v61;
	v29 =	vadd.f32 v29, v30;
	v30 =	vmul.f32 v62, v58  }
0xc5: {  	v28 =	vunpack.i.u.bf16.f32 v28;
	v37 =	vunpack.i.u.bf16.f32 v37;
	v33 =	vor.u32 v40, v33  }
0xc6: {  	v63 =	vadd.s32 $0x12, v7;
	v36 =	vld.idx.msk [tilespmem:v59+s23+$0x0], $0xffff;
	v28 =	vmul.f32 v37, v28;
	v29 =	vadd.f32 v30, v29  }
0xc7: {  	v39 =	vand.u32 $0x7, v63;
	v42 =	vunpack.i.l.bf16.f32 v35;
	v30 =	vand.u32 $0xFFFFFFF8, v63  }
0xc8: {  	v30 =	vadd.s32 v2, v30;
	v28 =	vadd.f32 v29, v28;
	v29 =	vmul.f32 v42, v55  }
0xc9: {  	v54 =	vunpack.i.l.bf16.f32 v31;
	v43 =	vunpack.i.u.bf16.f32 v35;
	v30 =	vor.u32 v39, v30  }
0xca: {  	v44 =	vadd.s32 $0x13, v7;
	v33 =	vld.idx.msk [tilespmem:v33+s23+$0x0], $0xffff;
	v28 =	vadd.f32 v29, v28;
	v29 =	vmul.f32 v43, v32  }
0xcb: {  	v45 =	vand.u32 $0xFFFFFFF8, v44;
	v46 =	vunpack.i.l.bf16.f32 v36;
	v35 =	vand.u32 $0x7, v44  }
0xcc: {  	v32 =	vadd.s32 v2, v45;
	v28 =	vadd.f32 v28, v29;
	v29 =	vmul.f32 v46, v54  }
0xcd: {  	v31 =	vunpack.i.u.bf16.f32 v31;
	v47 =	vunpack.i.u.bf16.f32 v36;
	v32 =	vor.u32 v35, v32  }
0xce: {  	v48 =	vadd.s32 $0x14, v7;
	v30 =	vld.idx.msk [tilespmem:v30+s23+$0x0], $0xffff;
	v28 =	vadd.f32 v29, v28;
	v29 =	vmul.f32 v47, v31  }
0xcf: {  	v35 =	vand.u32 $0x7, v48;
	v49 =	vunpack.i.l.bf16.f32 v33;
	v31 =	vand.u32 $0xFFFFFFF8, v48  }
0xd0: {  	v27 =	vmul.f32 v49, v27;
	v31 =	vadd.s32 v2, v31;
	v28 =	vadd.f32 v28, v29  }
0xd1: {  	v24 =	vunpack.i.u.bf16.f32 v24;
	v29 =	vor.u32 v35, v31;
	v31 =	vunpack.i.u.bf16.f32 v33  }
0xd2: {  	v50 =	vadd.s32 $0x15, v7;
	v32 =	vld.idx.msk [tilespmem:v32+s23+$0x0], $0xffff;
	v24 =	vmul.f32 v31, v24;
	v27 =	vadd.f32 v27, v28  }
0xd3: {  	v33 =	vand.u32 $0x7, v50;
	v28 =	vand.u32 $0xFFFFFFF8, v50;
	v31 =	vunpack.i.l.bf16.f32 v30  }
0xd4: {  	v4 =	vld.idx.msk [tilespmem:v4+s21+$0x0], $0xffff;
	v28 =	vadd.s32 v2, v28;
	v26 =	vmul.f32 v31, v26;
	v24 =	vadd.f32 v27, v24  }
0xd5: {  	v11 =	vunpack.i.u.bf16.f32 v11;
	v27 =	vor.u32 v33, v28;
	v28 =	vunpack.i.u.bf16.f32 v30  }
0xd6: {  	v30 =	vadd.s32 $0x16, v7;
	v29 =	vld.idx.msk [tilespmem:v29+s23+$0x0], $0xffff;
	v22 =	vmul.f32 v28, v22;
	v24 =	vadd.f32 v26, v24  }
0xd7: {  	v28 =	vunpack.i.l.bf16.f32 v32;
	v26 =	vand.u32 $0xFFFFFFF8, v30;
	v30 =	vand.u32 $0x7, v30  }
0xd8: {  	v20 =	vld.idx.msk [tilespmem:v20+s21+$0x0], $0xffff;
	v26 =	vadd.s32 v2, v26;
	v22 =	vadd.f32 v24, v22;
	v24 =	vmul.f32 v28, v25  }
0xd9: {  	v18 =	vld.idx.msk [tilespmem:v18+s21+$0x0], $0xffff;
	v10 =	vunpack.i.l.bf16.f32 v4;
	v25 =	vor.u32 v30, v26;
	v26 =	vunpack.i.u.bf16.f32 v32  }
0xda: {  	v28 =	vadd.s32 $0x17, v7;
	v27 =	vld.idx.msk [tilespmem:v27+s23+$0x0], $0xffff;
	v21 =	vmul.f32 v26, v21;
	v22 =	vadd.f32 v24, v22  }
0xdb: {  	v16 =	vld.idx.msk [tilespmem:v16+s21+$0x0], $0xffff;
	v24 =	vand.u32 $0xFFFFFFF8, v28;
	v26 =	vunpack.i.l.bf16.f32 v29;
	v28 =	vand.u32 $0x7, v28  }
0xdc: {  	v24 =	vadd.s32 v2, v24;
	v21 =	vadd.f32 v22, v21;
	v22 =	vmul.f32 v26, v23  }
0xdd: {  	v13 =	vunpack.i.l.bf16.f32 v9;
	v23 =	vor.u32 v28, v24;
	v24 =	vunpack.i.u.bf16.f32 v29  }
0xde: {  	v17 =	vadd.s32 $0x18, v17;
	v25 =	vld.idx.msk [tilespmem:v25+s23+$0x0], $0xffff;
	v15 =	vmul.f32 v24, v15;
	v21 =	vadd.f32 v22, v21  }
0xdf: {  	v26 =	vunpack.i.l.bf16.f32 v18;
	v24 =	vunpack.i.l.bf16.f32 v20;
	v28 =	vunpack.i.l.bf16.f32 v27  }
0xe0: {  	v19 =	vld.idx.msk [tilespmem:v19+s21+$0x0], $0xffff;
	v29 =	vunpack.i.l.bf16.f32 v16;
	v15 =	vadd.f32 v21, v15;
	v21 =	vmul.f32 v28, v24  }
0xe1: {  	v16 =	vunpack.i.u.bf16.f32 v16;
	v20 =	vunpack.i.u.bf16.f32 v20;
	v24 =	vunpack.i.u.bf16.f32 v27  }
0xe2: {  	v27 =	vadd.s32 $0x19, v7;
	v23 =	vld.idx.msk [tilespmem:v23+s23+$0x0], $0xffff;
	v20 =	vmul.f32 v24, v20;
	v15 =	vadd.f32 v21, v15  }
0xe3: {  	v21 =	vand.u32 $0xFFFFFFF8, v27;
	v24 =	vunpack.i.l.bf16.f32 v25;
	v27 =	vand.u32 $0x7, v27  }
0xe4: {  	v21 =	vadd.s32 v2, v21;
	v15 =	vadd.f32 v15, v20;
	v20 =	vmul.f32 v24, v29  }
0xe5: {  	v22 =	vunpack.i.l.bf16.f32 v19;
	v21 =	vor.u32 v27, v21;
	v24 =	vunpack.i.u.bf16.f32 v25  }
0xe6: {  	v17 =	vld.idx.msk [tilespmem:v17+s23+$0x0], $0xffff;
	v25 =	vadd.s32 $0x1A, v7;
	v16 =	vmul.f32 v24, v16;
	v15 =	vadd.f32 v20, v15  }
0xe7: {  	v20 =	vand.u32 $0xFFFFFFF8, v25;
	v24 =	vunpack.i.l.bf16.f32 v23;
	v25 =	vand.u32 $0x7, v25  }
0xe8: {  	v20 =	vadd.s32 v2, v20;
	v15 =	vadd.f32 v15, v16;
	v16 =	vmul.f32 v24, v22  }
0xe9: {  	v19 =	vunpack.i.u.bf16.f32 v19;
	v20 =	vor.u32 v25, v20;
	v22 =	vunpack.i.u.bf16.f32 v23  }
0xea: {  	v23 =	vadd.s32 $0x1B, v7;
	v21 =	vld.idx.msk [tilespmem:v21+s23+$0x0], $0xffff;
	v15 =	vadd.f32 v16, v15;
	v16 =	vmul.f32 v22, v19  }
0xeb: {  	v19 =	vand.u32 $0xFFFFFFF8, v23;
	v22 =	vunpack.i.l.bf16.f32 v17;
	v23 =	vand.u32 $0x7, v23  }
0xec: {  	v6 =	vld.idx.msk [tilespmem:v6+s21+$0x0], $0xffff;
	v19 =	vadd.s32 v2, v19;
	v15 =	vadd.f32 v15, v16;
	v16 =	vmul.f32 v22, v26  }
0xed: {  	v18 =	vunpack.i.u.bf16.f32 v18;
	v17 =	vunpack.i.u.bf16.f32 v17;
	v19 =	vor.u32 v23, v19  }
0xee: {  	v22 =	vadd.s32 $0x1C, v7;
	v20 =	vld.idx.msk [tilespmem:v20+s23+$0x0], $0xffff;
	v15 =	vadd.f32 v16, v15;
	v16 =	vmul.f32 v17, v18  }
0xef: {  	v17 =	vand.u32 $0xFFFFFFF8, v22;
	v18 =	vunpack.i.l.bf16.f32 v21;
	v22 =	vand.u32 $0x7, v22  }
0xf0: {  	v17 =	vadd.s32 v2, v17;
	v14 =	vmul.f32 v18, v14;
	v15 =	vadd.f32 v15, v16  }
0xf1: {  	v12 =	vunpack.i.l.bf16.f32 v6;
	v16 =	vor.u32 v22, v17;
	v17 =	vunpack.i.u.bf16.f32 v21  }
0xf2: {  	v18 =	vld.idx.msk [tilespmem:v19+s23+$0x0], $0xffff;
	v19 =	vadd.s32 $0x1D, v7;
	v11 =	vmul.f32 v17, v11;
	v14 =	vadd.f32 v14, v15  }
0xf3: {  	v15 =	vand.u32 $0xFFFFFFF8, v19;
	v17 =	vunpack.i.l.bf16.f32 v20;
	v19 =	vand.u32 $0x7, v19  }
0xf4: {  	v15 =	vadd.s32 v2, v15;
	v13 =	vmul.f32 v17, v13;
	v11 =	vadd.f32 v14, v11  }
0xf5: {  	v9 =	vunpack.i.u.bf16.f32 v9;
	v14 =	vor.u32 v19, v15;
	v15 =	vunpack.i.u.bf16.f32 v20  }
0xf6: {  	v17 =	vadd.s32 $0x1E, v7;
	v16 =	vld.idx.msk [tilespmem:v16+s23+$0x0], $0xffff;
	v9 =	vmul.f32 v15, v9;
	v11 =	vadd.f32 v13, v11  }
0xf7: {  	v13 =	vand.u32 $0xFFFFFFF8, v17;
	v15 =	vunpack.i.l.bf16.f32 v18;
	v17 =	vand.u32 $0x7, v17  }
0xf8: {  	v13 =	vadd.s32 v2, v13;
	v9 =	vadd.f32 v11, v9;
	v11 =	vmul.f32 v15, v12  }
0xf9: {  	v8 =	vld.idx.msk [tilespmem:v8+s21+$0x0], $0xffff;
	v6 =	vunpack.i.u.bf16.f32 v6;
	v12 =	vor.u32 v17, v13;
	v13 =	vunpack.i.u.bf16.f32 v18  }
0xfa: {  	v7 =	vadd.s32 $0x1F, v7;
	v14 =	vld.idx.msk [tilespmem:v14+s23+$0x0], $0xffff;
	v6 =	vmul.f32 v13, v6;
	v9 =	vadd.f32 v11, v9  }
0xfb: {  	v11 =	vand.u32 $0xFFFFFFF8, v7;
	v13 =	vunpack.i.l.bf16.f32 v16;
	v7 =	vand.u32 $0x7, v7  }
0xfc: {  	v2 =	vadd.s32 v2, v11;
	v6 =	vadd.f32 v9, v6;
	v9 =	vmul.f32 v13, v10  }
0xfd: {  	v5 =	vld.idx.msk [tilespmem:v5+s21+$0x0], $0xffff;
	v4 =	vunpack.i.u.bf16.f32 v4;
	v2 =	vor.u32 v7, v2;
	v7 =	vunpack.i.u.bf16.f32 v16  }
0xfe: {  	v10 =	vld.idx.msk [tilespmem:v12+s23+$0x0], $0xffff;
	v4 =	vmul.f32 v7, v4;
	v6 =	vadd.f32 v9, v6  }
0xff: {  	v7 =	vunpack.i.l.bf16.f32 v8;
	v9 =	vunpack.i.l.bf16.f32 v14  }
0x100: {  	v4 =	vadd.f32 v6, v4;
	v6 =	vmul.f32 v9, v7  }
0x101: {  	v3 =	vld.idx.msk [tilespmem:v3+s21+$0x0], $0xffff;
	v7 =	vunpack.i.u.bf16.f32 v8;
	v8 =	vunpack.i.u.bf16.f32 v14  }
0x102: {  	v2 =	vld.idx.msk [tilespmem:v2+s23+$0x0], $0xffff;
	v4 =	vadd.f32 v6, v4;
	v6 =	vmul.f32 v8, v7  }
0x103: {  	v7 =	vunpack.i.l.bf16.f32 v5;
	v8 =	vunpack.i.l.bf16.f32 v10  }
0x104: {  	v4 =	vadd.f32 v4, v6;
	v6 =	vmul.f32 v8, v7  }
0x105: {  	v5 =	vunpack.i.u.bf16.f32 v5;
	v7 =	vunpack.i.u.bf16.f32 v10  }
0x106: {  	v5 =	vmul.f32 v7, v5;
	v4 =	vadd.f32 v6, v4  }
0x107: {  	v6 =	vunpack.i.l.bf16.f32 v3;
	v7 =	vunpack.i.l.bf16.f32 v2  }
0x108: {  	v4 =	vadd.f32 v4, v5;
	v5 =	vmul.f32 v7, v6  }
0x109: {  	v3 =	vunpack.i.u.bf16.f32 v3;
	v2 =	vunpack.i.u.bf16.f32 v2  }
0x10a: {  	v2 =	vmul.f32 v2, v3;
	v4 =	vadd.f32 v5, v4;
	_ =	sdelay $0x1  }
0x10b: {  	v2 =	vadd.f32 v4, v2  }
0x10c: {  	s15 =	sadd.s32 $0x11010, s14  }
0x10d: {  	s16 =	sadd.s32 $0x10, s16;
	[tilespmem:s15+$0x0] =	vst v2  }
0x10e: {  	s20 =	sadd.s32 $0x10, s20;
	v2 =	vld [tilespmem:s16+$0x0]  }
0x10f: {  	s22 =	sadd.s32 $0x10, s22;
	v3 =	vld [tilespmem:s20+$0x0]  }
0x110: {  	v4 =	vld [tilespmem:s22+$0x0]  }
0x111: {  	s31 =	simm.s32 $0x10  }
0x112: {  	v5 =	vmov s31  }
0x113: {  	v5 =	vshll.u32 v5, $0x7  }
0x114: {  	v3 =	vadd.f32 v3, v2;
	v2 =	vor.u32 v0, v5  }
0x115: {  	v5 =	vadd.s32 $0x1F, v4;
	v6 =	vadd.s32 $0x1B, v4;
	v7 =	vadd.s32 $0x1C, v4  }
0x116: {  	v8 =	vadd.s32 $0x1D, v4;
	v9 =	vadd.s32 $0x17, v4;
	v10 =	vadd.s32 $0x19, v4  }
0x117: {  	v11 =	vadd.s32 $0x1A, v4;
	v15 =	vadd.s32 $0x14, v4;
	v16 =	vadd.s32 $0x15, v4  }
0x118: {  	v17 =	vadd.s32 $0x16, v4;
	v18 =	vadd.s32 $0x11, v4;
	v19 =	vadd.s32 $0x12, v4  }
0x119: {  	v20 =	vadd.s32 $0x13, v4;
	v21 =	vadd.s32 $0xD, v4;
	v22 =	vadd.s32 $0xE, v4  }
0x11a: {  	v23 =	vadd.s32 $0xF, v4;
	v24 =	vadd.s32 $0xA, v4;
	v26 =	vadd.s32 $0xB, v4  }
0x11b: {  	v27 =	vadd.s32 $0xC, v4;
	v30 =	vadd.s32 $0x6, v4;
	v31 =	vadd.s32 $0x7, v4  }
0x11c: {  	v32 =	vadd.s32 $0x9, v4;
	v33 =	vadd.s32 $0x3, v4;
	v34 =	vadd.s32 $0x4, v4  }
0x11d: {  	v35 =	vadd.s32 $0x5, v4;
	v38 =	vadd.s32 $0x1, v4;
	v39 =	vadd.s32 $0x2, v4  }
0x11e: {  	v50 =	vand.u32 $0xFFFFFFF8, v4;
	v51 =	vand.u32 $0xFFFFFFF8, v5;
	v13 =	vand.u32 $0x7, v5  }
0x11f: {  	v12 =	vand.u32 $0x7, v8;
	v42 =	vand.u32 $0xFFFFFFF8, v7;
	v55 =	vand.u32 $0x7, v7  }
0x120: {  	v40 =	vand.u32 $0xFFFFFFF8, v8;
	v43 =	vand.u32 $0xFFFFFFF8, v6;
	v52 =	vand.u32 $0x7, v6  }
0x121: {  	v44 =	vand.u32 $0xFFFFFFF8, v10;
	v45 =	vand.u32 $0xFFFFFFF8, v11;
	v8 =	vand.u32 $0x7, v17  }
0x122: {  	v46 =	vand.u32 $0xFFFFFFF8, v9;
	v56 =	vand.u32 $0x7, v9;
	v0 =	vadd.f32 v3, v1  }
0x123: {  	v37 =	vand.u32 $0xFFFFFFF8, v16;
	v47 =	vand.u32 $0xFFFFFFF8, v17;
	v48 =	vand.u32 $0xFFFFFFF8, v15  }
0x124: {  	v49 =	vand.u32 $0xFFFFFFF8, v19;
	v53 =	vand.u32 $0xFFFFFFF8, v18;
	[tilespmem:$0x1FF70] =	vst v0;
	v0 =	vand.u32 $0x7, v4  }
0x125: {  	v57 =	vand.u32 $0xFFFFFFF8, v22;
	v25 =	vand.u32 $0x7, v22;
	[tilespmem:$0x1FF80] =	vst v0;
	v0 =	vand.u32 $0x7, v11  }
0x126: {  	v22 =	vand.u32 $0xFFFFFFF8, v23;
	[tilespmem:$0x1FF90] =	vst v0;
	v0 =	vand.u32 $0x7, v10;
	v10 =	vadd.s32 v2, v51;
	v51 =	vld [tilespmem:$0x1FF80]  }
0x127: {  	v17 =	vand.u32 $0x7, v27;
	v58 =	vand.u32 $0xFFFFFFF8, v21;
	v59 =	vand.u32 $0xFFFFFFF8, v26  }
0x128: {  	v60 =	vand.u32 $0xFFFFFFF8, v27;
	v61 =	vand.u32 $0xFFFFFFF8, v24;
	v29 =	vand.u32 $0x7, v24  }
0x129: {  	v7 =	vand.u32 $0xFFFFFFF8, v30;
	v24 =	vand.u32 $0x7, v30;
	[tilespmem:$0x1FFA0] =	vst v0;
	v0 =	vand.u32 $0x7, v20  }
0x12a: {  	v30 =	vadd.s32 v2, v50;
	[tilespmem:$0x1FFB0] =	vst v0;
	v0 =	vand.u32 $0x7, v19;
	v19 =	vand.u32 $0xFFFFFFF8, v20  }
0x12b: {  	v30 =	vor.u32 v51, v30;
	v51 =	vadd.s32 v2, v19;
	v19 =	vadd.s32 v2, v60;
	v60 =	vld [tilespmem:$0x1FF90]  }
0x12c: {  	v28 =	vand.u32 $0x7, v32;
	v62 =	vand.u32 $0xFFFFFFF8, v31;
	v27 =	vand.u32 $0x7, v31  }
0x12d: {  	v63 =	vand.u32 $0xFFFFFFF8, v32;
	v9 =	vand.u32 $0xFFFFFFF8, v34;
	v6 =	vand.u32 $0xFFFFFFF8, v38  }
0x12e: {  	v1 =	vand.u32 $0xFFFFFFF8, v35;
	v11 =	vand.u32 $0x7, v16;
	v16 =	vand.u32 $0x7, v35  }
0x12f: {  	v35 =	vand.u32 $0x7, v38;
	v38 =	vadd.s32 v2, v45;
	v20 =	vadd.s32 v2, v46  }
0x130: {  	v46 =	vadd.s32 v2, v57;
	v57 =	vor.u32 v60, v38;
	v38 =	vadd.s32 v2, v1;
	v1 =	vld [tilespmem:$0x1FFA0]  }
0x131: {  	v36 =	vand.u32 $0x7, v34;
	v34 =	vand.u32 $0x7, v33;
	v5 =	vand.u32 $0xFFFFFFF8, v39  }
0x132: {  	v3 =	vadd.s32 $0x1E, v4;
	v31 =	vadd.s32 v2, v43;
	v54 =	vadd.s32 v2, v40  }
0x133: {  	v43 =	vadd.s32 v2, v44;
	v44 =	vadd.s32 v2, v48;
	v32 =	vadd.s32 v2, v37  }
0x134: {  	v50 =	vadd.s32 v2, v49;
	v4 =	vand.u32 $0xFFFFFFF8, v33;
	v33 =	vadd.s32 v2, v42  }
0x135: {  	v40 =	vadd.s32 v2, v58;
	v55 =	vor.u32 v55, v33;
	v33 =	vor.u32 v1, v43;
	v1 =	vld [tilespmem:$0x1FFB0]  }
0x136: {  	v49 =	vadd.s32 v2, v61;
	v48 =	vadd.s32 v2, v9;
	v41 =	vand.u32 $0xFFFFFFF8, v3  }
0x137: {  	v14 =	vand.u32 $0x7, v3;
	v52 =	vor.u32 v52, v31;
	[tilespmem:$0x1FFC0] =	vst v0;
	v0 =	vand.u32 $0x7, v18  }
0x138: {  	v3 =	vand.u32 $0x7, v15;
	v15 =	vand.u32 $0x7, v23;
	[tilespmem:$0x1FFD0] =	vst v0;
	v0 =	vadd.s32 v2, v41  }
0x139: {  	v23 =	vand.u32 $0x7, v21;
	v43 =	vadd.s32 v2, v5;
	v5 =	vor.u32 v14, v0;
	v0 =	vld [tilespmem:$0x1FFD0]  }
0x13a: {  	s31 =	sadd.s32 $0x10, s1;
	v21 =	vand.u32 $0x7, v26;
	v26 =	vand.u32 $0x7, v39;
	v51 =	vor.u32 v1, v51;
	v1 =	vld [tilespmem:$0x1FFC0]  }
0x13b: {  	v31 =	vadd.s32 v2, v59;
	v39 =	vadd.s32 v2, v7;
	v7 =	vld [tilespmem:s31+$0x0];
	v41 =	vadd.s32 v2, v22  }
0x13c: {  	v22 =	vadd.s32 v2, v53;
	v53 =	vor.u32 v3, v44;
	v44 =	vadd.s32 v2, v6;
	v6 =	vld.idx.msk [tilespmem:v52+s21+$0x0], $0xffff  }
0x13d: {  	v42 =	vadd.s32 v2, v62;
	v45 =	vadd.s32 v2, v4;
	v18 =	vadd.s32 v2, v47;
	v37 =	vld.idx.msk [tilespmem:v30+s21+$0x0], $0xffff  }
0x13e: {  	v47 =	vadd.s32 v2, v63;
	v60 =	vld.idx.msk [tilespmem:v55+s21+$0x0], $0xffff;
	v52 =	vor.u32 v0, v22;
	v0 =	vor.u32 v12, v54  }
0x13f: {  	p0 =	por p1, p1;
	s1 =	simm.s32 $0x20;
	v3 =	vld.idx.msk [tilespmem:v57+s21+$0x0], $0xffff;
	v50 =	vor.u32 v1, v50;
	v1 =	vor.u32 v13, v10;
	v10 =	vadd.s32 $0x18, v30  }
.LBB2_5:
0x140: {  	_ = 	snop  }
0x141: {  	v54 =	vor.u32 v17, v19;
	v22 =	vor.u32 v56, v20  }
0x142: {  	v12 =	vld.idx.msk [tilespmem:v33+s21+$0x0], $0xffff;
	v13 =	vor.u32 v21, v31;
	v33 =	vadd.s32 $0x10, v30;
	v20 =	vor.u32 v11, v32  }
0x143: {  	v17 =	vld.idx.msk [tilespmem:v53+s21+$0x0], $0xffff;
	v11 =	vor.u32 v29, v49;
	v31 =	vor.u32 v25, v46;
	v32 =	vor.u32 v15, v41  }
0x144: {  	v21 =	vld.idx.msk [tilespmem:v51+s21+$0x0], $0xffff;
	v41 =	vadd.s32 $0x8, v30;
	v15 =	vor.u32 v28, v47;
	v30 =	vor.u32 v23, v40  }
0x145: {  	v23 =	vld.idx.msk [tilespmem:v50+s21+$0x0], $0xffff;
	v28 =	vor.u32 v36, v48;
	v42 =	vor.u32 v27, v42;
	v56 =	vor.u32 v34, v45  }
0x146: {  	v25 =	vld.idx.msk [tilespmem:v52+s21+$0x0], $0xffff;
	v45 =	vor.u32 v16, v38;
	v19 =	vor.u32 v8, v18;
	v18 =	vand.u32 $0xFFFFFFF8, v7  }
0x147: {  	v26 =	vor.u32 v26, v43;
	v27 =	vand.u32 $0x7, v7;
	v18 =	vadd.s32 v2, v18;
	v29 =	vld.idx.msk [tilespmem:v54+s21+$0x0], $0xffff  }
0x148: {  	v46 =	vor.u32 v24, v39;
	v57 =	vor.u32 v35, v44;
	v34 =	vld.idx.msk [tilespmem:v13+s21+$0x0], $0xffff;
	v18 =	vor.u32 v27, v18  }
0x149: {  	v43 =	vunpack.i.u.bf16.f32 v37;
	v44 =	vunpack.i.l.bf16.f32 v37;
	v13 =	vadd.s32 $0x1, v7;
	v35 =	vld.idx.msk [tilespmem:v11+s21+$0x0], $0xffff  }
0x14a: {  	v63 =	vadd.s32 $0x3, v7;
	v9 =	vunpack.i.u.bf16.f32 v3;
	v38 =	vld.idx.msk [tilespmem:v15+s21+$0x0], $0xffff;
	v11 =	vand.u32 $0xFFFFFFF8, v13  }
0x14b: {  	v47 =	vld.idx.msk [tilespmem:v28+s21+$0x0], $0xffff;
	v28 =	vadd.s32 $0x2, v7;
	v13 =	vand.u32 $0x7, v13;
	v15 =	vadd.s32 v2, v11  }
0x14c: {  	v24 =	vunpack.i.l.bf16.f32 v17;
	v16 =	vunpack.i.l.bf16.f32 v12;
	v50 =	vld.idx.msk [tilespmem:v26+s21+$0x0], $0xffff;
	v58 =	vor.u32 v13, v15  }
0x14d: {  	v26 =	vunpack.i.l.bf16.f32 v21;
	v55 =	vand.u32 $0xFFFFFFF8, v63;
	v54 =	vand.u32 $0x7, v63;
	v49 =	vld.idx.msk [tilespmem:v18+s23+$0x0], $0xffff  }
0x14e: {  	v48 =	vld.idx.msk [tilespmem:v56+s21+$0x0], $0xffff;
	v21 =	vunpack.i.u.bf16.f32 v21;
	v17 =	vunpack.i.u.bf16.f32 v17;
	v59 =	vand.u32 $0xFFFFFFF8, v28  }
0x14f: {  	v51 =	vld.idx.msk [tilespmem:v57+s21+$0x0], $0xffff;
	v27 =	vunpack.i.l.bf16.f32 v23;
	v61 =	vand.u32 $0x7, v28;
	v36 =	vadd.s32 v2, v59  }
0x150: {  	v4 =	vld [tilespmem:$0x1FF70];
	v28 =	vunpack.i.l.bf16.f32 v25;
	v55 =	vadd.s32 v2, v55;
	v62 =	vor.u32 v61, v36  }
0x151: {  	v54 =	vor.u32 v54, v55;
	v59 =	vadd.s32 $0x4, v7;
	v37 =	vunpack.i.l.bf16.f32 v34;
	v53 =	vld.idx.msk [tilespmem:v58+s23+$0x0], $0xffff  }
0x152: {  	v36 =	vunpack.i.l.bf16.f32 v29;
	v40 =	vunpack.i.l.bf16.f32 v38;
	v58 =	vunpack.i.l.bf16.f32 v49  }
0x153: {  	v39 =	vunpack.i.l.bf16.f32 v35;
	v56 =	vunpack.i.l.bf16.f32 v48;
	v44 =	vmul.f32 v58, v44  }
0x154: {  	v57 =	vunpack.i.l.bf16.f32 v47;
	v61 =	vunpack.i.l.bf16.f32 v51;
	v49 =	vunpack.i.u.bf16.f32 v49  }
0x155: {  	v52 =	vld.idx.msk [tilespmem:v62+s23+$0x0], $0xffff;
	v62 =	vand.u32 $0xFFFFFFF8, v59;
	v43 =	vmul.f32 v49, v43;
	v14 =	vadd.f32 v44, v4  }
0x156: {  	v59 =	vand.u32 $0x7, v59;
	v58 =	vunpack.i.l.bf16.f32 v50;
	v63 =	vunpack.i.l.bf16.f32 v53  }
0x157: {  	v44 =	vadd.s32 v2, v62;
	v14 =	vadd.f32 v14, v43;
	v43 =	vmul.f32 v63, v61  }
0x158: {  	v62 =	vunpack.i.u.bf16.f32 v53;
	v44 =	vor.u32 v59, v44;
	v61 =	vunpack.i.u.bf16.f32 v51  }
0x159: {  	v53 =	vld.idx.msk [tilespmem:v54+s23+$0x0], $0xffff;
	v63 =	vadd.s32 $0x5, v7;
	v59 =	vmul.f32 v62, v61;
	v14 =	vadd.f32 v43, v14  }
0x15a: {  	v61 =	vand.u32 $0xFFFFFFF8, v63;
	v62 =	vunpack.i.l.bf16.f32 v52;
	v54 =	vand.u32 $0x7, v63  }
0x15b: {  	v49 =	vadd.s32 v2, v61;
	v63 =	vmul.f32 v62, v58;
	v14 =	vadd.f32 v14, v59  }
0x15c: {  	v50 =	vunpack.i.u.bf16.f32 v50;
	v58 =	vunpack.i.u.bf16.f32 v52;
	v49 =	vor.u32 v54, v49  }
0x15d: {  	v61 =	vmul.f32 v58, v50;
	v44 =	vld.idx.msk [tilespmem:v44+s23+$0x0], $0xffff;
	v59 =	vadd.s32 $0x6, v7;
	v14 =	vadd.f32 v63, v14  }
0x15e: {  	v62 =	vand.u32 $0xFFFFFFF8, v59;
	v52 =	vand.u32 $0x7, v59;
	v63 =	vunpack.i.l.bf16.f32 v53  }
0x15f: {  	v50 =	vadd.s32 v2, v62;
	v58 =	vmul.f32 v63, v56;
	v14 =	vadd.f32 v14, v61  }
0x160: {  	v45 =	vld.idx.msk [tilespmem:v45+s21+$0x0], $0xffff;
	v48 =	vunpack.i.u.bf16.f32 v48;
	v59 =	vunpack.i.u.bf16.f32 v53;
	v50 =	vor.u32 v52, v50  }
0x161: {  	v62 =	vmul.f32 v59, v48;
	v49 =	vld.idx.msk [tilespmem:v49+s23+$0x0], $0xffff;
	v61 =	vadd.s32 $0x7, v7;
	v14 =	vadd.f32 v58, v14  }
0x162: {  	v63 =	vand.u32 $0xFFFFFFF8, v61;
	v56 =	vunpack.i.l.bf16.f32 v44;
	v52 =	vand.u32 $0x7, v61  }
0x163: {  	v46 =	vld.idx.msk [tilespmem:v46+s21+$0x0], $0xffff;
	v48 =	vadd.s32 v2, v63;
	v58 =	vmul.f32 v56, v57;
	v14 =	vadd.f32 v14, v62  }
0x164: {  	v47 =	vunpack.i.u.bf16.f32 v47;
	v44 =	vunpack.i.u.bf16.f32 v44;
	v48 =	vor.u32 v52, v48  }
0x165: {  	v53 =	vadd.s32 $0xA, v7;
	v59 =	vmul.f32 v44, v47;
	v50 =	vld.idx.msk [tilespmem:v50+s23+$0x0], $0xffff;
	v14 =	vadd.f32 v58, v14  }
0x166: {  	v55 =	vand.u32 $0xFFFFFFF8, v53;
	v61 =	vunpack.i.l.bf16.f32 v45;
	v62 =	vunpack.i.l.bf16.f32 v49  }
0x167: {  	v45 =	vunpack.i.u.bf16.f32 v45;
	v56 =	vmul.f32 v62, v61;
	v14 =	vadd.f32 v14, v59  }
0x168: {  	v42 =	vld.idx.msk [tilespmem:v42+s21+$0x0], $0xffff;
	v63 =	vunpack.i.l.bf16.f32 v46;
	v57 =	vadd.s32 $0x8, v18;
	v49 =	vunpack.i.u.bf16.f32 v49  }
0x169: {  	v58 =	vadd.s32 $0x9, v7;
	v48 =	vld.idx.msk [tilespmem:v48+s23+$0x0], $0xffff;
	v59 =	vmul.f32 v49, v45;
	v14 =	vadd.f32 v56, v14  }
0x16a: {  	v61 =	vand.u32 $0xFFFFFFF8, v58;
	v52 =	vand.u32 $0x7, v58;
	v62 =	vunpack.i.l.bf16.f32 v50  }
0x16b: {  	v45 =	vadd.s32 v2, v61;
	v63 =	vmul.f32 v62, v63;
	v14 =	vadd.f32 v14, v59  }
0x16c: {  	v41 =	vld.idx.msk [tilespmem:v41+s21+$0x0], $0xffff;
	v46 =	vunpack.i.u.bf16.f32 v46;
	v45 =	vor.u32 v52, v45;
	v52 =	vunpack.i.u.bf16.f32 v50  }
0x16d: {  	v44 =	vunpack.i.l.bf16.f32 v42;
	v47 =	vld.idx.msk [tilespmem:v57+s23+$0x0], $0xffff;
	v54 =	vmul.f32 v52, v46;
	v14 =	vadd.f32 v63, v14  }
0x16e: {  	v42 =	vunpack.i.u.bf16.f32 v42;
	v50 =	vand.u32 $0x7, v53;
	v56 =	vunpack.i.l.bf16.f32 v48  }
0x16f: {  	v46 =	vadd.s32 v2, v55;
	v57 =	vmul.f32 v56, v44;
	v14 =	vadd.f32 v14, v54  }
0x170: {  	v61 =	vadd.s32 $0xB, v7;
	v58 =	vor.u32 v50, v46;
	v59 =	vunpack.i.u.bf16.f32 v48  }
0x171: {  	v62 =	vand.u32 $0xFFFFFFF8, v61;
	v45 =	vld.idx.msk [tilespmem:v45+s23+$0x0], $0xffff;
	v42 =	vmul.f32 v59, v42;
	v14 =	vadd.f32 v57, v14  }
0x172: {  	v51 =	vunpack.i.l.bf16.f32 v41;
	v43 =	vadd.s32 v2, v62;
	v63 =	vunpack.i.l.bf16.f32 v47  }
0x173: {  	v48 =	vand.u32 $0x7, v61;
	v52 =	vmul.f32 v63, v51;
	v14 =	vadd.f32 v14, v42  }
0x174: {  	v41 =	vunpack.i.u.bf16.f32 v41;
	v53 =	vunpack.i.u.bf16.f32 v47;
	v43 =	vor.u32 v48, v43  }
0x175: {  	v41 =	vmul.f32 v53, v41;
	v44 =	vld.idx.msk [tilespmem:v58+s23+$0x0], $0xffff;
	v54 =	vadd.s32 $0xC, v7;
	v14 =	vadd.f32 v52, v14  }
0x176: {  	v55 =	vand.u32 $0xFFFFFFF8, v54;
	v47 =	vand.u32 $0x7, v54;
	v56 =	vunpack.i.l.bf16.f32 v45  }
0x177: {  	v42 =	vadd.s32 v2, v55;
	v40 =	vmul.f32 v56, v40;
	v14 =	vadd.f32 v14, v41  }
0x178: {  	v38 =	vunpack.i.u.bf16.f32 v38;
	v58 =	vunpack.i.u.bf16.f32 v45;
	v57 =	vor.u32 v47, v42  }
0x179: {  	v59 =	vadd.s32 $0xD, v7;
	v43 =	vld.idx.msk [tilespmem:v43+s23+$0x0], $0xffff;
	v38 =	vmul.f32 v58, v38;
	v14 =	vadd.f32 v40, v14  }
0x17a: {  	v61 =	vand.u32 $0xFFFFFFF8, v59;
	v45 =	vand.u32 $0x7, v59;
	v62 =	vunpack.i.l.bf16.f32 v44  }
0x17b: {  	v63 =	vmul.f32 v62, v39;
	v40 =	vadd.s32 v2, v61;
	v14 =	vadd.f32 v14, v38  }
0x17c: {  	v35 =	vunpack.i.u.bf16.f32 v35;
	v47 =	vunpack.i.u.bf16.f32 v44;
	v46 =	vor.u32 v45, v40  }
0x17d: {  	v48 =	vadd.s32 $0xE, v7;
	v35 =	vmul.f32 v47, v35;
	v41 =	vld.idx.msk [tilespmem:v57+s23+$0x0], $0xffff;
	v14 =	vadd.f32 v63, v14  }
0x17e: {  	v33 =	vld.idx.msk [tilespmem:v33+s21+$0x0], $0xffff;
	v49 =	vand.u32 $0xFFFFFFF8, v48;
	v42 =	vand.u32 $0x7, v48;
	v50 =	vunpack.i.l.bf16.f32 v43  }
0x17f: {  	v31 =	vld.idx.msk [tilespmem:v31+s21+$0x0], $0xffff;
	v51 =	vmul.f32 v50, v37;
	v38 =	vadd.s32 v2, v49;
	v14 =	vadd.f32 v14, v35  }
0x180: {  	v30 =	vld.idx.msk [tilespmem:v30+s21+$0x0], $0xffff;
	v34 =	vunpack.i.u.bf16.f32 v34;
	v53 =	vunpack.i.u.bf16.f32 v43;
	v52 =	vor.u32 v42, v38  }
0x181: {  	v54 =	vadd.s32 $0xF, v7;
	v34 =	vmul.f32 v53, v34;
	v39 =	vld.idx.msk [tilespmem:v46+s23+$0x0], $0xffff;
	v14 =	vadd.f32 v51, v14  }
0x182: {  	v55 =	vand.u32 $0xFFFFFFF8, v54;
	v40 =	vand.u32 $0x7, v54;
	v56 =	vunpack.i.l.bf16.f32 v41  }
0x183: {  	v35 =	vadd.s32 v2, v55;
	v57 =	vmul.f32 v56, v36;
	v14 =	vadd.f32 v14, v34  }
0x184: {  	v29 =	vunpack.i.u.bf16.f32 v29;
	v58 =	vunpack.i.u.bf16.f32 v41;
	v35 =	vor.u32 v40, v35  }
0x185: {  	v59 =	vunpack.i.l.bf16.f32 v33;
	v29 =	vmul.f32 v58, v29;
	v37 =	vld.idx.msk [tilespmem:v52+s23+$0x0], $0xffff;
	v14 =	vadd.f32 v57, v14  }
0x186: {  	v44 =	vunpack.i.l.bf16.f32 v31;
	v62 =	vunpack.i.l.bf16.f32 v30;
	v63 =	vunpack.i.l.bf16.f32 v39  }
0x187: {  	v31 =	vunpack.i.u.bf16.f32 v31;
	v14 =	vadd.f32 v14, v29;
	v29 =	vmul.f32 v63, v62  }
0x188: {  	v32 =	vld.idx.msk [tilespmem:v32+s21+$0x0], $0xffff;
	v30 =	vunpack.i.u.bf16.f32 v30;
	v45 =	vadd.s32 $0x10, v18;
	v39 =	vunpack.i.u.bf16.f32 v39  }
0x189: {  	v46 =	vadd.s32 $0x11, v7;
	v35 =	vld.idx.msk [tilespmem:v35+s23+$0x0], $0xffff;
	v14 =	vadd.f32 v29, v14;
	v29 =	vmul.f32 v39, v30  }
0x18a: {  	v40 =	vand.u32 $0x7, v46;
	v47 =	vunpack.i.l.bf16.f32 v37;
	v30 =	vand.u32 $0xFFFFFFF8, v46  }
0x18b: {  	v30 =	vadd.s32 v2, v30;
	v14 =	vadd.f32 v14, v29;
	v29 =	vmul.f32 v47, v44  }
0x18c: {  	v48 =	vadd.s32 $0x12, v7;
	v37 =	vunpack.i.u.bf16.f32 v37;
	v30 =	vor.u32 v40, v30  }
0x18d: {  	v61 =	vunpack.i.l.bf16.f32 v32;
	v36 =	vld.idx.msk [tilespmem:v45+s23+$0x0], $0xffff;
	v14 =	vadd.f32 v29, v14;
	v29 =	vmul.f32 v37, v31  }
0x18e: {  	v39 =	vand.u32 $0x7, v48;
	v49 =	vunpack.i.l.bf16.f32 v35;
	v31 =	vand.u32 $0xFFFFFFF8, v48  }
0x18f: {  	v31 =	vadd.s32 v2, v31;
	v14 =	vadd.f32 v14, v29;
	v29 =	vmul.f32 v49, v61  }
0x190: {  	v32 =	vunpack.i.u.bf16.f32 v32;
	v50 =	vunpack.i.u.bf16.f32 v35;
	v31 =	vor.u32 v39, v31  }
0x191: {  	v51 =	vadd.s32 $0x13, v7;
	v30 =	vld.idx.msk [tilespmem:v30+s23+$0x0], $0xffff;
	v14 =	vadd.f32 v29, v14;
	v29 =	vmul.f32 v50, v32  }
0x192: {  	v52 =	vand.u32 $0xFFFFFFF8, v51;
	v53 =	vunpack.i.l.bf16.f32 v36;
	v35 =	vand.u32 $0x7, v51  }
0x193: {  	v32 =	vadd.s32 v2, v52;
	v14 =	vadd.f32 v14, v29;
	v29 =	vmul.f32 v53, v59  }
0x194: {  	v33 =	vunpack.i.u.bf16.f32 v33;
	v54 =	vunpack.i.u.bf16.f32 v36;
	v32 =	vor.u32 v35, v32  }
0x195: {  	v55 =	vadd.s32 $0x14, v7;
	v31 =	vld.idx.msk [tilespmem:v31+s23+$0x0], $0xffff;
	v14 =	vadd.f32 v29, v14;
	v29 =	vmul.f32 v54, v33  }
0x196: {  	v56 =	vand.u32 $0xFFFFFFF8, v55;
	v35 =	vand.u32 $0x7, v55;
	v57 =	vunpack.i.l.bf16.f32 v30  }
0x197: {  	v33 =	vadd.s32 v2, v56;
	v28 =	vmul.f32 v57, v28;
	v14 =	vadd.f32 v14, v29  }
0x198: {  	v25 =	vunpack.i.u.bf16.f32 v25;
	v30 =	vunpack.i.u.bf16.f32 v30;
	v29 =	vor.u32 v35, v33  }
0x199: {  	v58 =	vadd.s32 $0x15, v7;
	v25 =	vmul.f32 v30, v25;
	v32 =	vld.idx.msk [tilespmem:v32+s23+$0x0], $0xffff;
	v14 =	vadd.f32 v28, v14  }
0x19a: {  	v33 =	vand.u32 $0x7, v58;
	v28 =	vand.u32 $0xFFFFFFF8, v58;
	v30 =	vunpack.i.l.bf16.f32 v31  }
0x19b: {  	v28 =	vadd.s32 v2, v28;
	v14 =	vadd.f32 v14, v25;
	v25 =	vmul.f32 v30, v27  }
0x19c: {  	v23 =	vunpack.i.u.bf16.f32 v23;
	v27 =	vor.u32 v33, v28;
	v28 =	vunpack.i.u.bf16.f32 v31  }
0x19d: {  	v30 =	vadd.s32 $0x16, v7;
	v29 =	vld.idx.msk [tilespmem:v29+s23+$0x0], $0xffff;
	v23 =	vmul.f32 v28, v23;
	v14 =	vadd.f32 v25, v14  }
0x19e: {  	v28 =	vunpack.i.l.bf16.f32 v32;
	v25 =	vand.u32 $0xFFFFFFF8, v30;
	v30 =	vand.u32 $0x7, v30  }
0x19f: {  	v10 =	vld.idx.msk [tilespmem:v10+s21+$0x0], $0xffff;
	v25 =	vadd.s32 v2, v25;
	v14 =	vadd.f32 v14, v23;
	v23 =	vmul.f32 v28, v26  }
0x1a0: {  	v20 =	vld.idx.msk [tilespmem:v20+s21+$0x0], $0xffff;
	v12 =	vunpack.i.u.bf16.f32 v12;
	v25 =	vor.u32 v30, v25;
	v26 =	vunpack.i.u.bf16.f32 v32  }
0x1a1: {  	v28 =	vadd.s32 $0x17, v7;
	v27 =	vld.idx.msk [tilespmem:v27+s23+$0x0], $0xffff;
	v21 =	vmul.f32 v26, v21;
	v14 =	vadd.f32 v23, v14  }
0x1a2: {  	v19 =	vld.idx.msk [tilespmem:v19+s21+$0x0], $0xffff;
	v23 =	vand.u32 $0xFFFFFFF8, v28;
	v26 =	vunpack.i.l.bf16.f32 v29;
	v28 =	vand.u32 $0x7, v28  }
0x1a3: {  	v23 =	vadd.s32 v2, v23;
	v14 =	vadd.f32 v14, v21;
	v21 =	vmul.f32 v26, v24  }
0x1a4: {  	v11 =	vunpack.i.l.bf16.f32 v60;
	v23 =	vor.u32 v28, v23;
	v24 =	vunpack.i.u.bf16.f32 v29  }
0x1a5: {  	v18 =	vadd.s32 $0x18, v18;
	v25 =	vld.idx.msk [tilespmem:v25+s23+$0x0], $0xffff;
	v17 =	vmul.f32 v24, v17;
	v14 =	vadd.f32 v21, v14  }
0x1a6: {  	v26 =	vunpack.i.l.bf16.f32 v10;
	v24 =	vunpack.i.l.bf16.f32 v20;
	v28 =	vunpack.i.l.bf16.f32 v27  }
0x1a7: {  	v22 =	vld.idx.msk [tilespmem:v22+s21+$0x0], $0xffff;
	v29 =	vunpack.i.l.bf16.f32 v19;
	v14 =	vadd.f32 v14, v17;
	v17 =	vmul.f32 v28, v24  }
0x1a8: {  	v19 =	vunpack.i.u.bf16.f32 v19;
	v20 =	vunpack.i.u.bf16.f32 v20;
	v24 =	vunpack.i.u.bf16.f32 v27  }
0x1a9: {  	v27 =	vadd.s32 $0x19, v7;
	v23 =	vld.idx.msk [tilespmem:v23+s23+$0x0], $0xffff;
	v14 =	vadd.f32 v17, v14;
	v17 =	vmul.f32 v24, v20  }
0x1aa: {  	v20 =	vand.u32 $0xFFFFFFF8, v27;
	v24 =	vunpack.i.l.bf16.f32 v25;
	v27 =	vand.u32 $0x7, v27  }
0x1ab: {  	v20 =	vadd.s32 v2, v20;
	v14 =	vadd.f32 v14, v17;
	v17 =	vmul.f32 v24, v29  }
0x1ac: {  	v21 =	vunpack.i.l.bf16.f32 v22;
	v20 =	vor.u32 v27, v20;
	v24 =	vunpack.i.u.bf16.f32 v25  }
0x1ad: {  	v18 =	vld.idx.msk [tilespmem:v18+s23+$0x0], $0xffff;
	v25 =	vadd.s32 $0x1A, v7;
	v14 =	vadd.f32 v17, v14;
	v17 =	vmul.f32 v24, v19  }
0x1ae: {  	v19 =	vand.u32 $0xFFFFFFF8, v25;
	v24 =	vunpack.i.l.bf16.f32 v23;
	v25 =	vand.u32 $0x7, v25  }
0x1af: {  	v19 =	vadd.s32 v2, v19;
	v14 =	vadd.f32 v14, v17;
	v17 =	vmul.f32 v24, v21  }
0x1b0: {  	v19 =	vor.u32 v25, v19;
	v21 =	vunpack.i.u.bf16.f32 v22;
	v22 =	vunpack.i.u.bf16.f32 v23  }
0x1b1: {  	v23 =	vadd.s32 $0x1B, v7;
	v20 =	vld.idx.msk [tilespmem:v20+s23+$0x0], $0xffff;
	v14 =	vadd.f32 v17, v14;
	v17 =	vmul.f32 v22, v21  }
0x1b2: {  	v21 =	vand.u32 $0xFFFFFFF8, v23;
	v22 =	vunpack.i.l.bf16.f32 v18;
	v23 =	vand.u32 $0x7, v23  }
0x1b3: {  	v21 =	vadd.s32 v2, v21;
	v14 =	vadd.f32 v14, v17;
	v17 =	vmul.f32 v22, v26  }
0x1b4: {  	v10 =	vunpack.i.u.bf16.f32 v10;
	v18 =	vunpack.i.u.bf16.f32 v18;
	v21 =	vor.u32 v23, v21  }
0x1b5: {  	v10 =	vmul.f32 v18, v10;
	v22 =	vadd.s32 $0x1C, v7;
	v19 =	vld.idx.msk [tilespmem:v19+s23+$0x0], $0xffff;
	v14 =	vadd.f32 v17, v14  }
0x1b6: {  	v17 =	vand.u32 $0xFFFFFFF8, v22;
	v18 =	vunpack.i.l.bf16.f32 v20;
	v22 =	vand.u32 $0x7, v22  }
0x1b7: {  	v17 =	vadd.s32 v2, v17;
	v10 =	vadd.f32 v14, v10;
	v14 =	vmul.f32 v18, v16  }
0x1b8: {  	v15 =	vunpack.i.l.bf16.f32 v3;
	v16 =	vor.u32 v22, v17;
	v17 =	vunpack.i.u.bf16.f32 v20  }
0x1b9: {  	v20 =	vadd.s32 $0x1D, v7;
	v18 =	vld.idx.msk [tilespmem:v21+s23+$0x0], $0xffff;
	v12 =	vmul.f32 v17, v12;
	v10 =	vadd.f32 v14, v10  }
0x1ba: {  	v14 =	vand.u32 $0xFFFFFFF8, v20;
	v17 =	vunpack.i.l.bf16.f32 v19;
	v20 =	vand.u32 $0x7, v20  }
0x1bb: {  	v14 =	vadd.s32 v2, v14;
	v10 =	vadd.f32 v10, v12;
	v12 =	vmul.f32 v17, v15  }
0x1bc: {  	v13 =	vunpack.i.l.bf16.f32 v6;
	v14 =	vor.u32 v20, v14;
	v15 =	vunpack.i.u.bf16.f32 v19  }
0x1bd: {  	v17 =	vadd.s32 $0x1E, v7;
	v16 =	vld.idx.msk [tilespmem:v16+s23+$0x0], $0xffff;
	v9 =	vmul.f32 v15, v9;
	v10 =	vadd.f32 v12, v10  }
0x1be: {  	v12 =	vand.u32 $0xFFFFFFF8, v17;
	v15 =	vunpack.i.l.bf16.f32 v18;
	v17 =	vand.u32 $0x7, v17  }
0x1bf: {  	v12 =	vadd.s32 v2, v12;
	v9 =	vadd.f32 v10, v9;
	v10 =	vmul.f32 v15, v13  }
0x1c0: {  	v8 =	vld.idx.msk [tilespmem:v0+s21+$0x0], $0xffff;
	v6 =	vunpack.i.u.bf16.f32 v6;
	v12 =	vor.u32 v17, v12;
	v13 =	vunpack.i.u.bf16.f32 v18  }
0x1c1: {  	v7 =	vadd.s32 $0x1F, v7;
	v14 =	vld.idx.msk [tilespmem:v14+s23+$0x0], $0xffff;
	v6 =	vmul.f32 v13, v6;
	v9 =	vadd.f32 v10, v9  }
0x1c2: {  	v10 =	vand.u32 $0xFFFFFFF8, v7;
	v13 =	vunpack.i.l.bf16.f32 v16;
	v7 =	vand.u32 $0x7, v7  }
0x1c3: {  	v2 =	vadd.s32 v2, v10;
	v6 =	vadd.f32 v9, v6;
	v9 =	vmul.f32 v13, v11  }
0x1c4: {  	v5 =	vld.idx.msk [tilespmem:v5+s21+$0x0], $0xffff;
	v4 =	vunpack.i.u.bf16.f32 v60;
	v2 =	vor.u32 v7, v2;
	v7 =	vunpack.i.u.bf16.f32 v16  }
0x1c5: {  	v10 =	vld.idx.msk [tilespmem:v12+s23+$0x0], $0xffff;
	v4 =	vmul.f32 v7, v4;
	v6 =	vadd.f32 v9, v6  }
0x1c6: {  	v7 =	vunpack.i.l.bf16.f32 v8;
	v9 =	vunpack.i.l.bf16.f32 v14  }
0x1c7: {  	v4 =	vadd.f32 v6, v4;
	v6 =	vmul.f32 v9, v7  }
0x1c8: {  	v3 =	vld.idx.msk [tilespmem:v1+s21+$0x0], $0xffff;
	v7 =	vunpack.i.u.bf16.f32 v8;
	v8 =	vunpack.i.u.bf16.f32 v14  }
0x1c9: {  	v2 =	vld.idx.msk [tilespmem:v2+s23+$0x0], $0xffff;
	v4 =	vadd.f32 v6, v4;
	v6 =	vmul.f32 v8, v7  }
0x1ca: {  	v7 =	vunpack.i.l.bf16.f32 v5;
	v8 =	vunpack.i.l.bf16.f32 v10  }
0x1cb: {  	v4 =	vadd.f32 v4, v6;
	v6 =	vmul.f32 v8, v7  }
0x1cc: {  	v5 =	vunpack.i.u.bf16.f32 v5;
	v7 =	vunpack.i.u.bf16.f32 v10  }
0x1cd: {  	v5 =	vmul.f32 v7, v5;
	v4 =	vadd.f32 v6, v4  }
0x1ce: {  	v6 =	vunpack.i.l.bf16.f32 v3;
	v7 =	vunpack.i.l.bf16.f32 v2  }
0x1cf: {  	v4 =	vadd.f32 v4, v5;
	v5 =	vmul.f32 v7, v6  }
0x1d0: {  	v3 =	vunpack.i.u.bf16.f32 v3;
	v2 =	vunpack.i.u.bf16.f32 v2  }
0x1d1: {  	v2 =	vmul.f32 v2, v3;
	v4 =	vadd.f32 v5, v4;
	_ =	sdelay $0x1  }
0x1d2: {  	v2 =	vadd.f32 v4, v2  }
0x1d3: {  	s15 =	sadd.s32 $0x10, s15  }
0x1d4: {  	s16 =	sadd.s32 $0x10, s16;
	v0 =	vld [tilespmem:$0x1FFF0];
	[tilespmem:s15+$0x0] =	vst v2  }
0x1d5: {  	s20 =	sadd.s32 $0x10, s20;
	v2 =	vld [tilespmem:s16+$0x0]  }
0x1d6: {  	s22 =	sadd.s32 $0x10, s22;
	v3 =	vld [tilespmem:s20+$0x0]  }
0x1d7: {  	v4 =	vld [tilespmem:s22+$0x0];
	_ =	sdelay $0x1  }
0x1d8: {  	v5 =	vmov s1  }
0x1d9: {  	v5 =	vshll.u32 v5, $0x7  }
0x1da: {  	v3 =	vadd.f32 v3, v2;
	v2 =	vor.u32 v0, v5  }
0x1db: {  	v5 =	vadd.s32 $0x1F, v4;
	v6 =	vadd.s32 $0x1B, v4;
	v7 =	vadd.s32 $0x1C, v4  }
0x1dc: {  	v9 =	vadd.s32 $0x1D, v4;
	v10 =	vadd.s32 $0x17, v4;
	v11 =	vadd.s32 $0x19, v4  }
0x1dd: {  	v12 =	vadd.s32 $0x1A, v4;
	v15 =	vadd.s32 $0x14, v4;
	v16 =	vadd.s32 $0x15, v4  }
0x1de: {  	v17 =	vadd.s32 $0x16, v4;
	v18 =	vadd.s32 $0x11, v4;
	v19 =	vadd.s32 $0x12, v4  }
0x1df: {  	v20 =	vadd.s32 $0x13, v4;
	v21 =	vadd.s32 $0xD, v4;
	v22 =	vadd.s32 $0xE, v4  }
0x1e0: {  	v23 =	vadd.s32 $0xF, v4;
	v24 =	vadd.s32 $0xA, v4;
	v26 =	vadd.s32 $0xB, v4  }
0x1e1: {  	v27 =	vadd.s32 $0xC, v4;
	v30 =	vadd.s32 $0x6, v4;
	v31 =	vadd.s32 $0x7, v4  }
0x1e2: {  	v32 =	vadd.s32 $0x9, v4;
	v33 =	vadd.s32 $0x3, v4;
	v34 =	vadd.s32 $0x4, v4  }
0x1e3: {  	v35 =	vadd.s32 $0x5, v4;
	v37 =	vand.u32 $0x7, v4;
	v38 =	vadd.s32 $0x1, v4  }
0x1e4: {  	v39 =	vadd.s32 $0x2, v4;
	v40 =	vand.u32 $0xFFFFFFF8, v5;
	v41 =	vand.u32 $0xFFFFFFF8, v7  }
0x1e5: {  	v7 =	vand.u32 $0x7, v7;
	v42 =	vand.u32 $0x7, v12;
	v43 =	vand.u32 $0xFFFFFFF8, v6  }
0x1e6: {  	v6 =	vand.u32 $0x7, v6;
	v44 =	vand.u32 $0xFFFFFFF8, v11;
	v45 =	vand.u32 $0x7, v11  }
0x1e7: {  	v46 =	vand.u32 $0xFFFFFFF8, v12;
	v47 =	vand.u32 $0xFFFFFFF8, v10;
	v56 =	vand.u32 $0x7, v10  }
0x1e8: {  	v10 =	vand.u32 $0xFFFFFFF8, v16;
	v13 =	vand.u32 $0x7, v16;
	v48 =	vand.u32 $0xFFFFFFF8, v17  }
0x1e9: {  	v50 =	vand.u32 $0x7, v20;
	v49 =	vand.u32 $0xFFFFFFF8, v15;
	v51 =	vand.u32 $0x7, v15  }
0x1ea: {  	v0 =	vld [tilespmem:$0x1FFE0];
	v53 =	vand.u32 $0xFFFFFFF8, v19;
	v54 =	vand.u32 $0x7, v19;
	v19 =	vand.u32 $0xFFFFFFF8, v20  }
0x1eb: {  	v15 =	vand.u32 $0x7, v23;
	v55 =	vand.u32 $0xFFFFFFF8, v18;
	v52 =	vand.u32 $0x7, v18  }
0x1ec: {  	v57 =	vand.u32 $0xFFFFFFF8, v22;
	v25 =	vand.u32 $0x7, v22;
	v22 =	vand.u32 $0xFFFFFFF8, v23  }
0x1ed: {  	v58 =	vand.u32 $0xFFFFFFF8, v21;
	v23 =	vand.u32 $0x7, v21;
	v59 =	vand.u32 $0xFFFFFFF8, v26  }
0x1ee: {  	v21 =	vand.u32 $0x7, v26;
	v60 =	vand.u32 $0xFFFFFFF8, v27;
	v28 =	vand.u32 $0x7, v32  }
0x1ef: {  	v61 =	vand.u32 $0xFFFFFFF8, v24;
	v29 =	vand.u32 $0x7, v24;
	v0 =	vadd.f32 v3, v0  }
0x1f0: {  	v62 =	vand.u32 $0xFFFFFFF8, v31;
	v63 =	vand.u32 $0xFFFFFFF8, v32;
	v16 =	vand.u32 $0x7, v35  }
0x1f1: {  	v24 =	vand.u32 $0x7, v30;
	v1 =	vand.u32 $0xFFFFFFF8, v34;
	[tilespmem:$0x1FF70] =	vst v0;
	v0 =	vand.u32 $0x7, v5  }
0x1f2: {  	v36 =	vand.u32 $0x7, v34;
	v3 =	vadd.s32 $0x1E, v4;
	[tilespmem:$0x1FF50] =	vst v0;
	v0 =	vand.u32 $0x7, v9  }
0x1f3: {  	v14 =	vand.u32 $0xFFFFFFF8, v35;
	v26 =	vand.u32 $0x7, v39;
	[tilespmem:$0x1FF60] =	vst v0;
	v0 =	vand.u32 $0x7, v3  }
0x1f4: {  	v11 =	vand.u32 $0xFFFFFFF8, v33;
	v34 =	vand.u32 $0x7, v33;
	[tilespmem:$0x1FF40] =	vst v0;
	v0 =	vand.u32 $0x7, v17  }
0x1f5: {  	v8 =	vand.u32 $0xFFFFFFF8, v38;
	v35 =	vand.u32 $0x7, v38;
	[tilespmem:$0x1FF30] =	vst v0;
	v0 =	vand.u32 $0xFFFFFFF8, v30  }
0x1f6: {  	v5 =	vand.u32 $0xFFFFFFF8, v3;
	v3 =	vand.u32 $0xFFFFFFF8, v39;
	v39 =	vadd.s32 v2, v0;
	v0 =	vld [tilespmem:$0x1FF40]  }
0x1f7: {  	v12 =	vadd.s32 v2, v40;
	v33 =	vadd.s32 v2, v41;
	v20 =	vadd.s32 v2, v47  }
0x1f8: {  	v38 =	vadd.s32 v2, v46;
	v32 =	vadd.s32 v2, v10;
	v18 =	vadd.s32 v2, v48  }
0x1f9: {  	v10 =	vadd.s32 v2, v53;
	v41 =	vadd.s32 v2, v22;
	v22 =	vadd.s32 v2, v55  }
0x1fa: {  	v40 =	vadd.s32 v2, v58;
	v7 =	vor.u32 v7, v33;
	v5 =	vadd.s32 v2, v5  }
0x1fb: {  	v46 =	vadd.s32 v2, v57;
	v47 =	vadd.s32 v2, v63;
	v5 =	vor.u32 v0, v5;
	v0 =	vld [tilespmem:$0x1FF50]  }
0x1fc: {  	v48 =	vadd.s32 v2, v1;
	v52 =	vor.u32 v52, v22;
	v4 =	vand.u32 $0xFFFFFFF8, v4  }
0x1fd: {  	v4 =	vadd.s32 v2, v4;
	v9 =	vand.u32 $0xFFFFFFF8, v9;
	v17 =	vand.u32 $0x7, v27  }
0x1fe: {  	v27 =	vand.u32 $0x7, v31;
	v31 =	vadd.s32 v2, v43;
	v30 =	vor.u32 v37, v4  }
0x1ff: {  	v4 =	vadd.s32 v2, v19;
	v6 =	vor.u32 v6, v31;
	v19 =	vadd.s32 v2, v60;
	v60 =	vld.idx.msk [tilespmem:v7+s21+$0x0], $0xffff  }
0x200: {  	p1 =	sne.s32 s1, $0x70;
	s31 =	sadd.s32 $0x10, s31;
	v31 =	vadd.s32 v2, v59;
	v59 =	vor.u32 v42, v38;
	v1 =	vor.u32 v0, v12;
	v0 =	vld [tilespmem:$0x1FF60]  }
.Ltmp1:
0x201: {  	v9 =	vadd.s32 v2, v9;
	v43 =	vadd.s32 v2, v44;
	v44 =	vadd.s32 v2, v49;
	v7 =	vld [tilespmem:s31+$0x0];
	(pc) =	sbr.rel @p1 .LBB2_5-.Ltmp1, $4  }
0x202: {  	v49 =	vadd.s32 v2, v61;
	v53 =	vor.u32 v51, v44;
	v44 =	vadd.s32 v2, v8;
	v8 =	vld [tilespmem:$0x1FF30]  }
0x203: {  	v42 =	vadd.s32 v2, v62;
	v38 =	vadd.s32 v2, v14;
	v33 =	vor.u32 v45, v43;
	v37 =	vld.idx.msk [tilespmem:v30+s21+$0x0], $0xffff  }
0x204: {  	v45 =	vadd.s32 v2, v11;
	v43 =	vadd.s32 v2, v3;
	v51 =	vor.u32 v50, v4;
	v6 =	vld.idx.msk [tilespmem:v6+s21+$0x0], $0xffff  }
0x205: {  	s1 =	sadd.s32 $0x10, s1;
	v11 =	vmovc v13;
	v50 =	vor.u32 v54, v10;
	v10 =	vadd.s32 $0x18, v30;
	v3 =	vld.idx.msk [tilespmem:v59+s21+$0x0], $0xffff;
	v0 =	vor.u32 v0, v9  }
0x206: {  	_ =	sdelay $0x2  }
0x207: {  	v4 =	vor.u32 v17, v19;
	v20 =	vor.u32 v56, v20  }
0x208: {  	v12 =	vld.idx.msk [tilespmem:v33+s21+$0x0], $0xffff;
	v9 =	vor.u32 v29, v49;
	v29 =	vor.u32 v25, v46;
	v14 =	vadd.s32 $0x8, v30  }
0x209: {  	v17 =	vld.idx.msk [tilespmem:v53+s21+$0x0], $0xffff;
	v33 =	vor.u32 v23, v40;
	v13 =	vand.u32 $0xFFFFFFF8, v7;
	v19 =	vand.u32 $0x7, v7  }
0x20a: {  	v22 =	vld.idx.msk [tilespmem:v51+s21+$0x0], $0xffff;
	v26 =	vor.u32 v26, v43;
	v61 =	vadd.s32 $0x3, v7;
	v55 =	vadd.s32 $0x4, v7  }
0x20b: {  	v23 =	vld.idx.msk [tilespmem:v50+s21+$0x0], $0xffff;
	v18 =	vor.u32 v8, v18;
	v8 =	vor.u32 v21, v31;
	v13 =	vadd.s32 v2, v13  }
0x20c: {  	v25 =	vld.idx.msk [tilespmem:v52+s21+$0x0], $0xffff;
	v56 =	vadd.s32 $0x5, v7;
	v31 =	vadd.s32 $0x10, v30;
	v19 =	vor.u32 v19, v13  }
0x20d: {  	v21 =	vor.u32 v11, v32;
	v32 =	vor.u32 v15, v41;
	v11 =	vor.u32 v28, v47;
	v30 =	vld.idx.msk [tilespmem:v4+s21+$0x0], $0xffff  }
0x20e: {  	v15 =	vor.u32 v36, v48;
	v41 =	vor.u32 v27, v42;
	v27 =	vor.u32 v34, v45;
	v36 =	vld.idx.msk [tilespmem:v9+s21+$0x0], $0xffff  }
0x20f: {  	v42 =	vor.u32 v24, v39;
	v28 =	vadd.s32 $0x2, v7;
	v13 =	vadd.s32 $0x1, v7;
	v47 =	vld.idx.msk [tilespmem:v26+s21+$0x0], $0xffff  }
0x210: {  	v4 =	vor.u32 v16, v38;
	v16 =	vand.u32 $0xFFFFFFF8, v13;
	v34 =	vld.idx.msk [tilespmem:v8+s21+$0x0], $0xffff;
	v8 =	vor.u32 v35, v44  }
0x211: {  	v49 =	vand.u32 $0x7, v61;
	v13 =	vand.u32 $0x7, v13;
	v16 =	vadd.s32 v2, v16;
	v63 =	vld.idx.msk [tilespmem:v19+s23+$0x0], $0xffff  }
0x212: {  	v43 =	vunpack.i.l.bf16.f32 v37;
	v57 =	vand.u32 $0xFFFFFFF8, v28;
	v38 =	vld.idx.msk [tilespmem:v11+s21+$0x0], $0xffff;
	v62 =	vor.u32 v13, v16  }
0x213: {  	v58 =	vand.u32 $0x7, v28;
	v9 =	vunpack.i.u.bf16.f32 v37;
	v24 =	vunpack.i.l.bf16.f32 v17;
	v44 =	vld.idx.msk [tilespmem:v15+s21+$0x0], $0xffff  }
0x214: {  	v26 =	vunpack.i.l.bf16.f32 v22;
	v28 =	vunpack.i.l.bf16.f32 v25;
	v25 =	vunpack.i.u.bf16.f32 v25;
	v45 =	vld.idx.msk [tilespmem:v27+s21+$0x0], $0xffff  }
0x215: {  	v22 =	vunpack.i.u.bf16.f32 v22;
	v17 =	vunpack.i.u.bf16.f32 v17;
	v35 =	vadd.s32 v2, v57;
	v8 =	vld.idx.msk [tilespmem:v8+s21+$0x0], $0xffff  }
0x216: {  	v59 =	vor.u32 v58, v35;
	v54 =	vunpack.i.l.bf16.f32 v63;
	v46 =	vunpack.i.u.bf16.f32 v63;
	v63 =	vld [tilespmem:$0x1FF70]  }
0x217: {  	v11 =	vunpack.i.l.bf16.f32 v60;
	v15 =	vunpack.i.l.bf16.f32 v3;
	v57 =	vand.u32 $0xFFFFFFF8, v56;
	v50 =	vld.idx.msk [tilespmem:v62+s23+$0x0], $0xffff  }
0x218: {  	v35 =	vunpack.i.l.bf16.f32 v30;
	v39 =	vunpack.i.l.bf16.f32 v36;
	v62 =	vand.u32 $0xFFFFFFF8, v61  }
0x219: {  	v36 =	vunpack.i.u.bf16.f32 v36;
	v51 =	vadd.s32 v2, v62;
	v43 =	vmul.f32 v54, v43  }
0x21a: {  	v40 =	vunpack.i.l.bf16.f32 v38;
	v52 =	vunpack.i.l.bf16.f32 v45;
	v49 =	vor.u32 v49, v51  }
0x21b: {  	v48 =	vld.idx.msk [tilespmem:v59+s23+$0x0], $0xffff;
	v61 =	vand.u32 $0xFFFFFFF8, v55;
	v9 =	vmul.f32 v46, v9;
	v43 =	vadd.f32 v43, v63  }
0x21c: {  	v55 =	vand.u32 $0x7, v55;
	v51 =	vunpack.i.l.bf16.f32 v8;
	v62 =	vunpack.i.l.bf16.f32 v50  }
0x21d: {  	v46 =	vadd.s32 v2, v61;
	v63 =	vmul.f32 v62, v51;
	v9 =	vadd.f32 v43, v9  }
0x21e: {  	v46 =	vor.u32 v55, v46;
	v8 =	vunpack.i.u.bf16.f32 v8;
	v50 =	vunpack.i.u.bf16.f32 v50  }
0x21f: {  	v53 =	vunpack.i.l.bf16.f32 v44;
	v8 =	vmul.f32 v50, v8;
	v49 =	vld.idx.msk [tilespmem:v49+s23+$0x0], $0xffff;
	v9 =	vadd.f32 v63, v9  }
0x220: {  	v54 =	vunpack.i.l.bf16.f32 v47;
	v58 =	vunpack.i.l.bf16.f32 v48;
	v51 =	vand.u32 $0x7, v56  }
0x221: {  	v43 =	vadd.s32 v2, v57;
	v8 =	vadd.f32 v9, v8;
	v9 =	vmul.f32 v58, v54  }
0x222: {  	v47 =	vunpack.i.u.bf16.f32 v47;
	v48 =	vunpack.i.u.bf16.f32 v48;
	v43 =	vor.u32 v51, v43  }
0x223: {  	v59 =	vadd.s32 $0x6, v7;
	v46 =	vld.idx.msk [tilespmem:v46+s23+$0x0], $0xffff;
	v8 =	vadd.f32 v9, v8;
	v9 =	vmul.f32 v48, v47  }
0x224: {  	v41 =	vld.idx.msk [tilespmem:v41+s21+$0x0], $0xffff;
	v61 =	vand.u32 $0xFFFFFFF8, v59;
	v50 =	vand.u32 $0x7, v59;
	v62 =	vunpack.i.l.bf16.f32 v49  }
0x225: {  	v42 =	vld.idx.msk [tilespmem:v42+s21+$0x0], $0xffff;
	v47 =	vadd.s32 v2, v61;
	v8 =	vadd.f32 v8, v9;
	v9 =	vmul.f32 v62, v52  }
0x226: {  	v4 =	vld.idx.msk [tilespmem:v4+s21+$0x0], $0xffff;
	v45 =	vunpack.i.u.bf16.f32 v45;
	v63 =	vunpack.i.u.bf16.f32 v49;
	v47 =	vor.u32 v50, v47  }
0x227: {  	v43 =	vld.idx.msk [tilespmem:v43+s23+$0x0], $0xffff;
	v52 =	vadd.s32 $0x7, v7;
	v8 =	vadd.f32 v9, v8;
	v9 =	vmul.f32 v63, v45  }
0x228: {  	v55 =	vunpack.i.l.bf16.f32 v46;
	v54 =	vand.u32 $0xFFFFFFF8, v52;
	v49 =	vand.u32 $0x7, v52  }
0x229: {  	v45 =	vadd.s32 v2, v54;
	v8 =	vadd.f32 v8, v9;
	v9 =	vmul.f32 v55, v53  }
0x22a: {  	v44 =	vunpack.i.u.bf16.f32 v44;
	v46 =	vunpack.i.u.bf16.f32 v46;
	v45 =	vor.u32 v49, v45  }
0x22b: {  	v56 =	vunpack.i.l.bf16.f32 v41;
	v47 =	vld.idx.msk [tilespmem:v47+s23+$0x0], $0xffff;
	v8 =	vadd.f32 v9, v8;
	v9 =	vmul.f32 v46, v44  }
0x22c: {  	v59 =	vunpack.i.l.bf16.f32 v42;
	v57 =	vunpack.i.l.bf16.f32 v4;
	v58 =	vunpack.i.l.bf16.f32 v43  }
0x22d: {  	v42 =	vunpack.i.u.bf16.f32 v42;
	v8 =	vadd.f32 v8, v9;
	v9 =	vmul.f32 v58, v57  }
0x22e: {  	v4 =	vunpack.i.u.bf16.f32 v4;
	v61 =	vadd.s32 $0x8, v19;
	v43 =	vunpack.i.u.bf16.f32 v43  }
0x22f: {  	v62 =	vadd.s32 $0x9, v7;
	v4 =	vmul.f32 v43, v4;
	v45 =	vld.idx.msk [tilespmem:v45+s23+$0x0], $0xffff;
	v8 =	vadd.f32 v9, v8  }
0x230: {  	v49 =	vand.u32 $0x7, v62;
	v63 =	vunpack.i.l.bf16.f32 v47;
	v9 =	vand.u32 $0xFFFFFFF8, v62  }
0x231: {  	v14 =	vld.idx.msk [tilespmem:v14+s21+$0x0], $0xffff;
	v9 =	vadd.s32 v2, v9;
	v4 =	vadd.f32 v8, v4;
	v8 =	vmul.f32 v63, v59  }
0x232: {  	v41 =	vunpack.i.u.bf16.f32 v41;
	v9 =	vor.u32 v49, v9;
	v49 =	vunpack.i.u.bf16.f32 v47  }
0x233: {  	v50 =	vadd.s32 $0xA, v7;
	v46 =	vld.idx.msk [tilespmem:v61+s23+$0x0], $0xffff;
	v4 =	vadd.f32 v8, v4;
	v8 =	vmul.f32 v49, v42  }
0x234: {  	v51 =	vand.u32 $0xFFFFFFF8, v50;
	v47 =	vand.u32 $0x7, v50;
	v52 =	vunpack.i.l.bf16.f32 v45  }
0x235: {  	v42 =	vadd.s32 v2, v51;
	v4 =	vadd.f32 v4, v8;
	v8 =	vmul.f32 v52, v56  }
0x236: {  	v48 =	vunpack.i.l.bf16.f32 v14;
	v53 =	vunpack.i.u.bf16.f32 v45;
	v42 =	vor.u32 v47, v42  }
0x237: {  	v54 =	vadd.s32 $0xB, v7;
	v9 =	vld.idx.msk [tilespmem:v9+s23+$0x0], $0xffff;
	v4 =	vadd.f32 v8, v4;
	v8 =	vmul.f32 v53, v41  }
0x238: {  	v55 =	vand.u32 $0xFFFFFFF8, v54;
	v44 =	vand.u32 $0x7, v54;
	v56 =	vunpack.i.l.bf16.f32 v46  }
0x239: {  	v41 =	vadd.s32 v2, v55;
	v4 =	vadd.f32 v4, v8;
	v8 =	vmul.f32 v56, v48  }
0x23a: {  	v14 =	vunpack.i.u.bf16.f32 v14;
	v57 =	vunpack.i.u.bf16.f32 v46;
	v41 =	vor.u32 v44, v41  }
0x23b: {  	v58 =	vadd.s32 $0xC, v7;
	v42 =	vld.idx.msk [tilespmem:v42+s23+$0x0], $0xffff;
	v4 =	vadd.f32 v8, v4;
	v8 =	vmul.f32 v57, v14  }
0x23c: {  	v44 =	vand.u32 $0x7, v58;
	v14 =	vand.u32 $0xFFFFFFF8, v58;
	v59 =	vunpack.i.l.bf16.f32 v9  }
0x23d: {  	v14 =	vadd.s32 v2, v14;
	v4 =	vadd.f32 v4, v8;
	v8 =	vmul.f32 v59, v40  }
0x23e: {  	v38 =	vunpack.i.u.bf16.f32 v38;
	v9 =	vunpack.i.u.bf16.f32 v9;
	v14 =	vor.u32 v44, v14  }
0x23f: {  	v62 =	vadd.s32 $0xD, v7;
	v61 =	vld.idx.msk [tilespmem:v41+s23+$0x0], $0xffff;
	v4 =	vadd.f32 v8, v4;
	v8 =	vmul.f32 v9, v38  }
0x240: {  	v41 =	vand.u32 $0x7, v62;
	v63 =	vunpack.i.l.bf16.f32 v42;
	v9 =	vand.u32 $0xFFFFFFF8, v62  }
0x241: {  	v9 =	vadd.s32 v2, v9;
	v4 =	vadd.f32 v4, v8;
	v8 =	vmul.f32 v63, v39  }
0x242: {  	v37 =	vunpack.i.l.bf16.f32 v34;
	v42 =	vunpack.i.u.bf16.f32 v42;
	v9 =	vor.u32 v41, v9  }
0x243: {  	v43 =	vadd.s32 $0xE, v7;
	v14 =	vld.idx.msk [tilespmem:v14+s23+$0x0], $0xffff;
	v4 =	vadd.f32 v8, v4;
	v8 =	vmul.f32 v42, v36  }
0x244: {  	v44 =	vand.u32 $0xFFFFFFF8, v43;
	v39 =	vand.u32 $0x7, v43;
	v45 =	vunpack.i.l.bf16.f32 v61  }
0x245: {  	v33 =	vld.idx.msk [tilespmem:v33+s21+$0x0], $0xffff;
	v36 =	vadd.s32 v2, v44;
	v4 =	vadd.f32 v4, v8;
	v8 =	vmul.f32 v45, v37  }
0x246: {  	v31 =	vld.idx.msk [tilespmem:v31+s21+$0x0], $0xffff;
	v34 =	vunpack.i.u.bf16.f32 v34;
	v46 =	vunpack.i.u.bf16.f32 v61;
	v36 =	vor.u32 v39, v36  }
0x247: {  	v47 =	vadd.s32 $0xF, v7;
	v9 =	vld.idx.msk [tilespmem:v9+s23+$0x0], $0xffff;
	v4 =	vadd.f32 v8, v4;
	v8 =	vmul.f32 v46, v34  }
0x248: {  	v29 =	vld.idx.msk [tilespmem:v29+s21+$0x0], $0xffff;
	v48 =	vand.u32 $0xFFFFFFF8, v47;
	v38 =	vand.u32 $0x7, v47;
	v49 =	vunpack.i.l.bf16.f32 v14  }
0x249: {  	v34 =	vadd.s32 v2, v48;
	v4 =	vadd.f32 v4, v8;
	v8 =	vmul.f32 v49, v35  }
0x24a: {  	v30 =	vunpack.i.u.bf16.f32 v30;
	v14 =	vunpack.i.u.bf16.f32 v14;
	v34 =	vor.u32 v38, v34  }
0x24b: {  	v54 =	vadd.s32 $0x11, v7;
	v50 =	vld.idx.msk [tilespmem:v36+s23+$0x0], $0xffff;
	v4 =	vadd.f32 v8, v4;
	v8 =	vmul.f32 v14, v30  }
0x24c: {  	v51 =	vunpack.i.l.bf16.f32 v31;
	v30 =	vunpack.i.l.bf16.f32 v33;
	v52 =	vunpack.i.l.bf16.f32 v9  }
0x24d: {  	v53 =	vunpack.i.l.bf16.f32 v29;
	v4 =	vadd.f32 v4, v8;
	v8 =	vmul.f32 v52, v30  }
0x24e: {  	v32 =	vld.idx.msk [tilespmem:v32+s21+$0x0], $0xffff;
	v33 =	vunpack.i.u.bf16.f32 v33;
	v9 =	vunpack.i.u.bf16.f32 v9;
	v30 =	vadd.s32 $0x10, v19  }
0x24f: {  	v29 =	vunpack.i.u.bf16.f32 v29;
	v34 =	vld.idx.msk [tilespmem:v34+s23+$0x0], $0xffff;
	v4 =	vadd.f32 v8, v4;
	v8 =	vmul.f32 v9, v33  }
0x250: {  	v37 =	vand.u32 $0x7, v54;
	v55 =	vunpack.i.l.bf16.f32 v50;
	v9 =	vand.u32 $0xFFFFFFF8, v54  }
0x251: {  	v9 =	vadd.s32 v2, v9;
	v4 =	vadd.f32 v4, v8;
	v8 =	vmul.f32 v55, v53  }
0x252: {  	v57 =	vadd.s32 $0x12, v7;
	v56 =	vunpack.i.u.bf16.f32 v50;
	v9 =	vor.u32 v37, v9  }
0x253: {  	v35 =	vand.u32 $0x7, v57;
	v30 =	vld.idx.msk [tilespmem:v30+s23+$0x0], $0xffff;
	v4 =	vadd.f32 v8, v4;
	v8 =	vmul.f32 v56, v29  }
0x254: {  	v14 =	vunpack.i.l.bf16.f32 v32;
	v58 =	vunpack.i.l.bf16.f32 v34;
	v29 =	vand.u32 $0xFFFFFFF8, v57  }
0x255: {  	v29 =	vadd.s32 v2, v29;
	v4 =	vadd.f32 v4, v8;
	v8 =	vmul.f32 v58, v14  }
0x256: {  	v59 =	vunpack.i.u.bf16.f32 v34;
	v14 =	vor.u32 v35, v29;
	v29 =	vunpack.i.u.bf16.f32 v32  }
0x257: {  	v61 =	vadd.s32 $0x13, v7;
	v9 =	vld.idx.msk [tilespmem:v9+s23+$0x0], $0xffff;
	v4 =	vadd.f32 v8, v4;
	v8 =	vmul.f32 v59, v29  }
0x258: {  	v33 =	vand.u32 $0x7, v61;
	v29 =	vand.u32 $0xFFFFFFF8, v61;
	v62 =	vunpack.i.l.bf16.f32 v30  }
0x259: {  	v29 =	vadd.s32 v2, v29;
	v4 =	vadd.f32 v4, v8;
	v8 =	vmul.f32 v62, v51  }
0x25a: {  	v31 =	vunpack.i.u.bf16.f32 v31;
	v30 =	vunpack.i.u.bf16.f32 v30;
	v29 =	vor.u32 v33, v29  }
0x25b: {  	v63 =	vadd.s32 $0x14, v7;
	v14 =	vld.idx.msk [tilespmem:v14+s23+$0x0], $0xffff;
	v4 =	vadd.f32 v8, v4;
	v8 =	vmul.f32 v30, v31  }
0x25c: {  	v32 =	vand.u32 $0x7, v63;
	v30 =	vand.u32 $0xFFFFFFF8, v63;
	v31 =	vunpack.i.l.bf16.f32 v9  }
0x25d: {  	v30 =	vadd.s32 v2, v30;
	v4 =	vadd.f32 v4, v8;
	v8 =	vmul.f32 v31, v28  }
0x25e: {  	v27 =	vunpack.i.l.bf16.f32 v23;
	v9 =	vunpack.i.u.bf16.f32 v9;
	v28 =	vor.u32 v32, v30  }
0x25f: {  	v30 =	vadd.s32 $0x15, v7;
	v29 =	vld.idx.msk [tilespmem:v29+s23+$0x0], $0xffff;
	v4 =	vadd.f32 v8, v4;
	v8 =	vmul.f32 v9, v25  }
0x260: {  	v9 =	vand.u32 $0xFFFFFFF8, v30;
	v25 =	vunpack.i.l.bf16.f32 v14;
	v30 =	vand.u32 $0x7, v30  }
0x261: {  	v9 =	vadd.s32 v2, v9;
	v4 =	vadd.f32 v4, v8;
	v8 =	vmul.f32 v25, v27  }
0x262: {  	v23 =	vunpack.i.u.bf16.f32 v23;
	v14 =	vunpack.i.u.bf16.f32 v14;
	v9 =	vor.u32 v30, v9  }
0x263: {  	v27 =	vadd.s32 $0x16, v7;
	v25 =	vld.idx.msk [tilespmem:v28+s23+$0x0], $0xffff;
	v4 =	vadd.f32 v8, v4;
	v8 =	vmul.f32 v14, v23  }
0x264: {  	v14 =	vand.u32 $0xFFFFFFF8, v27;
	v23 =	vunpack.i.l.bf16.f32 v29;
	v27 =	vand.u32 $0x7, v27  }
0x265: {  	v10 =	vld.idx.msk [tilespmem:v10+s21+$0x0], $0xffff;
	v14 =	vadd.s32 v2, v14;
	v4 =	vadd.f32 v4, v8;
	v8 =	vmul.f32 v23, v26  }
0x266: {  	v21 =	vld.idx.msk [tilespmem:v21+s21+$0x0], $0xffff;
	v3 =	vunpack.i.u.bf16.f32 v3;
	v14 =	vor.u32 v27, v14;
	v23 =	vunpack.i.u.bf16.f32 v29  }
0x267: {  	v26 =	vadd.s32 $0x17, v7;
	v9 =	vld.idx.msk [tilespmem:v9+s23+$0x0], $0xffff;
	v4 =	vadd.f32 v8, v4;
	v8 =	vmul.f32 v23, v22  }
0x268: {  	v18 =	vld.idx.msk [tilespmem:v18+s21+$0x0], $0xffff;
	v22 =	vand.u32 $0xFFFFFFF8, v26;
	v23 =	vunpack.i.l.bf16.f32 v25;
	v26 =	vand.u32 $0x7, v26  }
0x269: {  	v22 =	vadd.s32 v2, v22;
	v4 =	vadd.f32 v4, v8;
	v8 =	vmul.f32 v23, v24  }
0x26a: {  	v16 =	vunpack.i.l.bf16.f32 v12;
	v22 =	vor.u32 v26, v22;
	v23 =	vunpack.i.u.bf16.f32 v25  }
0x26b: {  	v19 =	vadd.s32 $0x18, v19;
	v14 =	vld.idx.msk [tilespmem:v14+s23+$0x0], $0xffff;
	v4 =	vadd.f32 v8, v4;
	v8 =	vmul.f32 v23, v17  }
0x26c: {  	v24 =	vunpack.i.l.bf16.f32 v10;
	v23 =	vunpack.i.l.bf16.f32 v21;
	v25 =	vunpack.i.l.bf16.f32 v9  }
0x26d: {  	v20 =	vld.idx.msk [tilespmem:v20+s21+$0x0], $0xffff;
	v26 =	vunpack.i.l.bf16.f32 v18;
	v4 =	vadd.f32 v4, v8;
	v8 =	vmul.f32 v25, v23  }
0x26e: {  	v18 =	vunpack.i.u.bf16.f32 v18;
	v21 =	vunpack.i.u.bf16.f32 v21;
	v9 =	vunpack.i.u.bf16.f32 v9  }
0x26f: {  	v23 =	vadd.s32 $0x19, v7;
	v22 =	vld.idx.msk [tilespmem:v22+s23+$0x0], $0xffff;
	v4 =	vadd.f32 v8, v4;
	v8 =	vmul.f32 v9, v21  }
0x270: {  	v9 =	vand.u32 $0xFFFFFFF8, v23;
	v21 =	vunpack.i.l.bf16.f32 v14;
	v23 =	vand.u32 $0x7, v23  }
0x271: {  	v9 =	vadd.s32 v2, v9;
	v4 =	vadd.f32 v4, v8;
	v8 =	vmul.f32 v21, v26  }
0x272: {  	v17 =	vunpack.i.l.bf16.f32 v20;
	v14 =	vunpack.i.u.bf16.f32 v14;
	v9 =	vor.u32 v23, v9  }
0x273: {  	v19 =	vld.idx.msk [tilespmem:v19+s23+$0x0], $0xffff;
	v21 =	vadd.s32 $0x1A, v7;
	v4 =	vadd.f32 v8, v4;
	v8 =	vmul.f32 v14, v18  }
0x274: {  	v14 =	vand.u32 $0xFFFFFFF8, v21;
	v18 =	vunpack.i.l.bf16.f32 v22;
	v21 =	vand.u32 $0x7, v21  }
0x275: {  	v14 =	vadd.s32 v2, v14;
	v4 =	vadd.f32 v4, v8;
	v8 =	vmul.f32 v18, v17  }
0x276: {  	v14 =	vor.u32 v21, v14;
	v17 =	vunpack.i.u.bf16.f32 v20;
	v18 =	vunpack.i.u.bf16.f32 v22  }
0x277: {  	v20 =	vadd.s32 $0x1B, v7;
	v9 =	vld.idx.msk [tilespmem:v9+s23+$0x0], $0xffff;
	v4 =	vadd.f32 v8, v4;
	v8 =	vmul.f32 v18, v17  }
0x278: {  	v17 =	vand.u32 $0xFFFFFFF8, v20;
	v18 =	vunpack.i.l.bf16.f32 v19;
	v20 =	vand.u32 $0x7, v20  }
0x279: {  	v17 =	vadd.s32 v2, v17;
	v4 =	vadd.f32 v4, v8;
	v8 =	vmul.f32 v18, v24  }
0x27a: {  	v10 =	vunpack.i.u.bf16.f32 v10;
	v17 =	vor.u32 v20, v17;
	v18 =	vunpack.i.u.bf16.f32 v19  }
0x27b: {  	v19 =	vadd.s32 $0x1C, v7;
	v14 =	vld.idx.msk [tilespmem:v14+s23+$0x0], $0xffff;
	v4 =	vadd.f32 v8, v4;
	v8 =	vmul.f32 v18, v10  }
0x27c: {  	v10 =	vand.u32 $0xFFFFFFF8, v19;
	v18 =	vunpack.i.l.bf16.f32 v9;
	v19 =	vand.u32 $0x7, v19  }
0x27d: {  	v10 =	vadd.s32 v2, v10;
	v4 =	vadd.f32 v4, v8;
	v8 =	vmul.f32 v18, v16  }
0x27e: {  	v12 =	vunpack.i.u.bf16.f32 v12;
	v9 =	vunpack.i.u.bf16.f32 v9;
	v10 =	vor.u32 v19, v10  }
0x27f: {  	v16 =	vld.idx.msk [tilespmem:v17+s23+$0x0], $0xffff;
	v17 =	vadd.s32 $0x1D, v7;
	v4 =	vadd.f32 v8, v4;
	v8 =	vmul.f32 v9, v12  }
0x280: {  	v9 =	vand.u32 $0xFFFFFFF8, v17;
	v12 =	vunpack.i.l.bf16.f32 v14;
	v17 =	vand.u32 $0x7, v17  }
0x281: {  	v9 =	vadd.s32 v2, v9;
	v4 =	vadd.f32 v4, v8;
	v8 =	vmul.f32 v12, v15  }
0x282: {  	v13 =	vunpack.i.l.bf16.f32 v6;
	v9 =	vor.u32 v17, v9;
	v12 =	vunpack.i.u.bf16.f32 v14  }
0x283: {  	v14 =	vadd.s32 $0x1E, v7;
	v10 =	vld.idx.msk [tilespmem:v10+s23+$0x0], $0xffff;
	v3 =	vmul.f32 v12, v3;
	v4 =	vadd.f32 v8, v4  }
0x284: {  	v8 =	vand.u32 $0xFFFFFFF8, v14;
	v12 =	vunpack.i.l.bf16.f32 v16;
	v14 =	vand.u32 $0x7, v14  }
0x285: {  	v8 =	vadd.s32 v2, v8;
	v3 =	vadd.f32 v4, v3;
	v4 =	vmul.f32 v12, v13  }
0x286: {  	v0 =	vld.idx.msk [tilespmem:v0+s21+$0x0], $0xffff;
	v6 =	vunpack.i.u.bf16.f32 v6;
	v8 =	vor.u32 v14, v8;
	v12 =	vunpack.i.u.bf16.f32 v16  }
0x287: {  	v7 =	vadd.s32 $0x1F, v7;
	v9 =	vld.idx.msk [tilespmem:v9+s23+$0x0], $0xffff;
	v3 =	vadd.f32 v4, v3;
	v4 =	vmul.f32 v12, v6  }
0x288: {  	v6 =	vand.u32 $0xFFFFFFF8, v7;
	v12 =	vunpack.i.l.bf16.f32 v10;
	v7 =	vand.u32 $0x7, v7  }
0x289: {  	v2 =	vadd.s32 v2, v6;
	v3 =	vadd.f32 v3, v4;
	v4 =	vmul.f32 v12, v11  }
0x28a: {  	v5 =	vld.idx.msk [tilespmem:v5+s21+$0x0], $0xffff;
	v6 =	vunpack.i.u.bf16.f32 v60;
	v2 =	vor.u32 v7, v2;
	v7 =	vunpack.i.u.bf16.f32 v10  }
0x28b: {  	v8 =	vld.idx.msk [tilespmem:v8+s23+$0x0], $0xffff;
	v3 =	vadd.f32 v4, v3;
	v4 =	vmul.f32 v7, v6  }
0x28c: {  	v6 =	vunpack.i.l.bf16.f32 v0;
	v7 =	vunpack.i.l.bf16.f32 v9  }
0x28d: {  	v3 =	vadd.f32 v3, v4;
	v4 =	vmul.f32 v7, v6  }
0x28e: {  	v1 =	vld.idx.msk [tilespmem:v1+s21+$0x0], $0xffff;
	v0 =	vunpack.i.u.bf16.f32 v0;
	v6 =	vunpack.i.u.bf16.f32 v9  }
0x28f: {  	v2 =	vld.idx.msk [tilespmem:v2+s23+$0x0], $0xffff;
	v0 =	vmul.f32 v6, v0;
	v3 =	vadd.f32 v4, v3  }
0x290: {  	v4 =	vunpack.i.l.bf16.f32 v5;
	v6 =	vunpack.i.l.bf16.f32 v8  }
0x291: {  	v0 =	vadd.f32 v3, v0;
	v3 =	vmul.f32 v6, v4  }
0x292: {  	v4 =	vunpack.i.u.bf16.f32 v5;
	v5 =	vunpack.i.u.bf16.f32 v8  }
0x293: {  	v0 =	vadd.f32 v3, v0;
	v3 =	vmul.f32 v5, v4  }
0x294: {  	v4 =	vunpack.i.l.bf16.f32 v1;
	v5 =	vunpack.i.l.bf16.f32 v2  }
0x295: {  	v0 =	vadd.f32 v0, v3;
	v3 =	vmul.f32 v5, v4  }
0x296: {  	v1 =	vunpack.i.u.bf16.f32 v1;
	v2 =	vunpack.i.u.bf16.f32 v2  }
0x297: {  	v1 =	vmul.f32 v2, v1;
	v0 =	vadd.f32 v3, v0;
	_ =	sdelay $0x1  }
0x298: {  	v0 =	vadd.f32 v0, v1  }
0x299: {  	s1 =	sadd.s32 $0x10, s15  }
0x29a: {  	s15 =	simm.s32 @p0 $0x500;
	s16 =	simm.s32 @p0 $0xC00;
	[tilespmem:s1+$0x0] =	vst v0;
	s1 =	simm.s32 @p0 $0x80  }
0x29b: {  	[tilespmem:s16], [sflag:$0x1] =	stream.indirect.gather @p0 [hbm4b:s4+s1], $0x80, s15, s1, $0xb8;
	[tilespmem:$0x11210] =	vst v63  }
0x29c: {  	s15 =	simm.s32 @p0 $0x700;
	s16 =	simm.s32 @p0 $0x8C00  }
0x29d: {  	[tilespmem:s16], [sflag:$0x3] =	stream.indirect.gather @p0 [hbm4b:s5+s1], $0x80, s15, s1, $0xb8;
	[tilespmem:$0x11210] =	vst v63  }
0x29e: {  	s15 =	sadd.s32 $0x10C80, s14;
	_ =	swait.ge [sflag:s29], $0x4000  }
0x29f: {  	s16 =	sadd.s32 $0x10E80, s14;
	v0 =	vmov s15;
	[sflag:s29] =	ssyncset.done $0x0  }
0x2a0: {  	s20 =	sadd.s32 $0x880, s14;
	v1 =	vmov s16;
	[sflag:s29] =	ssyncadd.s32 $0xFFFFC000  }
0x2a1: {  	v2 =	vmov s20;
	_ =	swait.ge [sflag:s30], $0x4000  }
0x2a2: {  	[sflag:s30] =	ssyncset.done $0x0  }
0x2a3: {  	s15 =	simm.s32 $0x0;
	[sflag:s30] =	ssyncadd.s32 $0xFFFFC000  }
0x2a4: {  	[tilespmem:$0x1FEB0] =	vst v0;
	v0 =	vld.idx.msk [tilespmem:v0+s15+$0x0 ss:$0x1], $0xffff  }
0x2a5: {  	[tilespmem:$0x1FEC0] =	vst v1;
	v1 =	vld.idx.msk [tilespmem:v1+s15+$0x0 ss:$0x1], $0xffff  }
0x2a6: {  	v4 =	vld.idx.msk [tilespmem:v2+s15+$0x0 ss:$0x1], $0xffff;
	_ =	sdelay $0x1  }
0x2a7: {  	s16 =	simm.s32 $0x0  }
0x2a8: {  	[tilespmem:$0x1FED0] =	vst v2;
	v2 =	vmov s16  }
0x2a9: {  	s31 =	sadd.s32 $0xA80, s14;
	v3 =	vshll.u32 v2, $0x7;
	v0 =	vadd.f32 v1, v0  }
0x2aa: {  	v1 =	vmov s31;
	v5 =	vadd.s32 $0x1B, v4;
	v12 =	vadd.s32 $0x1C, v4  }
0x2ab: {  	v14 =	vadd.s32 $0x1D, v4;
	v15 =	vadd.s32 $0x17, v4;
	v16 =	vadd.s32 $0x19, v4  }
0x2ac: {  	v17 =	vadd.s32 $0x1A, v4;
	v20 =	vadd.s32 $0x14, v4;
	v21 =	vadd.s32 $0x15, v4  }
0x2ad: {  	v22 =	vadd.s32 $0x16, v4;
	v23 =	vadd.s32 $0x11, v4;
	v24 =	vadd.s32 $0x12, v4  }
0x2ae: {  	v25 =	vadd.s32 $0x13, v4;
	v26 =	vadd.s32 $0xD, v4;
	v27 =	vadd.s32 $0xE, v4  }
0x2af: {  	v28 =	vadd.s32 $0xF, v4;
	v30 =	vadd.s32 $0xA, v4;
	v31 =	vadd.s32 $0xB, v4  }
0x2b0: {  	v32 =	vadd.s32 $0xC, v4;
	v33 =	vadd.s32 $0x6, v4;
	v35 =	vadd.s32 $0x7, v4  }
0x2b1: {  	v36 =	vadd.s32 $0x9, v4;
	v37 =	vadd.s32 $0x3, v4;
	v38 =	vadd.s32 $0x4, v4  }
0x2b2: {  	s22 =	sadd.s32 $0x11090, s14;
	v41 =	vadd.s32 $0x5, v4;
	v39 =	vand.u32 $0x7, v4;
	v42 =	vadd.s32 $0x1, v4  }
0x2b3: {  	v45 =	vadd.s32 $0x2, v4;
	v43 =	vand.u32 $0xFFFFFFF8, v4;
	[tilespmem:$0x1FEE0] =	vst v1;
	v1 =	vmov s22  }
0x2b4: {  	v9 =	vand.u32 $0x7, v14;
	v56 =	vand.u32 $0x7, v12;
	v11 =	vand.u32 $0xFFFFFFF8, v14  }
0x2b5: {  	v57 =	vand.u32 $0x7, v17;
	v40 =	vand.u32 $0xFFFFFFF8, v5;
	v44 =	vand.u32 $0xFFFFFFF8, v16  }
0x2b6: {  	v52 =	vand.u32 $0x7, v16;
	v50 =	vand.u32 $0xFFFFFFF8, v17;
	v16 =	vand.u32 $0x7, v22  }
0x2b7: {  	v13 =	vand.u32 $0xFFFFFFF8, v15;
	v18 =	vand.u32 $0x7, v15;
	v15 =	vand.u32 $0x7, v21;
	[tilespmem:$0x1FEF0] =	vst v1;
	v1 =	vld [tilespmem:$0x1FFF0]  }
0x2b8: {  	v10 =	vand.u32 $0x7, v25;
	v54 =	vand.u32 $0xFFFFFFF8, v20;
	v20 =	vand.u32 $0x7, v20  }
0x2b9: {  	v59 =	vand.u32 $0xFFFFFFF8, v24;
	v14 =	vand.u32 $0x7, v24;
	v58 =	vand.u32 $0xFFFFFFF8, v25  }
0x2ba: {  	v19 =	vand.u32 $0x7, v28;
	v60 =	vand.u32 $0xFFFFFFF8, v23;
	v17 =	vand.u32 $0x7, v23  }
0x2bb: {  	v61 =	vand.u32 $0xFFFFFFF8, v27;
	v29 =	vand.u32 $0x7, v27;
	v48 =	vand.u32 $0xFFFFFFF8, v28  }
0x2bc: {  	v63 =	vand.u32 $0xFFFFFFF8, v26;
	v28 =	vand.u32 $0x7, v26;
	v3 =	vor.u32 v1, v3;
	v1 =	vld [tilespmem:$0x1FFE0]  }
0x2bd: {  	v55 =	vand.u32 $0xFFFFFFF8, v31;
	v53 =	vand.u32 $0xFFFFFFF8, v32;
	v34 =	vand.u32 $0x7, v36  }
0x2be: {  	v47 =	vand.u32 $0xFFFFFFF8, v30;
	v30 =	vand.u32 $0x7, v30;
	v51 =	vand.u32 $0xFFFFFFF8, v35  }
0x2bf: {  	v46 =	vand.u32 $0xFFFFFFF8, v36;
	v23 =	vadd.s32 v3, v43;
	v43 =	vand.u32 $0x7, v38  }
0x2c0: {  	v24 =	vadd.s32 v3, v44;
	v44 =	vand.u32 $0x7, v37;
	v26 =	vadd.s32 v3, v13  }
0x2c1: {  	v59 =	vadd.s32 v3, v59;
	v0 =	vadd.f32 v0, v1;
	v1 =	vadd.s32 $0x1F, v4  }
0x2c2: {  	v36 =	vadd.s32 v3, v61;
	v61 =	vadd.s32 v3, v53;
	v2 =	vand.u32 $0xFFFFFFF8, v1  }
0x2c3: {  	v6 =	vand.u32 $0x7, v1;
	v1 =	vand.u32 $0x7, v5;
	[tilespmem:$0x1FF00] =	vst v0;
	v0 =	vadd.s32 $0x1E, v4  }
0x2c4: {  	v4 =	vand.u32 $0xFFFFFFF8, v21;
	v8 =	vand.u32 $0xFFFFFFF8, v0;
	v7 =	vand.u32 $0x7, v0  }
0x2c5: {  	v0 =	vand.u32 $0xFFFFFFF8, v12;
	[tilespmem:$0x1FF10] =	vst v4;
	v4 =	vand.u32 $0xFFFFFFF8, v22;
	v22 =	vand.u32 $0x7, v31  }
0x2c6: {  	v31 =	vand.u32 $0x7, v35;
	v35 =	vor.u32 v39, v23;
	v23 =	vadd.s32 v3, v40  }
0x2c7: {  	v0 =	vadd.s32 v3, v0;
	v62 =	vor.u32 v1, v23;
	v23 =	vadd.s32 v3, v50  }
0x2c8: {  	v49 =	vor.u32 v56, v0;
	v56 =	vor.u32 v57, v23;
	v23 =	vadd.s32 v3, v54  }
0x2c9: {  	v53 =	vadd.s32 v3, v46;
	v54 =	vor.u32 v20, v23;
	v20 =	vadd.s32 v3, v2;
	v2 =	vld [tilespmem:$0x1FF10]  }
0x2ca: {  	v5 =	vand.u32 $0xFFFFFFF8, v38;
	v38 =	vor.u32 v52, v24;
	v52 =	vand.u32 $0xFFFFFFF8, v37  }
0x2cb: {  	v37 =	vadd.s32 v3, v47;
	v21 =	vand.u32 $0x7, v32;
	v52 =	vadd.s32 v3, v52  }
0x2cc: {  	v39 =	vand.u32 $0x7, v41;
	v12 =	vand.u32 $0xFFFFFFF8, v33;
	v40 =	vand.u32 $0x7, v33  }
0x2cd: {  	v33 =	vadd.s32 v3, v48;
	v48 =	vadd.s32 v3, v63;
	[tilespmem:$0x1FF20] =	vst v4;
	v4 =	vand.u32 $0xFFFFFFF8, v41  }
0x2ce: {  	v41 =	vand.u32 $0x7, v45;
	v1 =	vand.u32 $0xFFFFFFF8, v42;
	v24 =	vadd.s32 v3, v2;
	v2 =	vld [tilespmem:$0x1FF20]  }
0x2cf: {  	v42 =	vand.u32 $0x7, v42;
	v27 =	vadd.s32 v3, v8;
	v50 =	vadd.s32 v3, v51  }
0x2d0: {  	v47 =	vadd.s32 v3, v12;
	v0 =	vand.u32 $0xFFFFFFF8, v45;
	v45 =	vadd.s32 v3, v58  }
0x2d1: {  	v58 =	vadd.s32 v3, v60;
	v57 =	vadd.s32 v3, v55;
	v60 =	vor.u32 v10, v45;
	v45 =	vld.idx.msk [tilespmem:v35+s24+$0x0], $0xffff  }
0x2d2: {  	v46 =	vadd.s32 v3, v4;
	v55 =	vadd.s32 v3, v5;
	v51 =	vadd.s32 v3, v1;
	v5 =	vld.idx.msk [tilespmem:v62+s24+$0x0], $0xffff  }
0x2d3: {  	s1 =	simm.s32 $0x40;
	v23 =	vadd.s32 v3, v11;
	v32 =	vadd.s32 v3, v2;
	v2 =	vld.idx.msk [tilespmem:v49+s24+$0x0], $0xffff;
	v49 =	vadd.s32 v3, v0  }
.LBB2_7:
0x2d4: {  	v0 =	vld [tilespmem:$0x1FEE0];
	_ =	sdelay $0x5  }
0x2d5: {  	v11 =	vor.u32 v7, v27;
	v10 =	vor.u32 v6, v20;
	v1 =	vor.u32 v17, v58  }
0x2d6: {  	v27 =	vadd.s32 $0x18, v35;
	v17 =	vor.u32 v21, v61;
	v21 =	vld.idx.msk [tilespmem:v54+s24+$0x0], $0xffff;
	v24 =	vor.u32 v15, v24  }
0x2d7: {  	v15 =	vor.u32 v30, v37;
	v36 =	vor.u32 v29, v36;
	v12 =	vld.idx.msk [tilespmem:v0+s15+$0x0 ss:$0x1], $0xffff;
	v0 =	vor.u32 v14, v59  }
0x2d8: {  	v25 =	vld.idx.msk [tilespmem:v60+s24+$0x0], $0xffff;
	v54 =	vadd.s32 $0x8, v35;
	v20 =	vor.u32 v34, v53;
	v29 =	vor.u32 v43, v55  }
0x2d9: {  	v13 =	vor.u32 v9, v23;
	v23 =	vor.u32 v16, v32;
	v16 =	vld.idx.msk [tilespmem:v38+s24+$0x0], $0xffff;
	v38 =	vadd.s32 $0x10, v35  }
0x2da: {  	v35 =	vor.u32 v28, v48;
	v48 =	vor.u32 v31, v50;
	v31 =	vor.u32 v44, v52;
	v30 =	vld.idx.msk [tilespmem:v1+s24+$0x0], $0xffff  }
0x2db: {  	v37 =	vor.u32 v19, v33;
	v58 =	vor.u32 v41, v49;
	v34 =	vld.idx.msk [tilespmem:v17+s24+$0x0], $0xffff  }
0x2dc: {  	v26 =	vor.u32 v18, v26;
	v18 =	vor.u32 v22, v57;
	v28 =	vld.idx.msk [tilespmem:v0+s24+$0x0], $0xffff;
	v0 =	vand.u32 $0xFFFFFFF8, v12  }
0x2dd: {  	v57 =	vor.u32 v42, v51;
	v43 =	vld.idx.msk [tilespmem:v20+s24+$0x0], $0xffff;
	v1 =	vand.u32 $0x7, v12;
	v0 =	vadd.s32 v3, v0  }
0x2de: {  	v49 =	vld.idx.msk [tilespmem:v29+s24+$0x0], $0xffff;
	v29 =	vunpack.i.l.bf16.f32 v21;
	v21 =	vunpack.i.u.bf16.f32 v21;
	v22 =	vor.u32 v1, v0  }
0x2df: {  	v50 =	vld.idx.msk [tilespmem:v31+s24+$0x0], $0xffff;
	v20 =	vunpack.i.l.bf16.f32 v16;
	v31 =	vunpack.i.l.bf16.f32 v25;
	v17 =	vadd.s32 $0x1, v12  }
0x2e0: {  	v25 =	vunpack.i.u.bf16.f32 v25;
	v1 =	vor.u32 v40, v47;
	v40 =	vld.idx.msk [tilespmem:v15+s24+$0x0], $0xffff;
	v15 =	vand.u32 $0xFFFFFFF8, v17  }
0x2e1: {  	v0 =	vor.u32 v39, v46;
	v39 =	vld.idx.msk [tilespmem:v18+s24+$0x0], $0xffff;
	v17 =	vand.u32 $0x7, v17;
	v18 =	vadd.s32 v3, v15  }
0x2e2: {  	v53 =	vld.idx.msk [tilespmem:v57+s24+$0x0], $0xffff;
	v16 =	vunpack.i.u.bf16.f32 v16;
	v33 =	vunpack.i.l.bf16.f32 v30;
	v59 =	vor.u32 v17, v18  }
0x2e3: {  	v30 =	vunpack.i.u.bf16.f32 v30;
	v60 =	vadd.s32 $0x2, v12;
	v57 =	vadd.s32 $0x3, v12;
	v51 =	vld.idx.msk [tilespmem:v22+s25+$0x0], $0xffff  }
0x2e4: {  	v4 =	vld [tilespmem:$0x1FF00];
	v62 =	vadd.s32 $0x4, v12;
	v61 =	vand.u32 $0xFFFFFFF8, v60;
	v41 =	vand.u32 $0x7, v60  }
0x2e5: {  	v52 =	vld.idx.msk [tilespmem:v58+s24+$0x0], $0xffff;
	v58 =	vand.u32 $0xFFFFFFF8, v57;
	v60 =	vunpack.i.l.bf16.f32 v49;
	v42 =	vadd.s32 v3, v61  }
0x2e6: {  	v14 =	vld.idx.msk [tilespmem:v56+s24+$0x0], $0xffff;
	v57 =	vand.u32 $0x7, v57;
	v49 =	vunpack.i.u.bf16.f32 v49;
	v55 =	vor.u32 v41, v42  }
0x2e7: {  	v46 =	vunpack.i.u.bf16.f32 v45;
	v47 =	vunpack.i.l.bf16.f32 v45;
	v45 =	vunpack.i.l.bf16.f32 v43;
	v56 =	vld.idx.msk [tilespmem:v59+s25+$0x0], $0xffff  }
0x2e8: {  	v58 =	vadd.s32 v3, v58;
	v43 =	vunpack.i.u.bf16.f32 v43;
	v61 =	vunpack.i.l.bf16.f32 v51  }
0x2e9: {  	v41 =	vunpack.i.l.bf16.f32 v34;
	v57 =	vor.u32 v57, v58;
	v47 =	vmul.f32 v61, v47  }
0x2ea: {  	v58 =	vunpack.i.l.bf16.f32 v53;
	v59 =	vunpack.i.l.bf16.f32 v50;
	v51 =	vunpack.i.u.bf16.f32 v51  }
0x2eb: {  	v55 =	vld.idx.msk [tilespmem:v55+s25+$0x0], $0xffff;
	v61 =	vunpack.i.l.bf16.f32 v52;
	v46 =	vmul.f32 v51, v46;
	v19 =	vadd.f32 v47, v4  }
0x2ec: {  	v51 =	vunpack.i.l.bf16.f32 v56;
	v47 =	vand.u32 $0xFFFFFFF8, v62;
	v62 =	vand.u32 $0x7, v62  }
0x2ed: {  	v47 =	vadd.s32 v3, v47;
	v19 =	vadd.f32 v19, v46;
	v46 =	vmul.f32 v51, v58  }
0x2ee: {  	v63 =	vunpack.i.u.bf16.f32 v56;
	v47 =	vor.u32 v62, v47;
	v62 =	vunpack.i.u.bf16.f32 v53  }
0x2ef: {  	v56 =	vld.idx.msk [tilespmem:v57+s25+$0x0], $0xffff;
	v57 =	vadd.s32 $0x5, v12;
	v19 =	vadd.f32 v46, v19;
	v46 =	vmul.f32 v63, v62  }
0x2f0: {  	v62 =	vand.u32 $0xFFFFFFF8, v57;
	v63 =	vunpack.i.l.bf16.f32 v55;
	v57 =	vand.u32 $0x7, v57  }
0x2f1: {  	v51 =	vadd.s32 v3, v62;
	v58 =	vmul.f32 v63, v61;
	v19 =	vadd.f32 v19, v46  }
0x2f2: {  	v52 =	vunpack.i.u.bf16.f32 v52;
	v61 =	vunpack.i.u.bf16.f32 v55;
	v51 =	vor.u32 v57, v51  }
0x2f3: {  	v62 =	vadd.s32 $0x6, v12;
	v63 =	vmul.f32 v61, v52;
	v47 =	vld.idx.msk [tilespmem:v47+s25+$0x0], $0xffff;
	v19 =	vadd.f32 v58, v19  }
0x2f4: {  	v1 =	vld.idx.msk [tilespmem:v1+s24+$0x0], $0xffff;
	v57 =	vand.u32 $0xFFFFFFF8, v62;
	v55 =	vand.u32 $0x7, v62;
	v58 =	vunpack.i.l.bf16.f32 v56  }
0x2f5: {  	v53 =	vld.idx.msk [tilespmem:v54+s24+$0x0], $0xffff;
	v52 =	vadd.s32 v3, v57;
	v61 =	vmul.f32 v58, v59;
	v19 =	vadd.f32 v19, v63  }
0x2f6: {  	v0 =	vld.idx.msk [tilespmem:v0+s24+$0x0], $0xffff;
	v50 =	vunpack.i.u.bf16.f32 v50;
	v62 =	vunpack.i.u.bf16.f32 v56;
	v52 =	vor.u32 v55, v52  }
0x2f7: {  	v57 =	vmul.f32 v62, v50;
	v63 =	vadd.s32 $0x7, v12;
	v51 =	vld.idx.msk [tilespmem:v51+s25+$0x0], $0xffff;
	v19 =	vadd.f32 v61, v19  }
0x2f8: {  	v58 =	vand.u32 $0xFFFFFFF8, v63;
	v55 =	vand.u32 $0x7, v63;
	v59 =	vunpack.i.l.bf16.f32 v47  }
0x2f9: {  	v50 =	vadd.s32 v3, v58;
	v60 =	vmul.f32 v59, v60;
	v19 =	vadd.f32 v19, v57  }
0x2fa: {  	v54 =	vunpack.i.l.bf16.f32 v53;
	v47 =	vunpack.i.u.bf16.f32 v47;
	v50 =	vor.u32 v55, v50  }
0x2fb: {  	v62 =	vunpack.i.l.bf16.f32 v0;
	v52 =	vld.idx.msk [tilespmem:v52+s25+$0x0], $0xffff;
	v61 =	vmul.f32 v47, v49;
	v19 =	vadd.f32 v60, v19  }
0x2fc: {  	v0 =	vunpack.i.u.bf16.f32 v0;
	v56 =	vunpack.i.l.bf16.f32 v1;
	v63 =	vunpack.i.l.bf16.f32 v51  }
0x2fd: {  	v48 =	vld.idx.msk [tilespmem:v48+s24+$0x0], $0xffff;
	v1 =	vunpack.i.u.bf16.f32 v1;
	v59 =	vmul.f32 v63, v62;
	v19 =	vadd.f32 v19, v61  }
0x2fe: {  	v58 =	vadd.s32 $0xA, v12;
	v60 =	vadd.s32 $0x8, v22;
	v51 =	vunpack.i.u.bf16.f32 v51  }
0x2ff: {  	v0 =	vmul.f32 v51, v0;
	v50 =	vld.idx.msk [tilespmem:v50+s25+$0x0], $0xffff;
	v61 =	vadd.s32 $0x9, v12;
	v19 =	vadd.f32 v59, v19  }
0x300: {  	v63 =	vunpack.i.l.bf16.f32 v52;
	v62 =	vand.u32 $0xFFFFFFF8, v61;
	v55 =	vand.u32 $0x7, v61  }
0x301: {  	v46 =	vadd.s32 v3, v62;
	v0 =	vadd.f32 v19, v0;
	v19 =	vmul.f32 v63, v56  }
0x302: {  	v47 =	vunpack.i.l.bf16.f32 v48;
	v57 =	vunpack.i.u.bf16.f32 v52;
	v46 =	vor.u32 v55, v46  }
0x303: {  	v52 =	vand.u32 $0x7, v58;
	v1 =	vmul.f32 v57, v1;
	v49 =	vld.idx.msk [tilespmem:v60+s25+$0x0], $0xffff;
	v0 =	vadd.f32 v19, v0  }
0x304: {  	v62 =	vadd.s32 $0xB, v12;
	v59 =	vunpack.i.l.bf16.f32 v50;
	v19 =	vand.u32 $0xFFFFFFF8, v58  }
0x305: {  	v19 =	vadd.s32 v3, v19;
	v0 =	vadd.f32 v0, v1;
	v1 =	vmul.f32 v59, v47  }
0x306: {  	v60 =	vunpack.i.u.bf16.f32 v48;
	v61 =	vunpack.i.u.bf16.f32 v50;
	v19 =	vor.u32 v52, v19  }
0x307: {  	v55 =	vunpack.i.u.bf16.f32 v53;
	v46 =	vld.idx.msk [tilespmem:v46+s25+$0x0], $0xffff;
	v0 =	vadd.f32 v1, v0;
	v1 =	vmul.f32 v61, v60  }
0x308: {  	v63 =	vand.u32 $0xFFFFFFF8, v62;
	v50 =	vand.u32 $0x7, v62;
	v52 =	vunpack.i.l.bf16.f32 v49  }
0x309: {  	v47 =	vadd.s32 v3, v63;
	v0 =	vadd.f32 v0, v1;
	v1 =	vmul.f32 v52, v54  }
0x30a: {  	v56 =	vadd.s32 $0xC, v12;
	v49 =	vunpack.i.u.bf16.f32 v49;
	v47 =	vor.u32 v50, v47  }
0x30b: {  	v57 =	vand.u32 $0xFFFFFFF8, v56;
	v19 =	vld.idx.msk [tilespmem:v19+s25+$0x0], $0xffff;
	v0 =	vadd.f32 v1, v0;
	v1 =	vmul.f32 v49, v55  }
0x30c: {  	v42 =	vunpack.i.l.bf16.f32 v39;
	v48 =	vadd.s32 v3, v57;
	v58 =	vunpack.i.l.bf16.f32 v46  }
0x30d: {  	v50 =	vand.u32 $0x7, v56;
	v0 =	vadd.f32 v0, v1;
	v1 =	vmul.f32 v58, v45  }
0x30e: {  	v44 =	vunpack.i.l.bf16.f32 v40;
	v59 =	vor.u32 v50, v48;
	v46 =	vunpack.i.u.bf16.f32 v46  }
0x30f: {  	v60 =	vadd.s32 $0xD, v12;
	v47 =	vld.idx.msk [tilespmem:v47+s25+$0x0], $0xffff;
	v0 =	vadd.f32 v1, v0;
	v1 =	vmul.f32 v46, v43  }
0x310: {  	v61 =	vand.u32 $0xFFFFFFF8, v60;
	v48 =	vand.u32 $0x7, v60;
	v62 =	vunpack.i.l.bf16.f32 v19  }
0x311: {  	v43 =	vadd.s32 v3, v61;
	v0 =	vadd.f32 v0, v1;
	v1 =	vmul.f32 v62, v44  }
0x312: {  	v40 =	vunpack.i.u.bf16.f32 v40;
	v19 =	vunpack.i.u.bf16.f32 v19;
	v43 =	vor.u32 v48, v43  }
0x313: {  	v63 =	vld.idx.msk [tilespmem:v59+s25+$0x0], $0xffff;
	v48 =	vadd.s32 $0xE, v12;
	v0 =	vadd.f32 v1, v0;
	v1 =	vmul.f32 v19, v40  }
0x314: {  	v37 =	vld.idx.msk [tilespmem:v37+s24+$0x0], $0xffff;
	v49 =	vunpack.i.l.bf16.f32 v47;
	v45 =	vand.u32 $0x7, v48;
	v19 =	vand.u32 $0xFFFFFFF8, v48  }
0x315: {  	v38 =	vld.idx.msk [tilespmem:v38+s24+$0x0], $0xffff;
	v19 =	vadd.s32 v3, v19;
	v0 =	vadd.f32 v0, v1;
	v1 =	vmul.f32 v49, v42  }
0x316: {  	v35 =	vld.idx.msk [tilespmem:v35+s24+$0x0], $0xffff;
	v39 =	vunpack.i.u.bf16.f32 v39;
	v50 =	vunpack.i.u.bf16.f32 v47;
	v19 =	vor.u32 v45, v19  }
0x317: {  	v52 =	vadd.s32 $0xF, v12;
	v51 =	vld.idx.msk [tilespmem:v43+s25+$0x0], $0xffff;
	v0 =	vadd.f32 v1, v0;
	v1 =	vmul.f32 v50, v39  }
0x318: {  	v36 =	vld.idx.msk [tilespmem:v36+s24+$0x0], $0xffff;
	v53 =	vand.u32 $0xFFFFFFF8, v52;
	v54 =	vunpack.i.l.bf16.f32 v63;
	v43 =	vand.u32 $0x7, v52  }
0x319: {  	v39 =	vadd.s32 v3, v53;
	v0 =	vadd.f32 v0, v1;
	v1 =	vmul.f32 v54, v41  }
0x31a: {  	v34 =	vunpack.i.u.bf16.f32 v34;
	v55 =	vunpack.i.u.bf16.f32 v63;
	v39 =	vor.u32 v43, v39  }
0x31b: {  	v57 =	vunpack.i.l.bf16.f32 v37;
	v19 =	vld.idx.msk [tilespmem:v19+s25+$0x0], $0xffff;
	v0 =	vadd.f32 v1, v0;
	v1 =	vmul.f32 v55, v34  }
0x31c: {  	v56 =	vunpack.i.l.bf16.f32 v38;
	v58 =	vunpack.i.l.bf16.f32 v35;
	v59 =	vunpack.i.l.bf16.f32 v51  }
0x31d: {  	v60 =	vunpack.i.l.bf16.f32 v36;
	v0 =	vadd.f32 v0, v1;
	v1 =	vmul.f32 v59, v58  }
0x31e: {  	v35 =	vunpack.i.u.bf16.f32 v35;
	v61 =	vadd.s32 $0x10, v22;
	v42 =	vunpack.i.u.bf16.f32 v51  }
0x31f: {  	v62 =	vadd.s32 $0x11, v12;
	v39 =	vld.idx.msk [tilespmem:v39+s25+$0x0], $0xffff;
	v0 =	vadd.f32 v1, v0;
	v1 =	vmul.f32 v42, v35  }
0x320: {  	v63 =	vand.u32 $0xFFFFFFF8, v62;
	v43 =	vand.u32 $0x7, v62;
	v45 =	vunpack.i.l.bf16.f32 v19  }
0x321: {  	v35 =	vadd.s32 v3, v63;
	v0 =	vadd.f32 v0, v1;
	v1 =	vmul.f32 v45, v60  }
0x322: {  	v36 =	vunpack.i.u.bf16.f32 v36;
	v19 =	vunpack.i.u.bf16.f32 v19;
	v35 =	vor.u32 v43, v35  }
0x323: {  	v46 =	vadd.s32 $0x12, v12;
	v40 =	vld.idx.msk [tilespmem:v61+s25+$0x0], $0xffff;
	v0 =	vadd.f32 v1, v0;
	v1 =	vmul.f32 v19, v36  }
0x324: {  	v42 =	vand.u32 $0x7, v46;
	v47 =	vunpack.i.l.bf16.f32 v39;
	v19 =	vand.u32 $0xFFFFFFF8, v46  }
0x325: {  	v19 =	vadd.s32 v3, v19;
	v0 =	vadd.f32 v0, v1;
	v1 =	vmul.f32 v47, v57  }
0x326: {  	v48 =	vunpack.i.u.bf16.f32 v37;
	v49 =	vunpack.i.u.bf16.f32 v39;
	v19 =	vor.u32 v42, v19  }
0x327: {  	v50 =	vadd.s32 $0x13, v12;
	v35 =	vld.idx.msk [tilespmem:v35+s25+$0x0], $0xffff;
	v0 =	vadd.f32 v1, v0;
	v1 =	vmul.f32 v49, v48  }
0x328: {  	v37 =	vand.u32 $0x7, v50;
	v52 =	vunpack.i.l.bf16.f32 v40;
	v51 =	vand.u32 $0xFFFFFFF8, v50  }
0x329: {  	v34 =	vadd.s32 v3, v51;
	v0 =	vadd.f32 v0, v1;
	v1 =	vmul.f32 v52, v56  }
0x32a: {  	v53 =	vunpack.i.u.bf16.f32 v38;
	v54 =	vunpack.i.u.bf16.f32 v40;
	v34 =	vor.u32 v37, v34  }
0x32b: {  	v55 =	vadd.s32 $0x14, v12;
	v19 =	vld.idx.msk [tilespmem:v19+s25+$0x0], $0xffff;
	v0 =	vadd.f32 v1, v0;
	v1 =	vmul.f32 v54, v53  }
0x32c: {  	v38 =	vand.u32 $0x7, v55;
	v56 =	vand.u32 $0xFFFFFFF8, v55;
	v57 =	vunpack.i.l.bf16.f32 v35  }
0x32d: {  	v36 =	vadd.s32 v3, v56;
	v0 =	vadd.f32 v0, v1;
	v1 =	vmul.f32 v57, v33  }
0x32e: {  	v32 =	vunpack.i.l.bf16.f32 v28;
	v35 =	vunpack.i.u.bf16.f32 v35;
	v58 =	vor.u32 v38, v36  }
0x32f: {  	v59 =	vadd.s32 $0x15, v12;
	v34 =	vld.idx.msk [tilespmem:v34+s25+$0x0], $0xffff;
	v0 =	vadd.f32 v1, v0;
	v1 =	vmul.f32 v35, v30  }
0x330: {  	v36 =	vand.u32 $0x7, v59;
	v30 =	vand.u32 $0xFFFFFFF8, v59;
	v60 =	vunpack.i.l.bf16.f32 v19  }
0x331: {  	v30 =	vadd.s32 v3, v30;
	v0 =	vadd.f32 v0, v1;
	v1 =	vmul.f32 v60, v32  }
0x332: {  	v28 =	vunpack.i.u.bf16.f32 v28;
	v19 =	vunpack.i.u.bf16.f32 v19;
	v30 =	vor.u32 v36, v30  }
0x333: {  	v62 =	vadd.s32 $0x16, v12;
	v61 =	vld.idx.msk [tilespmem:v58+s25+$0x0], $0xffff;
	v0 =	vadd.f32 v1, v0;
	v1 =	vmul.f32 v19, v28  }
0x334: {  	v33 =	vand.u32 $0x7, v62;
	v19 =	vand.u32 $0xFFFFFFF8, v62;
	v28 =	vunpack.i.l.bf16.f32 v34  }
0x335: {  	v24 =	vld.idx.msk [tilespmem:v24+s24+$0x0], $0xffff;
	v19 =	vadd.s32 v3, v19;
	v0 =	vadd.f32 v0, v1;
	v1 =	vmul.f32 v28, v31  }
0x336: {  	v23 =	vld.idx.msk [tilespmem:v23+s24+$0x0], $0xffff;
	v15 =	vunpack.i.l.bf16.f32 v2;
	v19 =	vor.u32 v33, v19;
	v28 =	vunpack.i.u.bf16.f32 v34  }
0x337: {  	v31 =	vadd.s32 $0x17, v12;
	v30 =	vld.idx.msk [tilespmem:v30+s25+$0x0], $0xffff;
	v0 =	vadd.f32 v1, v0;
	v1 =	vmul.f32 v28, v25  }
0x338: {  	v25 =	vand.u32 $0xFFFFFFF8, v31;
	v28 =	vunpack.i.l.bf16.f32 v61;
	v31 =	vand.u32 $0x7, v31  }
0x339: {  	v27 =	vld.idx.msk [tilespmem:v27+s24+$0x0], $0xffff;
	v25 =	vadd.s32 v3, v25;
	v0 =	vadd.f32 v0, v1;
	v1 =	vmul.f32 v28, v29  }
0x33a: {  	v18 =	vunpack.i.l.bf16.f32 v14;
	v25 =	vor.u32 v31, v25;
	v28 =	vunpack.i.u.bf16.f32 v61  }
0x33b: {  	v22 =	vadd.s32 $0x18, v22;
	v19 =	vld.idx.msk [tilespmem:v19+s25+$0x0], $0xffff;
	v0 =	vadd.f32 v1, v0;
	v1 =	vmul.f32 v28, v21  }
0x33c: {  	v63 =	vunpack.i.l.bf16.f32 v23;
	v28 =	vunpack.i.l.bf16.f32 v24;
	v31 =	vunpack.i.l.bf16.f32 v30  }
0x33d: {  	v26 =	vld.idx.msk [tilespmem:v26+s24+$0x0], $0xffff;
	v23 =	vunpack.i.u.bf16.f32 v23;
	v0 =	vadd.f32 v0, v1;
	v1 =	vmul.f32 v31, v28  }
0x33e: {  	v29 =	vunpack.i.l.bf16.f32 v27;
	v24 =	vunpack.i.u.bf16.f32 v24;
	v28 =	vunpack.i.u.bf16.f32 v30  }
0x33f: {  	v30 =	vadd.s32 $0x19, v12;
	v25 =	vld.idx.msk [tilespmem:v25+s25+$0x0], $0xffff;
	v0 =	vadd.f32 v1, v0;
	v1 =	vmul.f32 v28, v24  }
0x340: {  	v24 =	vand.u32 $0xFFFFFFF8, v30;
	v28 =	vunpack.i.l.bf16.f32 v19;
	v30 =	vand.u32 $0x7, v30  }
0x341: {  	v24 =	vadd.s32 v3, v24;
	v0 =	vadd.f32 v0, v1;
	v1 =	vmul.f32 v28, v63  }
0x342: {  	v21 =	vunpack.i.l.bf16.f32 v26;
	v19 =	vunpack.i.u.bf16.f32 v19;
	v24 =	vor.u32 v30, v24  }
0x343: {  	v22 =	vld.idx.msk [tilespmem:v22+s25+$0x0], $0xffff;
	v28 =	vadd.s32 $0x1A, v12;
	v0 =	vadd.f32 v1, v0;
	v1 =	vmul.f32 v19, v23  }
0x344: {  	v19 =	vand.u32 $0xFFFFFFF8, v28;
	v23 =	vunpack.i.l.bf16.f32 v25;
	v28 =	vand.u32 $0x7, v28  }
0x345: {  	v19 =	vadd.s32 v3, v19;
	v0 =	vadd.f32 v0, v1;
	v1 =	vmul.f32 v23, v21  }
0x346: {  	v19 =	vor.u32 v28, v19;
	v21 =	vunpack.i.u.bf16.f32 v26;
	v23 =	vunpack.i.u.bf16.f32 v25  }
0x347: {  	v25 =	vadd.s32 $0x1B, v12;
	v24 =	vld.idx.msk [tilespmem:v24+s25+$0x0], $0xffff;
	v0 =	vadd.f32 v1, v0;
	v1 =	vmul.f32 v23, v21  }
0x348: {  	v21 =	vand.u32 $0xFFFFFFF8, v25;
	v23 =	vunpack.i.l.bf16.f32 v22;
	v25 =	vand.u32 $0x7, v25  }
0x349: {  	v21 =	vadd.s32 v3, v21;
	v0 =	vadd.f32 v0, v1;
	v1 =	vmul.f32 v23, v29  }
0x34a: {  	v22 =	vunpack.i.u.bf16.f32 v22;
	v21 =	vor.u32 v25, v21;
	v23 =	vunpack.i.u.bf16.f32 v27  }
0x34b: {  	v25 =	vadd.s32 $0x1C, v12;
	v19 =	vld.idx.msk [tilespmem:v19+s25+$0x0], $0xffff;
	v0 =	vadd.f32 v1, v0;
	v1 =	vmul.f32 v22, v23  }
0x34c: {  	v22 =	vand.u32 $0xFFFFFFF8, v25;
	v23 =	vunpack.i.l.bf16.f32 v24;
	v25 =	vand.u32 $0x7, v25  }
0x34d: {  	v22 =	vadd.s32 v3, v22;
	v0 =	vadd.f32 v0, v1;
	v1 =	vmul.f32 v23, v20  }
0x34e: {  	v17 =	vunpack.i.l.bf16.f32 v5;
	v20 =	vor.u32 v25, v22;
	v22 =	vunpack.i.u.bf16.f32 v24  }
0x34f: {  	v23 =	vadd.s32 $0x1D, v12;
	v21 =	vld.idx.msk [tilespmem:v21+s25+$0x0], $0xffff;
	v0 =	vadd.f32 v1, v0;
	v1 =	vmul.f32 v22, v16  }
0x350: {  	v16 =	vand.u32 $0xFFFFFFF8, v23;
	v22 =	vunpack.i.l.bf16.f32 v19;
	v23 =	vand.u32 $0x7, v23  }
0x351: {  	v16 =	vadd.s32 v3, v16;
	v0 =	vadd.f32 v0, v1;
	v1 =	vmul.f32 v22, v18  }
0x352: {  	v14 =	vunpack.i.u.bf16.f32 v14;
	v16 =	vor.u32 v23, v16;
	v18 =	vunpack.i.u.bf16.f32 v19  }
0x353: {  	v19 =	vld.idx.msk [tilespmem:v20+s25+$0x0], $0xffff;
	v20 =	vadd.s32 $0x1E, v12;
	v0 =	vadd.f32 v1, v0;
	v1 =	vmul.f32 v18, v14  }
0x354: {  	v14 =	vand.u32 $0xFFFFFFF8, v20;
	v18 =	vunpack.i.l.bf16.f32 v21;
	v20 =	vand.u32 $0x7, v20  }
0x355: {  	v14 =	vadd.s32 v3, v14;
	v0 =	vadd.f32 v0, v1;
	v1 =	vmul.f32 v18, v17  }
0x356: {  	v13 =	vld.idx.msk [tilespmem:v13+s24+$0x0], $0xffff;
	v5 =	vunpack.i.u.bf16.f32 v5;
	v14 =	vor.u32 v20, v14;
	v17 =	vunpack.i.u.bf16.f32 v21  }
0x357: {  	v12 =	vadd.s32 $0x1F, v12;
	v16 =	vld.idx.msk [tilespmem:v16+s25+$0x0], $0xffff;
	v0 =	vadd.f32 v1, v0;
	v1 =	vmul.f32 v17, v5  }
0x358: {  	v5 =	vand.u32 $0xFFFFFFF8, v12;
	v17 =	vunpack.i.l.bf16.f32 v19;
	v12 =	vand.u32 $0x7, v12  }
0x359: {  	v3 =	vadd.s32 v3, v5;
	v0 =	vadd.f32 v0, v1;
	v1 =	vmul.f32 v17, v15  }
0x35a: {  	v4 =	vunpack.i.u.bf16.f32 v2;
	v5 =	vld.idx.msk [tilespmem:v11+s24+$0x0], $0xffff;
	v11 =	vunpack.i.u.bf16.f32 v19;
	v3 =	vor.u32 v12, v3  }
0x35b: {  	v12 =	vld.idx.msk [tilespmem:v14+s25+$0x0], $0xffff;
	v0 =	vadd.f32 v1, v0;
	v1 =	vmul.f32 v11, v4  }
0x35c: {  	v4 =	vunpack.i.l.bf16.f32 v13;
	v11 =	vunpack.i.l.bf16.f32 v16  }
0x35d: {  	v0 =	vadd.f32 v0, v1;
	v1 =	vmul.f32 v11, v4  }
0x35e: {  	v4 =	vld.idx.msk [tilespmem:v10+s24+$0x0], $0xffff;
	v10 =	vunpack.i.u.bf16.f32 v13;
	v11 =	vunpack.i.u.bf16.f32 v16  }
0x35f: {  	v3 =	vld.idx.msk [tilespmem:v3+s25+$0x0], $0xffff;
	v0 =	vadd.f32 v1, v0;
	v1 =	vmul.f32 v11, v10  }
0x360: {  	v10 =	vunpack.i.l.bf16.f32 v5;
	v11 =	vunpack.i.l.bf16.f32 v12  }
0x361: {  	v0 =	vadd.f32 v0, v1;
	v1 =	vmul.f32 v11, v10  }
0x362: {  	v5 =	vunpack.i.u.bf16.f32 v5;
	v10 =	vunpack.i.u.bf16.f32 v12  }
0x363: {  	v0 =	vadd.f32 v1, v0;
	v1 =	vmul.f32 v10, v5  }
0x364: {  	v5 =	vunpack.i.l.bf16.f32 v4;
	v10 =	vunpack.i.l.bf16.f32 v3  }
0x365: {  	v0 =	vadd.f32 v0, v1;
	v1 =	vmul.f32 v10, v5  }
0x366: {  	v4 =	vunpack.i.u.bf16.f32 v4;
	v3 =	vunpack.i.u.bf16.f32 v3  }
0x367: {  	v0 =	vadd.f32 v1, v0;
	v1 =	vmul.f32 v3, v4;
	_ =	sdelay $0x1  }
0x368: {  	v0 =	vadd.f32 v0, v1;
	v1 =	vld [tilespmem:$0x1FEF0]  }
0x369: {  	v2 =	vld [tilespmem:$0x1FED0];
	_ =	sdelay $0x6  }
0x36a: {  	[tilespmem:v1+s15+$0x0 ss:$0x1] =	vst.idx.msk $0xffff, v0;
	s15 =	sshra.s32 s1, $0x2  }
0x36b: {  	v4 =	vld.idx.msk [tilespmem:v2+s15+$0x0 ss:$0x1], $0xffff;
	_ =	sdelay $0x1  }
0x36c: {  	s16 =	sadd.s32 $0x10, s16  }
0x36d: {  	v3 =	vmov s16  }
0x36e: {  	v3 =	vshll.u32 v3, $0x7  }
0x36f: {  	v5 =	vadd.s32 $0x1B, v4;
	v12 =	vadd.s32 $0x1C, v4;
	v14 =	vadd.s32 $0x1D, v4  }
0x370: {  	v0 =	vld [tilespmem:$0x1FEB0];
	v15 =	vadd.s32 $0x17, v4;
	v16 =	vadd.s32 $0x19, v4;
	v17 =	vadd.s32 $0x1A, v4  }
0x371: {  	v1 =	vld [tilespmem:$0x1FEC0];
	v20 =	vadd.s32 $0x14, v4;
	v21 =	vadd.s32 $0x15, v4;
	v22 =	vadd.s32 $0x16, v4  }
0x372: {  	v23 =	vadd.s32 $0x11, v4;
	v24 =	vadd.s32 $0x12, v4;
	v25 =	vadd.s32 $0x13, v4  }
0x373: {  	v26 =	vadd.s32 $0xD, v4;
	v27 =	vadd.s32 $0xE, v4;
	v28 =	vadd.s32 $0xF, v4  }
0x374: {  	v30 =	vadd.s32 $0xA, v4;
	v31 =	vadd.s32 $0xB, v4;
	v32 =	vadd.s32 $0xC, v4  }
0x375: {  	v33 =	vadd.s32 $0x6, v4;
	v35 =	vadd.s32 $0x7, v4;
	v36 =	vadd.s32 $0x9, v4  }
0x376: {  	v37 =	vadd.s32 $0x3, v4;
	v38 =	vadd.s32 $0x4, v4;
	v41 =	vadd.s32 $0x5, v4  }
0x377: {  	v59 =	vand.u32 $0x7, v4;
	v42 =	vadd.s32 $0x1, v4;
	v46 =	vadd.s32 $0x2, v4  }
0x378: {  	v45 =	vand.u32 $0x7, v12;
	v48 =	vand.u32 $0xFFFFFFF8, v14;
	v2 =	vand.u32 $0x7, v17;
	v0 =	vld.idx.msk [tilespmem:v0+s15+$0x0 ss:$0x1], $0xffff  }
0x379: {  	v50 =	vand.u32 $0xFFFFFFF8, v5;
	v51 =	vand.u32 $0xFFFFFFF8, v16;
	v53 =	vand.u32 $0xFFFFFFF8, v17;
	v1 =	vld.idx.msk [tilespmem:v1+s15+$0x0 ss:$0x1], $0xffff  }
0x37a: {  	v54 =	vand.u32 $0xFFFFFFF8, v15;
	v55 =	vand.u32 $0xFFFFFFF8, v21;
	v49 =	vand.u32 $0x7, v21  }
0x37b: {  	v56 =	vand.u32 $0xFFFFFFF8, v22;
	v57 =	vand.u32 $0xFFFFFFF8, v20;
	v62 =	vand.u32 $0x7, v20  }
0x37c: {  	v58 =	vand.u32 $0xFFFFFFF8, v24;
	v61 =	vand.u32 $0xFFFFFFF8, v25;
	v63 =	vand.u32 $0xFFFFFFF8, v23  }
0x37d: {  	v17 =	vand.u32 $0x7, v23;
	v29 =	vand.u32 $0x7, v27;
	v6 =	vand.u32 $0xFFFFFFF8, v28  }
0x37e: {  	v21 =	vand.u32 $0x7, v32;
	v7 =	vand.u32 $0xFFFFFFF8, v26;
	v0 =	vadd.f32 v1, v0;
	v1 =	vld [tilespmem:$0x1FFF0]  }
0x37f: {  	v8 =	vand.u32 $0xFFFFFFF8, v31;
	v9 =	vand.u32 $0xFFFFFFF8, v32;
	v34 =	vand.u32 $0x7, v36  }
0x380: {  	v19 =	vand.u32 $0xFFFFFFF8, v30;
	v30 =	vand.u32 $0x7, v30;
	v13 =	vand.u32 $0xFFFFFFF8, v35  }
0x381: {  	v10 =	vand.u32 $0xFFFFFFF8, v36;
	v39 =	vand.u32 $0x7, v41;
	v11 =	vand.u32 $0xFFFFFFF8, v33  }
0x382: {  	v40 =	vand.u32 $0x7, v33;
	v43 =	vand.u32 $0x7, v38;
	v44 =	vand.u32 $0x7, v37  }
0x383: {  	v18 =	vand.u32 $0xFFFFFFF8, v42;
	[tilespmem:$0x1FE60] =	vst v2;
	v2 =	vand.u32 $0x7, v16;
	v3 =	vor.u32 v1, v3;
	v1 =	vld [tilespmem:$0x1FFE0]  }
0x384: {  	v42 =	vand.u32 $0x7, v42;
	v16 =	vand.u32 $0xFFFFFFF8, v37;
	[tilespmem:$0x1FE70] =	vst v2;
	v2 =	vand.u32 $0x7, v22  }
0x385: {  	v22 =	vand.u32 $0x7, v31;
	v31 =	vand.u32 $0x7, v35;
	[tilespmem:$0x1FE80] =	vst v2;
	v2 =	vand.u32 $0x7, v15  }
0x386: {  	v15 =	vand.u32 $0xFFFFFFF8, v38;
	v38 =	vand.u32 $0xFFFFFFF8, v41;
	[tilespmem:$0x1FE90] =	vst v2;
	v2 =	vand.u32 $0x7, v25  }
0x387: {  	v41 =	vand.u32 $0x7, v46;
	v25 =	vand.u32 $0xFFFFFFF8, v46;
	[tilespmem:$0x1FEA0] =	vst v2;
	v2 =	vand.u32 $0xFFFFFFF8, v27  }
0x388: {  	v36 =	vadd.s32 v3, v2;
	v2 =	vld [tilespmem:$0x1FE60];
	v0 =	vadd.f32 v0, v1;
	v1 =	vadd.s32 $0x1F, v4  }
0x389: {  	v23 =	vadd.s32 v3, v48;
	v51 =	vadd.s32 v3, v51;
	v47 =	vand.u32 $0xFFFFFFF8, v1  }
0x38a: {  	v60 =	vand.u32 $0x7, v1;
	v1 =	vand.u32 $0x7, v14;
	[tilespmem:$0x1FF00] =	vst v0;
	v0 =	vadd.s32 $0x1E, v4  }
0x38b: {  	[tilespmem:$0x1FE50] =	vst v1;
	v1 =	vand.u32 $0xFFFFFFF8, v0;
	v52 =	vand.u32 $0x7, v0;
	v0 =	vand.u32 $0xFFFFFFF8, v12  }
0x38c: {  	v46 =	vadd.s32 v3, v53;
	v32 =	vadd.s32 v3, v56;
	v0 =	vadd.s32 v3, v0  }
0x38d: {  	v33 =	vadd.s32 v3, v6;
	v56 =	vor.u32 v2, v46;
	v2 =	vld [tilespmem:$0x1FE70];
	v0 =	vor.u32 v45, v0  }
0x38e: {  	v48 =	vadd.s32 v3, v7;
	v37 =	vadd.s32 v3, v19;
	v53 =	vadd.s32 v3, v10  }
0x38f: {  	v14 =	vand.u32 $0x7, v24;
	v24 =	vadd.s32 v3, v55;
	v46 =	vadd.s32 v3, v38  }
0x390: {  	v55 =	vadd.s32 v3, v15;
	v15 =	vmovc v49;
	v49 =	vadd.s32 v3, v25;
	v4 =	vand.u32 $0xFFFFFFF8, v4  }
0x391: {  	v12 =	vand.u32 $0x7, v5;
	v4 =	vadd.s32 v3, v4;
	v27 =	vadd.s32 v3, v1  }
0x392: {  	v1 =	vadd.s32 v3, v50;
	v35 =	vor.u32 v59, v4;
	v38 =	vor.u32 v2, v51;
	v2 =	vld.idx.msk [tilespmem:v0+s24+$0x0], $0xffff  }
0x393: {  	p1 =	sne.s32 s1, $0x1C0;
	v20 =	vadd.s32 v3, v47;
	v47 =	vadd.s32 v3, v11;
	v1 =	vor.u32 v12, v1;
	v0 =	vld [tilespmem:$0x1FEA0]  }
.Ltmp2:
0x394: {  	v5 =	vand.u32 $0x7, v28;
	v4 =	vadd.s32 v3, v61;
	v61 =	vadd.s32 v3, v9;
	v9 =	vld [tilespmem:$0x1FE50];
	(pc) =	sbr.rel @p1 .LBB2_7-.Ltmp2, $4  }
0x395: {  	v28 =	vand.u32 $0x7, v26;
	v26 =	vadd.s32 v3, v54;
	v7 =	vmovc v52;
	v52 =	vadd.s32 v3, v16;
	v16 =	vld [tilespmem:$0x1FE80]  }
0x396: {  	v54 =	vadd.s32 v3, v57;
	v57 =	vadd.s32 v3, v8;
	v51 =	vadd.s32 v3, v18;
	v18 =	vld [tilespmem:$0x1FE90]  }
0x397: {  	v6 =	vmovc v60;
	v59 =	vadd.s32 v3, v58;
	v58 =	vadd.s32 v3, v63;
	v19 =	vmov v5;
	v45 =	vld.idx.msk [tilespmem:v35+s24+$0x0], $0xffff  }
0x398: {  	s1 =	sadd.s32 $0x40, s1;
	v50 =	vadd.s32 v3, v13;
	v54 =	vor.u32 v62, v54;
	v5 =	vld.idx.msk [tilespmem:v1+s24+$0x0], $0xffff;
	v60 =	vor.u32 v0, v4  }
0x399: {  	v1 =	vld [tilespmem:$0x1FEE0];
	_ =	sdelay $0x5  }
0x39a: {  	v0 =	vor.u32 v14, v59;
	v7 =	vor.u32 v7, v27;
	v6 =	vor.u32 v6, v20;
	v10 =	vld.idx.msk [tilespmem:v56+s24+$0x0], $0xffff  }
0x39b: {  	v20 =	vadd.s32 $0x18, v35;
	v9 =	vor.u32 v9, v23;
	v4 =	vor.u32 v21, v61;
	v12 =	vld.idx.msk [tilespmem:v38+s24+$0x0], $0xffff  }
0x39c: {  	v11 =	vor.u32 v22, v57;
	v22 =	vor.u32 v15, v24;
	v13 =	vor.u32 v30, v37;
	v8 =	vld.idx.msk [tilespmem:v1+s15+$0x0 ss:$0x1], $0xffff  }
0x39d: {  	v30 =	vor.u32 v29, v36;
	v33 =	vor.u32 v19, v33;
	v1 =	vor.u32 v17, v58  }
0x39e: {  	v19 =	vadd.s32 $0x8, v35;
	v55 =	vor.u32 v43, v55;
	v43 =	vor.u32 v31, v50  }
0x39f: {  	v23 =	vld.idx.msk [tilespmem:v60+s24+$0x0], $0xffff;
	v25 =	vor.u32 v44, v52;
	v56 =	vor.u32 v42, v51;
	v21 =	vor.u32 v18, v26  }
0x3a0: {  	v42 =	vunpack.i.u.bf16.f32 v45;
	v44 =	vunpack.i.l.bf16.f32 v45;
	v24 =	vld.idx.msk [tilespmem:v0+s24+$0x0], $0xffff;
	v14 =	vunpack.i.l.bf16.f32 v10  }
0x3a1: {  	v31 =	vld.idx.msk [tilespmem:v4+s24+$0x0], $0xffff;
	v15 =	vunpack.i.l.bf16.f32 v12;
	v58 =	vor.u32 v41, v49;
	v0 =	vand.u32 $0xFFFFFFF8, v8  }
0x3a2: {  	v26 =	vld.idx.msk [tilespmem:v1+s24+$0x0], $0xffff;
	v1 =	vand.u32 $0x7, v8;
	v57 =	vadd.s32 $0x1, v8;
	v0 =	vadd.s32 v3, v0  }
0x3a3: {  	v37 =	vld.idx.msk [tilespmem:v13+s24+$0x0], $0xffff;
	v17 =	vor.u32 v16, v32;
	v59 =	vand.u32 $0xFFFFFFF8, v57;
	v18 =	vor.u32 v1, v0  }
0x3a4: {  	v32 =	vadd.s32 $0x10, v35;
	v35 =	vld.idx.msk [tilespmem:v11+s24+$0x0], $0xffff;
	v60 =	vand.u32 $0x7, v57;
	v13 =	vadd.s32 v3, v59  }
0x3a5: {  	v45 =	vld.idx.msk [tilespmem:v55+s24+$0x0], $0xffff;
	v27 =	vunpack.i.l.bf16.f32 v23;
	v23 =	vunpack.i.u.bf16.f32 v23;
	v61 =	vor.u32 v60, v13  }
0x3a6: {  	v12 =	vunpack.i.u.bf16.f32 v12;
	v10 =	vunpack.i.u.bf16.f32 v10;
	v16 =	vld.idx.msk [tilespmem:v54+s24+$0x0], $0xffff;
	v62 =	vadd.s32 $0x2, v8  }
0x3a7: {  	v54 =	vor.u32 v34, v53;
	v34 =	vor.u32 v28, v48;
	v48 =	vld.idx.msk [tilespmem:v58+s24+$0x0], $0xffff;
	v57 =	vand.u32 $0xFFFFFFF8, v62  }
0x3a8: {  	v28 =	vunpack.i.l.bf16.f32 v24;
	v58 =	vand.u32 $0x7, v62;
	v36 =	vadd.s32 v3, v57;
	v63 =	vld.idx.msk [tilespmem:v18+s25+$0x0], $0xffff  }
0x3a9: {  	v4 =	vld.idx.msk [tilespmem:v56+s24+$0x0], $0xffff;
	v24 =	vunpack.i.u.bf16.f32 v24;
	v38 =	vunpack.i.l.bf16.f32 v35;
	v59 =	vor.u32 v58, v36  }
0x3aa: {  	v35 =	vunpack.i.u.bf16.f32 v35;
	v0 =	vor.u32 v39, v46;
	v60 =	vadd.s32 $0x3, v8;
	v51 =	vld.idx.msk [tilespmem:v61+s25+$0x0], $0xffff  }
0x3ab: {  	v1 =	vor.u32 v40, v47;
	v50 =	vand.u32 $0x7, v60;
	v61 =	vand.u32 $0xFFFFFFF8, v60;
	v60 =	vld [tilespmem:$0x1FF00]  }
0x3ac: {  	v39 =	vld.idx.msk [tilespmem:v54+s24+$0x0], $0xffff;
	v40 =	vunpack.i.l.bf16.f32 v37;
	v54 =	vunpack.i.l.bf16.f32 v45;
	v45 =	vunpack.i.u.bf16.f32 v45  }
0x3ad: {  	v37 =	vunpack.i.u.bf16.f32 v37;
	v52 =	vadd.s32 v3, v61;
	v62 =	vunpack.i.l.bf16.f32 v63  }
0x3ae: {  	v55 =	vunpack.i.l.bf16.f32 v48;
	v49 =	vld.idx.msk [tilespmem:v59+s25+$0x0], $0xffff;
	v50 =	vor.u32 v50, v52;
	v44 =	vmul.f32 v62, v44  }
0x3af: {  	v52 =	vunpack.i.l.bf16.f32 v4;
	v4 =	vunpack.i.u.bf16.f32 v4;
	v47 =	vunpack.i.u.bf16.f32 v63  }
0x3b0: {  	v63 =	vadd.s32 $0x4, v8;
	v42 =	vmul.f32 v47, v42;
	v44 =	vadd.f32 v44, v60  }
0x3b1: {  	v61 =	vand.u32 $0xFFFFFFF8, v63;
	v62 =	vunpack.i.l.bf16.f32 v51;
	v56 =	vand.u32 $0x7, v63  }
0x3b2: {  	v46 =	vld.idx.msk [tilespmem:v25+s24+$0x0], $0xffff;
	v47 =	vadd.s32 v3, v61;
	v63 =	vmul.f32 v62, v52;
	v42 =	vadd.f32 v44, v42  }
0x3b3: {  	v51 =	vunpack.i.u.bf16.f32 v51;
	v58 =	vunpack.i.l.bf16.f32 v49;
	v47 =	vor.u32 v56, v47  }
0x3b4: {  	v4 =	vmul.f32 v51, v4;
	v50 =	vld.idx.msk [tilespmem:v50+s25+$0x0], $0xffff;
	v56 =	vadd.s32 $0x5, v8;
	v42 =	vadd.f32 v63, v42  }
0x3b5: {  	v48 =	vunpack.i.u.bf16.f32 v48;
	v59 =	vmul.f32 v58, v55;
	v57 =	vand.u32 $0xFFFFFFF8, v56  }
0x3b6: {  	v52 =	vand.u32 $0x7, v56;
	v44 =	vadd.s32 v3, v57;
	v4 =	vadd.f32 v42, v4  }
0x3b7: {  	v53 =	vunpack.i.l.bf16.f32 v46;
	v49 =	vunpack.i.u.bf16.f32 v49;
	v44 =	vor.u32 v52, v44  }
0x3b8: {  	v61 =	vmul.f32 v49, v48;
	v60 =	vadd.s32 $0x6, v8;
	v47 =	vld.idx.msk [tilespmem:v47+s25+$0x0], $0xffff;
	v4 =	vadd.f32 v59, v4  }
0x3b9: {  	v19 =	vld.idx.msk [tilespmem:v19+s24+$0x0], $0xffff;
	v62 =	vand.u32 $0xFFFFFFF8, v60;
	v51 =	vand.u32 $0x7, v60;
	v63 =	vunpack.i.l.bf16.f32 v50  }
0x3ba: {  	v0 =	vld.idx.msk [tilespmem:v0+s24+$0x0], $0xffff;
	v48 =	vadd.s32 v3, v62;
	v52 =	vmul.f32 v63, v53;
	v4 =	vadd.f32 v4, v61  }
0x3bb: {  	v46 =	vunpack.i.u.bf16.f32 v46;
	v1 =	vld.idx.msk [tilespmem:v1+s24+$0x0], $0xffff;
	v48 =	vor.u32 v51, v48;
	v53 =	vunpack.i.u.bf16.f32 v50  }
0x3bc: {  	v55 =	vadd.s32 $0x7, v8;
	v56 =	vmul.f32 v53, v46;
	v44 =	vld.idx.msk [tilespmem:v44+s25+$0x0], $0xffff;
	v4 =	vadd.f32 v52, v4  }
0x3bd: {  	v57 =	vand.u32 $0xFFFFFFF8, v55;
	v50 =	vand.u32 $0x7, v55;
	v58 =	vunpack.i.l.bf16.f32 v47  }
0x3be: {  	v46 =	vadd.s32 v3, v57;
	v59 =	vmul.f32 v58, v54;
	v4 =	vadd.f32 v4, v56  }
0x3bf: {  	v41 =	vunpack.i.l.bf16.f32 v39;
	v46 =	vor.u32 v50, v46;
	v47 =	vunpack.i.u.bf16.f32 v47  }
0x3c0: {  	v49 =	vunpack.i.l.bf16.f32 v19;
	v48 =	vld.idx.msk [tilespmem:v48+s25+$0x0], $0xffff;
	v60 =	vmul.f32 v47, v45;
	v4 =	vadd.f32 v59, v4  }
0x3c1: {  	v63 =	vunpack.i.l.bf16.f32 v1;
	v61 =	vunpack.i.l.bf16.f32 v0;
	v62 =	vunpack.i.l.bf16.f32 v44  }
0x3c2: {  	v43 =	vld.idx.msk [tilespmem:v43+s24+$0x0], $0xffff;
	v55 =	vadd.s32 $0x9, v8;
	v53 =	vmul.f32 v62, v61;
	v4 =	vadd.f32 v4, v60  }
0x3c3: {  	v0 =	vunpack.i.u.bf16.f32 v0;
	v54 =	vadd.s32 $0x8, v18;
	v44 =	vunpack.i.u.bf16.f32 v44  }
0x3c4: {  	v1 =	vunpack.i.u.bf16.f32 v1;
	v46 =	vld.idx.msk [tilespmem:v46+s25+$0x0], $0xffff;
	v0 =	vmul.f32 v44, v0;
	v4 =	vadd.f32 v53, v4  }
0x3c5: {  	v50 =	vand.u32 $0x7, v55;
	v57 =	vunpack.i.l.bf16.f32 v48;
	v56 =	vand.u32 $0xFFFFFFF8, v55  }
0x3c6: {  	v58 =	vmul.f32 v57, v63;
	v42 =	vadd.s32 v3, v56;
	v0 =	vadd.f32 v4, v0  }
0x3c7: {  	v45 =	vunpack.i.l.bf16.f32 v43;
	v42 =	vor.u32 v50, v42;
	v59 =	vunpack.i.u.bf16.f32 v48  }
0x3c8: {  	v47 =	vld.idx.msk [tilespmem:v54+s25+$0x0], $0xffff;
	v1 =	vmul.f32 v59, v1;
	v60 =	vadd.s32 $0xA, v8;
	v0 =	vadd.f32 v58, v0  }
0x3c9: {  	v62 =	vunpack.i.l.bf16.f32 v46;
	v61 =	vand.u32 $0xFFFFFFF8, v60;
	v48 =	vand.u32 $0x7, v60  }
0x3ca: {  	v4 =	vadd.s32 v3, v61;
	v0 =	vadd.f32 v0, v1;
	v1 =	vmul.f32 v62, v45  }
0x3cb: {  	v43 =	vunpack.i.u.bf16.f32 v43;
	v63 =	vunpack.i.u.bf16.f32 v46;
	v4 =	vor.u32 v48, v4  }
0x3cc: {  	v42 =	vld.idx.msk [tilespmem:v42+s25+$0x0], $0xffff;
	v48 =	vadd.s32 $0xB, v8;
	v0 =	vadd.f32 v1, v0;
	v1 =	vmul.f32 v63, v43  }
0x3cd: {  	v51 =	vunpack.i.l.bf16.f32 v47;
	v50 =	vand.u32 $0xFFFFFFF8, v48;
	v45 =	vand.u32 $0x7, v48  }
0x3ce: {  	v43 =	vadd.s32 v3, v50;
	v0 =	vadd.f32 v0, v1;
	v1 =	vmul.f32 v51, v49  }
0x3cf: {  	v19 =	vunpack.i.u.bf16.f32 v19;
	v52 =	vunpack.i.u.bf16.f32 v47;
	v43 =	vor.u32 v45, v43  }
0x3d0: {  	v53 =	vadd.s32 $0xC, v8;
	v4 =	vld.idx.msk [tilespmem:v4+s25+$0x0], $0xffff;
	v0 =	vadd.f32 v1, v0;
	v1 =	vmul.f32 v52, v19  }
0x3d1: {  	v54 =	vand.u32 $0xFFFFFFF8, v53;
	v55 =	vunpack.i.l.bf16.f32 v42;
	v45 =	vand.u32 $0x7, v53  }
0x3d2: {  	v19 =	vadd.s32 v3, v54;
	v0 =	vadd.f32 v0, v1;
	v1 =	vmul.f32 v55, v41  }
0x3d3: {  	v39 =	vunpack.i.u.bf16.f32 v39;
	v56 =	vunpack.i.u.bf16.f32 v42;
	v19 =	vor.u32 v45, v19  }
0x3d4: {  	v58 =	vadd.s32 $0xD, v8;
	v57 =	vld.idx.msk [tilespmem:v43+s25+$0x0], $0xffff;
	v0 =	vadd.f32 v1, v0;
	v1 =	vmul.f32 v56, v39  }
0x3d5: {  	v59 =	vand.u32 $0xFFFFFFF8, v58;
	v60 =	vunpack.i.l.bf16.f32 v4;
	v43 =	vand.u32 $0x7, v58  }
0x3d6: {  	v39 =	vadd.s32 v3, v59;
	v0 =	vadd.f32 v0, v1;
	v1 =	vmul.f32 v60, v40  }
0x3d7: {  	v33 =	vld.idx.msk [tilespmem:v33+s24+$0x0], $0xffff;
	v36 =	vunpack.i.l.bf16.f32 v31;
	v4 =	vunpack.i.u.bf16.f32 v4;
	v39 =	vor.u32 v43, v39  }
0x3d8: {  	v61 =	vadd.s32 $0xE, v8;
	v19 =	vld.idx.msk [tilespmem:v19+s25+$0x0], $0xffff;
	v0 =	vadd.f32 v1, v0;
	v1 =	vmul.f32 v4, v37  }
0x3d9: {  	v30 =	vld.idx.msk [tilespmem:v30+s24+$0x0], $0xffff;
	v62 =	vand.u32 $0xFFFFFFF8, v61;
	v40 =	vand.u32 $0x7, v61;
	v63 =	vunpack.i.l.bf16.f32 v57  }
0x3da: {  	v4 =	vld.idx.msk [tilespmem:v32+s24+$0x0], $0xffff;
	v32 =	vadd.s32 v3, v62;
	v0 =	vadd.f32 v0, v1;
	v1 =	vmul.f32 v63, v38  }
0x3db: {  	v34 =	vld.idx.msk [tilespmem:v34+s24+$0x0], $0xffff;
	v31 =	vunpack.i.u.bf16.f32 v31;
	v42 =	vunpack.i.u.bf16.f32 v57;
	v32 =	vor.u32 v40, v32  }
0x3dc: {  	v44 =	vadd.s32 $0xF, v8;
	v43 =	vld.idx.msk [tilespmem:v39+s25+$0x0], $0xffff;
	v0 =	vadd.f32 v1, v0;
	v1 =	vmul.f32 v42, v35  }
0x3dd: {  	v45 =	vand.u32 $0xFFFFFFF8, v44;
	v39 =	vand.u32 $0x7, v44;
	v46 =	vunpack.i.l.bf16.f32 v19  }
0x3de: {  	v35 =	vadd.s32 v3, v45;
	v0 =	vadd.f32 v0, v1;
	v1 =	vmul.f32 v46, v36  }
0x3df: {  	v29 =	vunpack.i.l.bf16.f32 v26;
	v19 =	vunpack.i.u.bf16.f32 v19;
	v35 =	vor.u32 v39, v35  }
0x3e0: {  	v48 =	vunpack.i.l.bf16.f32 v33;
	v32 =	vld.idx.msk [tilespmem:v32+s25+$0x0], $0xffff;
	v0 =	vadd.f32 v1, v0;
	v1 =	vmul.f32 v19, v31  }
0x3e1: {  	v49 =	vunpack.i.l.bf16.f32 v34;
	v51 =	vunpack.i.l.bf16.f32 v30;
	v50 =	vunpack.i.l.bf16.f32 v43  }
0x3e2: {  	v34 =	vunpack.i.u.bf16.f32 v34;
	v0 =	vadd.f32 v0, v1;
	v1 =	vmul.f32 v50, v49  }
0x3e3: {  	v30 =	vunpack.i.u.bf16.f32 v30;
	v52 =	vadd.s32 $0x10, v18;
	v53 =	vunpack.i.u.bf16.f32 v43  }
0x3e4: {  	v54 =	vadd.s32 $0x11, v8;
	v35 =	vld.idx.msk [tilespmem:v35+s25+$0x0], $0xffff;
	v0 =	vadd.f32 v1, v0;
	v1 =	vmul.f32 v53, v34  }
0x3e5: {  	v55 =	vand.u32 $0xFFFFFFF8, v54;
	v38 =	vand.u32 $0x7, v54;
	v56 =	vunpack.i.l.bf16.f32 v32  }
0x3e6: {  	v34 =	vadd.s32 v3, v55;
	v0 =	vadd.f32 v0, v1;
	v1 =	vmul.f32 v56, v51  }
0x3e7: {  	v61 =	vunpack.i.u.bf16.f32 v33;
	v32 =	vunpack.i.u.bf16.f32 v32;
	v34 =	vor.u32 v38, v34  }
0x3e8: {  	v57 =	vadd.s32 $0x12, v8;
	v31 =	vld.idx.msk [tilespmem:v52+s25+$0x0], $0xffff;
	v0 =	vadd.f32 v1, v0;
	v1 =	vmul.f32 v32, v30  }
0x3e9: {  	v58 =	vand.u32 $0xFFFFFFF8, v57;
	v37 =	vand.u32 $0x7, v57;
	v59 =	vunpack.i.l.bf16.f32 v35  }
0x3ea: {  	v30 =	vadd.s32 v3, v58;
	v0 =	vadd.f32 v0, v1;
	v1 =	vmul.f32 v59, v48  }
0x3eb: {  	v47 =	vunpack.i.l.bf16.f32 v4;
	v62 =	vunpack.i.u.bf16.f32 v35;
	v60 =	vor.u32 v37, v30  }
0x3ec: {  	v37 =	vadd.s32 $0x13, v8;
	v63 =	vld.idx.msk [tilespmem:v34+s25+$0x0], $0xffff;
	v0 =	vadd.f32 v1, v0;
	v1 =	vmul.f32 v62, v61  }
0x3ed: {  	v39 =	vunpack.i.l.bf16.f32 v31;
	v38 =	vand.u32 $0xFFFFFFF8, v37;
	v34 =	vand.u32 $0x7, v37  }
0x3ee: {  	v30 =	vadd.s32 v3, v38;
	v0 =	vadd.f32 v0, v1;
	v1 =	vmul.f32 v39, v47  }
0x3ef: {  	v4 =	vunpack.i.u.bf16.f32 v4;
	v31 =	vunpack.i.u.bf16.f32 v31;
	v30 =	vor.u32 v34, v30  }
0x3f0: {  	v40 =	vadd.s32 $0x14, v8;
	v19 =	vld.idx.msk [tilespmem:v60+s25+$0x0], $0xffff;
	v0 =	vadd.f32 v1, v0;
	v1 =	vmul.f32 v31, v4  }
0x3f1: {  	v41 =	vand.u32 $0xFFFFFFF8, v40;
	v32 =	vand.u32 $0x7, v40;
	v42 =	vunpack.i.l.bf16.f32 v63  }
0x3f2: {  	v4 =	vadd.s32 v3, v41;
	v0 =	vadd.f32 v0, v1;
	v1 =	vmul.f32 v42, v29  }
0x3f3: {  	v26 =	vunpack.i.u.bf16.f32 v26;
	v43 =	vunpack.i.u.bf16.f32 v63;
	v4 =	vor.u32 v32, v4  }
0x3f4: {  	v44 =	vadd.s32 $0x15, v8;
	v30 =	vld.idx.msk [tilespmem:v30+s25+$0x0], $0xffff;
	v0 =	vadd.f32 v1, v0;
	v1 =	vmul.f32 v43, v26  }
0x3f5: {  	v45 =	vand.u32 $0xFFFFFFF8, v44;
	v31 =	vand.u32 $0x7, v44;
	v46 =	vunpack.i.l.bf16.f32 v19  }
0x3f6: {  	v26 =	vadd.s32 v3, v45;
	v0 =	vadd.f32 v0, v1;
	v1 =	vmul.f32 v46, v28  }
0x3f7: {  	v47 =	vadd.s32 $0x16, v8;
	v19 =	vunpack.i.u.bf16.f32 v19;
	v26 =	vor.u32 v31, v26  }
0x3f8: {  	v49 =	vand.u32 $0xFFFFFFF8, v47;
	v4 =	vld.idx.msk [tilespmem:v4+s25+$0x0], $0xffff;
	v0 =	vadd.f32 v1, v0;
	v1 =	vmul.f32 v19, v24  }
0x3f9: {  	v11 =	vunpack.i.l.bf16.f32 v2;
	v48 =	vld.idx.msk [tilespmem:v20+s24+$0x0], $0xffff;
	v20 =	vadd.s32 v3, v49;
	v50 =	vunpack.i.l.bf16.f32 v30  }
0x3fa: {  	v22 =	vld.idx.msk [tilespmem:v22+s24+$0x0], $0xffff;
	v28 =	vand.u32 $0x7, v47;
	v0 =	vadd.f32 v0, v1;
	v1 =	vmul.f32 v50, v27  }
0x3fb: {  	v21 =	vld.idx.msk [tilespmem:v21+s24+$0x0], $0xffff;
	v25 =	vunpack.i.l.bf16.f32 v16;
	v51 =	vunpack.i.u.bf16.f32 v30;
	v20 =	vor.u32 v28, v20  }
0x3fc: {  	v52 =	vadd.s32 $0x17, v8;
	v26 =	vld.idx.msk [tilespmem:v26+s25+$0x0], $0xffff;
	v0 =	vadd.f32 v1, v0;
	v1 =	vmul.f32 v51, v23  }
0x3fd: {  	v53 =	vand.u32 $0xFFFFFFF8, v52;
	v27 =	vand.u32 $0x7, v52;
	v54 =	vunpack.i.l.bf16.f32 v4  }
0x3fe: {  	v23 =	vadd.s32 v3, v53;
	v0 =	vadd.f32 v0, v1;
	v1 =	vmul.f32 v54, v25  }
0x3ff: {  	v17 =	vld.idx.msk [tilespmem:v17+s24+$0x0], $0xffff;
	v16 =	vunpack.i.u.bf16.f32 v16;
	v4 =	vunpack.i.u.bf16.f32 v4;
	v23 =	vor.u32 v27, v23  }
0x400: {  	v57 =	vunpack.i.l.bf16.f32 v22;
	v20 =	vld.idx.msk [tilespmem:v20+s25+$0x0], $0xffff;
	v0 =	vadd.f32 v1, v0;
	v1 =	vmul.f32 v4, v16  }
0x401: {  	v36 =	vadd.s32 $0x1B, v8;
	v56 =	vunpack.i.l.bf16.f32 v21;
	v58 =	vunpack.i.l.bf16.f32 v26  }
0x402: {  	v61 =	vunpack.i.u.bf16.f32 v22;
	v0 =	vadd.f32 v0, v1;
	v1 =	vmul.f32 v58, v57  }
0x403: {  	v60 =	vadd.s32 $0x18, v18;
	v63 =	vadd.s32 $0x19, v8;
	v62 =	vunpack.i.u.bf16.f32 v26  }
0x404: {  	v28 =	vand.u32 $0xFFFFFFF8, v63;
	v23 =	vld.idx.msk [tilespmem:v23+s25+$0x0], $0xffff;
	v0 =	vadd.f32 v1, v0;
	v1 =	vmul.f32 v62, v61  }
0x405: {  	v59 =	vunpack.i.l.bf16.f32 v17;
	v18 =	vadd.s32 v3, v28;
	v29 =	vunpack.i.l.bf16.f32 v20  }
0x406: {  	v25 =	vand.u32 $0x7, v63;
	v0 =	vadd.f32 v0, v1;
	v1 =	vmul.f32 v29, v59  }
0x407: {  	v17 =	vunpack.i.u.bf16.f32 v17;
	v18 =	vor.u32 v25, v18;
	v20 =	vunpack.i.u.bf16.f32 v20  }
0x408: {  	v30 =	vadd.s32 $0x1A, v8;
	v16 =	vld.idx.msk [tilespmem:v60+s25+$0x0], $0xffff;
	v0 =	vadd.f32 v1, v0;
	v1 =	vmul.f32 v20, v17  }
0x409: {  	v31 =	vand.u32 $0xFFFFFFF8, v30;
	v22 =	vand.u32 $0x7, v30;
	v32 =	vunpack.i.l.bf16.f32 v23  }
0x40a: {  	v17 =	vadd.s32 v3, v31;
	v0 =	vadd.f32 v0, v1;
	v1 =	vmul.f32 v32, v56  }
0x40b: {  	v34 =	vunpack.i.u.bf16.f32 v21;
	v35 =	vunpack.i.u.bf16.f32 v23;
	v33 =	vor.u32 v22, v17  }
0x40c: {  	v37 =	vand.u32 $0xFFFFFFF8, v36;
	v18 =	vld.idx.msk [tilespmem:v18+s25+$0x0], $0xffff;
	v0 =	vadd.f32 v1, v0;
	v1 =	vmul.f32 v35, v34  }
0x40d: {  	v21 =	vand.u32 $0x7, v36;
	v55 =	vunpack.i.l.bf16.f32 v48;
	v38 =	vunpack.i.l.bf16.f32 v16  }
0x40e: {  	v17 =	vadd.s32 v3, v37;
	v0 =	vadd.f32 v0, v1;
	v1 =	vmul.f32 v38, v55  }
0x40f: {  	v19 =	vunpack.i.u.bf16.f32 v48;
	v16 =	vunpack.i.u.bf16.f32 v16;
	v17 =	vor.u32 v21, v17  }
0x410: {  	v39 =	vadd.s32 $0x1C, v8;
	v4 =	vld.idx.msk [tilespmem:v33+s25+$0x0], $0xffff;
	v0 =	vadd.f32 v1, v0;
	v1 =	vmul.f32 v16, v19  }
0x411: {  	v40 =	vand.u32 $0xFFFFFFF8, v39;
	v20 =	vand.u32 $0x7, v39;
	v41 =	vunpack.i.l.bf16.f32 v18  }
0x412: {  	v16 =	vadd.s32 v3, v40;
	v0 =	vadd.f32 v0, v1;
	v1 =	vmul.f32 v41, v15  }
0x413: {  	v13 =	vunpack.i.l.bf16.f32 v5;
	v43 =	vunpack.i.u.bf16.f32 v18;
	v42 =	vor.u32 v20, v16  }
0x414: {  	v44 =	vadd.s32 $0x1D, v8;
	v17 =	vld.idx.msk [tilespmem:v17+s25+$0x0], $0xffff;
	v0 =	vadd.f32 v1, v0;
	v1 =	vmul.f32 v43, v12  }
0x415: {  	v45 =	vand.u32 $0xFFFFFFF8, v44;
	v18 =	vand.u32 $0x7, v44;
	v46 =	vunpack.i.l.bf16.f32 v4  }
0x416: {  	v12 =	vadd.s32 v3, v45;
	v0 =	vadd.f32 v0, v1;
	v1 =	vmul.f32 v46, v14  }
0x417: {  	v48 =	vadd.s32 $0x1E, v8;
	v4 =	vunpack.i.u.bf16.f32 v4;
	v12 =	vor.u32 v18, v12  }
0x418: {  	v8 =	vadd.s32 $0x1F, v8;
	v47 =	vld.idx.msk [tilespmem:v42+s25+$0x0], $0xffff;
	v0 =	vadd.f32 v1, v0;
	v1 =	vmul.f32 v4, v10  }
0x419: {  	v49 =	vand.u32 $0xFFFFFFF8, v48;
	v15 =	vand.u32 $0x7, v48;
	v50 =	vunpack.i.l.bf16.f32 v17  }
0x41a: {  	v4 =	vadd.s32 v3, v49;
	v0 =	vadd.f32 v0, v1;
	v1 =	vmul.f32 v50, v13  }
0x41b: {  	v9 =	vld.idx.msk [tilespmem:v9+s24+$0x0], $0xffff;
	v51 =	vunpack.i.u.bf16.f32 v5;
	v52 =	vunpack.i.u.bf16.f32 v17;
	v4 =	vor.u32 v15, v4  }
0x41c: {  	v53 =	vand.u32 $0xFFFFFFF8, v8;
	v12 =	vld.idx.msk [tilespmem:v12+s25+$0x0], $0xffff;
	v0 =	vadd.f32 v1, v0;
	v1 =	vmul.f32 v52, v51  }
0x41d: {  	v8 =	vand.u32 $0x7, v8;
	v3 =	vadd.s32 v3, v53;
	v54 =	vunpack.i.l.bf16.f32 v47  }
0x41e: {  	v3 =	vor.u32 v8, v3;
	v0 =	vadd.f32 v0, v1;
	v1 =	vmul.f32 v54, v11  }
0x41f: {  	v2 =	vunpack.i.u.bf16.f32 v2;
	v55 =	vld.idx.msk [tilespmem:v7+s24+$0x0], $0xffff;
	v56 =	vunpack.i.u.bf16.f32 v47  }
0x420: {  	v4 =	vld.idx.msk [tilespmem:v4+s25+$0x0], $0xffff;
	v0 =	vadd.f32 v1, v0;
	v1 =	vmul.f32 v56, v2  }
0x421: {  	v57 =	vunpack.i.l.bf16.f32 v12;
	v2 =	vunpack.i.l.bf16.f32 v9  }
0x422: {  	v0 =	vadd.f32 v0, v1;
	v1 =	vmul.f32 v57, v2  }
0x423: {  	v58 =	vunpack.i.u.bf16.f32 v9;
	v3 =	vld.idx.msk [tilespmem:v3+s25+$0x0], $0xffff;
	v59 =	vunpack.i.u.bf16.f32 v12  }
0x424: {  	v2 =	vld.idx.msk [tilespmem:v6+s24+$0x0], $0xffff;
	v0 =	vadd.f32 v1, v0;
	v1 =	vmul.f32 v59, v58  }
0x425: {  	v60 =	vunpack.i.l.bf16.f32 v55;
	v61 =	vunpack.i.l.bf16.f32 v4  }
0x426: {  	v0 =	vadd.f32 v0, v1;
	v1 =	vmul.f32 v61, v60  }
0x427: {  	v5 =	vunpack.i.u.bf16.f32 v55;
	v4 =	vunpack.i.u.bf16.f32 v4  }
0x428: {  	v0 =	vadd.f32 v1, v0;
	v1 =	vmul.f32 v4, v5  }
0x429: {  	v63 =	vunpack.i.l.bf16.f32 v3;
	v62 =	vunpack.i.l.bf16.f32 v2  }
0x42a: {  	v0 =	vadd.f32 v0, v1;
	v1 =	vmul.f32 v63, v62  }
0x42b: {  	v3 =	vunpack.i.u.bf16.f32 v3;
	v2 =	vunpack.i.u.bf16.f32 v2  }
0x42c: {  	v0 =	vadd.f32 v1, v0;
	v1 =	vmul.f32 v3, v2;
	_ =	sdelay $0x1  }
0x42d: {  	v0 =	vadd.f32 v0, v1;
	v1 =	vld [tilespmem:$0x1FEF0];
	_ =	sdelay $0x4  }
.Ltmp3:
0x42e: {  	_ = 	snop;
	(pc) =	sbr.rel @p0 .LBB2_4-.Ltmp3, $3  }
0x42f: {  	_ =	sdelay $0x1  }
0x430: {  	[tilespmem:v1+s15+$0x0 ss:$0x1] =	vst.idx.msk $0xffff, v0;
	v0 =	vld [tilespmem:$0x1FFF0]  }
0x431: {  	s1 =	simm.s32 $0x100;
	p1 =	por $0x0, $0x0;
	v1 =	vld [tilespmem:$0x1FFE0]  }
0x432: {  	s0 =	sadd.s32 $0x1, s0  }
0x433: {  	p0 =	sne.s32 s0, s11  }
.Ltmp4:
0x434: {  	s1 =	simm.s32 $0x11010;
	(pc) =	sbr.rel @p0 .LBB2_1-.Ltmp4, $4  }
0x435: {  	[hbm4b:s10+s2] =	stream.linear.scatter [tilespmem:s1], [sflag:$0x7], $0x200, $0x38;
	[tilespmem:$0x11210] =	vst v63  }
0x436: {  	_ =	swait.ge [sflag:s12], $0x200  }
0x437: {  	[sflag:s12] =	ssyncset.done $0x0  }
0x438: {  	[sflag:s12] =	ssyncadd.s32 $0xFFFFFE00  }
0x439: {  	_ =	sfence.sel $0x180000  }
0x43a: {  	[bflag:$0x0] =	sbarrier.arrive $0xFFFF  }
0x43b: {  	_ =	strace $0x90000047  }
0x43c: {  	s0 =	stileid.u32;
	[bflag:$0x2] =	sbarrier.arrive $0xFFFF  }
0x43d: {  	p0 =	sne.s32 s0, $0x0;
	s0 =	rddreg [dreg:$0x4]  }
0x43e: {  	s0 =	sadd.s32 @!p0 $0x100000, s0  }
0x43f: {  	[sflag:s0] =	ssyncadd.tile.s32 @!p0 $0x1;
	_ =	shalt  }
.Lfunc_end2:
_tile_overlayer_lowered:
.L_overlay_start_2:
0x440: {  	(tag) =	ssettag $0x2  }
0x441: {  	s0 =	rddreg [dreg:$0x0];
	s2 =	stileid.u32  }
0x442: {  	s1 =	rddreg [dreg:$0x1];
	p0 =	sne.s32 s2, $0x0  }
0x443: {  	s3 =	rddreg [dreg:$0x2];
	[bflag:$0x3] =	sbarrier.arrive $0xFFFF;
	s2 =	simm.s32 @!p0 $0x1C07  }
0x444: {  	[timem:s3], [sflag:s2] =	dma.local @!p0 [hbm:s0], s1  }
0x445: {  	s0 =	simm.s32 @!p0 $0x7  }
0x446: {  	_ =	swait.ge @!p0 [sflag:s0], s1  }
0x447: {  	s1 =	ssub.s32 @!p0 $0x0, s1;
	[sflag:s0] =	ssyncset.done @!p0 $0x0  }
0x448: {  	[sflag:s0] =	ssyncadd.s32 @!p0 s1  }
0x449: {  	[bflag:$0x3] =	sbarrier.arrive $0xFFFF  }
0x44a: {  	_ =	shalt  }

</sc_bundles>
